<compile_context>
chip_gen: v7x
topology: tpu7x:2x2x1
jax: 0.10.2.dev20260603
libtpu: 0.0.44.dev20260713+nightly
codegen_flags: <defaults>
</compile_context>

<pallas_src>
import functools

import jax
import jax.numpy as jnp
from jax import lax
from jax.experimental import pallas as pl
from jax.experimental.pallas import tpu as pltpu
from jax.experimental.pallas import tpu_sc as plsc

VOCAB = 100000
DIM = 32
CTX = 20
BATCH = 4096
CTXDIM = CTX * DIM

NW = 32
BPW = BATCH // NW

VT = 4096
VTC = VOCAB


def _sc_gather_sum(inputs, emb_table):
    mesh = plsc.VectorSubcoreMesh(core_axis_name="c", subcore_axis_name="s")

    @functools.partial(
        pl.kernel,
        out_type=jax.ShapeDtypeStruct((NW, CTXDIM), jnp.float32),
        mesh=mesh,
        scratch_types=[
            pltpu.VMEM((BPW, CTX), jnp.int32),
            pltpu.VMEM((CTX, BPW), jnp.int32),
            pltpu.VMEM((CTX, BPW, DIM), jnp.float32),
            pltpu.VMEM((CTXDIM,), jnp.float32),
            pltpu.SemaphoreType.DMA,
        ],
        compiler_params=pltpu.CompilerParams(
            use_tc_tiling_on_sc=False, needs_layout_passes=False),
    )
    def k(in_hbm, table_hbm, out_hbm, blk_v, idx_v, rows_v, part_v, sem):
        wid = lax.axis_index("s") * 2 + lax.axis_index("c")
        pltpu.sync_copy(in_hbm.at[pl.ds(wid * BPW, BPW)], blk_v)
        lanes = lax.iota(jnp.int32, 16)

        copies = []
        for c in range(CTX):
            cvec = jnp.full((16,), c, jnp.int32)
            for g in range(BPW // 16):
                vals = plsc.load_gather(blk_v, [g * 16 + lanes, cvec])
                idx_v[c, pl.ds(g * 16, 16)] = vals
            copies.append(pltpu.async_copy(
                table_hbm.at[idx_v.at[c]], rows_v.at[c], sem))

        for c in range(CTX):
            copies[c].wait()

            def row_body(i, carry):
                a0, a1 = carry
                return (a0 + rows_v[c, i, pl.ds(0, 16)],
                        a1 + rows_v[c, i, pl.ds(16, 16)])

            z = jnp.zeros((16,), jnp.float32)
            a0, a1 = lax.fori_loop(0, BPW, row_body, (z, z), unroll=8)
            part_v[pl.ds(c * DIM, 16)] = a0
            part_v[pl.ds(c * DIM + 16, 16)] = a1
        pltpu.sync_copy(part_v, out_hbm.at[wid])

    return k(inputs, emb_table)


def _tc_logits(partials, W, b2):
    grid = (pl.cdiv(VOCAB, VT),)

    def body(part_ref, w_ref, b_ref, out_ref, lse_ref, flat_v, m_sc, s_sc):
        i = pl.program_id(0)

        @pl.when(i == 0)
        def _():
            m_sc[0] = -jnp.inf
            s_sc[0] = jnp.float32(0.0)
            flat_v[...] = jnp.sum(part_ref[...], axis=0, keepdims=True)

        logits = lax.dot_general(
            flat_v[...], w_ref[...], (((1,), (1,)), ((), ())),
            preferred_element_type=jnp.float32) + b_ref[...]
        gidx = i * VT + lax.broadcasted_iota(jnp.int32, (1, VT), 1)
        lm = jnp.where(gidx < VOCAB, logits, -jnp.inf)
        m0 = m_sc[0]
        m1 = jnp.maximum(m0, jnp.max(lm))
        s_sc[0] = s_sc[0] * jnp.exp(m0 - m1) + jnp.sum(jnp.exp(lm - m1))
        m_sc[0] = m1
        out_ref[...] = logits

        @pl.when(i == pl.num_programs(0) - 1)
        def _():
            lse_ref[...] = jnp.broadcast_to(m_sc[0] + jnp.log(s_sc[0]), (1, 1))

    return pl.pallas_call(
        body,
        grid=grid,
        in_specs=[
            pl.BlockSpec((NW, CTXDIM), lambda i: (0, 0)),
            pl.BlockSpec((VT, CTXDIM), lambda i: (i, 0)),
            pl.BlockSpec((1, VT), lambda i: (0, i)),
        ],
        out_specs=[
            pl.BlockSpec((1, VT), lambda i: (0, i)),
            pl.BlockSpec((1, 1), lambda i: (0, 0)),
        ],
        out_shape=[
            jax.ShapeDtypeStruct((1, VOCAB), jnp.float32),
            jax.ShapeDtypeStruct((1, 1), jnp.float32),
        ],
        scratch_shapes=[
            pltpu.VMEM((1, CTXDIM), jnp.float32),
            pltpu.SMEM((1,), jnp.float32),
            pltpu.SMEM((1,), jnp.float32),
        ],
    )(partials, W, b2)


def _tc_subtract(logits, lse):
    def body(l_ref, lse_ref, o_ref):
        o_ref[...] = l_ref[...] - lse_ref[0, 0]

    return pl.pallas_call(
        body,
        grid=(pl.cdiv(VOCAB, VTC),),
        in_specs=[
            pl.BlockSpec((1, VTC), lambda i: (0, i)),
            pl.BlockSpec((1, 1), lambda i: (0, 0)),
        ],
        out_specs=pl.BlockSpec((1, VTC), lambda i: (0, i)),
        out_shape=jax.ShapeDtypeStruct((1, VOCAB), jnp.float32),
    )(logits, lse)


def kernel(inputs, emb_table, W, b):
    partials = _sc_gather_sum(inputs, emb_table)
    logits, lse = _tc_logits(partials, W, b.reshape(1, VOCAB))
    return _tc_subtract(logits, lse)

# --- scband reference (transcript-rebuilt; emitter-appended) ---
"""Pipeline reference for scband-cbow-43774306680948 (READ-ONLY COPY).

The authoritative reference and input builder live on the scoring server;
editing this copy changes nothing except your own understanding.
"""

import jax, jax.numpy as jnp
import numpy as np

VOCAB = 100000
DIM = 32
CTX = 20
BATCH = 4096


def setup_inputs(seed: int = 0) -> dict:
    key = jax.random.key(seed)
    k1, k2, k3 = jax.random.split(key, 3)
    # indices into the embedding table (int32 in jax; int64 semantics identical for in-range idxs)
    inputs = jax.random.randint(k1, (BATCH, CTX), 0, VOCAB, dtype=jnp.int32)
    # learned parameters per init_kwargs
    emb_table = jax.random.normal(k2, (VOCAB, DIM), dtype=jnp.float32)
    W = jax.random.normal(k3, (VOCAB, CTX * DIM), dtype=jnp.float32) * 0.02
    b = jnp.zeros((VOCAB,), dtype=jnp.float32)
    return {"inputs": inputs, "emb_table": emb_table, "W": W, "b": b}


def reference(inputs, emb_table, W, b):
    # nn.Embedding lookup -> gather
    embeds = jnp.take(emb_table, inputs, axis=0)  # [B, CTX, DIM]
    # python sum(tensor) iterates over dim 0 -> sum over batch dim (faithful to original)
    summed = jnp.sum(embeds, axis=0)  # [CTX, DIM]
    flat = summed.reshape(1, -1)  # [1, CTX*DIM]
    out = flat @ W.T + b  # nn.Linear(ctx*dim -> vocab)
    log_probs = jax.nn.log_softmax(out, axis=1)
    return log_probs

if __name__ == "__main__":
    import jax
    _d = setup_inputs()
    print(jax.jit(kernel)(*tuple(_d.values())))

</pallas_src>

<mosaic_0001>
#map = affine_map<(d0, d1) -> (0, 0)>
module attributes {stable_mosaic.version = 14 : i64} {
  func.func @k(%arg0: i32, %arg1: i32, %arg2: memref<4096x20xi32, #tpu.memory_space<hbm>>, %arg3: memref<100000x32xf32, #tpu.memory_space<hbm>>, %arg4: memref<32x640xf32, #tpu.memory_space<hbm>>, %arg5: memref<128x20xi32, #tpu.memory_space<vmem>>, %arg6: memref<20x128xi32, #tpu.memory_space<vmem>>, %arg7: memref<20x128x32xf32, #tpu.memory_space<vmem>>, %arg8: memref<640xf32, #tpu.memory_space<vmem>>, %arg9: memref<!tpu.dma_semaphore, #tpu.memory_space<semaphore_mem>>) attributes {dimension_semantics = [#tpu.dimension_semantics<core_parallel>, #tpu.dimension_semantics<subcore_parallel>], iteration_bounds = array<i64: 2, 16>, scalar_prefetch = 0 : i64, scratch_operands = 5 : i64, tpu.core_type = #tpu.core_type<sc_vector_subcore>, window_params = [{transform_indices = #map}, {transform_indices = #map}, {transform_indices = #map}]} {
    %mul3A = arith.constant 2 : i32
    %mul3A_0 = arith.muli %arg1, %mul3A : i32
    %add3A = arith.addi %mul3A_0, %arg0 : i32
    %mul3A_1 = arith.constant 128 : i32
    %mul3A_2 = arith.muli %add3A, %mul3A_1 : i32
    "tpu.region"() ({
      %run_scoped3A = tpu.sem_alloc : memref<!tpu.dma_semaphore, #tpu.memory_space<semaphore_mem>>
      %dma_start3A_2037 = arith.constant 0 : i32
      %dma_start3A_2038 = tpu.memref_slice %arg2[%mul3A_2, %dma_start3A_2037] : memref<4096x20xi32, #tpu.memory_space<hbm>> -> memref<128x20xi32, #tpu.memory_space<hbm>>
      %dma_start3A_2039 = arith.constant 0 : i32
      %dma_start3A_2040 = tpu.memref_slice %arg2[%mul3A_2, %dma_start3A_2039] : memref<4096x20xi32, #tpu.memory_space<hbm>> -> memref<128x20xi32, #tpu.memory_space<hbm>>
      tpu.enqueue_dma source(%dma_start3A_2040 : memref<128x20xi32, #tpu.memory_space<hbm>>) target(%arg5 : memref<128x20xi32, #tpu.memory_space<vmem>>) target_semaphore(%run_scoped3A : memref<!tpu.dma_semaphore, #tpu.memory_space<semaphore_mem>>)
      %dma_wait3A_2041 = arith.constant 0 : i32
      %dma_wait3A_2042 = tpu.memref_slice %arg2[%mul3A_2, %dma_wait3A_2041] : memref<4096x20xi32, #tpu.memory_space<hbm>> -> memref<128x20xi32, #tpu.memory_space<hbm>>
      %dma_wait3A_2043 = arith.constant 0 : i32
      %dma_wait3A_2044 = tpu.memref_slice %arg2[%mul3A_2, %dma_wait3A_2043] : memref<4096x20xi32, #tpu.memory_space<hbm>> -> memref<128x20xi32, #tpu.memory_space<hbm>>
      tpu.wait_dma2 semaphore(%run_scoped3A : memref<!tpu.dma_semaphore, #tpu.memory_space<semaphore_mem>>) src(%dma_wait3A_2044 : memref<128x20xi32, #tpu.memory_space<hbm>>) dst(%arg5 : memref<128x20xi32, #tpu.memory_space<vmem>>)
      tpu.yield
    }) : () -> ()
    %iota3A = tpu.iota {dimensions = array<i32: 0>} : vector<16xi32>
    %broadcast_in_dim3A = arith.constant 0 : i32
    %broadcast_in_dim3A_3 = vector.broadcast %broadcast_in_dim3A : i32 to vector<16xi32>
    %add3A_4 = arith.constant 0 : i32
    %add3A_5 = vector.broadcast %add3A_4 : i32 to vector<16xi32>
    %add3A_6 = arith.addi %add3A_5, %iota3A : vector<16xi32>
    %gather3A = tpu.vector_load_idx %arg5[%add3A_6, %broadcast_in_dim3A_3] : memref<128x20xi32, #tpu.memory_space<vmem>>[vector<16xi32>, vector<16xi32>], vector<16xi32>,
    %swap3A = arith.constant 0 : i32
    %swap3A_7 = arith.index_cast %swap3A : i32 to index
    %swap3A_8 = arith.constant 0 : index
    %swap3A_9 = tpu.vector_load %arg6[%swap3A_7, %swap3A_8] {strides = array<i32>} : memref<20x128xi32, #tpu.memory_space<vmem>>, vector<16xi32>,
    tpu.vector_store %arg6[%swap3A_7, %swap3A_8], %gather3A {strides = array<i32>} : memref<20x128xi32, #tpu.memory_space<vmem>>, vector<16xi32>,
    %add3A_10 = arith.constant 16 : i32
    %add3A_11 = vector.broadcast %add3A_10 : i32 to vector<16xi32>
    %add3A_12 = arith.addi %add3A_11, %iota3A : vector<16xi32>
    %gather3A_13 = tpu.vector_load_idx %arg5[%add3A_12, %broadcast_in_dim3A_3] : memref<128x20xi32, #tpu.memory_space<vmem>>[vector<16xi32>, vector<16xi32>], vector<16xi32>,
    %swap3A_14 = arith.constant 0 : i32
    %swap3A_15 = arith.index_cast %swap3A_14 : i32 to index
    %swap3A_16 = arith.constant 16 : index
    %swap3A_17 = tpu.vector_load %arg6[%swap3A_15, %swap3A_16] {strides = array<i32>} : memref<20x128xi32, #tpu.memory_space<vmem>>, vector<16xi32>,
    tpu.vector_store %arg6[%swap3A_15, %swap3A_16], %gather3A_13 {strides = array<i32>} : memref<20x128xi32, #tpu.memory_space<vmem>>, vector<16xi32>,
    %add3A_18 = arith.constant 32 : i32
    %add3A_19 = vector.broadcast %add3A_18 : i32 to vector<16xi32>
    %add3A_20 = arith.addi %add3A_19, %iota3A : vector<16xi32>
    %gather3A_21 = tpu.vector_load_idx %arg5[%add3A_20, %broadcast_in_dim3A_3] : memref<128x20xi32, #tpu.memory_space<vmem>>[vector<16xi32>, vector<16xi32>], vector<16xi32>,
    %swap3A_22 = arith.constant 0 : i32
    %swap3A_23 = arith.index_cast %swap3A_22 : i32 to index
    %swap3A_24 = arith.constant 32 : index
    %swap3A_25 = tpu.vector_load %arg6[%swap3A_23, %swap3A_24] {strides = array<i32>} : memref<20x128xi32, #tpu.memory_space<vmem>>, vector<16xi32>,
    tpu.vector_store %arg6[%swap3A_23, %swap3A_24], %gather3A_21 {strides = array<i32>} : memref<20x128xi32, #tpu.memory_space<vmem>>, vector<16xi32>,
    %add3A_26 = arith.constant 48 : i32
    %add3A_27 = vector.broadcast %add3A_26 : i32 to vector<16xi32>
    %add3A_28 = arith.addi %add3A_27, %iota3A : vector<16xi32>
    %gather3A_29 = tpu.vector_load_idx %arg5[%add3A_28, %broadcast_in_dim3A_3] : memref<128x20xi32, #tpu.memory_space<vmem>>[vector<16xi32>, vector<16xi32>], vector<16xi32>,
    %swap3A_30 = arith.constant 0 : i32
    %swap3A_31 = arith.index_cast %swap3A_30 : i32 to index
    %swap3A_32 = arith.constant 48 : index
    %swap3A_33 = tpu.vector_load %arg6[%swap3A_31, %swap3A_32] {strides = array<i32>} : memref<20x128xi32, #tpu.memory_space<vmem>>, vector<16xi32>,
    tpu.vector_store %arg6[%swap3A_31, %swap3A_32], %gather3A_29 {strides = array<i32>} : memref<20x128xi32, #tpu.memory_space<vmem>>, vector<16xi32>,
    %add3A_34 = arith.constant 64 : i32
    %add3A_35 = vector.broadcast %add3A_34 : i32 to vector<16xi32>
    %add3A_36 = arith.addi %add3A_35, %iota3A : vector<16xi32>
    %gather3A_37 = tpu.vector_load_idx %arg5[%add3A_36, %broadcast_in_dim3A_3] : memref<128x20xi32, #tpu.memory_space<vmem>>[vector<16xi32>, vector<16xi32>], vector<16xi32>,
    %swap3A_38 = arith.constant 0 : i32
    %swap3A_39 = arith.index_cast %swap3A_38 : i32 to index
    %swap3A_40 = arith.constant 64 : index
    %swap3A_41 = tpu.vector_load %arg6[%swap3A_39, %swap3A_40] {strides = array<i32>} : memref<20x128xi32, #tpu.memory_space<vmem>>, vector<16xi32>,
    tpu.vector_store %arg6[%swap3A_39, %swap3A_40], %gather3A_37 {strides = array<i32>} : memref<20x128xi32, #tpu.memory_space<vmem>>, vector<16xi32>,
    %add3A_42 = arith.constant 80 : i32
    %add3A_43 = vector.broadcast %add3A_42 : i32 to vector<16xi32>
    %add3A_44 = arith.addi %add3A_43, %iota3A : vector<16xi32>
    %gather3A_45 = tpu.vector_load_idx %arg5[%add3A_44, %broadcast_in_dim3A_3] : memref<128x20xi32, #tpu.memory_space<vmem>>[vector<16xi32>, vector<16xi32>], vector<16xi32>,
    %swap3A_46 = arith.constant 0 : i32
    %swap3A_47 = arith.index_cast %swap3A_46 : i32 to index
    %swap3A_48 = arith.constant 80 : index
    %swap3A_49 = tpu.vector_load %arg6[%swap3A_47, %swap3A_48] {strides = array<i32>} : memref<20x128xi32, #tpu.memory_space<vmem>>, vector<16xi32>,
    tpu.vector_store %arg6[%swap3A_47, %swap3A_48], %gather3A_45 {strides = array<i32>} : memref<20x128xi32, #tpu.memory_space<vmem>>, vector<16xi32>,
    %add3A_50 = arith.constant 96 : i32
    %add3A_51 = vector.broadcast %add3A_50 : i32 to vector<16xi32>
    %add3A_52 = arith.addi %add3A_51, %iota3A : vector<16xi32>
    %gather3A_53 = tpu.vector_load_idx %arg5[%add3A_52, %broadcast_in_dim3A_3] : memref<128x20xi32, #tpu.memory_space<vmem>>[vector<16xi32>, vector<16xi32>], vector<16xi32>,
    %swap3A_54 = arith.constant 0 : i32
    %swap3A_55 = arith.index_cast %swap3A_54 : i32 to index
    %swap3A_56 = arith.constant 96 : index
    %swap3A_57 = tpu.vector_load %arg6[%swap3A_55, %swap3A_56] {strides = array<i32>} : memref<20x128xi32, #tpu.memory_space<vmem>>, vector<16xi32>,
    tpu.vector_store %arg6[%swap3A_55, %swap3A_56], %gather3A_53 {strides = array<i32>} : memref<20x128xi32, #tpu.memory_space<vmem>>, vector<16xi32>,
    %add3A_58 = arith.constant 112 : i32
    %add3A_59 = vector.broadcast %add3A_58 : i32 to vector<16xi32>
    %add3A_60 = arith.addi %add3A_59, %iota3A : vector<16xi32>
    %gather3A_61 = tpu.vector_load_idx %arg5[%add3A_60, %broadcast_in_dim3A_3] : memref<128x20xi32, #tpu.memory_space<vmem>>[vector<16xi32>, vector<16xi32>], vector<16xi32>,
    %swap3A_62 = arith.constant 0 : i32
    %swap3A_63 = arith.index_cast %swap3A_62 : i32 to index
    %swap3A_64 = arith.constant 112 : index
    %swap3A_65 = tpu.vector_load %arg6[%swap3A_63, %swap3A_64] {strides = array<i32>} : memref<20x128xi32, #tpu.memory_space<vmem>>, vector<16xi32>,
    tpu.vector_store %arg6[%swap3A_63, %swap3A_64], %gather3A_61 {strides = array<i32>} : memref<20x128xi32, #tpu.memory_space<vmem>>, vector<16xi32>,
    %dma_start3A = arith.constant 0 : i32
    %dma_start3A_66 = arith.constant 0 : i32
    %dma_start3A_67 = arith.constant 0 : i32
    %dma_start3A_68 = arith.constant 0 : i32
    %dma_start3A_69 = tpu.memref_slice %arg7[%dma_start3A_66, %dma_start3A_67, %dma_start3A_68] : memref<20x128x32xf32, #tpu.memory_space<vmem>> -> memref<1x128x32xf32, #tpu.memory_space<vmem>>
    %dma_start3A_70 = tpu.memref_squeeze %dma_start3A_69 : memref<1x128x32xf32, #tpu.memory_space<vmem>> -> memref<128x32xf32, #tpu.memory_space<vmem>>
    %dma_start3A_71 = arith.constant 0 : i32
    %dma_start3A_72 = tpu.memref_slice %arg6[%dma_start3A, %dma_start3A_71] : memref<20x128xi32, #tpu.memory_space<vmem>> -> memref<1x128xi32, #tpu.memory_space<vmem>>
    %dma_start3A_73 = tpu.memref_squeeze %dma_start3A_72 : memref<1x128xi32, #tpu.memory_space<vmem>> -> memref<128xi32, #tpu.memory_space<vmem>>
    %dma_start3A_74 = arith.constant 0 : i32
    %dma_start3A_75 = arith.constant 0 : i32
    %dma_start3A_76 = tpu.memref_slice %arg3[%dma_start3A_74, %dma_start3A_75] : memref<100000x32xf32, #tpu.memory_space<hbm>> -> memref<100000x32xf32, #tpu.memory_space<hbm>>
    tpu.enqueue_indirect_dma source(%dma_start3A_76 : memref<100000x32xf32, #tpu.memory_space<hbm>>) target(%dma_start3A_70 : memref<128x32xf32, #tpu.memory_space<vmem>>) offsets(%dma_start3A_73 : memref<128xi32, #tpu.memory_space<vmem>>) semaphore(%arg9 : memref<!tpu.dma_semaphore, #tpu.memory_space<semaphore_mem>>)
    %broadcast_in_dim3A_77 = arith.constant 1 : i32
    %broadcast_in_dim3A_78 = vector.broadcast %broadcast_in_dim3A_77 : i32 to vector<16xi32>
    %add3A_79 = arith.constant 0 : i32
    %add3A_80 = vector.broadcast %add3A_79 : i32 to vector<16xi32>
    %add3A_81 = arith.addi %add3A_80, %iota3A : vector<16xi32>
    %gather3A_82 = tpu.vector_load_idx %arg5[%add3A_81, %broadcast_in_dim3A_78] : memref<128x20xi32, #tpu.memory_space<vmem>>[vector<16xi32>, vector<16xi32>], vector<16xi32>,
    %swap3A_83 = arith.constant 1 : i32
    %swap3A_84 = arith.index_cast %swap3A_83 : i32 to index
    %swap3A_85 = arith.constant 0 : index
    %swap3A_86 = tpu.vector_load %arg6[%swap3A_84, %swap3A_85] {strides = array<i32>} : memref<20x128xi32, #tpu.memory_space<vmem>>, vector<16xi32>,
    tpu.vector_store %arg6[%swap3A_84, %swap3A_85], %gather3A_82 {strides = array<i32>} : memref<20x128xi32, #tpu.memory_space<vmem>>, vector<16xi32>,
    %add3A_87 = arith.constant 16 : i32
    %add3A_88 = vector.broadcast %add3A_87 : i32 to vector<16xi32>
    %add3A_89 = arith.addi %add3A_88, %iota3A : vector<16xi32>
    %gather3A_90 = tpu.vector_load_idx %arg5[%add3A_89, %broadcast_in_dim3A_78] : memref<128x20xi32, #tpu.memory_space<vmem>>[vector<16xi32>, vector<16xi32>], vector<16xi32>,
    %swap3A_91 = arith.constant 1 : i32
    %swap3A_92 = arith.index_cast %swap3A_91 : i32 to index
    %swap3A_93 = arith.constant 16 : index
    %swap3A_94 = tpu.vector_load %arg6[%swap3A_92, %swap3A_93] {strides = array<i32>} : memref<20x128xi32, #tpu.memory_space<vmem>>, vector<16xi32>,
    tpu.vector_store %arg6[%swap3A_92, %swap3A_93], %gather3A_90 {strides = array<i32>} : memref<20x128xi32, #tpu.memory_space<vmem>>, vector<16xi32>,
    %add3A_95 = arith.constant 32 : i32
    %add3A_96 = vector.broadcast %add3A_95 : i32 to vector<16xi32>
    %add3A_97 = arith.addi %add3A_96, %iota3A : vector<16xi32>
    %gather3A_98 = tpu.vector_load_idx %arg5[%add3A_97, %broadcast_in_dim3A_78] : memref<128x20xi32, #tpu.memory_space<vmem>>[vector<16xi32>, vector<16xi32>], vector<16xi32>,
    %swap3A_99 = arith.constant 1 : i32
    %swap3A_100 = arith.index_cast %swap3A_99 : i32 to index
    %swap3A_101 = arith.constant 32 : index
    %swap3A_102 = tpu.vector_load %arg6[%swap3A_100, %swap3A_101] {strides = array<i32>} : memref<20x128xi32, #tpu.memory_space<vmem>>, vector<16xi32>,
    tpu.vector_store %arg6[%swap3A_100, %swap3A_101], %gather3A_98 {strides = array<i32>} : memref<20x128xi32, #tpu.memory_space<vmem>>, vector<16xi32>,
    %add3A_103 = arith.constant 48 : i32
    %add3A_104 = vector.broadcast %add3A_103 : i32 to vector<16xi32>
    %add3A_105 = arith.addi %add3A_104, %iota3A : vector<16xi32>
    %gather3A_106 = tpu.vector_load_idx %arg5[%add3A_105, %broadcast_in_dim3A_78] : memref<128x20xi32, #tpu.memory_space<vmem>>[vector<16xi32>, vector<16xi32>], vector<16xi32>,
    %swap3A_107 = arith.constant 1 : i32
    %swap3A_108 = arith.index_cast %swap3A_107 : i32 to index
    %swap3A_109 = arith.constant 48 : index
    %swap3A_110 = tpu.vector_load %arg6[%swap3A_108, %swap3A_109] {strides = array<i32>} : memref<20x128xi32, #tpu.memory_space<vmem>>, vector<16xi32>,
    tpu.vector_store %arg6[%swap3A_108, %swap3A_109], %gather3A_106 {strides = array<i32>} : memref<20x128xi32, #tpu.memory_space<vmem>>, vector<16xi32>,
    %add3A_111 = arith.constant 64 : i32
    %add3A_112 = vector.broadcast %add3A_111 : i32 to vector<16xi32>
    %add3A_113 = arith.addi %add3A_112, %iota3A : vector<16xi32>
    %gather3A_114 = tpu.vector_load_idx %arg5[%add3A_113, %broadcast_in_dim3A_78] : memref<128x20xi32, #tpu.memory_space<vmem>>[vector<16xi32>, vector<16xi32>], vector<16xi32>,
    %swap3A_115 = arith.constant 1 : i32
    %swap3A_116 = arith.index_cast %swap3A_115 : i32 to index
    %swap3A_117 = arith.constant 64 : index
    %swap3A_118 = tpu.vector_load %arg6[%swap3A_116, %swap3A_117] {strides = array<i32>} : memref<20x128xi32, #tpu.memory_space<vmem>>, vector<16xi32>,
    tpu.vector_store %arg6[%swap3A_116, %swap3A_117], %gather3A_114 {strides = array<i32>} : memref<20x128xi32, #tpu.memory_space<vmem>>, vector<16xi32>,
    %add3A_119 = arith.constant 80 : i32
    %add3A_120 = vector.broadcast %add3A_119 : i32 to vector<16xi32>
    %add3A_121 = arith.addi %add3A_120, %iota3A : vector<16xi32>
    %gather3A_122 = tpu.vector_load_idx %arg5[%add3A_121, %broadcast_in_dim3A_78] : memref<128x20xi32, #tpu.memory_space<vmem>>[vector<16xi32>, vector<16xi32>], vector<16xi32>,
    %swap3A_123 = arith.constant 1 : i32
    %swap3A_124 = arith.index_cast %swap3A_123 : i32 to index
    %swap3A_125 = arith.constant 80 : index
    %swap3A_126 = tpu.vector_load %arg6[%swap3A_124, %swap3A_125] {strides = array<i32>} : memref<20x128xi32, #tpu.memory_space<vmem>>, vector<16xi32>,
    tpu.vector_store %arg6[%swap3A_124, %swap3A_125], %gather3A_122 {strides = array<i32>} : memref<20x128xi32, #tpu.memory_space<vmem>>, vector<16xi32>,
    %add3A_127 = arith.constant 96 : i32
    %add3A_128 = vector.broadcast %add3A_127 : i32 to vector<16xi32>
    %add3A_129 = arith.addi %add3A_128, %iota3A : vector<16xi32>
    %gather3A_130 = tpu.vector_load_idx %arg5[%add3A_129, %broadcast_in_dim3A_78] : memref<128x20xi32, #tpu.memory_space<vmem>>[vector<16xi32>, vector<16xi32>], vector<16xi32>,
    %swap3A_131 = arith.constant 1 : i32
    %swap3A_132 = arith.index_cast %swap3A_131 : i32 to index
    %swap3A_133 = arith.constant 96 : index
    %swap3A_134 = tpu.vector_load %arg6[%swap3A_132, %swap3A_133] {strides = array<i32>} : memref<20x128xi32, #tpu.memory_space<vmem>>, vector<16xi32>,
    tpu.vector_store %arg6[%swap3A_132, %swap3A_133], %gather3A_130 {strides = array<i32>} : memref<20x128xi32, #tpu.memory_space<vmem>>, vector<16xi32>,
    %add3A_135 = arith.constant 112 : i32
    %add3A_136 = vector.broadcast %add3A_135 : i32 to vector<16xi32>
    %add3A_137 = arith.addi %add3A_136, %iota3A : vector<16xi32>
    %gather3A_138 = tpu.vector_load_idx %arg5[%add3A_137, %broadcast_in_dim3A_78] : memref<128x20xi32, #tpu.memory_space<vmem>>[vector<16xi32>, vector<16xi32>], vector<16xi32>,
    %swap3A_139 = arith.constant 1 : i32
    %swap3A_140 = arith.index_cast %swap3A_139 : i32 to index
    %swap3A_141 = arith.constant 112 : index
    %swap3A_142 = tpu.vector_load %arg6[%swap3A_140, %swap3A_141] {strides = array<i32>} : memref<20x128xi32, #tpu.memory_space<vmem>>, vector<16xi32>,
    tpu.vector_store %arg6[%swap3A_140, %swap3A_141], %gather3A_138 {strides = array<i32>} : memref<20x128xi32, #tpu.memory_space<vmem>>, vector<16xi32>,
    %dma_start3A_143 = arith.constant 1 : i32
    %dma_start3A_144 = arith.constant 1 : i32
    %dma_start3A_145 = arith.constant 0 : i32
    %dma_start3A_146 = arith.constant 0 : i32
    %dma_start3A_147 = tpu.memref_slice %arg7[%dma_start3A_144, %dma_start3A_145, %dma_start3A_146] : memref<20x128x32xf32, #tpu.memory_space<vmem>> -> memref<1x128x32xf32, #tpu.memory_space<vmem>>
    %dma_start3A_148 = tpu.memref_squeeze %dma_start3A_147 : memref<1x128x32xf32, #tpu.memory_space<vmem>> -> memref<128x32xf32, #tpu.memory_space<vmem>>
    %dma_start3A_149 = arith.constant 0 : i32
    %dma_start3A_150 = tpu.memref_slice %arg6[%dma_start3A_143, %dma_start3A_149] : memref<20x128xi32, #tpu.memory_space<vmem>> -> memref<1x128xi32, #tpu.memory_space<vmem>>
    %dma_start3A_151 = tpu.memref_squeeze %dma_start3A_150 : memref<1x128xi32, #tpu.memory_space<vmem>> -> memref<128xi32, #tpu.memory_space<vmem>>
    %dma_start3A_152 = arith.constant 0 : i32
    %dma_start3A_153 = arith.constant 0 : i32
    %dma_start3A_154 = tpu.memref_slice %arg3[%dma_start3A_152, %dma_start3A_153] : memref<100000x32xf32, #tpu.memory_space<hbm>> -> memref<100000x32xf32, #tpu.memory_space<hbm>>
    tpu.enqueue_indirect_dma source(%dma_start3A_154 : memref<100000x32xf32, #tpu.memory_space<hbm>>) target(%dma_start3A_148 : memref<128x32xf32, #tpu.memory_space<vmem>>) offsets(%dma_start3A_151 : memref<128xi32, #tpu.memory_space<vmem>>) semaphore(%arg9 : memref<!tpu.dma_semaphore, #tpu.memory_space<semaphore_mem>>)
    %broadcast_in_dim3A_155 = arith.constant 2 : i32
    %broadcast_in_dim3A_156 = vector.broadcast %broadcast_in_dim3A_155 : i32 to vector<16xi32>
    %add3A_157 = arith.constant 0 : i32
    %add3A_158 = vector.broadcast %add3A_157 : i32 to vector<16xi32>
    %add3A_159 = arith.addi %add3A_158, %iota3A : vector<16xi32>
    %gather3A_160 = tpu.vector_load_idx %arg5[%add3A_159, %broadcast_in_dim3A_156] : memref<128x20xi32, #tpu.memory_space<vmem>>[vector<16xi32>, vector<16xi32>], vector<16xi32>,
    %swap3A_161 = arith.constant 2 : i32
    %swap3A_162 = arith.index_cast %swap3A_161 : i32 to index
    %swap3A_163 = arith.constant 0 : index
    %swap3A_164 = tpu.vector_load %arg6[%swap3A_162, %swap3A_163] {strides = array<i32>} : memref<20x128xi32, #tpu.memory_space<vmem>>, vector<16xi32>,
    tpu.vector_store %arg6[%swap3A_162, %swap3A_163], %gather3A_160 {strides = array<i32>} : memref<20x128xi32, #tpu.memory_space<vmem>>, vector<16xi32>,
    %add3A_165 = arith.constant 16 : i32
    %add3A_166 = vector.broadcast %add3A_165 : i32 to vector<16xi32>
    %add3A_167 = arith.addi %add3A_166, %iota3A : vector<16xi32>
    %gather3A_168 = tpu.vector_load_idx %arg5[%add3A_167, %broadcast_in_dim3A_156] : memref<128x20xi32, #tpu.memory_space<vmem>>[vector<16xi32>, vector<16xi32>], vector<16xi32>,
    %swap3A_169 = arith.constant 2 : i32
    %swap3A_170 = arith.index_cast %swap3A_169 : i32 to index
    %swap3A_171 = arith.constant 16 : index
    %swap3A_172 = tpu.vector_load %arg6[%swap3A_170, %swap3A_171] {strides = array<i32>} : memref<20x128xi32, #tpu.memory_space<vmem>>, vector<16xi32>,
    tpu.vector_store %arg6[%swap3A_170, %swap3A_171], %gather3A_168 {strides = array<i32>} : memref<20x128xi32, #tpu.memory_space<vmem>>, vector<16xi32>,
    %add3A_173 = arith.constant 32 : i32
    %add3A_174 = vector.broadcast %add3A_173 : i32 to vector<16xi32>
    %add3A_175 = arith.addi %add3A_174, %iota3A : vector<16xi32>
    %gather3A_176 = tpu.vector_load_idx %arg5[%add3A_175, %broadcast_in_dim3A_156] : memref<128x20xi32, #tpu.memory_space<vmem>>[vector<16xi32>, vector<16xi32>], vector<16xi32>,
    %swap3A_177 = arith.constant 2 : i32
    %swap3A_178 = arith.index_cast %swap3A_177 : i32 to index
    %swap3A_179 = arith.constant 32 : index
    %swap3A_180 = tpu.vector_load %arg6[%swap3A_178, %swap3A_179] {strides = array<i32>} : memref<20x128xi32, #tpu.memory_space<vmem>>, vector<16xi32>,
    tpu.vector_store %arg6[%swap3A_178, %swap3A_179], %gather3A_176 {strides = array<i32>} : memref<20x128xi32, #tpu.memory_space<vmem>>, vector<16xi32>,
    %add3A_181 = arith.constant 48 : i32
    %add3A_182 = vector.broadcast %add3A_181 : i32 to vector<16xi32>
    %add3A_183 = arith.addi %add3A_182, %iota3A : vector<16xi32>
    %gather3A_184 = tpu.vector_load_idx %arg5[%add3A_183, %broadcast_in_dim3A_156] : memref<128x20xi32, #tpu.memory_space<vmem>>[vector<16xi32>, vector<16xi32>], vector<16xi32>,
    %swap3A_185 = arith.constant 2 : i32
    %swap3A_186 = arith.index_cast %swap3A_185 : i32 to index
    %swap3A_187 = arith.constant 48 : index
    %swap3A_188 = tpu.vector_load %arg6[%swap3A_186, %swap3A_187] {strides = array<i32>} : memref<20x128xi32, #tpu.memory_space<vmem>>, vector<16xi32>,
    tpu.vector_store %arg6[%swap3A_186, %swap3A_187], %gather3A_184 {strides = array<i32>} : memref<20x128xi32, #tpu.memory_space<vmem>>, vector<16xi32>,
    %add3A_189 = arith.constant 64 : i32
    %add3A_190 = vector.broadcast %add3A_189 : i32 to vector<16xi32>
    %add3A_191 = arith.addi %add3A_190, %iota3A : vector<16xi32>
    %gather3A_192 = tpu.vector_load_idx %arg5[%add3A_191, %broadcast_in_dim3A_156] : memref<128x20xi32, #tpu.memory_space<vmem>>[vector<16xi32>, vector<16xi32>], vector<16xi32>,
    %swap3A_193 = arith.constant 2 : i32
    %swap3A_194 = arith.index_cast %swap3A_193 : i32 to index
    %swap3A_195 = arith.constant 64 : index
    %swap3A_196 = tpu.vector_load %arg6[%swap3A_194, %swap3A_195] {strides = array<i32>} : memref<20x128xi32, #tpu.memory_space<vmem>>, vector<16xi32>,
    tpu.vector_store %arg6[%swap3A_194, %swap3A_195], %gather3A_192 {strides = array<i32>} : memref<20x128xi32, #tpu.memory_space<vmem>>, vector<16xi32>,
    %add3A_197 = arith.constant 80 : i32
    %add3A_198 = vector.broadcast %add3A_197 : i32 to vector<16xi32>
    %add3A_199 = arith.addi %add3A_198, %iota3A : vector<16xi32>
    %gather3A_200 = tpu.vector_load_idx %arg5[%add3A_199, %broadcast_in_dim3A_156] : memref<128x20xi32, #tpu.memory_space<vmem>>[vector<16xi32>, vector<16xi32>], vector<16xi32>,
    %swap3A_201 = arith.constant 2 : i32
    %swap3A_202 = arith.index_cast %swap3A_201 : i32 to index
    %swap3A_203 = arith.constant 80 : index
    %swap3A_204 = tpu.vector_load %arg6[%swap3A_202, %swap3A_203] {strides = array<i32>} : memref<20x128xi32, #tpu.memory_space<vmem>>, vector<16xi32>,
    tpu.vector_store %arg6[%swap3A_202, %swap3A_203], %gather3A_200 {strides = array<i32>} : memref<20x128xi32, #tpu.memory_space<vmem>>, vector<16xi32>,
    %add3A_205 = arith.constant 96 : i32
    %add3A_206 = vector.broadcast %add3A_205 : i32 to vector<16xi32>
    %add3A_207 = arith.addi %add3A_206, %iota3A : vector<16xi32>
    %gather3A_208 = tpu.vector_load_idx %arg5[%add3A_207, %broadcast_in_dim3A_156] : memref<128x20xi32, #tpu.memory_space<vmem>>[vector<16xi32>, vector<16xi32>], vector<16xi32>,
    %swap3A_209 = arith.constant 2 : i32
    %swap3A_210 = arith.index_cast %swap3A_209 : i32 to index
    %swap3A_211 = arith.constant 96 : index
    %swap3A_212 = tpu.vector_load %arg6[%swap3A_210, %swap3A_211] {strides = array<i32>} : memref<20x128xi32, #tpu.memory_space<vmem>>, vector<16xi32>,
    tpu.vector_store %arg6[%swap3A_210, %swap3A_211], %gather3A_208 {strides = array<i32>} : memref<20x128xi32, #tpu.memory_space<vmem>>, vector<16xi32>,
    %add3A_213 = arith.constant 112 : i32
    %add3A_214 = vector.broadcast %add3A_213 : i32 to vector<16xi32>
    %add3A_215 = arith.addi %add3A_214, %iota3A : vector<16xi32>
    %gather3A_216 = tpu.vector_load_idx %arg5[%add3A_215, %broadcast_in_dim3A_156] : memref<128x20xi32, #tpu.memory_space<vmem>>[vector<16xi32>, vector<16xi32>], vector<16xi32>,
    %swap3A_217 = arith.constant 2 : i32
    %swap3A_218 = arith.index_cast %swap3A_217 : i32 to index
    %swap3A_219 = arith.constant 112 : index
    %swap3A_220 = tpu.vector_load %arg6[%swap3A_218, %swap3A_219] {strides = array<i32>} : memref<20x128xi32, #tpu.memory_space<vmem>>, vector<16xi32>,
    tpu.vector_store %arg6[%swap3A_218, %swap3A_219], %gather3A_216 {strides = array<i32>} : memref<20x128xi32, #tpu.memory_space<vmem>>, vector<16xi32>,
    %dma_start3A_221 = arith.constant 2 : i32
    %dma_start3A_222 = arith.constant 2 : i32
    %dma_start3A_223 = arith.constant 0 : i32
    %dma_start3A_224 = arith.constant 0 : i32
    %dma_start3A_225 = tpu.memref_slice %arg7[%dma_start3A_222, %dma_start3A_223, %dma_start3A_224] : memref<20x128x32xf32, #tpu.memory_space<vmem>> -> memref<1x128x32xf32, #tpu.memory_space<vmem>>
    %dma_start3A_226 = tpu.memref_squeeze %dma_start3A_225 : memref<1x128x32xf32, #tpu.memory_space<vmem>> -> memref<128x32xf32, #tpu.memory_space<vmem>>
    %dma_start3A_227 = arith.constant 0 : i32
    %dma_start3A_228 = tpu.memref_slice %arg6[%dma_start3A_221, %dma_start3A_227] : memref<20x128xi32, #tpu.memory_space<vmem>> -> memref<1x128xi32, #tpu.memory_space<vmem>>
    %dma_start3A_229 = tpu.memref_squeeze %dma_start3A_228 : memref<1x128xi32, #tpu.memory_space<vmem>> -> memref<128xi32, #tpu.memory_space<vmem>>
    %dma_start3A_230 = arith.constant 0 : i32
    %dma_start3A_231 = arith.constant 0 : i32
    %dma_start3A_232 = tpu.memref_slice %arg3[%dma_start3A_230, %dma_start3A_231] : memref<100000x32xf32, #tpu.memory_space<hbm>> -> memref<100000x32xf32, #tpu.memory_space<hbm>>
    tpu.enqueue_indirect_dma source(%dma_start3A_232 : memref<100000x32xf32, #tpu.memory_space<hbm>>) target(%dma_start3A_226 : memref<128x32xf32, #tpu.memory_space<vmem>>) offsets(%dma_start3A_229 : memref<128xi32, #tpu.memory_space<vmem>>) semaphore(%arg9 : memref<!tpu.dma_semaphore, #tpu.memory_space<semaphore_mem>>)
    %broadcast_in_dim3A_233 = arith.constant 3 : i32
    %broadcast_in_dim3A_234 = vector.broadcast %broadcast_in_dim3A_233 : i32 to vector<16xi32>
    %add3A_235 = arith.constant 0 : i32
    %add3A_236 = vector.broadcast %add3A_235 : i32 to vector<16xi32>
    %add3A_237 = arith.addi %add3A_236, %iota3A : vector<16xi32>
    %gather3A_238 = tpu.vector_load_idx %arg5[%add3A_237, %broadcast_in_dim3A_234] : memref<128x20xi32, #tpu.memory_space<vmem>>[vector<16xi32>, vector<16xi32>], vector<16xi32>,
    %swap3A_239 = arith.constant 3 : i32
    %swap3A_240 = arith.index_cast %swap3A_239 : i32 to index
    %swap3A_241 = arith.constant 0 : index
    %swap3A_242 = tpu.vector_load %arg6[%swap3A_240, %swap3A_241] {strides = array<i32>} : memref<20x128xi32, #tpu.memory_space<vmem>>, vector<16xi32>,
    tpu.vector_store %arg6[%swap3A_240, %swap3A_241], %gather3A_238 {strides = array<i32>} : memref<20x128xi32, #tpu.memory_space<vmem>>, vector<16xi32>,
    %add3A_243 = arith.constant 16 : i32
    %add3A_244 = vector.broadcast %add3A_243 : i32 to vector<16xi32>
    %add3A_245 = arith.addi %add3A_244, %iota3A : vector<16xi32>
    %gather3A_246 = tpu.vector_load_idx %arg5[%add3A_245, %broadcast_in_dim3A_234] : memref<128x20xi32, #tpu.memory_space<vmem>>[vector<16xi32>, vector<16xi32>], vector<16xi32>,
    %swap3A_247 = arith.constant 3 : i32
    %swap3A_248 = arith.index_cast %swap3A_247 : i32 to index
    %swap3A_249 = arith.constant 16 : index
    %swap3A_250 = tpu.vector_load %arg6[%swap3A_248, %swap3A_249] {strides = array<i32>} : memref<20x128xi32, #tpu.memory_space<vmem>>, vector<16xi32>,
    tpu.vector_store %arg6[%swap3A_248, %swap3A_249], %gather3A_246 {strides = array<i32>} : memref<20x128xi32, #tpu.memory_space<vmem>>, vector<16xi32>,
    %add3A_251 = arith.constant 32 : i32
    %add3A_252 = vector.broadcast %add3A_251 : i32 to vector<16xi32>
    %add3A_253 = arith.addi %add3A_252, %iota3A : vector<16xi32>
    %gather3A_254 = tpu.vector_load_idx %arg5[%add3A_253, %broadcast_in_dim3A_234] : memref<128x20xi32, #tpu.memory_space<vmem>>[vector<16xi32>, vector<16xi32>], vector<16xi32>,
    %swap3A_255 = arith.constant 3 : i32
    %swap3A_256 = arith.index_cast %swap3A_255 : i32 to index
    %swap3A_257 = arith.constant 32 : index
    %swap3A_258 = tpu.vector_load %arg6[%swap3A_256, %swap3A_257] {strides = array<i32>} : memref<20x128xi32, #tpu.memory_space<vmem>>, vector<16xi32>,
    tpu.vector_store %arg6[%swap3A_256, %swap3A_257], %gather3A_254 {strides = array<i32>} : memref<20x128xi32, #tpu.memory_space<vmem>>, vector<16xi32>,
    %add3A_259 = arith.constant 48 : i32
    %add3A_260 = vector.broadcast %add3A_259 : i32 to vector<16xi32>
    %add3A_261 = arith.addi %add3A_260, %iota3A : vector<16xi32>
    %gather3A_262 = tpu.vector_load_idx %arg5[%add3A_261, %broadcast_in_dim3A_234] : memref<128x20xi32, #tpu.memory_space<vmem>>[vector<16xi32>, vector<16xi32>], vector<16xi32>,
    %swap3A_263 = arith.constant 3 : i32
    %swap3A_264 = arith.index_cast %swap3A_263 : i32 to index
    %swap3A_265 = arith.constant 48 : index
    %swap3A_266 = tpu.vector_load %arg6[%swap3A_264, %swap3A_265] {strides = array<i32>} : memref<20x128xi32, #tpu.memory_space<vmem>>, vector<16xi32>,
    tpu.vector_store %arg6[%swap3A_264, %swap3A_265], %gather3A_262 {strides = array<i32>} : memref<20x128xi32, #tpu.memory_space<vmem>>, vector<16xi32>,
    %add3A_267 = arith.constant 64 : i32
    %add3A_268 = vector.broadcast %add3A_267 : i32 to vector<16xi32>
    %add3A_269 = arith.addi %add3A_268, %iota3A : vector<16xi32>
    %gather3A_270 = tpu.vector_load_idx %arg5[%add3A_269, %broadcast_in_dim3A_234] : memref<128x20xi32, #tpu.memory_space<vmem>>[vector<16xi32>, vector<16xi32>], vector<16xi32>,
    %swap3A_271 = arith.constant 3 : i32
    %swap3A_272 = arith.index_cast %swap3A_271 : i32 to index
    %swap3A_273 = arith.constant 64 : index
    %swap3A_274 = tpu.vector_load %arg6[%swap3A_272, %swap3A_273] {strides = array<i32>} : memref<20x128xi32, #tpu.memory_space<vmem>>, vector<16xi32>,
    tpu.vector_store %arg6[%swap3A_272, %swap3A_273], %gather3A_270 {strides = array<i32>} : memref<20x128xi32, #tpu.memory_space<vmem>>, vector<16xi32>,
    %add3A_275 = arith.constant 80 : i32
    %add3A_276 = vector.broadcast %add3A_275 : i32 to vector<16xi32>
    %add3A_277 = arith.addi %add3A_276, %iota3A : vector<16xi32>
    %gather3A_278 = tpu.vector_load_idx %arg5[%add3A_277, %broadcast_in_dim3A_234] : memref<128x20xi32, #tpu.memory_space<vmem>>[vector<16xi32>, vector<16xi32>], vector<16xi32>,
    %swap3A_279 = arith.constant 3 : i32
    %swap3A_280 = arith.index_cast %swap3A_279 : i32 to index
    %swap3A_281 = arith.constant 80 : index
    %swap3A_282 = tpu.vector_load %arg6[%swap3A_280, %swap3A_281] {strides = array<i32>} : memref<20x128xi32, #tpu.memory_space<vmem>>, vector<16xi32>,
    tpu.vector_store %arg6[%swap3A_280, %swap3A_281], %gather3A_278 {strides = array<i32>} : memref<20x128xi32, #tpu.memory_space<vmem>>, vector<16xi32>,
    %add3A_283 = arith.constant 96 : i32
    %add3A_284 = vector.broadcast %add3A_283 : i32 to vector<16xi32>
    %add3A_285 = arith.addi %add3A_284, %iota3A : vector<16xi32>
    %gather3A_286 = tpu.vector_load_idx %arg5[%add3A_285, %broadcast_in_dim3A_234] : memref<128x20xi32, #tpu.memory_space<vmem>>[vector<16xi32>, vector<16xi32>], vector<16xi32>,
    %swap3A_287 = arith.constant 3 : i32
    %swap3A_288 = arith.index_cast %swap3A_287 : i32 to index
    %swap3A_289 = arith.constant 96 : index
    %swap3A_290 = tpu.vector_load %arg6[%swap3A_288, %swap3A_289] {strides = array<i32>} : memref<20x128xi32, #tpu.memory_space<vmem>>, vector<16xi32>,
    tpu.vector_store %arg6[%swap3A_288, %swap3A_289], %gather3A_286 {strides = array<i32>} : memref<20x128xi32, #tpu.memory_space<vmem>>, vector<16xi32>,
    %add3A_291 = arith.constant 112 : i32
    %add3A_292 = vector.broadcast %add3A_291 : i32 to vector<16xi32>
    %add3A_293 = arith.addi %add3A_292, %iota3A : vector<16xi32>
    %gather3A_294 = tpu.vector_load_idx %arg5[%add3A_293, %broadcast_in_dim3A_234] : memref<128x20xi32, #tpu.memory_space<vmem>>[vector<16xi32>, vector<16xi32>], vector<16xi32>,
    %swap3A_295 = arith.constant 3 : i32
    %swap3A_296 = arith.index_cast %swap3A_295 : i32 to index
    %swap3A_297 = arith.constant 112 : index
    %swap3A_298 = tpu.vector_load %arg6[%swap3A_296, %swap3A_297] {strides = array<i32>} : memref<20x128xi32, #tpu.memory_space<vmem>>, vector<16xi32>,
    tpu.vector_store %arg6[%swap3A_296, %swap3A_297], %gather3A_294 {strides = array<i32>} : memref<20x128xi32, #tpu.memory_space<vmem>>, vector<16xi32>,
    %dma_start3A_299 = arith.constant 3 : i32
    %dma_start3A_300 = arith.constant 3 : i32
    %dma_start3A_301 = arith.constant 0 : i32
    %dma_start3A_302 = arith.constant 0 : i32
    %dma_start3A_303 = tpu.memref_slice %arg7[%dma_start3A_300, %dma_start3A_301, %dma_start3A_302] : memref<20x128x32xf32, #tpu.memory_space<vmem>> -> memref<1x128x32xf32, #tpu.memory_space<vmem>>
    %dma_start3A_304 = tpu.memref_squeeze %dma_start3A_303 : memref<1x128x32xf32, #tpu.memory_space<vmem>> -> memref<128x32xf32, #tpu.memory_space<vmem>>
    %dma_start3A_305 = arith.constant 0 : i32
    %dma_start3A_306 = tpu.memref_slice %arg6[%dma_start3A_299, %dma_start3A_305] : memref<20x128xi32, #tpu.memory_space<vmem>> -> memref<1x128xi32, #tpu.memory_space<vmem>>
    %dma_start3A_307 = tpu.memref_squeeze %dma_start3A_306 : memref<1x128xi32, #tpu.memory_space<vmem>> -> memref<128xi32, #tpu.memory_space<vmem>>
    %dma_start3A_308 = arith.constant 0 : i32
    %dma_start3A_309 = arith.constant 0 : i32
    %dma_start3A_310 = tpu.memref_slice %arg3[%dma_start3A_308, %dma_start3A_309] : memref<100000x32xf32, #tpu.memory_space<hbm>> -> memref<100000x32xf32, #tpu.memory_space<hbm>>
    tpu.enqueue_indirect_dma source(%dma_start3A_310 : memref<100000x32xf32, #tpu.memory_space<hbm>>) target(%dma_start3A_304 : memref<128x32xf32, #tpu.memory_space<vmem>>) offsets(%dma_start3A_307 : memref<128xi32, #tpu.memory_space<vmem>>) semaphore(%arg9 : memref<!tpu.dma_semaphore, #tpu.memory_space<semaphore_mem>>)
    %broadcast_in_dim3A_311 = arith.constant 4 : i32
    %broadcast_in_dim3A_312 = vector.broadcast %broadcast_in_dim3A_311 : i32 to vector<16xi32>
    %add3A_313 = arith.constant 0 : i32
    %add3A_314 = vector.broadcast %add3A_313 : i32 to vector<16xi32>
    %add3A_315 = arith.addi %add3A_314, %iota3A : vector<16xi32>
    %gather3A_316 = tpu.vector_load_idx %arg5[%add3A_315, %broadcast_in_dim3A_312] : memref<128x20xi32, #tpu.memory_space<vmem>>[vector<16xi32>, vector<16xi32>], vector<16xi32>,
    %swap3A_317 = arith.constant 4 : i32
    %swap3A_318 = arith.index_cast %swap3A_317 : i32 to index
    %swap3A_319 = arith.constant 0 : index
    %swap3A_320 = tpu.vector_load %arg6[%swap3A_318, %swap3A_319] {strides = array<i32>} : memref<20x128xi32, #tpu.memory_space<vmem>>, vector<16xi32>,
    tpu.vector_store %arg6[%swap3A_318, %swap3A_319], %gather3A_316 {strides = array<i32>} : memref<20x128xi32, #tpu.memory_space<vmem>>, vector<16xi32>,
    %add3A_321 = arith.constant 16 : i32
    %add3A_322 = vector.broadcast %add3A_321 : i32 to vector<16xi32>
    %add3A_323 = arith.addi %add3A_322, %iota3A : vector<16xi32>
    %gather3A_324 = tpu.vector_load_idx %arg5[%add3A_323, %broadcast_in_dim3A_312] : memref<128x20xi32, #tpu.memory_space<vmem>>[vector<16xi32>, vector<16xi32>], vector<16xi32>,
    %swap3A_325 = arith.constant 4 : i32
    %swap3A_326 = arith.index_cast %swap3A_325 : i32 to index
    %swap3A_327 = arith.constant 16 : index
    %swap3A_328 = tpu.vector_load %arg6[%swap3A_326, %swap3A_327] {strides = array<i32>} : memref<20x128xi32, #tpu.memory_space<vmem>>, vector<16xi32>,
    tpu.vector_store %arg6[%swap3A_326, %swap3A_327], %gather3A_324 {strides = array<i32>} : memref<20x128xi32, #tpu.memory_space<vmem>>, vector<16xi32>,
    %add3A_329 = arith.constant 32 : i32
    %add3A_330 = vector.broadcast %add3A_329 : i32 to vector<16xi32>
    %add3A_331 = arith.addi %add3A_330, %iota3A : vector<16xi32>
    %gather3A_332 = tpu.vector_load_idx %arg5[%add3A_331, %broadcast_in_dim3A_312] : memref<128x20xi32, #tpu.memory_space<vmem>>[vector<16xi32>, vector<16xi32>], vector<16xi32>,
    %swap3A_333 = arith.constant 4 : i32
    %swap3A_334 = arith.index_cast %swap3A_333 : i32 to index
    %swap3A_335 = arith.constant 32 : index
    %swap3A_336 = tpu.vector_load %arg6[%swap3A_334, %swap3A_335] {strides = array<i32>} : memref<20x128xi32, #tpu.memory_space<vmem>>, vector<16xi32>,
    tpu.vector_store %arg6[%swap3A_334, %swap3A_335], %gather3A_332 {strides = array<i32>} : memref<20x128xi32, #tpu.memory_space<vmem>>, vector<16xi32>,
    %add3A_337 = arith.constant 48 : i32
    %add3A_338 = vector.broadcast %add3A_337 : i32 to vector<16xi32>
    %add3A_339 = arith.addi %add3A_338, %iota3A : vector<16xi32>
    %gather3A_340 = tpu.vector_load_idx %arg5[%add3A_339, %broadcast_in_dim3A_312] : memref<128x20xi32, #tpu.memory_space<vmem>>[vector<16xi32>, vector<16xi32>], vector<16xi32>,
    %swap3A_341 = arith.constant 4 : i32
    %swap3A_342 = arith.index_cast %swap3A_341 : i32 to index
    %swap3A_343 = arith.constant 48 : index
    %swap3A_344 = tpu.vector_load %arg6[%swap3A_342, %swap3A_343] {strides = array<i32>} : memref<20x128xi32, #tpu.memory_space<vmem>>, vector<16xi32>,
    tpu.vector_store %arg6[%swap3A_342, %swap3A_343], %gather3A_340 {strides = array<i32>} : memref<20x128xi32, #tpu.memory_space<vmem>>, vector<16xi32>,
    %add3A_345 = arith.constant 64 : i32
    %add3A_346 = vector.broadcast %add3A_345 : i32 to vector<16xi32>
    %add3A_347 = arith.addi %add3A_346, %iota3A : vector<16xi32>
    %gather3A_348 = tpu.vector_load_idx %arg5[%add3A_347, %broadcast_in_dim3A_312] : memref<128x20xi32, #tpu.memory_space<vmem>>[vector<16xi32>, vector<16xi32>], vector<16xi32>,
    %swap3A_349 = arith.constant 4 : i32
    %swap3A_350 = arith.index_cast %swap3A_349 : i32 to index
    %swap3A_351 = arith.constant 64 : index
    %swap3A_352 = tpu.vector_load %arg6[%swap3A_350, %swap3A_351] {strides = array<i32>} : memref<20x128xi32, #tpu.memory_space<vmem>>, vector<16xi32>,
    tpu.vector_store %arg6[%swap3A_350, %swap3A_351], %gather3A_348 {strides = array<i32>} : memref<20x128xi32, #tpu.memory_space<vmem>>, vector<16xi32>,
    %add3A_353 = arith.constant 80 : i32
    %add3A_354 = vector.broadcast %add3A_353 : i32 to vector<16xi32>
    %add3A_355 = arith.addi %add3A_354, %iota3A : vector<16xi32>
    %gather3A_356 = tpu.vector_load_idx %arg5[%add3A_355, %broadcast_in_dim3A_312] : memref<128x20xi32, #tpu.memory_space<vmem>>[vector<16xi32>, vector<16xi32>], vector<16xi32>,
    %swap3A_357 = arith.constant 4 : i32
    %swap3A_358 = arith.index_cast %swap3A_357 : i32 to index
    %swap3A_359 = arith.constant 80 : index
    %swap3A_360 = tpu.vector_load %arg6[%swap3A_358, %swap3A_359] {strides = array<i32>} : memref<20x128xi32, #tpu.memory_space<vmem>>, vector<16xi32>,
    tpu.vector_store %arg6[%swap3A_358, %swap3A_359], %gather3A_356 {strides = array<i32>} : memref<20x128xi32, #tpu.memory_space<vmem>>, vector<16xi32>,
    %add3A_361 = arith.constant 96 : i32
    %add3A_362 = vector.broadcast %add3A_361 : i32 to vector<16xi32>
    %add3A_363 = arith.addi %add3A_362, %iota3A : vector<16xi32>
    %gather3A_364 = tpu.vector_load_idx %arg5[%add3A_363, %broadcast_in_dim3A_312] : memref<128x20xi32, #tpu.memory_space<vmem>>[vector<16xi32>, vector<16xi32>], vector<16xi32>,
    %swap3A_365 = arith.constant 4 : i32
    %swap3A_366 = arith.index_cast %swap3A_365 : i32 to index
    %swap3A_367 = arith.constant 96 : index
    %swap3A_368 = tpu.vector_load %arg6[%swap3A_366, %swap3A_367] {strides = array<i32>} : memref<20x128xi32, #tpu.memory_space<vmem>>, vector<16xi32>,
    tpu.vector_store %arg6[%swap3A_366, %swap3A_367], %gather3A_364 {strides = array<i32>} : memref<20x128xi32, #tpu.memory_space<vmem>>, vector<16xi32>,
    %add3A_369 = arith.constant 112 : i32
    %add3A_370 = vector.broadcast %add3A_369 : i32 to vector<16xi32>
    %add3A_371 = arith.addi %add3A_370, %iota3A : vector<16xi32>
    %gather3A_372 = tpu.vector_load_idx %arg5[%add3A_371, %broadcast_in_dim3A_312] : memref<128x20xi32, #tpu.memory_space<vmem>>[vector<16xi32>, vector<16xi32>], vector<16xi32>,
    %swap3A_373 = arith.constant 4 : i32
    %swap3A_374 = arith.index_cast %swap3A_373 : i32 to index
    %swap3A_375 = arith.constant 112 : index
    %swap3A_376 = tpu.vector_load %arg6[%swap3A_374, %swap3A_375] {strides = array<i32>} : memref<20x128xi32, #tpu.memory_space<vmem>>, vector<16xi32>,
    tpu.vector_store %arg6[%swap3A_374, %swap3A_375], %gather3A_372 {strides = array<i32>} : memref<20x128xi32, #tpu.memory_space<vmem>>, vector<16xi32>,
    %dma_start3A_377 = arith.constant 4 : i32
    %dma_start3A_378 = arith.constant 4 : i32
    %dma_start3A_379 = arith.constant 0 : i32
    %dma_start3A_380 = arith.constant 0 : i32
    %dma_start3A_381 = tpu.memref_slice %arg7[%dma_start3A_378, %dma_start3A_379, %dma_start3A_380] : memref<20x128x32xf32, #tpu.memory_space<vmem>> -> memref<1x128x32xf32, #tpu.memory_space<vmem>>
    %dma_start3A_382 = tpu.memref_squeeze %dma_start3A_381 : memref<1x128x32xf32, #tpu.memory_space<vmem>> -> memref<128x32xf32, #tpu.memory_space<vmem>>
    %dma_start3A_383 = arith.constant 0 : i32
    %dma_start3A_384 = tpu.memref_slice %arg6[%dma_start3A_377, %dma_start3A_383] : memref<20x128xi32, #tpu.memory_space<vmem>> -> memref<1x128xi32, #tpu.memory_space<vmem>>
    %dma_start3A_385 = tpu.memref_squeeze %dma_start3A_384 : memref<1x128xi32, #tpu.memory_space<vmem>> -> memref<128xi32, #tpu.memory_space<vmem>>
    %dma_start3A_386 = arith.constant 0 : i32
    %dma_start3A_387 = arith.constant 0 : i32
    %dma_start3A_388 = tpu.memref_slice %arg3[%dma_start3A_386, %dma_start3A_387] : memref<100000x32xf32, #tpu.memory_space<hbm>> -> memref<100000x32xf32, #tpu.memory_space<hbm>>
    tpu.enqueue_indirect_dma source(%dma_start3A_388 : memref<100000x32xf32, #tpu.memory_space<hbm>>) target(%dma_start3A_382 : memref<128x32xf32, #tpu.memory_space<vmem>>) offsets(%dma_start3A_385 : memref<128xi32, #tpu.memory_space<vmem>>) semaphore(%arg9 : memref<!tpu.dma_semaphore, #tpu.memory_space<semaphore_mem>>)
    %broadcast_in_dim3A_389 = arith.constant 5 : i32
    %broadcast_in_dim3A_390 = vector.broadcast %broadcast_in_dim3A_389 : i32 to vector<16xi32>
    %add3A_391 = arith.constant 0 : i32
    %add3A_392 = vector.broadcast %add3A_391 : i32 to vector<16xi32>
    %add3A_393 = arith.addi %add3A_392, %iota3A : vector<16xi32>
    %gather3A_394 = tpu.vector_load_idx %arg5[%add3A_393, %broadcast_in_dim3A_390] : memref<128x20xi32, #tpu.memory_space<vmem>>[vector<16xi32>, vector<16xi32>], vector<16xi32>,
    %swap3A_395 = arith.constant 5 : i32
    %swap3A_396 = arith.index_cast %swap3A_395 : i32 to index
    %swap3A_397 = arith.constant 0 : index
    %swap3A_398 = tpu.vector_load %arg6[%swap3A_396, %swap3A_397] {strides = array<i32>} : memref<20x128xi32, #tpu.memory_space<vmem>>, vector<16xi32>,
    tpu.vector_store %arg6[%swap3A_396, %swap3A_397], %gather3A_394 {strides = array<i32>} : memref<20x128xi32, #tpu.memory_space<vmem>>, vector<16xi32>,
    %add3A_399 = arith.constant 16 : i32
    %add3A_400 = vector.broadcast %add3A_399 : i32 to vector<16xi32>
    %add3A_401 = arith.addi %add3A_400, %iota3A : vector<16xi32>
    %gather3A_402 = tpu.vector_load_idx %arg5[%add3A_401, %broadcast_in_dim3A_390] : memref<128x20xi32, #tpu.memory_space<vmem>>[vector<16xi32>, vector<16xi32>], vector<16xi32>,
    %swap3A_403 = arith.constant 5 : i32
    %swap3A_404 = arith.index_cast %swap3A_403 : i32 to index
    %swap3A_405 = arith.constant 16 : index
    %swap3A_406 = tpu.vector_load %arg6[%swap3A_404, %swap3A_405] {strides = array<i32>} : memref<20x128xi32, #tpu.memory_space<vmem>>, vector<16xi32>,
    tpu.vector_store %arg6[%swap3A_404, %swap3A_405], %gather3A_402 {strides = array<i32>} : memref<20x128xi32, #tpu.memory_space<vmem>>, vector<16xi32>,
    %add3A_407 = arith.constant 32 : i32
    %add3A_408 = vector.broadcast %add3A_407 : i32 to vector<16xi32>
    %add3A_409 = arith.addi %add3A_408, %iota3A : vector<16xi32>
    %gather3A_410 = tpu.vector_load_idx %arg5[%add3A_409, %broadcast_in_dim3A_390] : memref<128x20xi32, #tpu.memory_space<vmem>>[vector<16xi32>, vector<16xi32>], vector<16xi32>,
    %swap3A_411 = arith.constant 5 : i32
    %swap3A_412 = arith.index_cast %swap3A_411 : i32 to index
    %swap3A_413 = arith.constant 32 : index
    %swap3A_414 = tpu.vector_load %arg6[%swap3A_412, %swap3A_413] {strides = array<i32>} : memref<20x128xi32, #tpu.memory_space<vmem>>, vector<16xi32>,
    tpu.vector_store %arg6[%swap3A_412, %swap3A_413], %gather3A_410 {strides = array<i32>} : memref<20x128xi32, #tpu.memory_space<vmem>>, vector<16xi32>,
    %add3A_415 = arith.constant 48 : i32
    %add3A_416 = vector.broadcast %add3A_415 : i32 to vector<16xi32>
    %add3A_417 = arith.addi %add3A_416, %iota3A : vector<16xi32>
    %gather3A_418 = tpu.vector_load_idx %arg5[%add3A_417, %broadcast_in_dim3A_390] : memref<128x20xi32, #tpu.memory_space<vmem>>[vector<16xi32>, vector<16xi32>], vector<16xi32>,
    %swap3A_419 = arith.constant 5 : i32
    %swap3A_420 = arith.index_cast %swap3A_419 : i32 to index
    %swap3A_421 = arith.constant 48 : index
    %swap3A_422 = tpu.vector_load %arg6[%swap3A_420, %swap3A_421] {strides = array<i32>} : memref<20x128xi32, #tpu.memory_space<vmem>>, vector<16xi32>,
    tpu.vector_store %arg6[%swap3A_420, %swap3A_421], %gather3A_418 {strides = array<i32>} : memref<20x128xi32, #tpu.memory_space<vmem>>, vector<16xi32>,
    %add3A_423 = arith.constant 64 : i32
    %add3A_424 = vector.broadcast %add3A_423 : i32 to vector<16xi32>
    %add3A_425 = arith.addi %add3A_424, %iota3A : vector<16xi32>
    %gather3A_426 = tpu.vector_load_idx %arg5[%add3A_425, %broadcast_in_dim3A_390] : memref<128x20xi32, #tpu.memory_space<vmem>>[vector<16xi32>, vector<16xi32>], vector<16xi32>,
    %swap3A_427 = arith.constant 5 : i32
    %swap3A_428 = arith.index_cast %swap3A_427 : i32 to index
    %swap3A_429 = arith.constant 64 : index
    %swap3A_430 = tpu.vector_load %arg6[%swap3A_428, %swap3A_429] {strides = array<i32>} : memref<20x128xi32, #tpu.memory_space<vmem>>, vector<16xi32>,
    tpu.vector_store %arg6[%swap3A_428, %swap3A_429], %gather3A_426 {strides = array<i32>} : memref<20x128xi32, #tpu.memory_space<vmem>>, vector<16xi32>,
    %add3A_431 = arith.constant 80 : i32
    %add3A_432 = vector.broadcast %add3A_431 : i32 to vector<16xi32>
    %add3A_433 = arith.addi %add3A_432, %iota3A : vector<16xi32>
    %gather3A_434 = tpu.vector_load_idx %arg5[%add3A_433, %broadcast_in_dim3A_390] : memref<128x20xi32, #tpu.memory_space<vmem>>[vector<16xi32>, vector<16xi32>], vector<16xi32>,
    %swap3A_435 = arith.constant 5 : i32
    %swap3A_436 = arith.index_cast %swap3A_435 : i32 to index
    %swap3A_437 = arith.constant 80 : index
    %swap3A_438 = tpu.vector_load %arg6[%swap3A_436, %swap3A_437] {strides = array<i32>} : memref<20x128xi32, #tpu.memory_space<vmem>>, vector<16xi32>,
    tpu.vector_store %arg6[%swap3A_436, %swap3A_437], %gather3A_434 {strides = array<i32>} : memref<20x128xi32, #tpu.memory_space<vmem>>, vector<16xi32>,
    %add3A_439 = arith.constant 96 : i32
    %add3A_440 = vector.broadcast %add3A_439 : i32 to vector<16xi32>
    %add3A_441 = arith.addi %add3A_440, %iota3A : vector<16xi32>
    %gather3A_442 = tpu.vector_load_idx %arg5[%add3A_441, %broadcast_in_dim3A_390] : memref<128x20xi32, #tpu.memory_space<vmem>>[vector<16xi32>, vector<16xi32>], vector<16xi32>,
    %swap3A_443 = arith.constant 5 : i32
    %swap3A_444 = arith.index_cast %swap3A_443 : i32 to index
    %swap3A_445 = arith.constant 96 : index
    %swap3A_446 = tpu.vector_load %arg6[%swap3A_444, %swap3A_445] {strides = array<i32>} : memref<20x128xi32, #tpu.memory_space<vmem>>, vector<16xi32>,
    tpu.vector_store %arg6[%swap3A_444, %swap3A_445], %gather3A_442 {strides = array<i32>} : memref<20x128xi32, #tpu.memory_space<vmem>>, vector<16xi32>,
    %add3A_447 = arith.constant 112 : i32
    %add3A_448 = vector.broadcast %add3A_447 : i32 to vector<16xi32>
    %add3A_449 = arith.addi %add3A_448, %iota3A : vector<16xi32>
    %gather3A_450 = tpu.vector_load_idx %arg5[%add3A_449, %broadcast_in_dim3A_390] : memref<128x20xi32, #tpu.memory_space<vmem>>[vector<16xi32>, vector<16xi32>], vector<16xi32>,
    %swap3A_451 = arith.constant 5 : i32
    %swap3A_452 = arith.index_cast %swap3A_451 : i32 to index
    %swap3A_453 = arith.constant 112 : index
    %swap3A_454 = tpu.vector_load %arg6[%swap3A_452, %swap3A_453] {strides = array<i32>} : memref<20x128xi32, #tpu.memory_space<vmem>>, vector<16xi32>,
    tpu.vector_store %arg6[%swap3A_452, %swap3A_453], %gather3A_450 {strides = array<i32>} : memref<20x128xi32, #tpu.memory_space<vmem>>, vector<16xi32>,
    %dma_start3A_455 = arith.constant 5 : i32
    %dma_start3A_456 = arith.constant 5 : i32
    %dma_start3A_457 = arith.constant 0 : i32
    %dma_start3A_458 = arith.constant 0 : i32
    %dma_start3A_459 = tpu.memref_slice %arg7[%dma_start3A_456, %dma_start3A_457, %dma_start3A_458] : memref<20x128x32xf32, #tpu.memory_space<vmem>> -> memref<1x128x32xf32, #tpu.memory_space<vmem>>
    %dma_start3A_460 = tpu.memref_squeeze %dma_start3A_459 : memref<1x128x32xf32, #tpu.memory_space<vmem>> -> memref<128x32xf32, #tpu.memory_space<vmem>>
    %dma_start3A_461 = arith.constant 0 : i32
    %dma_start3A_462 = tpu.memref_slice %arg6[%dma_start3A_455, %dma_start3A_461] : memref<20x128xi32, #tpu.memory_space<vmem>> -> memref<1x128xi32, #tpu.memory_space<vmem>>
    %dma_start3A_463 = tpu.memref_squeeze %dma_start3A_462 : memref<1x128xi32, #tpu.memory_space<vmem>> -> memref<128xi32, #tpu.memory_space<vmem>>
    %dma_start3A_464 = arith.constant 0 : i32
    %dma_start3A_465 = arith.constant 0 : i32
    %dma_start3A_466 = tpu.memref_slice %arg3[%dma_start3A_464, %dma_start3A_465] : memref<100000x32xf32, #tpu.memory_space<hbm>> -> memref<100000x32xf32, #tpu.memory_space<hbm>>
    tpu.enqueue_indirect_dma source(%dma_start3A_466 : memref<100000x32xf32, #tpu.memory_space<hbm>>) target(%dma_start3A_460 : memref<128x32xf32, #tpu.memory_space<vmem>>) offsets(%dma_start3A_463 : memref<128xi32, #tpu.memory_space<vmem>>) semaphore(%arg9 : memref<!tpu.dma_semaphore, #tpu.memory_space<semaphore_mem>>)
    %broadcast_in_dim3A_467 = arith.constant 6 : i32
    %broadcast_in_dim3A_468 = vector.broadcast %broadcast_in_dim3A_467 : i32 to vector<16xi32>
    %add3A_469 = arith.constant 0 : i32
    %add3A_470 = vector.broadcast %add3A_469 : i32 to vector<16xi32>
    %add3A_471 = arith.addi %add3A_470, %iota3A : vector<16xi32>
    %gather3A_472 = tpu.vector_load_idx %arg5[%add3A_471, %broadcast_in_dim3A_468] : memref<128x20xi32, #tpu.memory_space<vmem>>[vector<16xi32>, vector<16xi32>], vector<16xi32>,
    %swap3A_473 = arith.constant 6 : i32
    %swap3A_474 = arith.index_cast %swap3A_473 : i32 to index
    %swap3A_475 = arith.constant 0 : index
    %swap3A_476 = tpu.vector_load %arg6[%swap3A_474, %swap3A_475] {strides = array<i32>} : memref<20x128xi32, #tpu.memory_space<vmem>>, vector<16xi32>,
    tpu.vector_store %arg6[%swap3A_474, %swap3A_475], %gather3A_472 {strides = array<i32>} : memref<20x128xi32, #tpu.memory_space<vmem>>, vector<16xi32>,
    %add3A_477 = arith.constant 16 : i32
    %add3A_478 = vector.broadcast %add3A_477 : i32 to vector<16xi32>
    %add3A_479 = arith.addi %add3A_478, %iota3A : vector<16xi32>
    %gather3A_480 = tpu.vector_load_idx %arg5[%add3A_479, %broadcast_in_dim3A_468] : memref<128x20xi32, #tpu.memory_space<vmem>>[vector<16xi32>, vector<16xi32>], vector<16xi32>,
    %swap3A_481 = arith.constant 6 : i32
    %swap3A_482 = arith.index_cast %swap3A_481 : i32 to index
    %swap3A_483 = arith.constant 16 : index
    %swap3A_484 = tpu.vector_load %arg6[%swap3A_482, %swap3A_483] {strides = array<i32>} : memref<20x128xi32, #tpu.memory_space<vmem>>, vector<16xi32>,
    tpu.vector_store %arg6[%swap3A_482, %swap3A_483], %gather3A_480 {strides = array<i32>} : memref<20x128xi32, #tpu.memory_space<vmem>>, vector<16xi32>,
    %add3A_485 = arith.constant 32 : i32
    %add3A_486 = vector.broadcast %add3A_485 : i32 to vector<16xi32>
    %add3A_487 = arith.addi %add3A_486, %iota3A : vector<16xi32>
    %gather3A_488 = tpu.vector_load_idx %arg5[%add3A_487, %broadcast_in_dim3A_468] : memref<128x20xi32, #tpu.memory_space<vmem>>[vector<16xi32>, vector<16xi32>], vector<16xi32>,
    %swap3A_489 = arith.constant 6 : i32
    %swap3A_490 = arith.index_cast %swap3A_489 : i32 to index
    %swap3A_491 = arith.constant 32 : index
    %swap3A_492 = tpu.vector_load %arg6[%swap3A_490, %swap3A_491] {strides = array<i32>} : memref<20x128xi32, #tpu.memory_space<vmem>>, vector<16xi32>,
    tpu.vector_store %arg6[%swap3A_490, %swap3A_491], %gather3A_488 {strides = array<i32>} : memref<20x128xi32, #tpu.memory_space<vmem>>, vector<16xi32>,
    %add3A_493 = arith.constant 48 : i32
    %add3A_494 = vector.broadcast %add3A_493 : i32 to vector<16xi32>
    %add3A_495 = arith.addi %add3A_494, %iota3A : vector<16xi32>
    %gather3A_496 = tpu.vector_load_idx %arg5[%add3A_495, %broadcast_in_dim3A_468] : memref<128x20xi32, #tpu.memory_space<vmem>>[vector<16xi32>, vector<16xi32>], vector<16xi32>,
    %swap3A_497 = arith.constant 6 : i32
    %swap3A_498 = arith.index_cast %swap3A_497 : i32 to index
    %swap3A_499 = arith.constant 48 : index
    %swap3A_500 = tpu.vector_load %arg6[%swap3A_498, %swap3A_499] {strides = array<i32>} : memref<20x128xi32, #tpu.memory_space<vmem>>, vector<16xi32>,
    tpu.vector_store %arg6[%swap3A_498, %swap3A_499], %gather3A_496 {strides = array<i32>} : memref<20x128xi32, #tpu.memory_space<vmem>>, vector<16xi32>,
    %add3A_501 = arith.constant 64 : i32
    %add3A_502 = vector.broadcast %add3A_501 : i32 to vector<16xi32>
    %add3A_503 = arith.addi %add3A_502, %iota3A : vector<16xi32>
    %gather3A_504 = tpu.vector_load_idx %arg5[%add3A_503, %broadcast_in_dim3A_468] : memref<128x20xi32, #tpu.memory_space<vmem>>[vector<16xi32>, vector<16xi32>], vector<16xi32>,
    %swap3A_505 = arith.constant 6 : i32
    %swap3A_506 = arith.index_cast %swap3A_505 : i32 to index
    %swap3A_507 = arith.constant 64 : index
    %swap3A_508 = tpu.vector_load %arg6[%swap3A_506, %swap3A_507] {strides = array<i32>} : memref<20x128xi32, #tpu.memory_space<vmem>>, vector<16xi32>,
    tpu.vector_store %arg6[%swap3A_506, %swap3A_507], %gather3A_504 {strides = array<i32>} : memref<20x128xi32, #tpu.memory_space<vmem>>, vector<16xi32>,
    %add3A_509 = arith.constant 80 : i32
    %add3A_510 = vector.broadcast %add3A_509 : i32 to vector<16xi32>
    %add3A_511 = arith.addi %add3A_510, %iota3A : vector<16xi32>
    %gather3A_512 = tpu.vector_load_idx %arg5[%add3A_511, %broadcast_in_dim3A_468] : memref<128x20xi32, #tpu.memory_space<vmem>>[vector<16xi32>, vector<16xi32>], vector<16xi32>,
    %swap3A_513 = arith.constant 6 : i32
    %swap3A_514 = arith.index_cast %swap3A_513 : i32 to index
    %swap3A_515 = arith.constant 80 : index
    %swap3A_516 = tpu.vector_load %arg6[%swap3A_514, %swap3A_515] {strides = array<i32>} : memref<20x128xi32, #tpu.memory_space<vmem>>, vector<16xi32>,
    tpu.vector_store %arg6[%swap3A_514, %swap3A_515], %gather3A_512 {strides = array<i32>} : memref<20x128xi32, #tpu.memory_space<vmem>>, vector<16xi32>,
    %add3A_517 = arith.constant 96 : i32
    %add3A_518 = vector.broadcast %add3A_517 : i32 to vector<16xi32>
    %add3A_519 = arith.addi %add3A_518, %iota3A : vector<16xi32>
    %gather3A_520 = tpu.vector_load_idx %arg5[%add3A_519, %broadcast_in_dim3A_468] : memref<128x20xi32, #tpu.memory_space<vmem>>[vector<16xi32>, vector<16xi32>], vector<16xi32>,
    %swap3A_521 = arith.constant 6 : i32
    %swap3A_522 = arith.index_cast %swap3A_521 : i32 to index
    %swap3A_523 = arith.constant 96 : index
    %swap3A_524 = tpu.vector_load %arg6[%swap3A_522, %swap3A_523] {strides = array<i32>} : memref<20x128xi32, #tpu.memory_space<vmem>>, vector<16xi32>,
    tpu.vector_store %arg6[%swap3A_522, %swap3A_523], %gather3A_520 {strides = array<i32>} : memref<20x128xi32, #tpu.memory_space<vmem>>, vector<16xi32>,
    %add3A_525 = arith.constant 112 : i32
    %add3A_526 = vector.broadcast %add3A_525 : i32 to vector<16xi32>
    %add3A_527 = arith.addi %add3A_526, %iota3A : vector<16xi32>
    %gather3A_528 = tpu.vector_load_idx %arg5[%add3A_527, %broadcast_in_dim3A_468] : memref<128x20xi32, #tpu.memory_space<vmem>>[vector<16xi32>, vector<16xi32>], vector<16xi32>,
    %swap3A_529 = arith.constant 6 : i32
    %swap3A_530 = arith.index_cast %swap3A_529 : i32 to index
    %swap3A_531 = arith.constant 112 : index
    %swap3A_532 = tpu.vector_load %arg6[%swap3A_530, %swap3A_531] {strides = array<i32>} : memref<20x128xi32, #tpu.memory_space<vmem>>, vector<16xi32>,
    tpu.vector_store %arg6[%swap3A_530, %swap3A_531], %gather3A_528 {strides = array<i32>} : memref<20x128xi32, #tpu.memory_space<vmem>>, vector<16xi32>,
    %dma_start3A_533 = arith.constant 6 : i32
    %dma_start3A_534 = arith.constant 6 : i32
    %dma_start3A_535 = arith.constant 0 : i32
    %dma_start3A_536 = arith.constant 0 : i32
    %dma_start3A_537 = tpu.memref_slice %arg7[%dma_start3A_534, %dma_start3A_535, %dma_start3A_536] : memref<20x128x32xf32, #tpu.memory_space<vmem>> -> memref<1x128x32xf32, #tpu.memory_space<vmem>>
    %dma_start3A_538 = tpu.memref_squeeze %dma_start3A_537 : memref<1x128x32xf32, #tpu.memory_space<vmem>> -> memref<128x32xf32, #tpu.memory_space<vmem>>
    %dma_start3A_539 = arith.constant 0 : i32
    %dma_start3A_540 = tpu.memref_slice %arg6[%dma_start3A_533, %dma_start3A_539] : memref<20x128xi32, #tpu.memory_space<vmem>> -> memref<1x128xi32, #tpu.memory_space<vmem>>
    %dma_start3A_541 = tpu.memref_squeeze %dma_start3A_540 : memref<1x128xi32, #tpu.memory_space<vmem>> -> memref<128xi32, #tpu.memory_space<vmem>>
    %dma_start3A_542 = arith.constant 0 : i32
    %dma_start3A_543 = arith.constant 0 : i32
    %dma_start3A_544 = tpu.memref_slice %arg3[%dma_start3A_542, %dma_start3A_543] : memref<100000x32xf32, #tpu.memory_space<hbm>> -> memref<100000x32xf32, #tpu.memory_space<hbm>>
    tpu.enqueue_indirect_dma source(%dma_start3A_544 : memref<100000x32xf32, #tpu.memory_space<hbm>>) target(%dma_start3A_538 : memref<128x32xf32, #tpu.memory_space<vmem>>) offsets(%dma_start3A_541 : memref<128xi32, #tpu.memory_space<vmem>>) semaphore(%arg9 : memref<!tpu.dma_semaphore, #tpu.memory_space<semaphore_mem>>)
    %broadcast_in_dim3A_545 = arith.constant 7 : i32
    %broadcast_in_dim3A_546 = vector.broadcast %broadcast_in_dim3A_545 : i32 to vector<16xi32>
    %add3A_547 = arith.constant 0 : i32
    %add3A_548 = vector.broadcast %add3A_547 : i32 to vector<16xi32>
    %add3A_549 = arith.addi %add3A_548, %iota3A : vector<16xi32>
    %gather3A_550 = tpu.vector_load_idx %arg5[%add3A_549, %broadcast_in_dim3A_546] : memref<128x20xi32, #tpu.memory_space<vmem>>[vector<16xi32>, vector<16xi32>], vector<16xi32>,
    %swap3A_551 = arith.constant 7 : i32
    %swap3A_552 = arith.index_cast %swap3A_551 : i32 to index
    %swap3A_553 = arith.constant 0 : index
    %swap3A_554 = tpu.vector_load %arg6[%swap3A_552, %swap3A_553] {strides = array<i32>} : memref<20x128xi32, #tpu.memory_space<vmem>>, vector<16xi32>,
    tpu.vector_store %arg6[%swap3A_552, %swap3A_553], %gather3A_550 {strides = array<i32>} : memref<20x128xi32, #tpu.memory_space<vmem>>, vector<16xi32>,
    %add3A_555 = arith.constant 16 : i32
    %add3A_556 = vector.broadcast %add3A_555 : i32 to vector<16xi32>
    %add3A_557 = arith.addi %add3A_556, %iota3A : vector<16xi32>
    %gather3A_558 = tpu.vector_load_idx %arg5[%add3A_557, %broadcast_in_dim3A_546] : memref<128x20xi32, #tpu.memory_space<vmem>>[vector<16xi32>, vector<16xi32>], vector<16xi32>,
    %swap3A_559 = arith.constant 7 : i32
    %swap3A_560 = arith.index_cast %swap3A_559 : i32 to index
    %swap3A_561 = arith.constant 16 : index
    %swap3A_562 = tpu.vector_load %arg6[%swap3A_560, %swap3A_561] {strides = array<i32>} : memref<20x128xi32, #tpu.memory_space<vmem>>, vector<16xi32>,
    tpu.vector_store %arg6[%swap3A_560, %swap3A_561], %gather3A_558 {strides = array<i32>} : memref<20x128xi32, #tpu.memory_space<vmem>>, vector<16xi32>,
    %add3A_563 = arith.constant 32 : i32
    %add3A_564 = vector.broadcast %add3A_563 : i32 to vector<16xi32>
    %add3A_565 = arith.addi %add3A_564, %iota3A : vector<16xi32>
    %gather3A_566 = tpu.vector_load_idx %arg5[%add3A_565, %broadcast_in_dim3A_546] : memref<128x20xi32, #tpu.memory_space<vmem>>[vector<16xi32>, vector<16xi32>], vector<16xi32>,
    %swap3A_567 = arith.constant 7 : i32
    %swap3A_568 = arith.index_cast %swap3A_567 : i32 to index
    %swap3A_569 = arith.constant 32 : index
    %swap3A_570 = tpu.vector_load %arg6[%swap3A_568, %swap3A_569] {strides = array<i32>} : memref<20x128xi32, #tpu.memory_space<vmem>>, vector<16xi32>,
    tpu.vector_store %arg6[%swap3A_568, %swap3A_569], %gather3A_566 {strides = array<i32>} : memref<20x128xi32, #tpu.memory_space<vmem>>, vector<16xi32>,
    %add3A_571 = arith.constant 48 : i32
    %add3A_572 = vector.broadcast %add3A_571 : i32 to vector<16xi32>
    %add3A_573 = arith.addi %add3A_572, %iota3A : vector<16xi32>
    %gather3A_574 = tpu.vector_load_idx %arg5[%add3A_573, %broadcast_in_dim3A_546] : memref<128x20xi32, #tpu.memory_space<vmem>>[vector<16xi32>, vector<16xi32>], vector<16xi32>,
    %swap3A_575 = arith.constant 7 : i32
    %swap3A_576 = arith.index_cast %swap3A_575 : i32 to index
    %swap3A_577 = arith.constant 48 : index
    %swap3A_578 = tpu.vector_load %arg6[%swap3A_576, %swap3A_577] {strides = array<i32>} : memref<20x128xi32, #tpu.memory_space<vmem>>, vector<16xi32>,
    tpu.vector_store %arg6[%swap3A_576, %swap3A_577], %gather3A_574 {strides = array<i32>} : memref<20x128xi32, #tpu.memory_space<vmem>>, vector<16xi32>,
    %add3A_579 = arith.constant 64 : i32
    %add3A_580 = vector.broadcast %add3A_579 : i32 to vector<16xi32>
    %add3A_581 = arith.addi %add3A_580, %iota3A : vector<16xi32>
    %gather3A_582 = tpu.vector_load_idx %arg5[%add3A_581, %broadcast_in_dim3A_546] : memref<128x20xi32, #tpu.memory_space<vmem>>[vector<16xi32>, vector<16xi32>], vector<16xi32>,
    %swap3A_583 = arith.constant 7 : i32
    %swap3A_584 = arith.index_cast %swap3A_583 : i32 to index
    %swap3A_585 = arith.constant 64 : index
    %swap3A_586 = tpu.vector_load %arg6[%swap3A_584, %swap3A_585] {strides = array<i32>} : memref<20x128xi32, #tpu.memory_space<vmem>>, vector<16xi32>,
    tpu.vector_store %arg6[%swap3A_584, %swap3A_585], %gather3A_582 {strides = array<i32>} : memref<20x128xi32, #tpu.memory_space<vmem>>, vector<16xi32>,
    %add3A_587 = arith.constant 80 : i32
    %add3A_588 = vector.broadcast %add3A_587 : i32 to vector<16xi32>
    %add3A_589 = arith.addi %add3A_588, %iota3A : vector<16xi32>
    %gather3A_590 = tpu.vector_load_idx %arg5[%add3A_589, %broadcast_in_dim3A_546] : memref<128x20xi32, #tpu.memory_space<vmem>>[vector<16xi32>, vector<16xi32>], vector<16xi32>,
    %swap3A_591 = arith.constant 7 : i32
    %swap3A_592 = arith.index_cast %swap3A_591 : i32 to index
    %swap3A_593 = arith.constant 80 : index
    %swap3A_594 = tpu.vector_load %arg6[%swap3A_592, %swap3A_593] {strides = array<i32>} : memref<20x128xi32, #tpu.memory_space<vmem>>, vector<16xi32>,
    tpu.vector_store %arg6[%swap3A_592, %swap3A_593], %gather3A_590 {strides = array<i32>} : memref<20x128xi32, #tpu.memory_space<vmem>>, vector<16xi32>,
    %add3A_595 = arith.constant 96 : i32
    %add3A_596 = vector.broadcast %add3A_595 : i32 to vector<16xi32>
    %add3A_597 = arith.addi %add3A_596, %iota3A : vector<16xi32>
    %gather3A_598 = tpu.vector_load_idx %arg5[%add3A_597, %broadcast_in_dim3A_546] : memref<128x20xi32, #tpu.memory_space<vmem>>[vector<16xi32>, vector<16xi32>], vector<16xi32>,
    %swap3A_599 = arith.constant 7 : i32
    %swap3A_600 = arith.index_cast %swap3A_599 : i32 to index
    %swap3A_601 = arith.constant 96 : index
    %swap3A_602 = tpu.vector_load %arg6[%swap3A_600, %swap3A_601] {strides = array<i32>} : memref<20x128xi32, #tpu.memory_space<vmem>>, vector<16xi32>,
    tpu.vector_store %arg6[%swap3A_600, %swap3A_601], %gather3A_598 {strides = array<i32>} : memref<20x128xi32, #tpu.memory_space<vmem>>, vector<16xi32>,
    %add3A_603 = arith.constant 112 : i32
    %add3A_604 = vector.broadcast %add3A_603 : i32 to vector<16xi32>
    %add3A_605 = arith.addi %add3A_604, %iota3A : vector<16xi32>
    %gather3A_606 = tpu.vector_load_idx %arg5[%add3A_605, %broadcast_in_dim3A_546] : memref<128x20xi32, #tpu.memory_space<vmem>>[vector<16xi32>, vector<16xi32>], vector<16xi32>,
    %swap3A_607 = arith.constant 7 : i32
    %swap3A_608 = arith.index_cast %swap3A_607 : i32 to index
    %swap3A_609 = arith.constant 112 : index
    %swap3A_610 = tpu.vector_load %arg6[%swap3A_608, %swap3A_609] {strides = array<i32>} : memref<20x128xi32, #tpu.memory_space<vmem>>, vector<16xi32>,
    tpu.vector_store %arg6[%swap3A_608, %swap3A_609], %gather3A_606 {strides = array<i32>} : memref<20x128xi32, #tpu.memory_space<vmem>>, vector<16xi32>,
    %dma_start3A_611 = arith.constant 7 : i32
    %dma_start3A_612 = arith.constant 7 : i32
    %dma_start3A_613 = arith.constant 0 : i32
    %dma_start3A_614 = arith.constant 0 : i32
    %dma_start3A_615 = tpu.memref_slice %arg7[%dma_start3A_612, %dma_start3A_613, %dma_start3A_614] : memref<20x128x32xf32, #tpu.memory_space<vmem>> -> memref<1x128x32xf32, #tpu.memory_space<vmem>>
    %dma_start3A_616 = tpu.memref_squeeze %dma_start3A_615 : memref<1x128x32xf32, #tpu.memory_space<vmem>> -> memref<128x32xf32, #tpu.memory_space<vmem>>
    %dma_start3A_617 = arith.constant 0 : i32
    %dma_start3A_618 = tpu.memref_slice %arg6[%dma_start3A_611, %dma_start3A_617] : memref<20x128xi32, #tpu.memory_space<vmem>> -> memref<1x128xi32, #tpu.memory_space<vmem>>
    %dma_start3A_619 = tpu.memref_squeeze %dma_start3A_618 : memref<1x128xi32, #tpu.memory_space<vmem>> -> memref<128xi32, #tpu.memory_space<vmem>>
    %dma_start3A_620 = arith.constant 0 : i32
    %dma_start3A_621 = arith.constant 0 : i32
    %dma_start3A_622 = tpu.memref_slice %arg3[%dma_start3A_620, %dma_start3A_621] : memref<100000x32xf32, #tpu.memory_space<hbm>> -> memref<100000x32xf32, #tpu.memory_space<hbm>>
    tpu.enqueue_indirect_dma source(%dma_start3A_622 : memref<100000x32xf32, #tpu.memory_space<hbm>>) target(%dma_start3A_616 : memref<128x32xf32, #tpu.memory_space<vmem>>) offsets(%dma_start3A_619 : memref<128xi32, #tpu.memory_space<vmem>>) semaphore(%arg9 : memref<!tpu.dma_semaphore, #tpu.memory_space<semaphore_mem>>)
    %broadcast_in_dim3A_623 = arith.constant 8 : i32
    %broadcast_in_dim3A_624 = vector.broadcast %broadcast_in_dim3A_623 : i32 to vector<16xi32>
    %add3A_625 = arith.constant 0 : i32
    %add3A_626 = vector.broadcast %add3A_625 : i32 to vector<16xi32>
    %add3A_627 = arith.addi %add3A_626, %iota3A : vector<16xi32>
    %gather3A_628 = tpu.vector_load_idx %arg5[%add3A_627, %broadcast_in_dim3A_624] : memref<128x20xi32, #tpu.memory_space<vmem>>[vector<16xi32>, vector<16xi32>], vector<16xi32>,
    %swap3A_629 = arith.constant 8 : i32
    %swap3A_630 = arith.index_cast %swap3A_629 : i32 to index
    %swap3A_631 = arith.constant 0 : index
    %swap3A_632 = tpu.vector_load %arg6[%swap3A_630, %swap3A_631] {strides = array<i32>} : memref<20x128xi32, #tpu.memory_space<vmem>>, vector<16xi32>,
    tpu.vector_store %arg6[%swap3A_630, %swap3A_631], %gather3A_628 {strides = array<i32>} : memref<20x128xi32, #tpu.memory_space<vmem>>, vector<16xi32>,
    %add3A_633 = arith.constant 16 : i32
    %add3A_634 = vector.broadcast %add3A_633 : i32 to vector<16xi32>
    %add3A_635 = arith.addi %add3A_634, %iota3A : vector<16xi32>
    %gather3A_636 = tpu.vector_load_idx %arg5[%add3A_635, %broadcast_in_dim3A_624] : memref<128x20xi32, #tpu.memory_space<vmem>>[vector<16xi32>, vector<16xi32>], vector<16xi32>,
    %swap3A_637 = arith.constant 8 : i32
    %swap3A_638 = arith.index_cast %swap3A_637 : i32 to index
    %swap3A_639 = arith.constant 16 : index
    %swap3A_640 = tpu.vector_load %arg6[%swap3A_638, %swap3A_639] {strides = array<i32>} : memref<20x128xi32, #tpu.memory_space<vmem>>, vector<16xi32>,
    tpu.vector_store %arg6[%swap3A_638, %swap3A_639], %gather3A_636 {strides = array<i32>} : memref<20x128xi32, #tpu.memory_space<vmem>>, vector<16xi32>,
    %add3A_641 = arith.constant 32 : i32
    %add3A_642 = vector.broadcast %add3A_641 : i32 to vector<16xi32>
    %add3A_643 = arith.addi %add3A_642, %iota3A : vector<16xi32>
    %gather3A_644 = tpu.vector_load_idx %arg5[%add3A_643, %broadcast_in_dim3A_624] : memref<128x20xi32, #tpu.memory_space<vmem>>[vector<16xi32>, vector<16xi32>], vector<16xi32>,
    %swap3A_645 = arith.constant 8 : i32
    %swap3A_646 = arith.index_cast %swap3A_645 : i32 to index
    %swap3A_647 = arith.constant 32 : index
    %swap3A_648 = tpu.vector_load %arg6[%swap3A_646, %swap3A_647] {strides = array<i32>} : memref<20x128xi32, #tpu.memory_space<vmem>>, vector<16xi32>,
    tpu.vector_store %arg6[%swap3A_646, %swap3A_647], %gather3A_644 {strides = array<i32>} : memref<20x128xi32, #tpu.memory_space<vmem>>, vector<16xi32>,
    %add3A_649 = arith.constant 48 : i32
    %add3A_650 = vector.broadcast %add3A_649 : i32 to vector<16xi32>
    %add3A_651 = arith.addi %add3A_650, %iota3A : vector<16xi32>
    %gather3A_652 = tpu.vector_load_idx %arg5[%add3A_651, %broadcast_in_dim3A_624] : memref<128x20xi32, #tpu.memory_space<vmem>>[vector<16xi32>, vector<16xi32>], vector<16xi32>,
    %swap3A_653 = arith.constant 8 : i32
    %swap3A_654 = arith.index_cast %swap3A_653 : i32 to index
    %swap3A_655 = arith.constant 48 : index
    %swap3A_656 = tpu.vector_load %arg6[%swap3A_654, %swap3A_655] {strides = array<i32>} : memref<20x128xi32, #tpu.memory_space<vmem>>, vector<16xi32>,
    tpu.vector_store %arg6[%swap3A_654, %swap3A_655], %gather3A_652 {strides = array<i32>} : memref<20x128xi32, #tpu.memory_space<vmem>>, vector<16xi32>,
    %add3A_657 = arith.constant 64 : i32
    %add3A_658 = vector.broadcast %add3A_657 : i32 to vector<16xi32>
    %add3A_659 = arith.addi %add3A_658, %iota3A : vector<16xi32>
    %gather3A_660 = tpu.vector_load_idx %arg5[%add3A_659, %broadcast_in_dim3A_624] : memref<128x20xi32, #tpu.memory_space<vmem>>[vector<16xi32>, vector<16xi32>], vector<16xi32>,
    %swap3A_661 = arith.constant 8 : i32
    %swap3A_662 = arith.index_cast %swap3A_661 : i32 to index
    %swap3A_663 = arith.constant 64 : index
    %swap3A_664 = tpu.vector_load %arg6[%swap3A_662, %swap3A_663] {strides = array<i32>} : memref<20x128xi32, #tpu.memory_space<vmem>>, vector<16xi32>,
    tpu.vector_store %arg6[%swap3A_662, %swap3A_663], %gather3A_660 {strides = array<i32>} : memref<20x128xi32, #tpu.memory_space<vmem>>, vector<16xi32>,
    %add3A_665 = arith.constant 80 : i32
    %add3A_666 = vector.broadcast %add3A_665 : i32 to vector<16xi32>
    %add3A_667 = arith.addi %add3A_666, %iota3A : vector<16xi32>
    %gather3A_668 = tpu.vector_load_idx %arg5[%add3A_667, %broadcast_in_dim3A_624] : memref<128x20xi32, #tpu.memory_space<vmem>>[vector<16xi32>, vector<16xi32>], vector<16xi32>,
    %swap3A_669 = arith.constant 8 : i32
    %swap3A_670 = arith.index_cast %swap3A_669 : i32 to index
    %swap3A_671 = arith.constant 80 : index
    %swap3A_672 = tpu.vector_load %arg6[%swap3A_670, %swap3A_671] {strides = array<i32>} : memref<20x128xi32, #tpu.memory_space<vmem>>, vector<16xi32>,
    tpu.vector_store %arg6[%swap3A_670, %swap3A_671], %gather3A_668 {strides = array<i32>} : memref<20x128xi32, #tpu.memory_space<vmem>>, vector<16xi32>,
    %add3A_673 = arith.constant 96 : i32
    %add3A_674 = vector.broadcast %add3A_673 : i32 to vector<16xi32>
    %add3A_675 = arith.addi %add3A_674, %iota3A : vector<16xi32>
    %gather3A_676 = tpu.vector_load_idx %arg5[%add3A_675, %broadcast_in_dim3A_624] : memref<128x20xi32, #tpu.memory_space<vmem>>[vector<16xi32>, vector<16xi32>], vector<16xi32>,
    %swap3A_677 = arith.constant 8 : i32
    %swap3A_678 = arith.index_cast %swap3A_677 : i32 to index
    %swap3A_679 = arith.constant 96 : index
    %swap3A_680 = tpu.vector_load %arg6[%swap3A_678, %swap3A_679] {strides = array<i32>} : memref<20x128xi32, #tpu.memory_space<vmem>>, vector<16xi32>,
    tpu.vector_store %arg6[%swap3A_678, %swap3A_679], %gather3A_676 {strides = array<i32>} : memref<20x128xi32, #tpu.memory_space<vmem>>, vector<16xi32>,
    %add3A_681 = arith.constant 112 : i32
    %add3A_682 = vector.broadcast %add3A_681 : i32 to vector<16xi32>
    %add3A_683 = arith.addi %add3A_682, %iota3A : vector<16xi32>
    %gather3A_684 = tpu.vector_load_idx %arg5[%add3A_683, %broadcast_in_dim3A_624] : memref<128x20xi32, #tpu.memory_space<vmem>>[vector<16xi32>, vector<16xi32>], vector<16xi32>,
    %swap3A_685 = arith.constant 8 : i32
    %swap3A_686 = arith.index_cast %swap3A_685 : i32 to index
    %swap3A_687 = arith.constant 112 : index
    %swap3A_688 = tpu.vector_load %arg6[%swap3A_686, %swap3A_687] {strides = array<i32>} : memref<20x128xi32, #tpu.memory_space<vmem>>, vector<16xi32>,
    tpu.vector_store %arg6[%swap3A_686, %swap3A_687], %gather3A_684 {strides = array<i32>} : memref<20x128xi32, #tpu.memory_space<vmem>>, vector<16xi32>,
    %dma_start3A_689 = arith.constant 8 : i32
    %dma_start3A_690 = arith.constant 8 : i32
    %dma_start3A_691 = arith.constant 0 : i32
    %dma_start3A_692 = arith.constant 0 : i32
    %dma_start3A_693 = tpu.memref_slice %arg7[%dma_start3A_690, %dma_start3A_691, %dma_start3A_692] : memref<20x128x32xf32, #tpu.memory_space<vmem>> -> memref<1x128x32xf32, #tpu.memory_space<vmem>>
    %dma_start3A_694 = tpu.memref_squeeze %dma_start3A_693 : memref<1x128x32xf32, #tpu.memory_space<vmem>> -> memref<128x32xf32, #tpu.memory_space<vmem>>
    %dma_start3A_695 = arith.constant 0 : i32
    %dma_start3A_696 = tpu.memref_slice %arg6[%dma_start3A_689, %dma_start3A_695] : memref<20x128xi32, #tpu.memory_space<vmem>> -> memref<1x128xi32, #tpu.memory_space<vmem>>
    %dma_start3A_697 = tpu.memref_squeeze %dma_start3A_696 : memref<1x128xi32, #tpu.memory_space<vmem>> -> memref<128xi32, #tpu.memory_space<vmem>>
    %dma_start3A_698 = arith.constant 0 : i32
    %dma_start3A_699 = arith.constant 0 : i32
    %dma_start3A_700 = tpu.memref_slice %arg3[%dma_start3A_698, %dma_start3A_699] : memref<100000x32xf32, #tpu.memory_space<hbm>> -> memref<100000x32xf32, #tpu.memory_space<hbm>>
    tpu.enqueue_indirect_dma source(%dma_start3A_700 : memref<100000x32xf32, #tpu.memory_space<hbm>>) target(%dma_start3A_694 : memref<128x32xf32, #tpu.memory_space<vmem>>) offsets(%dma_start3A_697 : memref<128xi32, #tpu.memory_space<vmem>>) semaphore(%arg9 : memref<!tpu.dma_semaphore, #tpu.memory_space<semaphore_mem>>)
    %broadcast_in_dim3A_701 = arith.constant 9 : i32
    %broadcast_in_dim3A_702 = vector.broadcast %broadcast_in_dim3A_701 : i32 to vector<16xi32>
    %add3A_703 = arith.constant 0 : i32
    %add3A_704 = vector.broadcast %add3A_703 : i32 to vector<16xi32>
    %add3A_705 = arith.addi %add3A_704, %iota3A : vector<16xi32>
    %gather3A_706 = tpu.vector_load_idx %arg5[%add3A_705, %broadcast_in_dim3A_702] : memref<128x20xi32, #tpu.memory_space<vmem>>[vector<16xi32>, vector<16xi32>], vector<16xi32>,
    %swap3A_707 = arith.constant 9 : i32
    %swap3A_708 = arith.index_cast %swap3A_707 : i32 to index
    %swap3A_709 = arith.constant 0 : index
    %swap3A_710 = tpu.vector_load %arg6[%swap3A_708, %swap3A_709] {strides = array<i32>} : memref<20x128xi32, #tpu.memory_space<vmem>>, vector<16xi32>,
    tpu.vector_store %arg6[%swap3A_708, %swap3A_709], %gather3A_706 {strides = array<i32>} : memref<20x128xi32, #tpu.memory_space<vmem>>, vector<16xi32>,
    %add3A_711 = arith.constant 16 : i32
    %add3A_712 = vector.broadcast %add3A_711 : i32 to vector<16xi32>
    %add3A_713 = arith.addi %add3A_712, %iota3A : vector<16xi32>
    %gather3A_714 = tpu.vector_load_idx %arg5[%add3A_713, %broadcast_in_dim3A_702] : memref<128x20xi32, #tpu.memory_space<vmem>>[vector<16xi32>, vector<16xi32>], vector<16xi32>,
    %swap3A_715 = arith.constant 9 : i32
    %swap3A_716 = arith.index_cast %swap3A_715 : i32 to index
    %swap3A_717 = arith.constant 16 : index
    %swap3A_718 = tpu.vector_load %arg6[%swap3A_716, %swap3A_717] {strides = array<i32>} : memref<20x128xi32, #tpu.memory_space<vmem>>, vector<16xi32>,
    tpu.vector_store %arg6[%swap3A_716, %swap3A_717], %gather3A_714 {strides = array<i32>} : memref<20x128xi32, #tpu.memory_space<vmem>>, vector<16xi32>,
    %add3A_719 = arith.constant 32 : i32
    %add3A_720 = vector.broadcast %add3A_719 : i32 to vector<16xi32>
    %add3A_721 = arith.addi %add3A_720, %iota3A : vector<16xi32>
    %gather3A_722 = tpu.vector_load_idx %arg5[%add3A_721, %broadcast_in_dim3A_702] : memref<128x20xi32, #tpu.memory_space<vmem>>[vector<16xi32>, vector<16xi32>], vector<16xi32>,
    %swap3A_723 = arith.constant 9 : i32
    %swap3A_724 = arith.index_cast %swap3A_723 : i32 to index
    %swap3A_725 = arith.constant 32 : index
    %swap3A_726 = tpu.vector_load %arg6[%swap3A_724, %swap3A_725] {strides = array<i32>} : memref<20x128xi32, #tpu.memory_space<vmem>>, vector<16xi32>,
    tpu.vector_store %arg6[%swap3A_724, %swap3A_725], %gather3A_722 {strides = array<i32>} : memref<20x128xi32, #tpu.memory_space<vmem>>, vector<16xi32>,
    %add3A_727 = arith.constant 48 : i32
    %add3A_728 = vector.broadcast %add3A_727 : i32 to vector<16xi32>
    %add3A_729 = arith.addi %add3A_728, %iota3A : vector<16xi32>
    %gather3A_730 = tpu.vector_load_idx %arg5[%add3A_729, %broadcast_in_dim3A_702] : memref<128x20xi32, #tpu.memory_space<vmem>>[vector<16xi32>, vector<16xi32>], vector<16xi32>,
    %swap3A_731 = arith.constant 9 : i32
    %swap3A_732 = arith.index_cast %swap3A_731 : i32 to index
    %swap3A_733 = arith.constant 48 : index
    %swap3A_734 = tpu.vector_load %arg6[%swap3A_732, %swap3A_733] {strides = array<i32>} : memref<20x128xi32, #tpu.memory_space<vmem>>, vector<16xi32>,
    tpu.vector_store %arg6[%swap3A_732, %swap3A_733], %gather3A_730 {strides = array<i32>} : memref<20x128xi32, #tpu.memory_space<vmem>>, vector<16xi32>,
    %add3A_735 = arith.constant 64 : i32
    %add3A_736 = vector.broadcast %add3A_735 : i32 to vector<16xi32>
    %add3A_737 = arith.addi %add3A_736, %iota3A : vector<16xi32>
    %gather3A_738 = tpu.vector_load_idx %arg5[%add3A_737, %broadcast_in_dim3A_702] : memref<128x20xi32, #tpu.memory_space<vmem>>[vector<16xi32>, vector<16xi32>], vector<16xi32>,
    %swap3A_739 = arith.constant 9 : i32
    %swap3A_740 = arith.index_cast %swap3A_739 : i32 to index
    %swap3A_741 = arith.constant 64 : index
    %swap3A_742 = tpu.vector_load %arg6[%swap3A_740, %swap3A_741] {strides = array<i32>} : memref<20x128xi32, #tpu.memory_space<vmem>>, vector<16xi32>,
    tpu.vector_store %arg6[%swap3A_740, %swap3A_741], %gather3A_738 {strides = array<i32>} : memref<20x128xi32, #tpu.memory_space<vmem>>, vector<16xi32>,
    %add3A_743 = arith.constant 80 : i32
    %add3A_744 = vector.broadcast %add3A_743 : i32 to vector<16xi32>
    %add3A_745 = arith.addi %add3A_744, %iota3A : vector<16xi32>
    %gather3A_746 = tpu.vector_load_idx %arg5[%add3A_745, %broadcast_in_dim3A_702] : memref<128x20xi32, #tpu.memory_space<vmem>>[vector<16xi32>, vector<16xi32>], vector<16xi32>,
    %swap3A_747 = arith.constant 9 : i32
    %swap3A_748 = arith.index_cast %swap3A_747 : i32 to index
    %swap3A_749 = arith.constant 80 : index
    %swap3A_750 = tpu.vector_load %arg6[%swap3A_748, %swap3A_749] {strides = array<i32>} : memref<20x128xi32, #tpu.memory_space<vmem>>, vector<16xi32>,
    tpu.vector_store %arg6[%swap3A_748, %swap3A_749], %gather3A_746 {strides = array<i32>} : memref<20x128xi32, #tpu.memory_space<vmem>>, vector<16xi32>,
    %add3A_751 = arith.constant 96 : i32
    %add3A_752 = vector.broadcast %add3A_751 : i32 to vector<16xi32>
    %add3A_753 = arith.addi %add3A_752, %iota3A : vector<16xi32>
    %gather3A_754 = tpu.vector_load_idx %arg5[%add3A_753, %broadcast_in_dim3A_702] : memref<128x20xi32, #tpu.memory_space<vmem>>[vector<16xi32>, vector<16xi32>], vector<16xi32>,
    %swap3A_755 = arith.constant 9 : i32
    %swap3A_756 = arith.index_cast %swap3A_755 : i32 to index
    %swap3A_757 = arith.constant 96 : index
    %swap3A_758 = tpu.vector_load %arg6[%swap3A_756, %swap3A_757] {strides = array<i32>} : memref<20x128xi32, #tpu.memory_space<vmem>>, vector<16xi32>,
    tpu.vector_store %arg6[%swap3A_756, %swap3A_757], %gather3A_754 {strides = array<i32>} : memref<20x128xi32, #tpu.memory_space<vmem>>, vector<16xi32>,
    %add3A_759 = arith.constant 112 : i32
    %add3A_760 = vector.broadcast %add3A_759 : i32 to vector<16xi32>
    %add3A_761 = arith.addi %add3A_760, %iota3A : vector<16xi32>
    %gather3A_762 = tpu.vector_load_idx %arg5[%add3A_761, %broadcast_in_dim3A_702] : memref<128x20xi32, #tpu.memory_space<vmem>>[vector<16xi32>, vector<16xi32>], vector<16xi32>,
    %swap3A_763 = arith.constant 9 : i32
    %swap3A_764 = arith.index_cast %swap3A_763 : i32 to index
    %swap3A_765 = arith.constant 112 : index
    %swap3A_766 = tpu.vector_load %arg6[%swap3A_764, %swap3A_765] {strides = array<i32>} : memref<20x128xi32, #tpu.memory_space<vmem>>, vector<16xi32>,
    tpu.vector_store %arg6[%swap3A_764, %swap3A_765], %gather3A_762 {strides = array<i32>} : memref<20x128xi32, #tpu.memory_space<vmem>>, vector<16xi32>,
    %dma_start3A_767 = arith.constant 9 : i32
    %dma_start3A_768 = arith.constant 9 : i32
    %dma_start3A_769 = arith.constant 0 : i32
    %dma_start3A_770 = arith.constant 0 : i32
    %dma_start3A_771 = tpu.memref_slice %arg7[%dma_start3A_768, %dma_start3A_769, %dma_start3A_770] : memref<20x128x32xf32, #tpu.memory_space<vmem>> -> memref<1x128x32xf32, #tpu.memory_space<vmem>>
    %dma_start3A_772 = tpu.memref_squeeze %dma_start3A_771 : memref<1x128x32xf32, #tpu.memory_space<vmem>> -> memref<128x32xf32, #tpu.memory_space<vmem>>
    %dma_start3A_773 = arith.constant 0 : i32
    %dma_start3A_774 = tpu.memref_slice %arg6[%dma_start3A_767, %dma_start3A_773] : memref<20x128xi32, #tpu.memory_space<vmem>> -> memref<1x128xi32, #tpu.memory_space<vmem>>
    %dma_start3A_775 = tpu.memref_squeeze %dma_start3A_774 : memref<1x128xi32, #tpu.memory_space<vmem>> -> memref<128xi32, #tpu.memory_space<vmem>>
    %dma_start3A_776 = arith.constant 0 : i32
    %dma_start3A_777 = arith.constant 0 : i32
    %dma_start3A_778 = tpu.memref_slice %arg3[%dma_start3A_776, %dma_start3A_777] : memref<100000x32xf32, #tpu.memory_space<hbm>> -> memref<100000x32xf32, #tpu.memory_space<hbm>>
    tpu.enqueue_indirect_dma source(%dma_start3A_778 : memref<100000x32xf32, #tpu.memory_space<hbm>>) target(%dma_start3A_772 : memref<128x32xf32, #tpu.memory_space<vmem>>) offsets(%dma_start3A_775 : memref<128xi32, #tpu.memory_space<vmem>>) semaphore(%arg9 : memref<!tpu.dma_semaphore, #tpu.memory_space<semaphore_mem>>)
    %broadcast_in_dim3A_779 = arith.constant 10 : i32
    %broadcast_in_dim3A_780 = vector.broadcast %broadcast_in_dim3A_779 : i32 to vector<16xi32>
    %add3A_781 = arith.constant 0 : i32
    %add3A_782 = vector.broadcast %add3A_781 : i32 to vector<16xi32>
    %add3A_783 = arith.addi %add3A_782, %iota3A : vector<16xi32>
    %gather3A_784 = tpu.vector_load_idx %arg5[%add3A_783, %broadcast_in_dim3A_780] : memref<128x20xi32, #tpu.memory_space<vmem>>[vector<16xi32>, vector<16xi32>], vector<16xi32>,
    %swap3A_785 = arith.constant 10 : i32
    %swap3A_786 = arith.index_cast %swap3A_785 : i32 to index
    %swap3A_787 = arith.constant 0 : index
    %swap3A_788 = tpu.vector_load %arg6[%swap3A_786, %swap3A_787] {strides = array<i32>} : memref<20x128xi32, #tpu.memory_space<vmem>>, vector<16xi32>,
    tpu.vector_store %arg6[%swap3A_786, %swap3A_787], %gather3A_784 {strides = array<i32>} : memref<20x128xi32, #tpu.memory_space<vmem>>, vector<16xi32>,
    %add3A_789 = arith.constant 16 : i32
    %add3A_790 = vector.broadcast %add3A_789 : i32 to vector<16xi32>
    %add3A_791 = arith.addi %add3A_790, %iota3A : vector<16xi32>
    %gather3A_792 = tpu.vector_load_idx %arg5[%add3A_791, %broadcast_in_dim3A_780] : memref<128x20xi32, #tpu.memory_space<vmem>>[vector<16xi32>, vector<16xi32>], vector<16xi32>,
    %swap3A_793 = arith.constant 10 : i32
    %swap3A_794 = arith.index_cast %swap3A_793 : i32 to index
    %swap3A_795 = arith.constant 16 : index
    %swap3A_796 = tpu.vector_load %arg6[%swap3A_794, %swap3A_795] {strides = array<i32>} : memref<20x128xi32, #tpu.memory_space<vmem>>, vector<16xi32>,
    tpu.vector_store %arg6[%swap3A_794, %swap3A_795], %gather3A_792 {strides = array<i32>} : memref<20x128xi32, #tpu.memory_space<vmem>>, vector<16xi32>,
    %add3A_797 = arith.constant 32 : i32
    %add3A_798 = vector.broadcast %add3A_797 : i32 to vector<16xi32>
    %add3A_799 = arith.addi %add3A_798, %iota3A : vector<16xi32>
    %gather3A_800 = tpu.vector_load_idx %arg5[%add3A_799, %broadcast_in_dim3A_780] : memref<128x20xi32, #tpu.memory_space<vmem>>[vector<16xi32>, vector<16xi32>], vector<16xi32>,
    %swap3A_801 = arith.constant 10 : i32
    %swap3A_802 = arith.index_cast %swap3A_801 : i32 to index
    %swap3A_803 = arith.constant 32 : index
    %swap3A_804 = tpu.vector_load %arg6[%swap3A_802, %swap3A_803] {strides = array<i32>} : memref<20x128xi32, #tpu.memory_space<vmem>>, vector<16xi32>,
    tpu.vector_store %arg6[%swap3A_802, %swap3A_803], %gather3A_800 {strides = array<i32>} : memref<20x128xi32, #tpu.memory_space<vmem>>, vector<16xi32>,
    %add3A_805 = arith.constant 48 : i32
    %add3A_806 = vector.broadcast %add3A_805 : i32 to vector<16xi32>
    %add3A_807 = arith.addi %add3A_806, %iota3A : vector<16xi32>
    %gather3A_808 = tpu.vector_load_idx %arg5[%add3A_807, %broadcast_in_dim3A_780] : memref<128x20xi32, #tpu.memory_space<vmem>>[vector<16xi32>, vector<16xi32>], vector<16xi32>,
    %swap3A_809 = arith.constant 10 : i32
    %swap3A_810 = arith.index_cast %swap3A_809 : i32 to index
    %swap3A_811 = arith.constant 48 : index
    %swap3A_812 = tpu.vector_load %arg6[%swap3A_810, %swap3A_811] {strides = array<i32>} : memref<20x128xi32, #tpu.memory_space<vmem>>, vector<16xi32>,
    tpu.vector_store %arg6[%swap3A_810, %swap3A_811], %gather3A_808 {strides = array<i32>} : memref<20x128xi32, #tpu.memory_space<vmem>>, vector<16xi32>,
    %add3A_813 = arith.constant 64 : i32
    %add3A_814 = vector.broadcast %add3A_813 : i32 to vector<16xi32>
    %add3A_815 = arith.addi %add3A_814, %iota3A : vector<16xi32>
    %gather3A_816 = tpu.vector_load_idx %arg5[%add3A_815, %broadcast_in_dim3A_780] : memref<128x20xi32, #tpu.memory_space<vmem>>[vector<16xi32>, vector<16xi32>], vector<16xi32>,
    %swap3A_817 = arith.constant 10 : i32
    %swap3A_818 = arith.index_cast %swap3A_817 : i32 to index
    %swap3A_819 = arith.constant 64 : index
    %swap3A_820 = tpu.vector_load %arg6[%swap3A_818, %swap3A_819] {strides = array<i32>} : memref<20x128xi32, #tpu.memory_space<vmem>>, vector<16xi32>,
    tpu.vector_store %arg6[%swap3A_818, %swap3A_819], %gather3A_816 {strides = array<i32>} : memref<20x128xi32, #tpu.memory_space<vmem>>, vector<16xi32>,
    %add3A_821 = arith.constant 80 : i32
    %add3A_822 = vector.broadcast %add3A_821 : i32 to vector<16xi32>
    %add3A_823 = arith.addi %add3A_822, %iota3A : vector<16xi32>
    %gather3A_824 = tpu.vector_load_idx %arg5[%add3A_823, %broadcast_in_dim3A_780] : memref<128x20xi32, #tpu.memory_space<vmem>>[vector<16xi32>, vector<16xi32>], vector<16xi32>,
    %swap3A_825 = arith.constant 10 : i32
    %swap3A_826 = arith.index_cast %swap3A_825 : i32 to index
    %swap3A_827 = arith.constant 80 : index
    %swap3A_828 = tpu.vector_load %arg6[%swap3A_826, %swap3A_827] {strides = array<i32>} : memref<20x128xi32, #tpu.memory_space<vmem>>, vector<16xi32>,
    tpu.vector_store %arg6[%swap3A_826, %swap3A_827], %gather3A_824 {strides = array<i32>} : memref<20x128xi32, #tpu.memory_space<vmem>>, vector<16xi32>,
    %add3A_829 = arith.constant 96 : i32
    %add3A_830 = vector.broadcast %add3A_829 : i32 to vector<16xi32>
    %add3A_831 = arith.addi %add3A_830, %iota3A : vector<16xi32>
    %gather3A_832 = tpu.vector_load_idx %arg5[%add3A_831, %broadcast_in_dim3A_780] : memref<128x20xi32, #tpu.memory_space<vmem>>[vector<16xi32>, vector<16xi32>], vector<16xi32>,
    %swap3A_833 = arith.constant 10 : i32
    %swap3A_834 = arith.index_cast %swap3A_833 : i32 to index
    %swap3A_835 = arith.constant 96 : index
    %swap3A_836 = tpu.vector_load %arg6[%swap3A_834, %swap3A_835] {strides = array<i32>} : memref<20x128xi32, #tpu.memory_space<vmem>>, vector<16xi32>,
    tpu.vector_store %arg6[%swap3A_834, %swap3A_835], %gather3A_832 {strides = array<i32>} : memref<20x128xi32, #tpu.memory_space<vmem>>, vector<16xi32>,
    %add3A_837 = arith.constant 112 : i32
    %add3A_838 = vector.broadcast %add3A_837 : i32 to vector<16xi32>
    %add3A_839 = arith.addi %add3A_838, %iota3A : vector<16xi32>
    %gather3A_840 = tpu.vector_load_idx %arg5[%add3A_839, %broadcast_in_dim3A_780] : memref<128x20xi32, #tpu.memory_space<vmem>>[vector<16xi32>, vector<16xi32>], vector<16xi32>,
    %swap3A_841 = arith.constant 10 : i32
    %swap3A_842 = arith.index_cast %swap3A_841 : i32 to index
    %swap3A_843 = arith.constant 112 : index
    %swap3A_844 = tpu.vector_load %arg6[%swap3A_842, %swap3A_843] {strides = array<i32>} : memref<20x128xi32, #tpu.memory_space<vmem>>, vector<16xi32>,
    tpu.vector_store %arg6[%swap3A_842, %swap3A_843], %gather3A_840 {strides = array<i32>} : memref<20x128xi32, #tpu.memory_space<vmem>>, vector<16xi32>,
    %dma_start3A_845 = arith.constant 10 : i32
    %dma_start3A_846 = arith.constant 10 : i32
    %dma_start3A_847 = arith.constant 0 : i32
    %dma_start3A_848 = arith.constant 0 : i32
    %dma_start3A_849 = tpu.memref_slice %arg7[%dma_start3A_846, %dma_start3A_847, %dma_start3A_848] : memref<20x128x32xf32, #tpu.memory_space<vmem>> -> memref<1x128x32xf32, #tpu.memory_space<vmem>>
    %dma_start3A_850 = tpu.memref_squeeze %dma_start3A_849 : memref<1x128x32xf32, #tpu.memory_space<vmem>> -> memref<128x32xf32, #tpu.memory_space<vmem>>
    %dma_start3A_851 = arith.constant 0 : i32
    %dma_start3A_852 = tpu.memref_slice %arg6[%dma_start3A_845, %dma_start3A_851] : memref<20x128xi32, #tpu.memory_space<vmem>> -> memref<1x128xi32, #tpu.memory_space<vmem>>
    %dma_start3A_853 = tpu.memref_squeeze %dma_start3A_852 : memref<1x128xi32, #tpu.memory_space<vmem>> -> memref<128xi32, #tpu.memory_space<vmem>>
    %dma_start3A_854 = arith.constant 0 : i32
    %dma_start3A_855 = arith.constant 0 : i32
    %dma_start3A_856 = tpu.memref_slice %arg3[%dma_start3A_854, %dma_start3A_855] : memref<100000x32xf32, #tpu.memory_space<hbm>> -> memref<100000x32xf32, #tpu.memory_space<hbm>>
    tpu.enqueue_indirect_dma source(%dma_start3A_856 : memref<100000x32xf32, #tpu.memory_space<hbm>>) target(%dma_start3A_850 : memref<128x32xf32, #tpu.memory_space<vmem>>) offsets(%dma_start3A_853 : memref<128xi32, #tpu.memory_space<vmem>>) semaphore(%arg9 : memref<!tpu.dma_semaphore, #tpu.memory_space<semaphore_mem>>)
    %broadcast_in_dim3A_857 = arith.constant 11 : i32
    %broadcast_in_dim3A_858 = vector.broadcast %broadcast_in_dim3A_857 : i32 to vector<16xi32>
    %add3A_859 = arith.constant 0 : i32
    %add3A_860 = vector.broadcast %add3A_859 : i32 to vector<16xi32>
    %add3A_861 = arith.addi %add3A_860, %iota3A : vector<16xi32>
    %gather3A_862 = tpu.vector_load_idx %arg5[%add3A_861, %broadcast_in_dim3A_858] : memref<128x20xi32, #tpu.memory_space<vmem>>[vector<16xi32>, vector<16xi32>], vector<16xi32>,
    %swap3A_863 = arith.constant 11 : i32
    %swap3A_864 = arith.index_cast %swap3A_863 : i32 to index
    %swap3A_865 = arith.constant 0 : index
    %swap3A_866 = tpu.vector_load %arg6[%swap3A_864, %swap3A_865] {strides = array<i32>} : memref<20x128xi32, #tpu.memory_space<vmem>>, vector<16xi32>,
    tpu.vector_store %arg6[%swap3A_864, %swap3A_865], %gather3A_862 {strides = array<i32>} : memref<20x128xi32, #tpu.memory_space<vmem>>, vector<16xi32>,
    %add3A_867 = arith.constant 16 : i32
    %add3A_868 = vector.broadcast %add3A_867 : i32 to vector<16xi32>
    %add3A_869 = arith.addi %add3A_868, %iota3A : vector<16xi32>
    %gather3A_870 = tpu.vector_load_idx %arg5[%add3A_869, %broadcast_in_dim3A_858] : memref<128x20xi32, #tpu.memory_space<vmem>>[vector<16xi32>, vector<16xi32>], vector<16xi32>,
    %swap3A_871 = arith.constant 11 : i32
    %swap3A_872 = arith.index_cast %swap3A_871 : i32 to index
    %swap3A_873 = arith.constant 16 : index
    %swap3A_874 = tpu.vector_load %arg6[%swap3A_872, %swap3A_873] {strides = array<i32>} : memref<20x128xi32, #tpu.memory_space<vmem>>, vector<16xi32>,
    tpu.vector_store %arg6[%swap3A_872, %swap3A_873], %gather3A_870 {strides = array<i32>} : memref<20x128xi32, #tpu.memory_space<vmem>>, vector<16xi32>,
    %add3A_875 = arith.constant 32 : i32
    %add3A_876 = vector.broadcast %add3A_875 : i32 to vector<16xi32>
    %add3A_877 = arith.addi %add3A_876, %iota3A : vector<16xi32>
    %gather3A_878 = tpu.vector_load_idx %arg5[%add3A_877, %broadcast_in_dim3A_858] : memref<128x20xi32, #tpu.memory_space<vmem>>[vector<16xi32>, vector<16xi32>], vector<16xi32>,
    %swap3A_879 = arith.constant 11 : i32
    %swap3A_880 = arith.index_cast %swap3A_879 : i32 to index
    %swap3A_881 = arith.constant 32 : index
    %swap3A_882 = tpu.vector_load %arg6[%swap3A_880, %swap3A_881] {strides = array<i32>} : memref<20x128xi32, #tpu.memory_space<vmem>>, vector<16xi32>,
    tpu.vector_store %arg6[%swap3A_880, %swap3A_881], %gather3A_878 {strides = array<i32>} : memref<20x128xi32, #tpu.memory_space<vmem>>, vector<16xi32>,
    %add3A_883 = arith.constant 48 : i32
    %add3A_884 = vector.broadcast %add3A_883 : i32 to vector<16xi32>
    %add3A_885 = arith.addi %add3A_884, %iota3A : vector<16xi32>
    %gather3A_886 = tpu.vector_load_idx %arg5[%add3A_885, %broadcast_in_dim3A_858] : memref<128x20xi32, #tpu.memory_space<vmem>>[vector<16xi32>, vector<16xi32>], vector<16xi32>,
    %swap3A_887 = arith.constant 11 : i32
    %swap3A_888 = arith.index_cast %swap3A_887 : i32 to index
    %swap3A_889 = arith.constant 48 : index
    %swap3A_890 = tpu.vector_load %arg6[%swap3A_888, %swap3A_889] {strides = array<i32>} : memref<20x128xi32, #tpu.memory_space<vmem>>, vector<16xi32>,
    tpu.vector_store %arg6[%swap3A_888, %swap3A_889], %gather3A_886 {strides = array<i32>} : memref<20x128xi32, #tpu.memory_space<vmem>>, vector<16xi32>,
    %add3A_891 = arith.constant 64 : i32
    %add3A_892 = vector.broadcast %add3A_891 : i32 to vector<16xi32>
    %add3A_893 = arith.addi %add3A_892, %iota3A : vector<16xi32>
    %gather3A_894 = tpu.vector_load_idx %arg5[%add3A_893, %broadcast_in_dim3A_858] : memref<128x20xi32, #tpu.memory_space<vmem>>[vector<16xi32>, vector<16xi32>], vector<16xi32>,
    %swap3A_895 = arith.constant 11 : i32
    %swap3A_896 = arith.index_cast %swap3A_895 : i32 to index
    %swap3A_897 = arith.constant 64 : index
    %swap3A_898 = tpu.vector_load %arg6[%swap3A_896, %swap3A_897] {strides = array<i32>} : memref<20x128xi32, #tpu.memory_space<vmem>>, vector<16xi32>,
    tpu.vector_store %arg6[%swap3A_896, %swap3A_897], %gather3A_894 {strides = array<i32>} : memref<20x128xi32, #tpu.memory_space<vmem>>, vector<16xi32>,
    %add3A_899 = arith.constant 80 : i32
    %add3A_900 = vector.broadcast %add3A_899 : i32 to vector<16xi32>
    %add3A_901 = arith.addi %add3A_900, %iota3A : vector<16xi32>
    %gather3A_902 = tpu.vector_load_idx %arg5[%add3A_901, %broadcast_in_dim3A_858] : memref<128x20xi32, #tpu.memory_space<vmem>>[vector<16xi32>, vector<16xi32>], vector<16xi32>,
    %swap3A_903 = arith.constant 11 : i32
    %swap3A_904 = arith.index_cast %swap3A_903 : i32 to index
    %swap3A_905 = arith.constant 80 : index
    %swap3A_906 = tpu.vector_load %arg6[%swap3A_904, %swap3A_905] {strides = array<i32>} : memref<20x128xi32, #tpu.memory_space<vmem>>, vector<16xi32>,
    tpu.vector_store %arg6[%swap3A_904, %swap3A_905], %gather3A_902 {strides = array<i32>} : memref<20x128xi32, #tpu.memory_space<vmem>>, vector<16xi32>,
    %add3A_907 = arith.constant 96 : i32
    %add3A_908 = vector.broadcast %add3A_907 : i32 to vector<16xi32>
    %add3A_909 = arith.addi %add3A_908, %iota3A : vector<16xi32>
    %gather3A_910 = tpu.vector_load_idx %arg5[%add3A_909, %broadcast_in_dim3A_858] : memref<128x20xi32, #tpu.memory_space<vmem>>[vector<16xi32>, vector<16xi32>], vector<16xi32>,
    %swap3A_911 = arith.constant 11 : i32
    %swap3A_912 = arith.index_cast %swap3A_911 : i32 to index
    %swap3A_913 = arith.constant 96 : index
    %swap3A_914 = tpu.vector_load %arg6[%swap3A_912, %swap3A_913] {strides = array<i32>} : memref<20x128xi32, #tpu.memory_space<vmem>>, vector<16xi32>,
    tpu.vector_store %arg6[%swap3A_912, %swap3A_913], %gather3A_910 {strides = array<i32>} : memref<20x128xi32, #tpu.memory_space<vmem>>, vector<16xi32>,
    %add3A_915 = arith.constant 112 : i32
    %add3A_916 = vector.broadcast %add3A_915 : i32 to vector<16xi32>
    %add3A_917 = arith.addi %add3A_916, %iota3A : vector<16xi32>
    %gather3A_918 = tpu.vector_load_idx %arg5[%add3A_917, %broadcast_in_dim3A_858] : memref<128x20xi32, #tpu.memory_space<vmem>>[vector<16xi32>, vector<16xi32>], vector<16xi32>,
    %swap3A_919 = arith.constant 11 : i32
    %swap3A_920 = arith.index_cast %swap3A_919 : i32 to index
    %swap3A_921 = arith.constant 112 : index
    %swap3A_922 = tpu.vector_load %arg6[%swap3A_920, %swap3A_921] {strides = array<i32>} : memref<20x128xi32, #tpu.memory_space<vmem>>, vector<16xi32>,
    tpu.vector_store %arg6[%swap3A_920, %swap3A_921], %gather3A_918 {strides = array<i32>} : memref<20x128xi32, #tpu.memory_space<vmem>>, vector<16xi32>,
    %dma_start3A_923 = arith.constant 11 : i32
    %dma_start3A_924 = arith.constant 11 : i32
    %dma_start3A_925 = arith.constant 0 : i32
    %dma_start3A_926 = arith.constant 0 : i32
    %dma_start3A_927 = tpu.memref_slice %arg7[%dma_start3A_924, %dma_start3A_925, %dma_start3A_926] : memref<20x128x32xf32, #tpu.memory_space<vmem>> -> memref<1x128x32xf32, #tpu.memory_space<vmem>>
    %dma_start3A_928 = tpu.memref_squeeze %dma_start3A_927 : memref<1x128x32xf32, #tpu.memory_space<vmem>> -> memref<128x32xf32, #tpu.memory_space<vmem>>
    %dma_start3A_929 = arith.constant 0 : i32
    %dma_start3A_930 = tpu.memref_slice %arg6[%dma_start3A_923, %dma_start3A_929] : memref<20x128xi32, #tpu.memory_space<vmem>> -> memref<1x128xi32, #tpu.memory_space<vmem>>
    %dma_start3A_931 = tpu.memref_squeeze %dma_start3A_930 : memref<1x128xi32, #tpu.memory_space<vmem>> -> memref<128xi32, #tpu.memory_space<vmem>>
    %dma_start3A_932 = arith.constant 0 : i32
    %dma_start3A_933 = arith.constant 0 : i32
    %dma_start3A_934 = tpu.memref_slice %arg3[%dma_start3A_932, %dma_start3A_933] : memref<100000x32xf32, #tpu.memory_space<hbm>> -> memref<100000x32xf32, #tpu.memory_space<hbm>>
    tpu.enqueue_indirect_dma source(%dma_start3A_934 : memref<100000x32xf32, #tpu.memory_space<hbm>>) target(%dma_start3A_928 : memref<128x32xf32, #tpu.memory_space<vmem>>) offsets(%dma_start3A_931 : memref<128xi32, #tpu.memory_space<vmem>>) semaphore(%arg9 : memref<!tpu.dma_semaphore, #tpu.memory_space<semaphore_mem>>)
    %broadcast_in_dim3A_935 = arith.constant 12 : i32
    %broadcast_in_dim3A_936 = vector.broadcast %broadcast_in_dim3A_935 : i32 to vector<16xi32>
    %add3A_937 = arith.constant 0 : i32
    %add3A_938 = vector.broadcast %add3A_937 : i32 to vector<16xi32>
    %add3A_939 = arith.addi %add3A_938, %iota3A : vector<16xi32>
    %gather3A_940 = tpu.vector_load_idx %arg5[%add3A_939, %broadcast_in_dim3A_936] : memref<128x20xi32, #tpu.memory_space<vmem>>[vector<16xi32>, vector<16xi32>], vector<16xi32>,
    %swap3A_941 = arith.constant 12 : i32
    %swap3A_942 = arith.index_cast %swap3A_941 : i32 to index
    %swap3A_943 = arith.constant 0 : index
    %swap3A_944 = tpu.vector_load %arg6[%swap3A_942, %swap3A_943] {strides = array<i32>} : memref<20x128xi32, #tpu.memory_space<vmem>>, vector<16xi32>,
    tpu.vector_store %arg6[%swap3A_942, %swap3A_943], %gather3A_940 {strides = array<i32>} : memref<20x128xi32, #tpu.memory_space<vmem>>, vector<16xi32>,
    %add3A_945 = arith.constant 16 : i32
    %add3A_946 = vector.broadcast %add3A_945 : i32 to vector<16xi32>
    %add3A_947 = arith.addi %add3A_946, %iota3A : vector<16xi32>
    %gather3A_948 = tpu.vector_load_idx %arg5[%add3A_947, %broadcast_in_dim3A_936] : memref<128x20xi32, #tpu.memory_space<vmem>>[vector<16xi32>, vector<16xi32>], vector<16xi32>,
    %swap3A_949 = arith.constant 12 : i32
    %swap3A_950 = arith.index_cast %swap3A_949 : i32 to index
    %swap3A_951 = arith.constant 16 : index
    %swap3A_952 = tpu.vector_load %arg6[%swap3A_950, %swap3A_951] {strides = array<i32>} : memref<20x128xi32, #tpu.memory_space<vmem>>, vector<16xi32>,
    tpu.vector_store %arg6[%swap3A_950, %swap3A_951], %gather3A_948 {strides = array<i32>} : memref<20x128xi32, #tpu.memory_space<vmem>>, vector<16xi32>,
    %add3A_953 = arith.constant 32 : i32
    %add3A_954 = vector.broadcast %add3A_953 : i32 to vector<16xi32>
    %add3A_955 = arith.addi %add3A_954, %iota3A : vector<16xi32>
    %gather3A_956 = tpu.vector_load_idx %arg5[%add3A_955, %broadcast_in_dim3A_936] : memref<128x20xi32, #tpu.memory_space<vmem>>[vector<16xi32>, vector<16xi32>], vector<16xi32>,
    %swap3A_957 = arith.constant 12 : i32
    %swap3A_958 = arith.index_cast %swap3A_957 : i32 to index
    %swap3A_959 = arith.constant 32 : index
    %swap3A_960 = tpu.vector_load %arg6[%swap3A_958, %swap3A_959] {strides = array<i32>} : memref<20x128xi32, #tpu.memory_space<vmem>>, vector<16xi32>,
    tpu.vector_store %arg6[%swap3A_958, %swap3A_959], %gather3A_956 {strides = array<i32>} : memref<20x128xi32, #tpu.memory_space<vmem>>, vector<16xi32>,
    %add3A_961 = arith.constant 48 : i32
    %add3A_962 = vector.broadcast %add3A_961 : i32 to vector<16xi32>
    %add3A_963 = arith.addi %add3A_962, %iota3A : vector<16xi32>
    %gather3A_964 = tpu.vector_load_idx %arg5[%add3A_963, %broadcast_in_dim3A_936] : memref<128x20xi32, #tpu.memory_space<vmem>>[vector<16xi32>, vector<16xi32>], vector<16xi32>,
    %swap3A_965 = arith.constant 12 : i32
    %swap3A_966 = arith.index_cast %swap3A_965 : i32 to index
    %swap3A_967 = arith.constant 48 : index
    %swap3A_968 = tpu.vector_load %arg6[%swap3A_966, %swap3A_967] {strides = array<i32>} : memref<20x128xi32, #tpu.memory_space<vmem>>, vector<16xi32>,
    tpu.vector_store %arg6[%swap3A_966, %swap3A_967], %gather3A_964 {strides = array<i32>} : memref<20x128xi32, #tpu.memory_space<vmem>>, vector<16xi32>,
    %add3A_969 = arith.constant 64 : i32
    %add3A_970 = vector.broadcast %add3A_969 : i32 to vector<16xi32>
    %add3A_971 = arith.addi %add3A_970, %iota3A : vector<16xi32>
    %gather3A_972 = tpu.vector_load_idx %arg5[%add3A_971, %broadcast_in_dim3A_936] : memref<128x20xi32, #tpu.memory_space<vmem>>[vector<16xi32>, vector<16xi32>], vector<16xi32>,
    %swap3A_973 = arith.constant 12 : i32
    %swap3A_974 = arith.index_cast %swap3A_973 : i32 to index
    %swap3A_975 = arith.constant 64 : index
    %swap3A_976 = tpu.vector_load %arg6[%swap3A_974, %swap3A_975] {strides = array<i32>} : memref<20x128xi32, #tpu.memory_space<vmem>>, vector<16xi32>,
    tpu.vector_store %arg6[%swap3A_974, %swap3A_975], %gather3A_972 {strides = array<i32>} : memref<20x128xi32, #tpu.memory_space<vmem>>, vector<16xi32>,
    %add3A_977 = arith.constant 80 : i32
    %add3A_978 = vector.broadcast %add3A_977 : i32 to vector<16xi32>
    %add3A_979 = arith.addi %add3A_978, %iota3A : vector<16xi32>
    %gather3A_980 = tpu.vector_load_idx %arg5[%add3A_979, %broadcast_in_dim3A_936] : memref<128x20xi32, #tpu.memory_space<vmem>>[vector<16xi32>, vector<16xi32>], vector<16xi32>,
    %swap3A_981 = arith.constant 12 : i32
    %swap3A_982 = arith.index_cast %swap3A_981 : i32 to index
    %swap3A_983 = arith.constant 80 : index
    %swap3A_984 = tpu.vector_load %arg6[%swap3A_982, %swap3A_983] {strides = array<i32>} : memref<20x128xi32, #tpu.memory_space<vmem>>, vector<16xi32>,
    tpu.vector_store %arg6[%swap3A_982, %swap3A_983], %gather3A_980 {strides = array<i32>} : memref<20x128xi32, #tpu.memory_space<vmem>>, vector<16xi32>,
    %add3A_985 = arith.constant 96 : i32
    %add3A_986 = vector.broadcast %add3A_985 : i32 to vector<16xi32>
    %add3A_987 = arith.addi %add3A_986, %iota3A : vector<16xi32>
    %gather3A_988 = tpu.vector_load_idx %arg5[%add3A_987, %broadcast_in_dim3A_936] : memref<128x20xi32, #tpu.memory_space<vmem>>[vector<16xi32>, vector<16xi32>], vector<16xi32>,
    %swap3A_989 = arith.constant 12 : i32
    %swap3A_990 = arith.index_cast %swap3A_989 : i32 to index
    %swap3A_991 = arith.constant 96 : index
    %swap3A_992 = tpu.vector_load %arg6[%swap3A_990, %swap3A_991] {strides = array<i32>} : memref<20x128xi32, #tpu.memory_space<vmem>>, vector<16xi32>,
    tpu.vector_store %arg6[%swap3A_990, %swap3A_991], %gather3A_988 {strides = array<i32>} : memref<20x128xi32, #tpu.memory_space<vmem>>, vector<16xi32>,
    %add3A_993 = arith.constant 112 : i32
    %add3A_994 = vector.broadcast %add3A_993 : i32 to vector<16xi32>
    %add3A_995 = arith.addi %add3A_994, %iota3A : vector<16xi32>
    %gather3A_996 = tpu.vector_load_idx %arg5[%add3A_995, %broadcast_in_dim3A_936] : memref<128x20xi32, #tpu.memory_space<vmem>>[vector<16xi32>, vector<16xi32>], vector<16xi32>,
    %swap3A_997 = arith.constant 12 : i32
    %swap3A_998 = arith.index_cast %swap3A_997 : i32 to index
    %swap3A_999 = arith.constant 112 : index
    %swap3A_1000 = tpu.vector_load %arg6[%swap3A_998, %swap3A_999] {strides = array<i32>} : memref<20x128xi32, #tpu.memory_space<vmem>>, vector<16xi32>,
    tpu.vector_store %arg6[%swap3A_998, %swap3A_999], %gather3A_996 {strides = array<i32>} : memref<20x128xi32, #tpu.memory_space<vmem>>, vector<16xi32>,
    %dma_start3A_1001 = arith.constant 12 : i32
    %dma_start3A_1002 = arith.constant 12 : i32
    %dma_start3A_1003 = arith.constant 0 : i32
    %dma_start3A_1004 = arith.constant 0 : i32
    %dma_start3A_1005 = tpu.memref_slice %arg7[%dma_start3A_1002, %dma_start3A_1003, %dma_start3A_1004] : memref<20x128x32xf32, #tpu.memory_space<vmem>> -> memref<1x128x32xf32, #tpu.memory_space<vmem>>
    %dma_start3A_1006 = tpu.memref_squeeze %dma_start3A_1005 : memref<1x128x32xf32, #tpu.memory_space<vmem>> -> memref<128x32xf32, #tpu.memory_space<vmem>>
    %dma_start3A_1007 = arith.constant 0 : i32
    %dma_start3A_1008 = tpu.memref_slice %arg6[%dma_start3A_1001, %dma_start3A_1007] : memref<20x128xi32, #tpu.memory_space<vmem>> -> memref<1x128xi32, #tpu.memory_space<vmem>>
    %dma_start3A_1009 = tpu.memref_squeeze %dma_start3A_1008 : memref<1x128xi32, #tpu.memory_space<vmem>> -> memref<128xi32, #tpu.memory_space<vmem>>
    %dma_start3A_1010 = arith.constant 0 : i32
    %dma_start3A_1011 = arith.constant 0 : i32
    %dma_start3A_1012 = tpu.memref_slice %arg3[%dma_start3A_1010, %dma_start3A_1011] : memref<100000x32xf32, #tpu.memory_space<hbm>> -> memref<100000x32xf32, #tpu.memory_space<hbm>>
    tpu.enqueue_indirect_dma source(%dma_start3A_1012 : memref<100000x32xf32, #tpu.memory_space<hbm>>) target(%dma_start3A_1006 : memref<128x32xf32, #tpu.memory_space<vmem>>) offsets(%dma_start3A_1009 : memref<128xi32, #tpu.memory_space<vmem>>) semaphore(%arg9 : memref<!tpu.dma_semaphore, #tpu.memory_space<semaphore_mem>>)
    %broadcast_in_dim3A_1013 = arith.constant 13 : i32
    %broadcast_in_dim3A_1014 = vector.broadcast %broadcast_in_dim3A_1013 : i32 to vector<16xi32>
    %add3A_1015 = arith.constant 0 : i32
    %add3A_1016 = vector.broadcast %add3A_1015 : i32 to vector<16xi32>
    %add3A_1017 = arith.addi %add3A_1016, %iota3A : vector<16xi32>
    %gather3A_1018 = tpu.vector_load_idx %arg5[%add3A_1017, %broadcast_in_dim3A_1014] : memref<128x20xi32, #tpu.memory_space<vmem>>[vector<16xi32>, vector<16xi32>], vector<16xi32>,
    %swap3A_1019 = arith.constant 13 : i32
    %swap3A_1020 = arith.index_cast %swap3A_1019 : i32 to index
    %swap3A_1021 = arith.constant 0 : index
    %swap3A_1022 = tpu.vector_load %arg6[%swap3A_1020, %swap3A_1021] {strides = array<i32>} : memref<20x128xi32, #tpu.memory_space<vmem>>, vector<16xi32>,
    tpu.vector_store %arg6[%swap3A_1020, %swap3A_1021], %gather3A_1018 {strides = array<i32>} : memref<20x128xi32, #tpu.memory_space<vmem>>, vector<16xi32>,
    %add3A_1023 = arith.constant 16 : i32
    %add3A_1024 = vector.broadcast %add3A_1023 : i32 to vector<16xi32>
    %add3A_1025 = arith.addi %add3A_1024, %iota3A : vector<16xi32>
    %gather3A_1026 = tpu.vector_load_idx %arg5[%add3A_1025, %broadcast_in_dim3A_1014] : memref<128x20xi32, #tpu.memory_space<vmem>>[vector<16xi32>, vector<16xi32>], vector<16xi32>,
    %swap3A_1027 = arith.constant 13 : i32
    %swap3A_1028 = arith.index_cast %swap3A_1027 : i32 to index
    %swap3A_1029 = arith.constant 16 : index
    %swap3A_1030 = tpu.vector_load %arg6[%swap3A_1028, %swap3A_1029] {strides = array<i32>} : memref<20x128xi32, #tpu.memory_space<vmem>>, vector<16xi32>,
    tpu.vector_store %arg6[%swap3A_1028, %swap3A_1029], %gather3A_1026 {strides = array<i32>} : memref<20x128xi32, #tpu.memory_space<vmem>>, vector<16xi32>,
    %add3A_1031 = arith.constant 32 : i32
    %add3A_1032 = vector.broadcast %add3A_1031 : i32 to vector<16xi32>
    %add3A_1033 = arith.addi %add3A_1032, %iota3A : vector<16xi32>
    %gather3A_1034 = tpu.vector_load_idx %arg5[%add3A_1033, %broadcast_in_dim3A_1014] : memref<128x20xi32, #tpu.memory_space<vmem>>[vector<16xi32>, vector<16xi32>], vector<16xi32>,
    %swap3A_1035 = arith.constant 13 : i32
    %swap3A_1036 = arith.index_cast %swap3A_1035 : i32 to index
    %swap3A_1037 = arith.constant 32 : index
    %swap3A_1038 = tpu.vector_load %arg6[%swap3A_1036, %swap3A_1037] {strides = array<i32>} : memref<20x128xi32, #tpu.memory_space<vmem>>, vector<16xi32>,
    tpu.vector_store %arg6[%swap3A_1036, %swap3A_1037], %gather3A_1034 {strides = array<i32>} : memref<20x128xi32, #tpu.memory_space<vmem>>, vector<16xi32>,
    %add3A_1039 = arith.constant 48 : i32
    %add3A_1040 = vector.broadcast %add3A_1039 : i32 to vector<16xi32>
    %add3A_1041 = arith.addi %add3A_1040, %iota3A : vector<16xi32>
    %gather3A_1042 = tpu.vector_load_idx %arg5[%add3A_1041, %broadcast_in_dim3A_1014] : memref<128x20xi32, #tpu.memory_space<vmem>>[vector<16xi32>, vector<16xi32>], vector<16xi32>,
    %swap3A_1043 = arith.constant 13 : i32
    %swap3A_1044 = arith.index_cast %swap3A_1043 : i32 to index
    %swap3A_1045 = arith.constant 48 : index
    %swap3A_1046 = tpu.vector_load %arg6[%swap3A_1044, %swap3A_1045] {strides = array<i32>} : memref<20x128xi32, #tpu.memory_space<vmem>>, vector<16xi32>,
    tpu.vector_store %arg6[%swap3A_1044, %swap3A_1045], %gather3A_1042 {strides = array<i32>} : memref<20x128xi32, #tpu.memory_space<vmem>>, vector<16xi32>,
    %add3A_1047 = arith.constant 64 : i32
    %add3A_1048 = vector.broadcast %add3A_1047 : i32 to vector<16xi32>
    %add3A_1049 = arith.addi %add3A_1048, %iota3A : vector<16xi32>
    %gather3A_1050 = tpu.vector_load_idx %arg5[%add3A_1049, %broadcast_in_dim3A_1014] : memref<128x20xi32, #tpu.memory_space<vmem>>[vector<16xi32>, vector<16xi32>], vector<16xi32>,
    %swap3A_1051 = arith.constant 13 : i32
    %swap3A_1052 = arith.index_cast %swap3A_1051 : i32 to index
    %swap3A_1053 = arith.constant 64 : index
    %swap3A_1054 = tpu.vector_load %arg6[%swap3A_1052, %swap3A_1053] {strides = array<i32>} : memref<20x128xi32, #tpu.memory_space<vmem>>, vector<16xi32>,
    tpu.vector_store %arg6[%swap3A_1052, %swap3A_1053], %gather3A_1050 {strides = array<i32>} : memref<20x128xi32, #tpu.memory_space<vmem>>, vector<16xi32>,
    %add3A_1055 = arith.constant 80 : i32
    %add3A_1056 = vector.broadcast %add3A_1055 : i32 to vector<16xi32>
    %add3A_1057 = arith.addi %add3A_1056, %iota3A : vector<16xi32>
    %gather3A_1058 = tpu.vector_load_idx %arg5[%add3A_1057, %broadcast_in_dim3A_1014] : memref<128x20xi32, #tpu.memory_space<vmem>>[vector<16xi32>, vector<16xi32>], vector<16xi32>,
    %swap3A_1059 = arith.constant 13 : i32
    %swap3A_1060 = arith.index_cast %swap3A_1059 : i32 to index
    %swap3A_1061 = arith.constant 80 : index
    %swap3A_1062 = tpu.vector_load %arg6[%swap3A_1060, %swap3A_1061] {strides = array<i32>} : memref<20x128xi32, #tpu.memory_space<vmem>>, vector<16xi32>,
    tpu.vector_store %arg6[%swap3A_1060, %swap3A_1061], %gather3A_1058 {strides = array<i32>} : memref<20x128xi32, #tpu.memory_space<vmem>>, vector<16xi32>,
    %add3A_1063 = arith.constant 96 : i32
    %add3A_1064 = vector.broadcast %add3A_1063 : i32 to vector<16xi32>
    %add3A_1065 = arith.addi %add3A_1064, %iota3A : vector<16xi32>
    %gather3A_1066 = tpu.vector_load_idx %arg5[%add3A_1065, %broadcast_in_dim3A_1014] : memref<128x20xi32, #tpu.memory_space<vmem>>[vector<16xi32>, vector<16xi32>], vector<16xi32>,
    %swap3A_1067 = arith.constant 13 : i32
    %swap3A_1068 = arith.index_cast %swap3A_1067 : i32 to index
    %swap3A_1069 = arith.constant 96 : index
    %swap3A_1070 = tpu.vector_load %arg6[%swap3A_1068, %swap3A_1069] {strides = array<i32>} : memref<20x128xi32, #tpu.memory_space<vmem>>, vector<16xi32>,
    tpu.vector_store %arg6[%swap3A_1068, %swap3A_1069], %gather3A_1066 {strides = array<i32>} : memref<20x128xi32, #tpu.memory_space<vmem>>, vector<16xi32>,
    %add3A_1071 = arith.constant 112 : i32
    %add3A_1072 = vector.broadcast %add3A_1071 : i32 to vector<16xi32>
    %add3A_1073 = arith.addi %add3A_1072, %iota3A : vector<16xi32>
    %gather3A_1074 = tpu.vector_load_idx %arg5[%add3A_1073, %broadcast_in_dim3A_1014] : memref<128x20xi32, #tpu.memory_space<vmem>>[vector<16xi32>, vector<16xi32>], vector<16xi32>,
    %swap3A_1075 = arith.constant 13 : i32
    %swap3A_1076 = arith.index_cast %swap3A_1075 : i32 to index
    %swap3A_1077 = arith.constant 112 : index
    %swap3A_1078 = tpu.vector_load %arg6[%swap3A_1076, %swap3A_1077] {strides = array<i32>} : memref<20x128xi32, #tpu.memory_space<vmem>>, vector<16xi32>,
    tpu.vector_store %arg6[%swap3A_1076, %swap3A_1077], %gather3A_1074 {strides = array<i32>} : memref<20x128xi32, #tpu.memory_space<vmem>>, vector<16xi32>,
    %dma_start3A_1079 = arith.constant 13 : i32
    %dma_start3A_1080 = arith.constant 13 : i32
    %dma_start3A_1081 = arith.constant 0 : i32
    %dma_start3A_1082 = arith.constant 0 : i32
    %dma_start3A_1083 = tpu.memref_slice %arg7[%dma_start3A_1080, %dma_start3A_1081, %dma_start3A_1082] : memref<20x128x32xf32, #tpu.memory_space<vmem>> -> memref<1x128x32xf32, #tpu.memory_space<vmem>>
    %dma_start3A_1084 = tpu.memref_squeeze %dma_start3A_1083 : memref<1x128x32xf32, #tpu.memory_space<vmem>> -> memref<128x32xf32, #tpu.memory_space<vmem>>
    %dma_start3A_1085 = arith.constant 0 : i32
    %dma_start3A_1086 = tpu.memref_slice %arg6[%dma_start3A_1079, %dma_start3A_1085] : memref<20x128xi32, #tpu.memory_space<vmem>> -> memref<1x128xi32, #tpu.memory_space<vmem>>
    %dma_start3A_1087 = tpu.memref_squeeze %dma_start3A_1086 : memref<1x128xi32, #tpu.memory_space<vmem>> -> memref<128xi32, #tpu.memory_space<vmem>>
    %dma_start3A_1088 = arith.constant 0 : i32
    %dma_start3A_1089 = arith.constant 0 : i32
    %dma_start3A_1090 = tpu.memref_slice %arg3[%dma_start3A_1088, %dma_start3A_1089] : memref<100000x32xf32, #tpu.memory_space<hbm>> -> memref<100000x32xf32, #tpu.memory_space<hbm>>
    tpu.enqueue_indirect_dma source(%dma_start3A_1090 : memref<100000x32xf32, #tpu.memory_space<hbm>>) target(%dma_start3A_1084 : memref<128x32xf32, #tpu.memory_space<vmem>>) offsets(%dma_start3A_1087 : memref<128xi32, #tpu.memory_space<vmem>>) semaphore(%arg9 : memref<!tpu.dma_semaphore, #tpu.memory_space<semaphore_mem>>)
    %broadcast_in_dim3A_1091 = arith.constant 14 : i32
    %broadcast_in_dim3A_1092 = vector.broadcast %broadcast_in_dim3A_1091 : i32 to vector<16xi32>
    %add3A_1093 = arith.constant 0 : i32
    %add3A_1094 = vector.broadcast %add3A_1093 : i32 to vector<16xi32>
    %add3A_1095 = arith.addi %add3A_1094, %iota3A : vector<16xi32>
    %gather3A_1096 = tpu.vector_load_idx %arg5[%add3A_1095, %broadcast_in_dim3A_1092] : memref<128x20xi32, #tpu.memory_space<vmem>>[vector<16xi32>, vector<16xi32>], vector<16xi32>,
    %swap3A_1097 = arith.constant 14 : i32
    %swap3A_1098 = arith.index_cast %swap3A_1097 : i32 to index
    %swap3A_1099 = arith.constant 0 : index
    %swap3A_1100 = tpu.vector_load %arg6[%swap3A_1098, %swap3A_1099] {strides = array<i32>} : memref<20x128xi32, #tpu.memory_space<vmem>>, vector<16xi32>,
    tpu.vector_store %arg6[%swap3A_1098, %swap3A_1099], %gather3A_1096 {strides = array<i32>} : memref<20x128xi32, #tpu.memory_space<vmem>>, vector<16xi32>,
    %add3A_1101 = arith.constant 16 : i32
    %add3A_1102 = vector.broadcast %add3A_1101 : i32 to vector<16xi32>
    %add3A_1103 = arith.addi %add3A_1102, %iota3A : vector<16xi32>
    %gather3A_1104 = tpu.vector_load_idx %arg5[%add3A_1103, %broadcast_in_dim3A_1092] : memref<128x20xi32, #tpu.memory_space<vmem>>[vector<16xi32>, vector<16xi32>], vector<16xi32>,
    %swap3A_1105 = arith.constant 14 : i32
    %swap3A_1106 = arith.index_cast %swap3A_1105 : i32 to index
    %swap3A_1107 = arith.constant 16 : index
    %swap3A_1108 = tpu.vector_load %arg6[%swap3A_1106, %swap3A_1107] {strides = array<i32>} : memref<20x128xi32, #tpu.memory_space<vmem>>, vector<16xi32>,
    tpu.vector_store %arg6[%swap3A_1106, %swap3A_1107], %gather3A_1104 {strides = array<i32>} : memref<20x128xi32, #tpu.memory_space<vmem>>, vector<16xi32>,
    %add3A_1109 = arith.constant 32 : i32
    %add3A_1110 = vector.broadcast %add3A_1109 : i32 to vector<16xi32>
    %add3A_1111 = arith.addi %add3A_1110, %iota3A : vector<16xi32>
    %gather3A_1112 = tpu.vector_load_idx %arg5[%add3A_1111, %broadcast_in_dim3A_1092] : memref<128x20xi32, #tpu.memory_space<vmem>>[vector<16xi32>, vector<16xi32>], vector<16xi32>,
    %swap3A_1113 = arith.constant 14 : i32
    %swap3A_1114 = arith.index_cast %swap3A_1113 : i32 to index
    %swap3A_1115 = arith.constant 32 : index
    %swap3A_1116 = tpu.vector_load %arg6[%swap3A_1114, %swap3A_1115] {strides = array<i32>} : memref<20x128xi32, #tpu.memory_space<vmem>>, vector<16xi32>,
    tpu.vector_store %arg6[%swap3A_1114, %swap3A_1115], %gather3A_1112 {strides = array<i32>} : memref<20x128xi32, #tpu.memory_space<vmem>>, vector<16xi32>,
    %add3A_1117 = arith.constant 48 : i32
    %add3A_1118 = vector.broadcast %add3A_1117 : i32 to vector<16xi32>
    %add3A_1119 = arith.addi %add3A_1118, %iota3A : vector<16xi32>
    %gather3A_1120 = tpu.vector_load_idx %arg5[%add3A_1119, %broadcast_in_dim3A_1092] : memref<128x20xi32, #tpu.memory_space<vmem>>[vector<16xi32>, vector<16xi32>], vector<16xi32>,
    %swap3A_1121 = arith.constant 14 : i32
    %swap3A_1122 = arith.index_cast %swap3A_1121 : i32 to index
    %swap3A_1123 = arith.constant 48 : index
    %swap3A_1124 = tpu.vector_load %arg6[%swap3A_1122, %swap3A_1123] {strides = array<i32>} : memref<20x128xi32, #tpu.memory_space<vmem>>, vector<16xi32>,
    tpu.vector_store %arg6[%swap3A_1122, %swap3A_1123], %gather3A_1120 {strides = array<i32>} : memref<20x128xi32, #tpu.memory_space<vmem>>, vector<16xi32>,
    %add3A_1125 = arith.constant 64 : i32
    %add3A_1126 = vector.broadcast %add3A_1125 : i32 to vector<16xi32>
    %add3A_1127 = arith.addi %add3A_1126, %iota3A : vector<16xi32>
    %gather3A_1128 = tpu.vector_load_idx %arg5[%add3A_1127, %broadcast_in_dim3A_1092] : memref<128x20xi32, #tpu.memory_space<vmem>>[vector<16xi32>, vector<16xi32>], vector<16xi32>,
    %swap3A_1129 = arith.constant 14 : i32
    %swap3A_1130 = arith.index_cast %swap3A_1129 : i32 to index
    %swap3A_1131 = arith.constant 64 : index
    %swap3A_1132 = tpu.vector_load %arg6[%swap3A_1130, %swap3A_1131] {strides = array<i32>} : memref<20x128xi32, #tpu.memory_space<vmem>>, vector<16xi32>,
    tpu.vector_store %arg6[%swap3A_1130, %swap3A_1131], %gather3A_1128 {strides = array<i32>} : memref<20x128xi32, #tpu.memory_space<vmem>>, vector<16xi32>,
    %add3A_1133 = arith.constant 80 : i32
    %add3A_1134 = vector.broadcast %add3A_1133 : i32 to vector<16xi32>
    %add3A_1135 = arith.addi %add3A_1134, %iota3A : vector<16xi32>
    %gather3A_1136 = tpu.vector_load_idx %arg5[%add3A_1135, %broadcast_in_dim3A_1092] : memref<128x20xi32, #tpu.memory_space<vmem>>[vector<16xi32>, vector<16xi32>], vector<16xi32>,
    %swap3A_1137 = arith.constant 14 : i32
    %swap3A_1138 = arith.index_cast %swap3A_1137 : i32 to index
    %swap3A_1139 = arith.constant 80 : index
    %swap3A_1140 = tpu.vector_load %arg6[%swap3A_1138, %swap3A_1139] {strides = array<i32>} : memref<20x128xi32, #tpu.memory_space<vmem>>, vector<16xi32>,
    tpu.vector_store %arg6[%swap3A_1138, %swap3A_1139], %gather3A_1136 {strides = array<i32>} : memref<20x128xi32, #tpu.memory_space<vmem>>, vector<16xi32>,
    %add3A_1141 = arith.constant 96 : i32
    %add3A_1142 = vector.broadcast %add3A_1141 : i32 to vector<16xi32>
    %add3A_1143 = arith.addi %add3A_1142, %iota3A : vector<16xi32>
    %gather3A_1144 = tpu.vector_load_idx %arg5[%add3A_1143, %broadcast_in_dim3A_1092] : memref<128x20xi32, #tpu.memory_space<vmem>>[vector<16xi32>, vector<16xi32>], vector<16xi32>,
    %swap3A_1145 = arith.constant 14 : i32
    %swap3A_1146 = arith.index_cast %swap3A_1145 : i32 to index
    %swap3A_1147 = arith.constant 96 : index
    %swap3A_1148 = tpu.vector_load %arg6[%swap3A_1146, %swap3A_1147] {strides = array<i32>} : memref<20x128xi32, #tpu.memory_space<vmem>>, vector<16xi32>,
    tpu.vector_store %arg6[%swap3A_1146, %swap3A_1147], %gather3A_1144 {strides = array<i32>} : memref<20x128xi32, #tpu.memory_space<vmem>>, vector<16xi32>,
    %add3A_1149 = arith.constant 112 : i32
    %add3A_1150 = vector.broadcast %add3A_1149 : i32 to vector<16xi32>
    %add3A_1151 = arith.addi %add3A_1150, %iota3A : vector<16xi32>
    %gather3A_1152 = tpu.vector_load_idx %arg5[%add3A_1151, %broadcast_in_dim3A_1092] : memref<128x20xi32, #tpu.memory_space<vmem>>[vector<16xi32>, vector<16xi32>], vector<16xi32>,
    %swap3A_1153 = arith.constant 14 : i32
    %swap3A_1154 = arith.index_cast %swap3A_1153 : i32 to index
    %swap3A_1155 = arith.constant 112 : index
    %swap3A_1156 = tpu.vector_load %arg6[%swap3A_1154, %swap3A_1155] {strides = array<i32>} : memref<20x128xi32, #tpu.memory_space<vmem>>, vector<16xi32>,
    tpu.vector_store %arg6[%swap3A_1154, %swap3A_1155], %gather3A_1152 {strides = array<i32>} : memref<20x128xi32, #tpu.memory_space<vmem>>, vector<16xi32>,
    %dma_start3A_1157 = arith.constant 14 : i32
    %dma_start3A_1158 = arith.constant 14 : i32
    %dma_start3A_1159 = arith.constant 0 : i32
    %dma_start3A_1160 = arith.constant 0 : i32
    %dma_start3A_1161 = tpu.memref_slice %arg7[%dma_start3A_1158, %dma_start3A_1159, %dma_start3A_1160] : memref<20x128x32xf32, #tpu.memory_space<vmem>> -> memref<1x128x32xf32, #tpu.memory_space<vmem>>
    %dma_start3A_1162 = tpu.memref_squeeze %dma_start3A_1161 : memref<1x128x32xf32, #tpu.memory_space<vmem>> -> memref<128x32xf32, #tpu.memory_space<vmem>>
    %dma_start3A_1163 = arith.constant 0 : i32
    %dma_start3A_1164 = tpu.memref_slice %arg6[%dma_start3A_1157, %dma_start3A_1163] : memref<20x128xi32, #tpu.memory_space<vmem>> -> memref<1x128xi32, #tpu.memory_space<vmem>>
    %dma_start3A_1165 = tpu.memref_squeeze %dma_start3A_1164 : memref<1x128xi32, #tpu.memory_space<vmem>> -> memref<128xi32, #tpu.memory_space<vmem>>
    %dma_start3A_1166 = arith.constant 0 : i32
    %dma_start3A_1167 = arith.constant 0 : i32
    %dma_start3A_1168 = tpu.memref_slice %arg3[%dma_start3A_1166, %dma_start3A_1167] : memref<100000x32xf32, #tpu.memory_space<hbm>> -> memref<100000x32xf32, #tpu.memory_space<hbm>>
    tpu.enqueue_indirect_dma source(%dma_start3A_1168 : memref<100000x32xf32, #tpu.memory_space<hbm>>) target(%dma_start3A_1162 : memref<128x32xf32, #tpu.memory_space<vmem>>) offsets(%dma_start3A_1165 : memref<128xi32, #tpu.memory_space<vmem>>) semaphore(%arg9 : memref<!tpu.dma_semaphore, #tpu.memory_space<semaphore_mem>>)
    %broadcast_in_dim3A_1169 = arith.constant 15 : i32
    %broadcast_in_dim3A_1170 = vector.broadcast %broadcast_in_dim3A_1169 : i32 to vector<16xi32>
    %add3A_1171 = arith.constant 0 : i32
    %add3A_1172 = vector.broadcast %add3A_1171 : i32 to vector<16xi32>
    %add3A_1173 = arith.addi %add3A_1172, %iota3A : vector<16xi32>
    %gather3A_1174 = tpu.vector_load_idx %arg5[%add3A_1173, %broadcast_in_dim3A_1170] : memref<128x20xi32, #tpu.memory_space<vmem>>[vector<16xi32>, vector<16xi32>], vector<16xi32>,
    %swap3A_1175 = arith.constant 15 : i32
    %swap3A_1176 = arith.index_cast %swap3A_1175 : i32 to index
    %swap3A_1177 = arith.constant 0 : index
    %swap3A_1178 = tpu.vector_load %arg6[%swap3A_1176, %swap3A_1177] {strides = array<i32>} : memref<20x128xi32, #tpu.memory_space<vmem>>, vector<16xi32>,
    tpu.vector_store %arg6[%swap3A_1176, %swap3A_1177], %gather3A_1174 {strides = array<i32>} : memref<20x128xi32, #tpu.memory_space<vmem>>, vector<16xi32>,
    %add3A_1179 = arith.constant 16 : i32
    %add3A_1180 = vector.broadcast %add3A_1179 : i32 to vector<16xi32>
    %add3A_1181 = arith.addi %add3A_1180, %iota3A : vector<16xi32>
    %gather3A_1182 = tpu.vector_load_idx %arg5[%add3A_1181, %broadcast_in_dim3A_1170] : memref<128x20xi32, #tpu.memory_space<vmem>>[vector<16xi32>, vector<16xi32>], vector<16xi32>,
    %swap3A_1183 = arith.constant 15 : i32
    %swap3A_1184 = arith.index_cast %swap3A_1183 : i32 to index
    %swap3A_1185 = arith.constant 16 : index
    %swap3A_1186 = tpu.vector_load %arg6[%swap3A_1184, %swap3A_1185] {strides = array<i32>} : memref<20x128xi32, #tpu.memory_space<vmem>>, vector<16xi32>,
    tpu.vector_store %arg6[%swap3A_1184, %swap3A_1185], %gather3A_1182 {strides = array<i32>} : memref<20x128xi32, #tpu.memory_space<vmem>>, vector<16xi32>,
    %add3A_1187 = arith.constant 32 : i32
    %add3A_1188 = vector.broadcast %add3A_1187 : i32 to vector<16xi32>
    %add3A_1189 = arith.addi %add3A_1188, %iota3A : vector<16xi32>
    %gather3A_1190 = tpu.vector_load_idx %arg5[%add3A_1189, %broadcast_in_dim3A_1170] : memref<128x20xi32, #tpu.memory_space<vmem>>[vector<16xi32>, vector<16xi32>], vector<16xi32>,
    %swap3A_1191 = arith.constant 15 : i32
    %swap3A_1192 = arith.index_cast %swap3A_1191 : i32 to index
    %swap3A_1193 = arith.constant 32 : index
    %swap3A_1194 = tpu.vector_load %arg6[%swap3A_1192, %swap3A_1193] {strides = array<i32>} : memref<20x128xi32, #tpu.memory_space<vmem>>, vector<16xi32>,
    tpu.vector_store %arg6[%swap3A_1192, %swap3A_1193], %gather3A_1190 {strides = array<i32>} : memref<20x128xi32, #tpu.memory_space<vmem>>, vector<16xi32>,
    %add3A_1195 = arith.constant 48 : i32
    %add3A_1196 = vector.broadcast %add3A_1195 : i32 to vector<16xi32>
    %add3A_1197 = arith.addi %add3A_1196, %iota3A : vector<16xi32>
    %gather3A_1198 = tpu.vector_load_idx %arg5[%add3A_1197, %broadcast_in_dim3A_1170] : memref<128x20xi32, #tpu.memory_space<vmem>>[vector<16xi32>, vector<16xi32>], vector<16xi32>,
    %swap3A_1199 = arith.constant 15 : i32
    %swap3A_1200 = arith.index_cast %swap3A_1199 : i32 to index
    %swap3A_1201 = arith.constant 48 : index
    %swap3A_1202 = tpu.vector_load %arg6[%swap3A_1200, %swap3A_1201] {strides = array<i32>} : memref<20x128xi32, #tpu.memory_space<vmem>>, vector<16xi32>,
    tpu.vector_store %arg6[%swap3A_1200, %swap3A_1201], %gather3A_1198 {strides = array<i32>} : memref<20x128xi32, #tpu.memory_space<vmem>>, vector<16xi32>,
    %add3A_1203 = arith.constant 64 : i32
    %add3A_1204 = vector.broadcast %add3A_1203 : i32 to vector<16xi32>
    %add3A_1205 = arith.addi %add3A_1204, %iota3A : vector<16xi32>
    %gather3A_1206 = tpu.vector_load_idx %arg5[%add3A_1205, %broadcast_in_dim3A_1170] : memref<128x20xi32, #tpu.memory_space<vmem>>[vector<16xi32>, vector<16xi32>], vector<16xi32>,
    %swap3A_1207 = arith.constant 15 : i32
    %swap3A_1208 = arith.index_cast %swap3A_1207 : i32 to index
    %swap3A_1209 = arith.constant 64 : index
    %swap3A_1210 = tpu.vector_load %arg6[%swap3A_1208, %swap3A_1209] {strides = array<i32>} : memref<20x128xi32, #tpu.memory_space<vmem>>, vector<16xi32>,
    tpu.vector_store %arg6[%swap3A_1208, %swap3A_1209], %gather3A_1206 {strides = array<i32>} : memref<20x128xi32, #tpu.memory_space<vmem>>, vector<16xi32>,
    %add3A_1211 = arith.constant 80 : i32
    %add3A_1212 = vector.broadcast %add3A_1211 : i32 to vector<16xi32>
    %add3A_1213 = arith.addi %add3A_1212, %iota3A : vector<16xi32>
    %gather3A_1214 = tpu.vector_load_idx %arg5[%add3A_1213, %broadcast_in_dim3A_1170] : memref<128x20xi32, #tpu.memory_space<vmem>>[vector<16xi32>, vector<16xi32>], vector<16xi32>,
    %swap3A_1215 = arith.constant 15 : i32
    %swap3A_1216 = arith.index_cast %swap3A_1215 : i32 to index
    %swap3A_1217 = arith.constant 80 : index
    %swap3A_1218 = tpu.vector_load %arg6[%swap3A_1216, %swap3A_1217] {strides = array<i32>} : memref<20x128xi32, #tpu.memory_space<vmem>>, vector<16xi32>,
    tpu.vector_store %arg6[%swap3A_1216, %swap3A_1217], %gather3A_1214 {strides = array<i32>} : memref<20x128xi32, #tpu.memory_space<vmem>>, vector<16xi32>,
    %add3A_1219 = arith.constant 96 : i32
    %add3A_1220 = vector.broadcast %add3A_1219 : i32 to vector<16xi32>
    %add3A_1221 = arith.addi %add3A_1220, %iota3A : vector<16xi32>
    %gather3A_1222 = tpu.vector_load_idx %arg5[%add3A_1221, %broadcast_in_dim3A_1170] : memref<128x20xi32, #tpu.memory_space<vmem>>[vector<16xi32>, vector<16xi32>], vector<16xi32>,
    %swap3A_1223 = arith.constant 15 : i32
    %swap3A_1224 = arith.index_cast %swap3A_1223 : i32 to index
    %swap3A_1225 = arith.constant 96 : index
    %swap3A_1226 = tpu.vector_load %arg6[%swap3A_1224, %swap3A_1225] {strides = array<i32>} : memref<20x128xi32, #tpu.memory_space<vmem>>, vector<16xi32>,
    tpu.vector_store %arg6[%swap3A_1224, %swap3A_1225], %gather3A_1222 {strides = array<i32>} : memref<20x128xi32, #tpu.memory_space<vmem>>, vector<16xi32>,
    %add3A_1227 = arith.constant 112 : i32
    %add3A_1228 = vector.broadcast %add3A_1227 : i32 to vector<16xi32>
    %add3A_1229 = arith.addi %add3A_1228, %iota3A : vector<16xi32>
    %gather3A_1230 = tpu.vector_load_idx %arg5[%add3A_1229, %broadcast_in_dim3A_1170] : memref<128x20xi32, #tpu.memory_space<vmem>>[vector<16xi32>, vector<16xi32>], vector<16xi32>,
    %swap3A_1231 = arith.constant 15 : i32
    %swap3A_1232 = arith.index_cast %swap3A_1231 : i32 to index
    %swap3A_1233 = arith.constant 112 : index
    %swap3A_1234 = tpu.vector_load %arg6[%swap3A_1232, %swap3A_1233] {strides = array<i32>} : memref<20x128xi32, #tpu.memory_space<vmem>>, vector<16xi32>,
    tpu.vector_store %arg6[%swap3A_1232, %swap3A_1233], %gather3A_1230 {strides = array<i32>} : memref<20x128xi32, #tpu.memory_space<vmem>>, vector<16xi32>,
    %dma_start3A_1235 = arith.constant 15 : i32
    %dma_start3A_1236 = arith.constant 15 : i32
    %dma_start3A_1237 = arith.constant 0 : i32
    %dma_start3A_1238 = arith.constant 0 : i32
    %dma_start3A_1239 = tpu.memref_slice %arg7[%dma_start3A_1236, %dma_start3A_1237, %dma_start3A_1238] : memref<20x128x32xf32, #tpu.memory_space<vmem>> -> memref<1x128x32xf32, #tpu.memory_space<vmem>>
    %dma_start3A_1240 = tpu.memref_squeeze %dma_start3A_1239 : memref<1x128x32xf32, #tpu.memory_space<vmem>> -> memref<128x32xf32, #tpu.memory_space<vmem>>
    %dma_start3A_1241 = arith.constant 0 : i32
    %dma_start3A_1242 = tpu.memref_slice %arg6[%dma_start3A_1235, %dma_start3A_1241] : memref<20x128xi32, #tpu.memory_space<vmem>> -> memref<1x128xi32, #tpu.memory_space<vmem>>
    %dma_start3A_1243 = tpu.memref_squeeze %dma_start3A_1242 : memref<1x128xi32, #tpu.memory_space<vmem>> -> memref<128xi32, #tpu.memory_space<vmem>>
    %dma_start3A_1244 = arith.constant 0 : i32
    %dma_start3A_1245 = arith.constant 0 : i32
    %dma_start3A_1246 = tpu.memref_slice %arg3[%dma_start3A_1244, %dma_start3A_1245] : memref<100000x32xf32, #tpu.memory_space<hbm>> -> memref<100000x32xf32, #tpu.memory_space<hbm>>
    tpu.enqueue_indirect_dma source(%dma_start3A_1246 : memref<100000x32xf32, #tpu.memory_space<hbm>>) target(%dma_start3A_1240 : memref<128x32xf32, #tpu.memory_space<vmem>>) offsets(%dma_start3A_1243 : memref<128xi32, #tpu.memory_space<vmem>>) semaphore(%arg9 : memref<!tpu.dma_semaphore, #tpu.memory_space<semaphore_mem>>)
    %broadcast_in_dim3A_1247 = arith.constant 16 : i32
    %broadcast_in_dim3A_1248 = vector.broadcast %broadcast_in_dim3A_1247 : i32 to vector<16xi32>
    %add3A_1249 = arith.constant 0 : i32
    %add3A_1250 = vector.broadcast %add3A_1249 : i32 to vector<16xi32>
    %add3A_1251 = arith.addi %add3A_1250, %iota3A : vector<16xi32>
    %gather3A_1252 = tpu.vector_load_idx %arg5[%add3A_1251, %broadcast_in_dim3A_1248] : memref<128x20xi32, #tpu.memory_space<vmem>>[vector<16xi32>, vector<16xi32>], vector<16xi32>,
    %swap3A_1253 = arith.constant 16 : i32
    %swap3A_1254 = arith.index_cast %swap3A_1253 : i32 to index
    %swap3A_1255 = arith.constant 0 : index
    %swap3A_1256 = tpu.vector_load %arg6[%swap3A_1254, %swap3A_1255] {strides = array<i32>} : memref<20x128xi32, #tpu.memory_space<vmem>>, vector<16xi32>,
    tpu.vector_store %arg6[%swap3A_1254, %swap3A_1255], %gather3A_1252 {strides = array<i32>} : memref<20x128xi32, #tpu.memory_space<vmem>>, vector<16xi32>,
    %add3A_1257 = arith.constant 16 : i32
    %add3A_1258 = vector.broadcast %add3A_1257 : i32 to vector<16xi32>
    %add3A_1259 = arith.addi %add3A_1258, %iota3A : vector<16xi32>
    %gather3A_1260 = tpu.vector_load_idx %arg5[%add3A_1259, %broadcast_in_dim3A_1248] : memref<128x20xi32, #tpu.memory_space<vmem>>[vector<16xi32>, vector<16xi32>], vector<16xi32>,
    %swap3A_1261 = arith.constant 16 : i32
    %swap3A_1262 = arith.index_cast %swap3A_1261 : i32 to index
    %swap3A_1263 = arith.constant 16 : index
    %swap3A_1264 = tpu.vector_load %arg6[%swap3A_1262, %swap3A_1263] {strides = array<i32>} : memref<20x128xi32, #tpu.memory_space<vmem>>, vector<16xi32>,
    tpu.vector_store %arg6[%swap3A_1262, %swap3A_1263], %gather3A_1260 {strides = array<i32>} : memref<20x128xi32, #tpu.memory_space<vmem>>, vector<16xi32>,
    %add3A_1265 = arith.constant 32 : i32
    %add3A_1266 = vector.broadcast %add3A_1265 : i32 to vector<16xi32>
    %add3A_1267 = arith.addi %add3A_1266, %iota3A : vector<16xi32>
    %gather3A_1268 = tpu.vector_load_idx %arg5[%add3A_1267, %broadcast_in_dim3A_1248] : memref<128x20xi32, #tpu.memory_space<vmem>>[vector<16xi32>, vector<16xi32>], vector<16xi32>,
    %swap3A_1269 = arith.constant 16 : i32
    %swap3A_1270 = arith.index_cast %swap3A_1269 : i32 to index
    %swap3A_1271 = arith.constant 32 : index
    %swap3A_1272 = tpu.vector_load %arg6[%swap3A_1270, %swap3A_1271] {strides = array<i32>} : memref<20x128xi32, #tpu.memory_space<vmem>>, vector<16xi32>,
    tpu.vector_store %arg6[%swap3A_1270, %swap3A_1271], %gather3A_1268 {strides = array<i32>} : memref<20x128xi32, #tpu.memory_space<vmem>>, vector<16xi32>,
    %add3A_1273 = arith.constant 48 : i32
    %add3A_1274 = vector.broadcast %add3A_1273 : i32 to vector<16xi32>
    %add3A_1275 = arith.addi %add3A_1274, %iota3A : vector<16xi32>
    %gather3A_1276 = tpu.vector_load_idx %arg5[%add3A_1275, %broadcast_in_dim3A_1248] : memref<128x20xi32, #tpu.memory_space<vmem>>[vector<16xi32>, vector<16xi32>], vector<16xi32>,
    %swap3A_1277 = arith.constant 16 : i32
    %swap3A_1278 = arith.index_cast %swap3A_1277 : i32 to index
    %swap3A_1279 = arith.constant 48 : index
    %swap3A_1280 = tpu.vector_load %arg6[%swap3A_1278, %swap3A_1279] {strides = array<i32>} : memref<20x128xi32, #tpu.memory_space<vmem>>, vector<16xi32>,
    tpu.vector_store %arg6[%swap3A_1278, %swap3A_1279], %gather3A_1276 {strides = array<i32>} : memref<20x128xi32, #tpu.memory_space<vmem>>, vector<16xi32>,
    %add3A_1281 = arith.constant 64 : i32
    %add3A_1282 = vector.broadcast %add3A_1281 : i32 to vector<16xi32>
    %add3A_1283 = arith.addi %add3A_1282, %iota3A : vector<16xi32>
    %gather3A_1284 = tpu.vector_load_idx %arg5[%add3A_1283, %broadcast_in_dim3A_1248] : memref<128x20xi32, #tpu.memory_space<vmem>>[vector<16xi32>, vector<16xi32>], vector<16xi32>,
    %swap3A_1285 = arith.constant 16 : i32
    %swap3A_1286 = arith.index_cast %swap3A_1285 : i32 to index
    %swap3A_1287 = arith.constant 64 : index
    %swap3A_1288 = tpu.vector_load %arg6[%swap3A_1286, %swap3A_1287] {strides = array<i32>} : memref<20x128xi32, #tpu.memory_space<vmem>>, vector<16xi32>,
    tpu.vector_store %arg6[%swap3A_1286, %swap3A_1287], %gather3A_1284 {strides = array<i32>} : memref<20x128xi32, #tpu.memory_space<vmem>>, vector<16xi32>,
    %add3A_1289 = arith.constant 80 : i32
    %add3A_1290 = vector.broadcast %add3A_1289 : i32 to vector<16xi32>
    %add3A_1291 = arith.addi %add3A_1290, %iota3A : vector<16xi32>
    %gather3A_1292 = tpu.vector_load_idx %arg5[%add3A_1291, %broadcast_in_dim3A_1248] : memref<128x20xi32, #tpu.memory_space<vmem>>[vector<16xi32>, vector<16xi32>], vector<16xi32>,
    %swap3A_1293 = arith.constant 16 : i32
    %swap3A_1294 = arith.index_cast %swap3A_1293 : i32 to index
    %swap3A_1295 = arith.constant 80 : index
    %swap3A_1296 = tpu.vector_load %arg6[%swap3A_1294, %swap3A_1295] {strides = array<i32>} : memref<20x128xi32, #tpu.memory_space<vmem>>, vector<16xi32>,
    tpu.vector_store %arg6[%swap3A_1294, %swap3A_1295], %gather3A_1292 {strides = array<i32>} : memref<20x128xi32, #tpu.memory_space<vmem>>, vector<16xi32>,
    %add3A_1297 = arith.constant 96 : i32
    %add3A_1298 = vector.broadcast %add3A_1297 : i32 to vector<16xi32>
    %add3A_1299 = arith.addi %add3A_1298, %iota3A : vector<16xi32>
    %gather3A_1300 = tpu.vector_load_idx %arg5[%add3A_1299, %broadcast_in_dim3A_1248] : memref<128x20xi32, #tpu.memory_space<vmem>>[vector<16xi32>, vector<16xi32>], vector<16xi32>,
    %swap3A_1301 = arith.constant 16 : i32
    %swap3A_1302 = arith.index_cast %swap3A_1301 : i32 to index
    %swap3A_1303 = arith.constant 96 : index
    %swap3A_1304 = tpu.vector_load %arg6[%swap3A_1302, %swap3A_1303] {strides = array<i32>} : memref<20x128xi32, #tpu.memory_space<vmem>>, vector<16xi32>,
    tpu.vector_store %arg6[%swap3A_1302, %swap3A_1303], %gather3A_1300 {strides = array<i32>} : memref<20x128xi32, #tpu.memory_space<vmem>>, vector<16xi32>,
    %add3A_1305 = arith.constant 112 : i32
    %add3A_1306 = vector.broadcast %add3A_1305 : i32 to vector<16xi32>
    %add3A_1307 = arith.addi %add3A_1306, %iota3A : vector<16xi32>
    %gather3A_1308 = tpu.vector_load_idx %arg5[%add3A_1307, %broadcast_in_dim3A_1248] : memref<128x20xi32, #tpu.memory_space<vmem>>[vector<16xi32>, vector<16xi32>], vector<16xi32>,
    %swap3A_1309 = arith.constant 16 : i32
    %swap3A_1310 = arith.index_cast %swap3A_1309 : i32 to index
    %swap3A_1311 = arith.constant 112 : index
    %swap3A_1312 = tpu.vector_load %arg6[%swap3A_1310, %swap3A_1311] {strides = array<i32>} : memref<20x128xi32, #tpu.memory_space<vmem>>, vector<16xi32>,
    tpu.vector_store %arg6[%swap3A_1310, %swap3A_1311], %gather3A_1308 {strides = array<i32>} : memref<20x128xi32, #tpu.memory_space<vmem>>, vector<16xi32>,
    %dma_start3A_1313 = arith.constant 16 : i32
    %dma_start3A_1314 = arith.constant 16 : i32
    %dma_start3A_1315 = arith.constant 0 : i32
    %dma_start3A_1316 = arith.constant 0 : i32
    %dma_start3A_1317 = tpu.memref_slice %arg7[%dma_start3A_1314, %dma_start3A_1315, %dma_start3A_1316] : memref<20x128x32xf32, #tpu.memory_space<vmem>> -> memref<1x128x32xf32, #tpu.memory_space<vmem>>
    %dma_start3A_1318 = tpu.memref_squeeze %dma_start3A_1317 : memref<1x128x32xf32, #tpu.memory_space<vmem>> -> memref<128x32xf32, #tpu.memory_space<vmem>>
    %dma_start3A_1319 = arith.constant 0 : i32
    %dma_start3A_1320 = tpu.memref_slice %arg6[%dma_start3A_1313, %dma_start3A_1319] : memref<20x128xi32, #tpu.memory_space<vmem>> -> memref<1x128xi32, #tpu.memory_space<vmem>>
    %dma_start3A_1321 = tpu.memref_squeeze %dma_start3A_1320 : memref<1x128xi32, #tpu.memory_space<vmem>> -> memref<128xi32, #tpu.memory_space<vmem>>
    %dma_start3A_1322 = arith.constant 0 : i32
    %dma_start3A_1323 = arith.constant 0 : i32
    %dma_start3A_1324 = tpu.memref_slice %arg3[%dma_start3A_1322, %dma_start3A_1323] : memref<100000x32xf32, #tpu.memory_space<hbm>> -> memref<100000x32xf32, #tpu.memory_space<hbm>>
    tpu.enqueue_indirect_dma source(%dma_start3A_1324 : memref<100000x32xf32, #tpu.memory_space<hbm>>) target(%dma_start3A_1318 : memref<128x32xf32, #tpu.memory_space<vmem>>) offsets(%dma_start3A_1321 : memref<128xi32, #tpu.memory_space<vmem>>) semaphore(%arg9 : memref<!tpu.dma_semaphore, #tpu.memory_space<semaphore_mem>>)
    %broadcast_in_dim3A_1325 = arith.constant 17 : i32
    %broadcast_in_dim3A_1326 = vector.broadcast %broadcast_in_dim3A_1325 : i32 to vector<16xi32>
    %add3A_1327 = arith.constant 0 : i32
    %add3A_1328 = vector.broadcast %add3A_1327 : i32 to vector<16xi32>
    %add3A_1329 = arith.addi %add3A_1328, %iota3A : vector<16xi32>
    %gather3A_1330 = tpu.vector_load_idx %arg5[%add3A_1329, %broadcast_in_dim3A_1326] : memref<128x20xi32, #tpu.memory_space<vmem>>[vector<16xi32>, vector<16xi32>], vector<16xi32>,
    %swap3A_1331 = arith.constant 17 : i32
    %swap3A_1332 = arith.index_cast %swap3A_1331 : i32 to index
    %swap3A_1333 = arith.constant 0 : index
    %swap3A_1334 = tpu.vector_load %arg6[%swap3A_1332, %swap3A_1333] {strides = array<i32>} : memref<20x128xi32, #tpu.memory_space<vmem>>, vector<16xi32>,
    tpu.vector_store %arg6[%swap3A_1332, %swap3A_1333], %gather3A_1330 {strides = array<i32>} : memref<20x128xi32, #tpu.memory_space<vmem>>, vector<16xi32>,
    %add3A_1335 = arith.constant 16 : i32
    %add3A_1336 = vector.broadcast %add3A_1335 : i32 to vector<16xi32>
    %add3A_1337 = arith.addi %add3A_1336, %iota3A : vector<16xi32>
    %gather3A_1338 = tpu.vector_load_idx %arg5[%add3A_1337, %broadcast_in_dim3A_1326] : memref<128x20xi32, #tpu.memory_space<vmem>>[vector<16xi32>, vector<16xi32>], vector<16xi32>,
    %swap3A_1339 = arith.constant 17 : i32
    %swap3A_1340 = arith.index_cast %swap3A_1339 : i32 to index
    %swap3A_1341 = arith.constant 16 : index
    %swap3A_1342 = tpu.vector_load %arg6[%swap3A_1340, %swap3A_1341] {strides = array<i32>} : memref<20x128xi32, #tpu.memory_space<vmem>>, vector<16xi32>,
    tpu.vector_store %arg6[%swap3A_1340, %swap3A_1341], %gather3A_1338 {strides = array<i32>} : memref<20x128xi32, #tpu.memory_space<vmem>>, vector<16xi32>,
    %add3A_1343 = arith.constant 32 : i32
    %add3A_1344 = vector.broadcast %add3A_1343 : i32 to vector<16xi32>
    %add3A_1345 = arith.addi %add3A_1344, %iota3A : vector<16xi32>
    %gather3A_1346 = tpu.vector_load_idx %arg5[%add3A_1345, %broadcast_in_dim3A_1326] : memref<128x20xi32, #tpu.memory_space<vmem>>[vector<16xi32>, vector<16xi32>], vector<16xi32>,
    %swap3A_1347 = arith.constant 17 : i32
    %swap3A_1348 = arith.index_cast %swap3A_1347 : i32 to index
    %swap3A_1349 = arith.constant 32 : index
    %swap3A_1350 = tpu.vector_load %arg6[%swap3A_1348, %swap3A_1349] {strides = array<i32>} : memref<20x128xi32, #tpu.memory_space<vmem>>, vector<16xi32>,
    tpu.vector_store %arg6[%swap3A_1348, %swap3A_1349], %gather3A_1346 {strides = array<i32>} : memref<20x128xi32, #tpu.memory_space<vmem>>, vector<16xi32>,
    %add3A_1351 = arith.constant 48 : i32
    %add3A_1352 = vector.broadcast %add3A_1351 : i32 to vector<16xi32>
    %add3A_1353 = arith.addi %add3A_1352, %iota3A : vector<16xi32>
    %gather3A_1354 = tpu.vector_load_idx %arg5[%add3A_1353, %broadcast_in_dim3A_1326] : memref<128x20xi32, #tpu.memory_space<vmem>>[vector<16xi32>, vector<16xi32>], vector<16xi32>,
    %swap3A_1355 = arith.constant 17 : i32
    %swap3A_1356 = arith.index_cast %swap3A_1355 : i32 to index
    %swap3A_1357 = arith.constant 48 : index
    %swap3A_1358 = tpu.vector_load %arg6[%swap3A_1356, %swap3A_1357] {strides = array<i32>} : memref<20x128xi32, #tpu.memory_space<vmem>>, vector<16xi32>,
    tpu.vector_store %arg6[%swap3A_1356, %swap3A_1357], %gather3A_1354 {strides = array<i32>} : memref<20x128xi32, #tpu.memory_space<vmem>>, vector<16xi32>,
    %add3A_1359 = arith.constant 64 : i32
    %add3A_1360 = vector.broadcast %add3A_1359 : i32 to vector<16xi32>
    %add3A_1361 = arith.addi %add3A_1360, %iota3A : vector<16xi32>
    %gather3A_1362 = tpu.vector_load_idx %arg5[%add3A_1361, %broadcast_in_dim3A_1326] : memref<128x20xi32, #tpu.memory_space<vmem>>[vector<16xi32>, vector<16xi32>], vector<16xi32>,
    %swap3A_1363 = arith.constant 17 : i32
    %swap3A_1364 = arith.index_cast %swap3A_1363 : i32 to index
    %swap3A_1365 = arith.constant 64 : index
    %swap3A_1366 = tpu.vector_load %arg6[%swap3A_1364, %swap3A_1365] {strides = array<i32>} : memref<20x128xi32, #tpu.memory_space<vmem>>, vector<16xi32>,
    tpu.vector_store %arg6[%swap3A_1364, %swap3A_1365], %gather3A_1362 {strides = array<i32>} : memref<20x128xi32, #tpu.memory_space<vmem>>, vector<16xi32>,
    %add3A_1367 = arith.constant 80 : i32
    %add3A_1368 = vector.broadcast %add3A_1367 : i32 to vector<16xi32>
    %add3A_1369 = arith.addi %add3A_1368, %iota3A : vector<16xi32>
    %gather3A_1370 = tpu.vector_load_idx %arg5[%add3A_1369, %broadcast_in_dim3A_1326] : memref<128x20xi32, #tpu.memory_space<vmem>>[vector<16xi32>, vector<16xi32>], vector<16xi32>,
    %swap3A_1371 = arith.constant 17 : i32
    %swap3A_1372 = arith.index_cast %swap3A_1371 : i32 to index
    %swap3A_1373 = arith.constant 80 : index
    %swap3A_1374 = tpu.vector_load %arg6[%swap3A_1372, %swap3A_1373] {strides = array<i32>} : memref<20x128xi32, #tpu.memory_space<vmem>>, vector<16xi32>,
    tpu.vector_store %arg6[%swap3A_1372, %swap3A_1373], %gather3A_1370 {strides = array<i32>} : memref<20x128xi32, #tpu.memory_space<vmem>>, vector<16xi32>,
    %add3A_1375 = arith.constant 96 : i32
    %add3A_1376 = vector.broadcast %add3A_1375 : i32 to vector<16xi32>
    %add3A_1377 = arith.addi %add3A_1376, %iota3A : vector<16xi32>
    %gather3A_1378 = tpu.vector_load_idx %arg5[%add3A_1377, %broadcast_in_dim3A_1326] : memref<128x20xi32, #tpu.memory_space<vmem>>[vector<16xi32>, vector<16xi32>], vector<16xi32>,
    %swap3A_1379 = arith.constant 17 : i32
    %swap3A_1380 = arith.index_cast %swap3A_1379 : i32 to index
    %swap3A_1381 = arith.constant 96 : index
    %swap3A_1382 = tpu.vector_load %arg6[%swap3A_1380, %swap3A_1381] {strides = array<i32>} : memref<20x128xi32, #tpu.memory_space<vmem>>, vector<16xi32>,
    tpu.vector_store %arg6[%swap3A_1380, %swap3A_1381], %gather3A_1378 {strides = array<i32>} : memref<20x128xi32, #tpu.memory_space<vmem>>, vector<16xi32>,
    %add3A_1383 = arith.constant 112 : i32
    %add3A_1384 = vector.broadcast %add3A_1383 : i32 to vector<16xi32>
    %add3A_1385 = arith.addi %add3A_1384, %iota3A : vector<16xi32>
    %gather3A_1386 = tpu.vector_load_idx %arg5[%add3A_1385, %broadcast_in_dim3A_1326] : memref<128x20xi32, #tpu.memory_space<vmem>>[vector<16xi32>, vector<16xi32>], vector<16xi32>,
    %swap3A_1387 = arith.constant 17 : i32
    %swap3A_1388 = arith.index_cast %swap3A_1387 : i32 to index
    %swap3A_1389 = arith.constant 112 : index
    %swap3A_1390 = tpu.vector_load %arg6[%swap3A_1388, %swap3A_1389] {strides = array<i32>} : memref<20x128xi32, #tpu.memory_space<vmem>>, vector<16xi32>,
    tpu.vector_store %arg6[%swap3A_1388, %swap3A_1389], %gather3A_1386 {strides = array<i32>} : memref<20x128xi32, #tpu.memory_space<vmem>>, vector<16xi32>,
    %dma_start3A_1391 = arith.constant 17 : i32
    %dma_start3A_1392 = arith.constant 17 : i32
    %dma_start3A_1393 = arith.constant 0 : i32
    %dma_start3A_1394 = arith.constant 0 : i32
    %dma_start3A_1395 = tpu.memref_slice %arg7[%dma_start3A_1392, %dma_start3A_1393, %dma_start3A_1394] : memref<20x128x32xf32, #tpu.memory_space<vmem>> -> memref<1x128x32xf32, #tpu.memory_space<vmem>>
    %dma_start3A_1396 = tpu.memref_squeeze %dma_start3A_1395 : memref<1x128x32xf32, #tpu.memory_space<vmem>> -> memref<128x32xf32, #tpu.memory_space<vmem>>
    %dma_start3A_1397 = arith.constant 0 : i32
    %dma_start3A_1398 = tpu.memref_slice %arg6[%dma_start3A_1391, %dma_start3A_1397] : memref<20x128xi32, #tpu.memory_space<vmem>> -> memref<1x128xi32, #tpu.memory_space<vmem>>
    %dma_start3A_1399 = tpu.memref_squeeze %dma_start3A_1398 : memref<1x128xi32, #tpu.memory_space<vmem>> -> memref<128xi32, #tpu.memory_space<vmem>>
    %dma_start3A_1400 = arith.constant 0 : i32
    %dma_start3A_1401 = arith.constant 0 : i32
    %dma_start3A_1402 = tpu.memref_slice %arg3[%dma_start3A_1400, %dma_start3A_1401] : memref<100000x32xf32, #tpu.memory_space<hbm>> -> memref<100000x32xf32, #tpu.memory_space<hbm>>
    tpu.enqueue_indirect_dma source(%dma_start3A_1402 : memref<100000x32xf32, #tpu.memory_space<hbm>>) target(%dma_start3A_1396 : memref<128x32xf32, #tpu.memory_space<vmem>>) offsets(%dma_start3A_1399 : memref<128xi32, #tpu.memory_space<vmem>>) semaphore(%arg9 : memref<!tpu.dma_semaphore, #tpu.memory_space<semaphore_mem>>)
    %broadcast_in_dim3A_1403 = arith.constant 18 : i32
    %broadcast_in_dim3A_1404 = vector.broadcast %broadcast_in_dim3A_1403 : i32 to vector<16xi32>
    %add3A_1405 = arith.constant 0 : i32
    %add3A_1406 = vector.broadcast %add3A_1405 : i32 to vector<16xi32>
    %add3A_1407 = arith.addi %add3A_1406, %iota3A : vector<16xi32>
    %gather3A_1408 = tpu.vector_load_idx %arg5[%add3A_1407, %broadcast_in_dim3A_1404] : memref<128x20xi32, #tpu.memory_space<vmem>>[vector<16xi32>, vector<16xi32>], vector<16xi32>,
    %swap3A_1409 = arith.constant 18 : i32
    %swap3A_1410 = arith.index_cast %swap3A_1409 : i32 to index
    %swap3A_1411 = arith.constant 0 : index
    %swap3A_1412 = tpu.vector_load %arg6[%swap3A_1410, %swap3A_1411] {strides = array<i32>} : memref<20x128xi32, #tpu.memory_space<vmem>>, vector<16xi32>,
    tpu.vector_store %arg6[%swap3A_1410, %swap3A_1411], %gather3A_1408 {strides = array<i32>} : memref<20x128xi32, #tpu.memory_space<vmem>>, vector<16xi32>,
    %add3A_1413 = arith.constant 16 : i32
    %add3A_1414 = vector.broadcast %add3A_1413 : i32 to vector<16xi32>
    %add3A_1415 = arith.addi %add3A_1414, %iota3A : vector<16xi32>
    %gather3A_1416 = tpu.vector_load_idx %arg5[%add3A_1415, %broadcast_in_dim3A_1404] : memref<128x20xi32, #tpu.memory_space<vmem>>[vector<16xi32>, vector<16xi32>], vector<16xi32>,
    %swap3A_1417 = arith.constant 18 : i32
    %swap3A_1418 = arith.index_cast %swap3A_1417 : i32 to index
    %swap3A_1419 = arith.constant 16 : index
    %swap3A_1420 = tpu.vector_load %arg6[%swap3A_1418, %swap3A_1419] {strides = array<i32>} : memref<20x128xi32, #tpu.memory_space<vmem>>, vector<16xi32>,
    tpu.vector_store %arg6[%swap3A_1418, %swap3A_1419], %gather3A_1416 {strides = array<i32>} : memref<20x128xi32, #tpu.memory_space<vmem>>, vector<16xi32>,
    %add3A_1421 = arith.constant 32 : i32
    %add3A_1422 = vector.broadcast %add3A_1421 : i32 to vector<16xi32>
    %add3A_1423 = arith.addi %add3A_1422, %iota3A : vector<16xi32>
    %gather3A_1424 = tpu.vector_load_idx %arg5[%add3A_1423, %broadcast_in_dim3A_1404] : memref<128x20xi32, #tpu.memory_space<vmem>>[vector<16xi32>, vector<16xi32>], vector<16xi32>,
    %swap3A_1425 = arith.constant 18 : i32
    %swap3A_1426 = arith.index_cast %swap3A_1425 : i32 to index
    %swap3A_1427 = arith.constant 32 : index
    %swap3A_1428 = tpu.vector_load %arg6[%swap3A_1426, %swap3A_1427] {strides = array<i32>} : memref<20x128xi32, #tpu.memory_space<vmem>>, vector<16xi32>,
    tpu.vector_store %arg6[%swap3A_1426, %swap3A_1427], %gather3A_1424 {strides = array<i32>} : memref<20x128xi32, #tpu.memory_space<vmem>>, vector<16xi32>,
    %add3A_1429 = arith.constant 48 : i32
    %add3A_1430 = vector.broadcast %add3A_1429 : i32 to vector<16xi32>
    %add3A_1431 = arith.addi %add3A_1430, %iota3A : vector<16xi32>
    %gather3A_1432 = tpu.vector_load_idx %arg5[%add3A_1431, %broadcast_in_dim3A_1404] : memref<128x20xi32, #tpu.memory_space<vmem>>[vector<16xi32>, vector<16xi32>], vector<16xi32>,
    %swap3A_1433 = arith.constant 18 : i32
    %swap3A_1434 = arith.index_cast %swap3A_1433 : i32 to index
    %swap3A_1435 = arith.constant 48 : index
    %swap3A_1436 = tpu.vector_load %arg6[%swap3A_1434, %swap3A_1435] {strides = array<i32>} : memref<20x128xi32, #tpu.memory_space<vmem>>, vector<16xi32>,
    tpu.vector_store %arg6[%swap3A_1434, %swap3A_1435], %gather3A_1432 {strides = array<i32>} : memref<20x128xi32, #tpu.memory_space<vmem>>, vector<16xi32>,
    %add3A_1437 = arith.constant 64 : i32
    %add3A_1438 = vector.broadcast %add3A_1437 : i32 to vector<16xi32>
    %add3A_1439 = arith.addi %add3A_1438, %iota3A : vector<16xi32>
    %gather3A_1440 = tpu.vector_load_idx %arg5[%add3A_1439, %broadcast_in_dim3A_1404] : memref<128x20xi32, #tpu.memory_space<vmem>>[vector<16xi32>, vector<16xi32>], vector<16xi32>,
    %swap3A_1441 = arith.constant 18 : i32
    %swap3A_1442 = arith.index_cast %swap3A_1441 : i32 to index
    %swap3A_1443 = arith.constant 64 : index
    %swap3A_1444 = tpu.vector_load %arg6[%swap3A_1442, %swap3A_1443] {strides = array<i32>} : memref<20x128xi32, #tpu.memory_space<vmem>>, vector<16xi32>,
    tpu.vector_store %arg6[%swap3A_1442, %swap3A_1443], %gather3A_1440 {strides = array<i32>} : memref<20x128xi32, #tpu.memory_space<vmem>>, vector<16xi32>,
    %add3A_1445 = arith.constant 80 : i32
    %add3A_1446 = vector.broadcast %add3A_1445 : i32 to vector<16xi32>
    %add3A_1447 = arith.addi %add3A_1446, %iota3A : vector<16xi32>
    %gather3A_1448 = tpu.vector_load_idx %arg5[%add3A_1447, %broadcast_in_dim3A_1404] : memref<128x20xi32, #tpu.memory_space<vmem>>[vector<16xi32>, vector<16xi32>], vector<16xi32>,
    %swap3A_1449 = arith.constant 18 : i32
    %swap3A_1450 = arith.index_cast %swap3A_1449 : i32 to index
    %swap3A_1451 = arith.constant 80 : index
    %swap3A_1452 = tpu.vector_load %arg6[%swap3A_1450, %swap3A_1451] {strides = array<i32>} : memref<20x128xi32, #tpu.memory_space<vmem>>, vector<16xi32>,
    tpu.vector_store %arg6[%swap3A_1450, %swap3A_1451], %gather3A_1448 {strides = array<i32>} : memref<20x128xi32, #tpu.memory_space<vmem>>, vector<16xi32>,
    %add3A_1453 = arith.constant 96 : i32
    %add3A_1454 = vector.broadcast %add3A_1453 : i32 to vector<16xi32>
    %add3A_1455 = arith.addi %add3A_1454, %iota3A : vector<16xi32>
    %gather3A_1456 = tpu.vector_load_idx %arg5[%add3A_1455, %broadcast_in_dim3A_1404] : memref<128x20xi32, #tpu.memory_space<vmem>>[vector<16xi32>, vector<16xi32>], vector<16xi32>,
    %swap3A_1457 = arith.constant 18 : i32
    %swap3A_1458 = arith.index_cast %swap3A_1457 : i32 to index
    %swap3A_1459 = arith.constant 96 : index
    %swap3A_1460 = tpu.vector_load %arg6[%swap3A_1458, %swap3A_1459] {strides = array<i32>} : memref<20x128xi32, #tpu.memory_space<vmem>>, vector<16xi32>,
    tpu.vector_store %arg6[%swap3A_1458, %swap3A_1459], %gather3A_1456 {strides = array<i32>} : memref<20x128xi32, #tpu.memory_space<vmem>>, vector<16xi32>,
    %add3A_1461 = arith.constant 112 : i32
    %add3A_1462 = vector.broadcast %add3A_1461 : i32 to vector<16xi32>
    %add3A_1463 = arith.addi %add3A_1462, %iota3A : vector<16xi32>
    %gather3A_1464 = tpu.vector_load_idx %arg5[%add3A_1463, %broadcast_in_dim3A_1404] : memref<128x20xi32, #tpu.memory_space<vmem>>[vector<16xi32>, vector<16xi32>], vector<16xi32>,
    %swap3A_1465 = arith.constant 18 : i32
    %swap3A_1466 = arith.index_cast %swap3A_1465 : i32 to index
    %swap3A_1467 = arith.constant 112 : index
    %swap3A_1468 = tpu.vector_load %arg6[%swap3A_1466, %swap3A_1467] {strides = array<i32>} : memref<20x128xi32, #tpu.memory_space<vmem>>, vector<16xi32>,
    tpu.vector_store %arg6[%swap3A_1466, %swap3A_1467], %gather3A_1464 {strides = array<i32>} : memref<20x128xi32, #tpu.memory_space<vmem>>, vector<16xi32>,
    %dma_start3A_1469 = arith.constant 18 : i32
    %dma_start3A_1470 = arith.constant 18 : i32
    %dma_start3A_1471 = arith.constant 0 : i32
    %dma_start3A_1472 = arith.constant 0 : i32
    %dma_start3A_1473 = tpu.memref_slice %arg7[%dma_start3A_1470, %dma_start3A_1471, %dma_start3A_1472] : memref<20x128x32xf32, #tpu.memory_space<vmem>> -> memref<1x128x32xf32, #tpu.memory_space<vmem>>
    %dma_start3A_1474 = tpu.memref_squeeze %dma_start3A_1473 : memref<1x128x32xf32, #tpu.memory_space<vmem>> -> memref<128x32xf32, #tpu.memory_space<vmem>>
    %dma_start3A_1475 = arith.constant 0 : i32
    %dma_start3A_1476 = tpu.memref_slice %arg6[%dma_start3A_1469, %dma_start3A_1475] : memref<20x128xi32, #tpu.memory_space<vmem>> -> memref<1x128xi32, #tpu.memory_space<vmem>>
    %dma_start3A_1477 = tpu.memref_squeeze %dma_start3A_1476 : memref<1x128xi32, #tpu.memory_space<vmem>> -> memref<128xi32, #tpu.memory_space<vmem>>
    %dma_start3A_1478 = arith.constant 0 : i32
    %dma_start3A_1479 = arith.constant 0 : i32
    %dma_start3A_1480 = tpu.memref_slice %arg3[%dma_start3A_1478, %dma_start3A_1479] : memref<100000x32xf32, #tpu.memory_space<hbm>> -> memref<100000x32xf32, #tpu.memory_space<hbm>>
    tpu.enqueue_indirect_dma source(%dma_start3A_1480 : memref<100000x32xf32, #tpu.memory_space<hbm>>) target(%dma_start3A_1474 : memref<128x32xf32, #tpu.memory_space<vmem>>) offsets(%dma_start3A_1477 : memref<128xi32, #tpu.memory_space<vmem>>) semaphore(%arg9 : memref<!tpu.dma_semaphore, #tpu.memory_space<semaphore_mem>>)
    %broadcast_in_dim3A_1481 = arith.constant 19 : i32
    %broadcast_in_dim3A_1482 = vector.broadcast %broadcast_in_dim3A_1481 : i32 to vector<16xi32>
    %add3A_1483 = arith.constant 0 : i32
    %add3A_1484 = vector.broadcast %add3A_1483 : i32 to vector<16xi32>
    %add3A_1485 = arith.addi %add3A_1484, %iota3A : vector<16xi32>
    %gather3A_1486 = tpu.vector_load_idx %arg5[%add3A_1485, %broadcast_in_dim3A_1482] : memref<128x20xi32, #tpu.memory_space<vmem>>[vector<16xi32>, vector<16xi32>], vector<16xi32>,
    %swap3A_1487 = arith.constant 19 : i32
    %swap3A_1488 = arith.index_cast %swap3A_1487 : i32 to index
    %swap3A_1489 = arith.constant 0 : index
    %swap3A_1490 = tpu.vector_load %arg6[%swap3A_1488, %swap3A_1489] {strides = array<i32>} : memref<20x128xi32, #tpu.memory_space<vmem>>, vector<16xi32>,
    tpu.vector_store %arg6[%swap3A_1488, %swap3A_1489], %gather3A_1486 {strides = array<i32>} : memref<20x128xi32, #tpu.memory_space<vmem>>, vector<16xi32>,
    %add3A_1491 = arith.constant 16 : i32
    %add3A_1492 = vector.broadcast %add3A_1491 : i32 to vector<16xi32>
    %add3A_1493 = arith.addi %add3A_1492, %iota3A : vector<16xi32>
    %gather3A_1494 = tpu.vector_load_idx %arg5[%add3A_1493, %broadcast_in_dim3A_1482] : memref<128x20xi32, #tpu.memory_space<vmem>>[vector<16xi32>, vector<16xi32>], vector<16xi32>,
    %swap3A_1495 = arith.constant 19 : i32
    %swap3A_1496 = arith.index_cast %swap3A_1495 : i32 to index
    %swap3A_1497 = arith.constant 16 : index
    %swap3A_1498 = tpu.vector_load %arg6[%swap3A_1496, %swap3A_1497] {strides = array<i32>} : memref<20x128xi32, #tpu.memory_space<vmem>>, vector<16xi32>,
    tpu.vector_store %arg6[%swap3A_1496, %swap3A_1497], %gather3A_1494 {strides = array<i32>} : memref<20x128xi32, #tpu.memory_space<vmem>>, vector<16xi32>,
    %add3A_1499 = arith.constant 32 : i32
    %add3A_1500 = vector.broadcast %add3A_1499 : i32 to vector<16xi32>
    %add3A_1501 = arith.addi %add3A_1500, %iota3A : vector<16xi32>
    %gather3A_1502 = tpu.vector_load_idx %arg5[%add3A_1501, %broadcast_in_dim3A_1482] : memref<128x20xi32, #tpu.memory_space<vmem>>[vector<16xi32>, vector<16xi32>], vector<16xi32>,
    %swap3A_1503 = arith.constant 19 : i32
    %swap3A_1504 = arith.index_cast %swap3A_1503 : i32 to index
    %swap3A_1505 = arith.constant 32 : index
    %swap3A_1506 = tpu.vector_load %arg6[%swap3A_1504, %swap3A_1505] {strides = array<i32>} : memref<20x128xi32, #tpu.memory_space<vmem>>, vector<16xi32>,
    tpu.vector_store %arg6[%swap3A_1504, %swap3A_1505], %gather3A_1502 {strides = array<i32>} : memref<20x128xi32, #tpu.memory_space<vmem>>, vector<16xi32>,
    %add3A_1507 = arith.constant 48 : i32
    %add3A_1508 = vector.broadcast %add3A_1507 : i32 to vector<16xi32>
    %add3A_1509 = arith.addi %add3A_1508, %iota3A : vector<16xi32>
    %gather3A_1510 = tpu.vector_load_idx %arg5[%add3A_1509, %broadcast_in_dim3A_1482] : memref<128x20xi32, #tpu.memory_space<vmem>>[vector<16xi32>, vector<16xi32>], vector<16xi32>,
    %swap3A_1511 = arith.constant 19 : i32
    %swap3A_1512 = arith.index_cast %swap3A_1511 : i32 to index
    %swap3A_1513 = arith.constant 48 : index
    %swap3A_1514 = tpu.vector_load %arg6[%swap3A_1512, %swap3A_1513] {strides = array<i32>} : memref<20x128xi32, #tpu.memory_space<vmem>>, vector<16xi32>,
    tpu.vector_store %arg6[%swap3A_1512, %swap3A_1513], %gather3A_1510 {strides = array<i32>} : memref<20x128xi32, #tpu.memory_space<vmem>>, vector<16xi32>,
    %add3A_1515 = arith.constant 64 : i32
    %add3A_1516 = vector.broadcast %add3A_1515 : i32 to vector<16xi32>
    %add3A_1517 = arith.addi %add3A_1516, %iota3A : vector<16xi32>
    %gather3A_1518 = tpu.vector_load_idx %arg5[%add3A_1517, %broadcast_in_dim3A_1482] : memref<128x20xi32, #tpu.memory_space<vmem>>[vector<16xi32>, vector<16xi32>], vector<16xi32>,
    %swap3A_1519 = arith.constant 19 : i32
    %swap3A_1520 = arith.index_cast %swap3A_1519 : i32 to index
    %swap3A_1521 = arith.constant 64 : index
    %swap3A_1522 = tpu.vector_load %arg6[%swap3A_1520, %swap3A_1521] {strides = array<i32>} : memref<20x128xi32, #tpu.memory_space<vmem>>, vector<16xi32>,
    tpu.vector_store %arg6[%swap3A_1520, %swap3A_1521], %gather3A_1518 {strides = array<i32>} : memref<20x128xi32, #tpu.memory_space<vmem>>, vector<16xi32>,
    %add3A_1523 = arith.constant 80 : i32
    %add3A_1524 = vector.broadcast %add3A_1523 : i32 to vector<16xi32>
    %add3A_1525 = arith.addi %add3A_1524, %iota3A : vector<16xi32>
    %gather3A_1526 = tpu.vector_load_idx %arg5[%add3A_1525, %broadcast_in_dim3A_1482] : memref<128x20xi32, #tpu.memory_space<vmem>>[vector<16xi32>, vector<16xi32>], vector<16xi32>,
    %swap3A_1527 = arith.constant 19 : i32
    %swap3A_1528 = arith.index_cast %swap3A_1527 : i32 to index
    %swap3A_1529 = arith.constant 80 : index
    %swap3A_1530 = tpu.vector_load %arg6[%swap3A_1528, %swap3A_1529] {strides = array<i32>} : memref<20x128xi32, #tpu.memory_space<vmem>>, vector<16xi32>,
    tpu.vector_store %arg6[%swap3A_1528, %swap3A_1529], %gather3A_1526 {strides = array<i32>} : memref<20x128xi32, #tpu.memory_space<vmem>>, vector<16xi32>,
    %add3A_1531 = arith.constant 96 : i32
    %add3A_1532 = vector.broadcast %add3A_1531 : i32 to vector<16xi32>
    %add3A_1533 = arith.addi %add3A_1532, %iota3A : vector<16xi32>
    %gather3A_1534 = tpu.vector_load_idx %arg5[%add3A_1533, %broadcast_in_dim3A_1482] : memref<128x20xi32, #tpu.memory_space<vmem>>[vector<16xi32>, vector<16xi32>], vector<16xi32>,
    %swap3A_1535 = arith.constant 19 : i32
    %swap3A_1536 = arith.index_cast %swap3A_1535 : i32 to index
    %swap3A_1537 = arith.constant 96 : index
    %swap3A_1538 = tpu.vector_load %arg6[%swap3A_1536, %swap3A_1537] {strides = array<i32>} : memref<20x128xi32, #tpu.memory_space<vmem>>, vector<16xi32>,
    tpu.vector_store %arg6[%swap3A_1536, %swap3A_1537], %gather3A_1534 {strides = array<i32>} : memref<20x128xi32, #tpu.memory_space<vmem>>, vector<16xi32>,
    %add3A_1539 = arith.constant 112 : i32
    %add3A_1540 = vector.broadcast %add3A_1539 : i32 to vector<16xi32>
    %add3A_1541 = arith.addi %add3A_1540, %iota3A : vector<16xi32>
    %gather3A_1542 = tpu.vector_load_idx %arg5[%add3A_1541, %broadcast_in_dim3A_1482] : memref<128x20xi32, #tpu.memory_space<vmem>>[vector<16xi32>, vector<16xi32>], vector<16xi32>,
    %swap3A_1543 = arith.constant 19 : i32
    %swap3A_1544 = arith.index_cast %swap3A_1543 : i32 to index
    %swap3A_1545 = arith.constant 112 : index
    %swap3A_1546 = tpu.vector_load %arg6[%swap3A_1544, %swap3A_1545] {strides = array<i32>} : memref<20x128xi32, #tpu.memory_space<vmem>>, vector<16xi32>,
    tpu.vector_store %arg6[%swap3A_1544, %swap3A_1545], %gather3A_1542 {strides = array<i32>} : memref<20x128xi32, #tpu.memory_space<vmem>>, vector<16xi32>,
    %dma_start3A_1547 = arith.constant 19 : i32
    %dma_start3A_1548 = arith.constant 19 : i32
    %dma_start3A_1549 = arith.constant 0 : i32
    %dma_start3A_1550 = arith.constant 0 : i32
    %dma_start3A_1551 = tpu.memref_slice %arg7[%dma_start3A_1548, %dma_start3A_1549, %dma_start3A_1550] : memref<20x128x32xf32, #tpu.memory_space<vmem>> -> memref<1x128x32xf32, #tpu.memory_space<vmem>>
    %dma_start3A_1552 = tpu.memref_squeeze %dma_start3A_1551 : memref<1x128x32xf32, #tpu.memory_space<vmem>> -> memref<128x32xf32, #tpu.memory_space<vmem>>
    %dma_start3A_1553 = arith.constant 0 : i32
    %dma_start3A_1554 = tpu.memref_slice %arg6[%dma_start3A_1547, %dma_start3A_1553] : memref<20x128xi32, #tpu.memory_space<vmem>> -> memref<1x128xi32, #tpu.memory_space<vmem>>
    %dma_start3A_1555 = tpu.memref_squeeze %dma_start3A_1554 : memref<1x128xi32, #tpu.memory_space<vmem>> -> memref<128xi32, #tpu.memory_space<vmem>>
    %dma_start3A_1556 = arith.constant 0 : i32
    %dma_start3A_1557 = arith.constant 0 : i32
    %dma_start3A_1558 = tpu.memref_slice %arg3[%dma_start3A_1556, %dma_start3A_1557] : memref<100000x32xf32, #tpu.memory_space<hbm>> -> memref<100000x32xf32, #tpu.memory_space<hbm>>
    tpu.enqueue_indirect_dma source(%dma_start3A_1558 : memref<100000x32xf32, #tpu.memory_space<hbm>>) target(%dma_start3A_1552 : memref<128x32xf32, #tpu.memory_space<vmem>>) offsets(%dma_start3A_1555 : memref<128xi32, #tpu.memory_space<vmem>>) semaphore(%arg9 : memref<!tpu.dma_semaphore, #tpu.memory_space<semaphore_mem>>)
    %dma_wait3A = arith.constant 0 : i32
    %dma_wait3A_1559 = arith.constant 0 : i32
    %dma_wait3A_1560 = arith.constant 0 : i32
    %dma_wait3A_1561 = arith.constant 0 : i32
    %dma_wait3A_1562 = tpu.memref_slice %arg7[%dma_wait3A_1559, %dma_wait3A_1560, %dma_wait3A_1561] : memref<20x128x32xf32, #tpu.memory_space<vmem>> -> memref<1x128x32xf32, #tpu.memory_space<vmem>>
    %dma_wait3A_1563 = tpu.memref_squeeze %dma_wait3A_1562 : memref<1x128x32xf32, #tpu.memory_space<vmem>> -> memref<128x32xf32, #tpu.memory_space<vmem>>
    %dma_wait3A_1564 = arith.constant 0 : i32
    %dma_wait3A_1565 = tpu.memref_slice %arg6[%dma_wait3A, %dma_wait3A_1564] : memref<20x128xi32, #tpu.memory_space<vmem>> -> memref<1x128xi32, #tpu.memory_space<vmem>>
    %dma_wait3A_1566 = tpu.memref_squeeze %dma_wait3A_1565 : memref<1x128xi32, #tpu.memory_space<vmem>> -> memref<128xi32, #tpu.memory_space<vmem>>
    %dma_wait3A_1567 = arith.constant 0 : i32
    %dma_wait3A_1568 = arith.constant 0 : i32
    %dma_wait3A_1569 = tpu.memref_slice %arg3[%dma_wait3A_1567, %dma_wait3A_1568] : memref<100000x32xf32, #tpu.memory_space<hbm>> -> memref<100000x32xf32, #tpu.memory_space<hbm>>
    tpu.wait_indirect_dma semaphore(%arg9 : memref<!tpu.dma_semaphore, #tpu.memory_space<semaphore_mem>>) src(%dma_wait3A_1569 : memref<100000x32xf32, #tpu.memory_space<hbm>>) dst(%dma_wait3A_1563 : memref<128x32xf32, #tpu.memory_space<vmem>>)
    %broadcast_in_dim3A_1570 = arith.constant 0.000000e+00 : f32
    %broadcast_in_dim3A_1571 = vector.broadcast %broadcast_in_dim3A_1570 : f32 to vector<16xf32>
    %scan3A = arith.constant 0 : i32
    %scan3A_1572 = arith.constant 128 : i32
    %scan3A_1573 = arith.addi %scan3A, %scan3A_1572 : i32
    %scan3A_1574 = arith.constant 8 : i32
    %scan3A_1575:2 = scf.for %scan3A_2037 = %scan3A to %scan3A_1573 step %scan3A_1574 iter_args(%scan3A_2038 = %broadcast_in_dim3A_1571, %scan3A_2039 = %broadcast_in_dim3A_1571) -> (vector<16xf32>, vector<16xf32>)  : i32 {
      %get3A = arith.constant 0 : i32
      %get3A_2040 = arith.index_cast %get3A : i32 to index
      %get3A_2041 = arith.index_cast %scan3A_2037 : i32 to index
      %get3A_2042 = arith.constant 0 : index
      %get3A_2043 = tpu.vector_load %arg7[%get3A_2040, %get3A_2041, %get3A_2042] {strides = array<i32>} : memref<20x128x32xf32, #tpu.memory_space<vmem>>, vector<16xf32>,
      %add3A_2044 = arith.addf %scan3A_2038, %get3A_2043 : vector<16xf32>
      %get3A_2045 = arith.constant 0 : i32
      %get3A_2046 = arith.index_cast %get3A_2045 : i32 to index
      %get3A_2047 = arith.index_cast %scan3A_2037 : i32 to index
      %get3A_2048 = arith.constant 16 : index
      %get3A_2049 = tpu.vector_load %arg7[%get3A_2046, %get3A_2047, %get3A_2048] {strides = array<i32>} : memref<20x128x32xf32, #tpu.memory_space<vmem>>, vector<16xf32>,
      %add3A_2050 = arith.addf %scan3A_2039, %get3A_2049 : vector<16xf32>
      %scan3A_2051 = arith.constant 1 : i32
      %scan3A_2052 = arith.addi %scan3A_2037, %scan3A_2051 : i32
      %get3A_2053 = arith.constant 0 : i32
      %get3A_2054 = arith.index_cast %get3A_2053 : i32 to index
      %get3A_2055 = arith.index_cast %scan3A_2052 : i32 to index
      %get3A_2056 = arith.constant 0 : index
      %get3A_2057 = tpu.vector_load %arg7[%get3A_2054, %get3A_2055, %get3A_2056] {strides = array<i32>} : memref<20x128x32xf32, #tpu.memory_space<vmem>>, vector<16xf32>,
      %add3A_2058 = arith.addf %add3A_2044, %get3A_2057 : vector<16xf32>
      %get3A_2059 = arith.constant 0 : i32
      %get3A_2060 = arith.index_cast %get3A_2059 : i32 to index
      %get3A_2061 = arith.index_cast %scan3A_2052 : i32 to index
      %get3A_2062 = arith.constant 16 : index
      %get3A_2063 = tpu.vector_load %arg7[%get3A_2060, %get3A_2061, %get3A_2062] {strides = array<i32>} : memref<20x128x32xf32, #tpu.memory_space<vmem>>, vector<16xf32>,
      %add3A_2064 = arith.addf %add3A_2050, %get3A_2063 : vector<16xf32>
      %scan3A_2065 = arith.constant 2 : i32
      %scan3A_2066 = arith.addi %scan3A_2037, %scan3A_2065 : i32
      %get3A_2067 = arith.constant 0 : i32
      %get3A_2068 = arith.index_cast %get3A_2067 : i32 to index
      %get3A_2069 = arith.index_cast %scan3A_2066 : i32 to index
      %get3A_2070 = arith.constant 0 : index
      %get3A_2071 = tpu.vector_load %arg7[%get3A_2068, %get3A_2069, %get3A_2070] {strides = array<i32>} : memref<20x128x32xf32, #tpu.memory_space<vmem>>, vector<16xf32>,
      %add3A_2072 = arith.addf %add3A_2058, %get3A_2071 : vector<16xf32>
      %get3A_2073 = arith.constant 0 : i32
      %get3A_2074 = arith.index_cast %get3A_2073 : i32 to index
      %get3A_2075 = arith.index_cast %scan3A_2066 : i32 to index
      %get3A_2076 = arith.constant 16 : index
      %get3A_2077 = tpu.vector_load %arg7[%get3A_2074, %get3A_2075, %get3A_2076] {strides = array<i32>} : memref<20x128x32xf32, #tpu.memory_space<vmem>>, vector<16xf32>,
      %add3A_2078 = arith.addf %add3A_2064, %get3A_2077 : vector<16xf32>
      %scan3A_2079 = arith.constant 3 : i32
      %scan3A_2080 = arith.addi %scan3A_2037, %scan3A_2079 : i32
      %get3A_2081 = arith.constant 0 : i32
      %get3A_2082 = arith.index_cast %get3A_2081 : i32 to index
      %get3A_2083 = arith.index_cast %scan3A_2080 : i32 to index
      %get3A_2084 = arith.constant 0 : index
      %get3A_2085 = tpu.vector_load %arg7[%get3A_2082, %get3A_2083, %get3A_2084] {strides = array<i32>} : memref<20x128x32xf32, #tpu.memory_space<vmem>>, vector<16xf32>,
      %add3A_2086 = arith.addf %add3A_2072, %get3A_2085 : vector<16xf32>
      %get3A_2087 = arith.constant 0 : i32
      %get3A_2088 = arith.index_cast %get3A_2087 : i32 to index
      %get3A_2089 = arith.index_cast %scan3A_2080 : i32 to index
      %get3A_2090 = arith.constant 16 : index
      %get3A_2091 = tpu.vector_load %arg7[%get3A_2088, %get3A_2089, %get3A_2090] {strides = array<i32>} : memref<20x128x32xf32, #tpu.memory_space<vmem>>, vector<16xf32>,
      %add3A_2092 = arith.addf %add3A_2078, %get3A_2091 : vector<16xf32>
      %scan3A_2093 = arith.constant 4 : i32
      %scan3A_2094 = arith.addi %scan3A_2037, %scan3A_2093 : i32
      %get3A_2095 = arith.constant 0 : i32
      %get3A_2096 = arith.index_cast %get3A_2095 : i32 to index
      %get3A_2097 = arith.index_cast %scan3A_2094 : i32 to index
      %get3A_2098 = arith.constant 0 : index
      %get3A_2099 = tpu.vector_load %arg7[%get3A_2096, %get3A_2097, %get3A_2098] {strides = array<i32>} : memref<20x128x32xf32, #tpu.memory_space<vmem>>, vector<16xf32>,
      %add3A_2100 = arith.addf %add3A_2086, %get3A_2099 : vector<16xf32>
      %get3A_2101 = arith.constant 0 : i32
      %get3A_2102 = arith.index_cast %get3A_2101 : i32 to index
      %get3A_2103 = arith.index_cast %scan3A_2094 : i32 to index
      %get3A_2104 = arith.constant 16 : index
      %get3A_2105 = tpu.vector_load %arg7[%get3A_2102, %get3A_2103, %get3A_2104] {strides = array<i32>} : memref<20x128x32xf32, #tpu.memory_space<vmem>>, vector<16xf32>,
      %add3A_2106 = arith.addf %add3A_2092, %get3A_2105 : vector<16xf32>
      %scan3A_2107 = arith.constant 5 : i32
      %scan3A_2108 = arith.addi %scan3A_2037, %scan3A_2107 : i32
      %get3A_2109 = arith.constant 0 : i32
      %get3A_2110 = arith.index_cast %get3A_2109 : i32 to index
      %get3A_2111 = arith.index_cast %scan3A_2108 : i32 to index
      %get3A_2112 = arith.constant 0 : index
      %get3A_2113 = tpu.vector_load %arg7[%get3A_2110, %get3A_2111, %get3A_2112] {strides = array<i32>} : memref<20x128x32xf32, #tpu.memory_space<vmem>>, vector<16xf32>,
      %add3A_2114 = arith.addf %add3A_2100, %get3A_2113 : vector<16xf32>
      %get3A_2115 = arith.constant 0 : i32
      %get3A_2116 = arith.index_cast %get3A_2115 : i32 to index
      %get3A_2117 = arith.index_cast %scan3A_2108 : i32 to index
      %get3A_2118 = arith.constant 16 : index
      %get3A_2119 = tpu.vector_load %arg7[%get3A_2116, %get3A_2117, %get3A_2118] {strides = array<i32>} : memref<20x128x32xf32, #tpu.memory_space<vmem>>, vector<16xf32>,
      %add3A_2120 = arith.addf %add3A_2106, %get3A_2119 : vector<16xf32>
      %scan3A_2121 = arith.constant 6 : i32
      %scan3A_2122 = arith.addi %scan3A_2037, %scan3A_2121 : i32
      %get3A_2123 = arith.constant 0 : i32
      %get3A_2124 = arith.index_cast %get3A_2123 : i32 to index
      %get3A_2125 = arith.index_cast %scan3A_2122 : i32 to index
      %get3A_2126 = arith.constant 0 : index
      %get3A_2127 = tpu.vector_load %arg7[%get3A_2124, %get3A_2125, %get3A_2126] {strides = array<i32>} : memref<20x128x32xf32, #tpu.memory_space<vmem>>, vector<16xf32>,
      %add3A_2128 = arith.addf %add3A_2114, %get3A_2127 : vector<16xf32>
      %get3A_2129 = arith.constant 0 : i32
      %get3A_2130 = arith.index_cast %get3A_2129 : i32 to index
      %get3A_2131 = arith.index_cast %scan3A_2122 : i32 to index
      %get3A_2132 = arith.constant 16 : index
      %get3A_2133 = tpu.vector_load %arg7[%get3A_2130, %get3A_2131, %get3A_2132] {strides = array<i32>} : memref<20x128x32xf32, #tpu.memory_space<vmem>>, vector<16xf32>,
      %add3A_2134 = arith.addf %add3A_2120, %get3A_2133 : vector<16xf32>
      %scan3A_2135 = arith.constant 7 : i32
      %scan3A_2136 = arith.addi %scan3A_2037, %scan3A_2135 : i32
      %get3A_2137 = arith.constant 0 : i32
      %get3A_2138 = arith.index_cast %get3A_2137 : i32 to index
      %get3A_2139 = arith.index_cast %scan3A_2136 : i32 to index
      %get3A_2140 = arith.constant 0 : index
      %get3A_2141 = tpu.vector_load %arg7[%get3A_2138, %get3A_2139, %get3A_2140] {strides = array<i32>} : memref<20x128x32xf32, #tpu.memory_space<vmem>>, vector<16xf32>,
      %add3A_2142 = arith.addf %add3A_2128, %get3A_2141 : vector<16xf32>
      %get3A_2143 = arith.constant 0 : i32
      %get3A_2144 = arith.index_cast %get3A_2143 : i32 to index
      %get3A_2145 = arith.index_cast %scan3A_2136 : i32 to index
      %get3A_2146 = arith.constant 16 : index
      %get3A_2147 = tpu.vector_load %arg7[%get3A_2144, %get3A_2145, %get3A_2146] {strides = array<i32>} : memref<20x128x32xf32, #tpu.memory_space<vmem>>, vector<16xf32>,
      %add3A_2148 = arith.addf %add3A_2134, %get3A_2147 : vector<16xf32>
      scf.yield %add3A_2142, %add3A_2148 : vector<16xf32>, vector<16xf32>
    }
    %scan3A_1576 = arith.constant 128 : i32
    %swap3A_1577 = arith.constant 0 : index
    %swap3A_1578 = tpu.vector_load %arg8[%swap3A_1577] {strides = array<i32>} : memref<640xf32, #tpu.memory_space<vmem>>, vector<16xf32>,
    tpu.vector_store %arg8[%swap3A_1577], %scan3A_1575#0 {strides = array<i32>} : memref<640xf32, #tpu.memory_space<vmem>>, vector<16xf32>,
    %swap3A_1579 = arith.constant 16 : index
    %swap3A_1580 = tpu.vector_load %arg8[%swap3A_1579] {strides = array<i32>} : memref<640xf32, #tpu.memory_space<vmem>>, vector<16xf32>,
    tpu.vector_store %arg8[%swap3A_1579], %scan3A_1575#1 {strides = array<i32>} : memref<640xf32, #tpu.memory_space<vmem>>, vector<16xf32>,
    %dma_wait3A_1581 = arith.constant 1 : i32
    %dma_wait3A_1582 = arith.constant 1 : i32
    %dma_wait3A_1583 = arith.constant 0 : i32
    %dma_wait3A_1584 = arith.constant 0 : i32
    %dma_wait3A_1585 = tpu.memref_slice %arg7[%dma_wait3A_1582, %dma_wait3A_1583, %dma_wait3A_1584] : memref<20x128x32xf32, #tpu.memory_space<vmem>> -> memref<1x128x32xf32, #tpu.memory_space<vmem>>
    %dma_wait3A_1586 = tpu.memref_squeeze %dma_wait3A_1585 : memref<1x128x32xf32, #tpu.memory_space<vmem>> -> memref<128x32xf32, #tpu.memory_space<vmem>>
    %dma_wait3A_1587 = arith.constant 0 : i32
    %dma_wait3A_1588 = tpu.memref_slice %arg6[%dma_wait3A_1581, %dma_wait3A_1587] : memref<20x128xi32, #tpu.memory_space<vmem>> -> memref<1x128xi32, #tpu.memory_space<vmem>>
    %dma_wait3A_1589 = tpu.memref_squeeze %dma_wait3A_1588 : memref<1x128xi32, #tpu.memory_space<vmem>> -> memref<128xi32, #tpu.memory_space<vmem>>
    %dma_wait3A_1590 = arith.constant 0 : i32
    %dma_wait3A_1591 = arith.constant 0 : i32
    %dma_wait3A_1592 = tpu.memref_slice %arg3[%dma_wait3A_1590, %dma_wait3A_1591] : memref<100000x32xf32, #tpu.memory_space<hbm>> -> memref<100000x32xf32, #tpu.memory_space<hbm>>
    tpu.wait_indirect_dma semaphore(%arg9 : memref<!tpu.dma_semaphore, #tpu.memory_space<semaphore_mem>>) src(%dma_wait3A_1592 : memref<100000x32xf32, #tpu.memory_space<hbm>>) dst(%dma_wait3A_1586 : memref<128x32xf32, #tpu.memory_space<vmem>>)
    %broadcast_in_dim3A_1593 = arith.constant 0.000000e+00 : f32
    %broadcast_in_dim3A_1594 = vector.broadcast %broadcast_in_dim3A_1593 : f32 to vector<16xf32>
    %scan3A_1595 = arith.constant 0 : i32
    %scan3A_1596 = arith.constant 128 : i32
    %scan3A_1597 = arith.addi %scan3A_1595, %scan3A_1596 : i32
    %scan3A_1598 = arith.constant 8 : i32
    %scan3A_1599:2 = scf.for %scan3A_2037 = %scan3A_1595 to %scan3A_1597 step %scan3A_1598 iter_args(%scan3A_2038 = %broadcast_in_dim3A_1594, %scan3A_2039 = %broadcast_in_dim3A_1594) -> (vector<16xf32>, vector<16xf32>)  : i32 {
      %get3A = arith.constant 1 : i32
      %get3A_2040 = arith.index_cast %get3A : i32 to index
      %get3A_2041 = arith.index_cast %scan3A_2037 : i32 to index
      %get3A_2042 = arith.constant 0 : index
      %get3A_2043 = tpu.vector_load %arg7[%get3A_2040, %get3A_2041, %get3A_2042] {strides = array<i32>} : memref<20x128x32xf32, #tpu.memory_space<vmem>>, vector<16xf32>,
      %add3A_2044 = arith.addf %scan3A_2038, %get3A_2043 : vector<16xf32>
      %get3A_2045 = arith.constant 1 : i32
      %get3A_2046 = arith.index_cast %get3A_2045 : i32 to index
      %get3A_2047 = arith.index_cast %scan3A_2037 : i32 to index
      %get3A_2048 = arith.constant 16 : index
      %get3A_2049 = tpu.vector_load %arg7[%get3A_2046, %get3A_2047, %get3A_2048] {strides = array<i32>} : memref<20x128x32xf32, #tpu.memory_space<vmem>>, vector<16xf32>,
      %add3A_2050 = arith.addf %scan3A_2039, %get3A_2049 : vector<16xf32>
      %scan3A_2051 = arith.constant 1 : i32
      %scan3A_2052 = arith.addi %scan3A_2037, %scan3A_2051 : i32
      %get3A_2053 = arith.constant 1 : i32
      %get3A_2054 = arith.index_cast %get3A_2053 : i32 to index
      %get3A_2055 = arith.index_cast %scan3A_2052 : i32 to index
      %get3A_2056 = arith.constant 0 : index
      %get3A_2057 = tpu.vector_load %arg7[%get3A_2054, %get3A_2055, %get3A_2056] {strides = array<i32>} : memref<20x128x32xf32, #tpu.memory_space<vmem>>, vector<16xf32>,
      %add3A_2058 = arith.addf %add3A_2044, %get3A_2057 : vector<16xf32>
      %get3A_2059 = arith.constant 1 : i32
      %get3A_2060 = arith.index_cast %get3A_2059 : i32 to index
      %get3A_2061 = arith.index_cast %scan3A_2052 : i32 to index
      %get3A_2062 = arith.constant 16 : index
      %get3A_2063 = tpu.vector_load %arg7[%get3A_2060, %get3A_2061, %get3A_2062] {strides = array<i32>} : memref<20x128x32xf32, #tpu.memory_space<vmem>>, vector<16xf32>,
      %add3A_2064 = arith.addf %add3A_2050, %get3A_2063 : vector<16xf32>
      %scan3A_2065 = arith.constant 2 : i32
      %scan3A_2066 = arith.addi %scan3A_2037, %scan3A_2065 : i32
      %get3A_2067 = arith.constant 1 : i32
      %get3A_2068 = arith.index_cast %get3A_2067 : i32 to index
      %get3A_2069 = arith.index_cast %scan3A_2066 : i32 to index
      %get3A_2070 = arith.constant 0 : index
      %get3A_2071 = tpu.vector_load %arg7[%get3A_2068, %get3A_2069, %get3A_2070] {strides = array<i32>} : memref<20x128x32xf32, #tpu.memory_space<vmem>>, vector<16xf32>,
      %add3A_2072 = arith.addf %add3A_2058, %get3A_2071 : vector<16xf32>
      %get3A_2073 = arith.constant 1 : i32
      %get3A_2074 = arith.index_cast %get3A_2073 : i32 to index
      %get3A_2075 = arith.index_cast %scan3A_2066 : i32 to index
      %get3A_2076 = arith.constant 16 : index
      %get3A_2077 = tpu.vector_load %arg7[%get3A_2074, %get3A_2075, %get3A_2076] {strides = array<i32>} : memref<20x128x32xf32, #tpu.memory_space<vmem>>, vector<16xf32>,
      %add3A_2078 = arith.addf %add3A_2064, %get3A_2077 : vector<16xf32>
      %scan3A_2079 = arith.constant 3 : i32
      %scan3A_2080 = arith.addi %scan3A_2037, %scan3A_2079 : i32
      %get3A_2081 = arith.constant 1 : i32
      %get3A_2082 = arith.index_cast %get3A_2081 : i32 to index
      %get3A_2083 = arith.index_cast %scan3A_2080 : i32 to index
      %get3A_2084 = arith.constant 0 : index
      %get3A_2085 = tpu.vector_load %arg7[%get3A_2082, %get3A_2083, %get3A_2084] {strides = array<i32>} : memref<20x128x32xf32, #tpu.memory_space<vmem>>, vector<16xf32>,
      %add3A_2086 = arith.addf %add3A_2072, %get3A_2085 : vector<16xf32>
      %get3A_2087 = arith.constant 1 : i32
      %get3A_2088 = arith.index_cast %get3A_2087 : i32 to index
      %get3A_2089 = arith.index_cast %scan3A_2080 : i32 to index
      %get3A_2090 = arith.constant 16 : index
      %get3A_2091 = tpu.vector_load %arg7[%get3A_2088, %get3A_2089, %get3A_2090] {strides = array<i32>} : memref<20x128x32xf32, #tpu.memory_space<vmem>>, vector<16xf32>,
      %add3A_2092 = arith.addf %add3A_2078, %get3A_2091 : vector<16xf32>
      %scan3A_2093 = arith.constant 4 : i32
      %scan3A_2094 = arith.addi %scan3A_2037, %scan3A_2093 : i32
      %get3A_2095 = arith.constant 1 : i32
      %get3A_2096 = arith.index_cast %get3A_2095 : i32 to index
      %get3A_2097 = arith.index_cast %scan3A_2094 : i32 to index
      %get3A_2098 = arith.constant 0 : index
      %get3A_2099 = tpu.vector_load %arg7[%get3A_2096, %get3A_2097, %get3A_2098] {strides = array<i32>} : memref<20x128x32xf32, #tpu.memory_space<vmem>>, vector<16xf32>,
      %add3A_2100 = arith.addf %add3A_2086, %get3A_2099 : vector<16xf32>
      %get3A_2101 = arith.constant 1 : i32
      %get3A_2102 = arith.index_cast %get3A_2101 : i32 to index
      %get3A_2103 = arith.index_cast %scan3A_2094 : i32 to index
      %get3A_2104 = arith.constant 16 : index
      %get3A_2105 = tpu.vector_load %arg7[%get3A_2102, %get3A_2103, %get3A_2104] {strides = array<i32>} : memref<20x128x32xf32, #tpu.memory_space<vmem>>, vector<16xf32>,
      %add3A_2106 = arith.addf %add3A_2092, %get3A_2105 : vector<16xf32>
      %scan3A_2107 = arith.constant 5 : i32
      %scan3A_2108 = arith.addi %scan3A_2037, %scan3A_2107 : i32
      %get3A_2109 = arith.constant 1 : i32
      %get3A_2110 = arith.index_cast %get3A_2109 : i32 to index
      %get3A_2111 = arith.index_cast %scan3A_2108 : i32 to index
      %get3A_2112 = arith.constant 0 : index
      %get3A_2113 = tpu.vector_load %arg7[%get3A_2110, %get3A_2111, %get3A_2112] {strides = array<i32>} : memref<20x128x32xf32, #tpu.memory_space<vmem>>, vector<16xf32>,
      %add3A_2114 = arith.addf %add3A_2100, %get3A_2113 : vector<16xf32>
      %get3A_2115 = arith.constant 1 : i32
      %get3A_2116 = arith.index_cast %get3A_2115 : i32 to index
      %get3A_2117 = arith.index_cast %scan3A_2108 : i32 to index
      %get3A_2118 = arith.constant 16 : index
      %get3A_2119 = tpu.vector_load %arg7[%get3A_2116, %get3A_2117, %get3A_2118] {strides = array<i32>} : memref<20x128x32xf32, #tpu.memory_space<vmem>>, vector<16xf32>,
      %add3A_2120 = arith.addf %add3A_2106, %get3A_2119 : vector<16xf32>
      %scan3A_2121 = arith.constant 6 : i32
      %scan3A_2122 = arith.addi %scan3A_2037, %scan3A_2121 : i32
      %get3A_2123 = arith.constant 1 : i32
      %get3A_2124 = arith.index_cast %get3A_2123 : i32 to index
      %get3A_2125 = arith.index_cast %scan3A_2122 : i32 to index
      %get3A_2126 = arith.constant 0 : index
      %get3A_2127 = tpu.vector_load %arg7[%get3A_2124, %get3A_2125, %get3A_2126] {strides = array<i32>} : memref<20x128x32xf32, #tpu.memory_space<vmem>>, vector<16xf32>,
      %add3A_2128 = arith.addf %add3A_2114, %get3A_2127 : vector<16xf32>
      %get3A_2129 = arith.constant 1 : i32
      %get3A_2130 = arith.index_cast %get3A_2129 : i32 to index
      %get3A_2131 = arith.index_cast %scan3A_2122 : i32 to index
      %get3A_2132 = arith.constant 16 : index
      %get3A_2133 = tpu.vector_load %arg7[%get3A_2130, %get3A_2131, %get3A_2132] {strides = array<i32>} : memref<20x128x32xf32, #tpu.memory_space<vmem>>, vector<16xf32>,
      %add3A_2134 = arith.addf %add3A_2120, %get3A_2133 : vector<16xf32>
      %scan3A_2135 = arith.constant 7 : i32
      %scan3A_2136 = arith.addi %scan3A_2037, %scan3A_2135 : i32
      %get3A_2137 = arith.constant 1 : i32
      %get3A_2138 = arith.index_cast %get3A_2137 : i32 to index
      %get3A_2139 = arith.index_cast %scan3A_2136 : i32 to index
      %get3A_2140 = arith.constant 0 : index
      %get3A_2141 = tpu.vector_load %arg7[%get3A_2138, %get3A_2139, %get3A_2140] {strides = array<i32>} : memref<20x128x32xf32, #tpu.memory_space<vmem>>, vector<16xf32>,
      %add3A_2142 = arith.addf %add3A_2128, %get3A_2141 : vector<16xf32>
      %get3A_2143 = arith.constant 1 : i32
      %get3A_2144 = arith.index_cast %get3A_2143 : i32 to index
      %get3A_2145 = arith.index_cast %scan3A_2136 : i32 to index
      %get3A_2146 = arith.constant 16 : index
      %get3A_2147 = tpu.vector_load %arg7[%get3A_2144, %get3A_2145, %get3A_2146] {strides = array<i32>} : memref<20x128x32xf32, #tpu.memory_space<vmem>>, vector<16xf32>,
      %add3A_2148 = arith.addf %add3A_2134, %get3A_2147 : vector<16xf32>
      scf.yield %add3A_2142, %add3A_2148 : vector<16xf32>, vector<16xf32>
    }
    %scan3A_1600 = arith.constant 128 : i32
    %swap3A_1601 = arith.constant 32 : index
    %swap3A_1602 = tpu.vector_load %arg8[%swap3A_1601] {strides = array<i32>} : memref<640xf32, #tpu.memory_space<vmem>>, vector<16xf32>,
    tpu.vector_store %arg8[%swap3A_1601], %scan3A_1599#0 {strides = array<i32>} : memref<640xf32, #tpu.memory_space<vmem>>, vector<16xf32>,
    %swap3A_1603 = arith.constant 48 : index
    %swap3A_1604 = tpu.vector_load %arg8[%swap3A_1603] {strides = array<i32>} : memref<640xf32, #tpu.memory_space<vmem>>, vector<16xf32>,
    tpu.vector_store %arg8[%swap3A_1603], %scan3A_1599#1 {strides = array<i32>} : memref<640xf32, #tpu.memory_space<vmem>>, vector<16xf32>,
    %dma_wait3A_1605 = arith.constant 2 : i32
    %dma_wait3A_1606 = arith.constant 2 : i32
    %dma_wait3A_1607 = arith.constant 0 : i32
    %dma_wait3A_1608 = arith.constant 0 : i32
    %dma_wait3A_1609 = tpu.memref_slice %arg7[%dma_wait3A_1606, %dma_wait3A_1607, %dma_wait3A_1608] : memref<20x128x32xf32, #tpu.memory_space<vmem>> -> memref<1x128x32xf32, #tpu.memory_space<vmem>>
    %dma_wait3A_1610 = tpu.memref_squeeze %dma_wait3A_1609 : memref<1x128x32xf32, #tpu.memory_space<vmem>> -> memref<128x32xf32, #tpu.memory_space<vmem>>
    %dma_wait3A_1611 = arith.constant 0 : i32
    %dma_wait3A_1612 = tpu.memref_slice %arg6[%dma_wait3A_1605, %dma_wait3A_1611] : memref<20x128xi32, #tpu.memory_space<vmem>> -> memref<1x128xi32, #tpu.memory_space<vmem>>
    %dma_wait3A_1613 = tpu.memref_squeeze %dma_wait3A_1612 : memref<1x128xi32, #tpu.memory_space<vmem>> -> memref<128xi32, #tpu.memory_space<vmem>>
    %dma_wait3A_1614 = arith.constant 0 : i32
    %dma_wait3A_1615 = arith.constant 0 : i32
    %dma_wait3A_1616 = tpu.memref_slice %arg3[%dma_wait3A_1614, %dma_wait3A_1615] : memref<100000x32xf32, #tpu.memory_space<hbm>> -> memref<100000x32xf32, #tpu.memory_space<hbm>>
    tpu.wait_indirect_dma semaphore(%arg9 : memref<!tpu.dma_semaphore, #tpu.memory_space<semaphore_mem>>) src(%dma_wait3A_1616 : memref<100000x32xf32, #tpu.memory_space<hbm>>) dst(%dma_wait3A_1610 : memref<128x32xf32, #tpu.memory_space<vmem>>)
    %broadcast_in_dim3A_1617 = arith.constant 0.000000e+00 : f32
    %broadcast_in_dim3A_1618 = vector.broadcast %broadcast_in_dim3A_1617 : f32 to vector<16xf32>
    %scan3A_1619 = arith.constant 0 : i32
    %scan3A_1620 = arith.constant 128 : i32
    %scan3A_1621 = arith.addi %scan3A_1619, %scan3A_1620 : i32
    %scan3A_1622 = arith.constant 8 : i32
    %scan3A_1623:2 = scf.for %scan3A_2037 = %scan3A_1619 to %scan3A_1621 step %scan3A_1622 iter_args(%scan3A_2038 = %broadcast_in_dim3A_1618, %scan3A_2039 = %broadcast_in_dim3A_1618) -> (vector<16xf32>, vector<16xf32>)  : i32 {
      %get3A = arith.constant 2 : i32
      %get3A_2040 = arith.index_cast %get3A : i32 to index
      %get3A_2041 = arith.index_cast %scan3A_2037 : i32 to index
      %get3A_2042 = arith.constant 0 : index
      %get3A_2043 = tpu.vector_load %arg7[%get3A_2040, %get3A_2041, %get3A_2042] {strides = array<i32>} : memref<20x128x32xf32, #tpu.memory_space<vmem>>, vector<16xf32>,
      %add3A_2044 = arith.addf %scan3A_2038, %get3A_2043 : vector<16xf32>
      %get3A_2045 = arith.constant 2 : i32
      %get3A_2046 = arith.index_cast %get3A_2045 : i32 to index
      %get3A_2047 = arith.index_cast %scan3A_2037 : i32 to index
      %get3A_2048 = arith.constant 16 : index
      %get3A_2049 = tpu.vector_load %arg7[%get3A_2046, %get3A_2047, %get3A_2048] {strides = array<i32>} : memref<20x128x32xf32, #tpu.memory_space<vmem>>, vector<16xf32>,
      %add3A_2050 = arith.addf %scan3A_2039, %get3A_2049 : vector<16xf32>
      %scan3A_2051 = arith.constant 1 : i32
      %scan3A_2052 = arith.addi %scan3A_2037, %scan3A_2051 : i32
      %get3A_2053 = arith.constant 2 : i32
      %get3A_2054 = arith.index_cast %get3A_2053 : i32 to index
      %get3A_2055 = arith.index_cast %scan3A_2052 : i32 to index
      %get3A_2056 = arith.constant 0 : index
      %get3A_2057 = tpu.vector_load %arg7[%get3A_2054, %get3A_2055, %get3A_2056] {strides = array<i32>} : memref<20x128x32xf32, #tpu.memory_space<vmem>>, vector<16xf32>,
      %add3A_2058 = arith.addf %add3A_2044, %get3A_2057 : vector<16xf32>
      %get3A_2059 = arith.constant 2 : i32
      %get3A_2060 = arith.index_cast %get3A_2059 : i32 to index
      %get3A_2061 = arith.index_cast %scan3A_2052 : i32 to index
      %get3A_2062 = arith.constant 16 : index
      %get3A_2063 = tpu.vector_load %arg7[%get3A_2060, %get3A_2061, %get3A_2062] {strides = array<i32>} : memref<20x128x32xf32, #tpu.memory_space<vmem>>, vector<16xf32>,
      %add3A_2064 = arith.addf %add3A_2050, %get3A_2063 : vector<16xf32>
      %scan3A_2065 = arith.constant 2 : i32
      %scan3A_2066 = arith.addi %scan3A_2037, %scan3A_2065 : i32
      %get3A_2067 = arith.constant 2 : i32
      %get3A_2068 = arith.index_cast %get3A_2067 : i32 to index
      %get3A_2069 = arith.index_cast %scan3A_2066 : i32 to index
      %get3A_2070 = arith.constant 0 : index
      %get3A_2071 = tpu.vector_load %arg7[%get3A_2068, %get3A_2069, %get3A_2070] {strides = array<i32>} : memref<20x128x32xf32, #tpu.memory_space<vmem>>, vector<16xf32>,
      %add3A_2072 = arith.addf %add3A_2058, %get3A_2071 : vector<16xf32>
      %get3A_2073 = arith.constant 2 : i32
      %get3A_2074 = arith.index_cast %get3A_2073 : i32 to index
      %get3A_2075 = arith.index_cast %scan3A_2066 : i32 to index
      %get3A_2076 = arith.constant 16 : index
      %get3A_2077 = tpu.vector_load %arg7[%get3A_2074, %get3A_2075, %get3A_2076] {strides = array<i32>} : memref<20x128x32xf32, #tpu.memory_space<vmem>>, vector<16xf32>,
      %add3A_2078 = arith.addf %add3A_2064, %get3A_2077 : vector<16xf32>
      %scan3A_2079 = arith.constant 3 : i32
      %scan3A_2080 = arith.addi %scan3A_2037, %scan3A_2079 : i32
      %get3A_2081 = arith.constant 2 : i32
      %get3A_2082 = arith.index_cast %get3A_2081 : i32 to index
      %get3A_2083 = arith.index_cast %scan3A_2080 : i32 to index
      %get3A_2084 = arith.constant 0 : index
      %get3A_2085 = tpu.vector_load %arg7[%get3A_2082, %get3A_2083, %get3A_2084] {strides = array<i32>} : memref<20x128x32xf32, #tpu.memory_space<vmem>>, vector<16xf32>,
      %add3A_2086 = arith.addf %add3A_2072, %get3A_2085 : vector<16xf32>
      %get3A_2087 = arith.constant 2 : i32
      %get3A_2088 = arith.index_cast %get3A_2087 : i32 to index
      %get3A_2089 = arith.index_cast %scan3A_2080 : i32 to index
      %get3A_2090 = arith.constant 16 : index
      %get3A_2091 = tpu.vector_load %arg7[%get3A_2088, %get3A_2089, %get3A_2090] {strides = array<i32>} : memref<20x128x32xf32, #tpu.memory_space<vmem>>, vector<16xf32>,
      %add3A_2092 = arith.addf %add3A_2078, %get3A_2091 : vector<16xf32>
      %scan3A_2093 = arith.constant 4 : i32
      %scan3A_2094 = arith.addi %scan3A_2037, %scan3A_2093 : i32
      %get3A_2095 = arith.constant 2 : i32
      %get3A_2096 = arith.index_cast %get3A_2095 : i32 to index
      %get3A_2097 = arith.index_cast %scan3A_2094 : i32 to index
      %get3A_2098 = arith.constant 0 : index
      %get3A_2099 = tpu.vector_load %arg7[%get3A_2096, %get3A_2097, %get3A_2098] {strides = array<i32>} : memref<20x128x32xf32, #tpu.memory_space<vmem>>, vector<16xf32>,
      %add3A_2100 = arith.addf %add3A_2086, %get3A_2099 : vector<16xf32>
      %get3A_2101 = arith.constant 2 : i32
      %get3A_2102 = arith.index_cast %get3A_2101 : i32 to index
      %get3A_2103 = arith.index_cast %scan3A_2094 : i32 to index
      %get3A_2104 = arith.constant 16 : index
      %get3A_2105 = tpu.vector_load %arg7[%get3A_2102, %get3A_2103, %get3A_2104] {strides = array<i32>} : memref<20x128x32xf32, #tpu.memory_space<vmem>>, vector<16xf32>,
      %add3A_2106 = arith.addf %add3A_2092, %get3A_2105 : vector<16xf32>
      %scan3A_2107 = arith.constant 5 : i32
      %scan3A_2108 = arith.addi %scan3A_2037, %scan3A_2107 : i32
      %get3A_2109 = arith.constant 2 : i32
      %get3A_2110 = arith.index_cast %get3A_2109 : i32 to index
      %get3A_2111 = arith.index_cast %scan3A_2108 : i32 to index
      %get3A_2112 = arith.constant 0 : index
      %get3A_2113 = tpu.vector_load %arg7[%get3A_2110, %get3A_2111, %get3A_2112] {strides = array<i32>} : memref<20x128x32xf32, #tpu.memory_space<vmem>>, vector<16xf32>,
      %add3A_2114 = arith.addf %add3A_2100, %get3A_2113 : vector<16xf32>
      %get3A_2115 = arith.constant 2 : i32
      %get3A_2116 = arith.index_cast %get3A_2115 : i32 to index
      %get3A_2117 = arith.index_cast %scan3A_2108 : i32 to index
      %get3A_2118 = arith.constant 16 : index
      %get3A_2119 = tpu.vector_load %arg7[%get3A_2116, %get3A_2117, %get3A_2118] {strides = array<i32>} : memref<20x128x32xf32, #tpu.memory_space<vmem>>, vector<16xf32>,
      %add3A_2120 = arith.addf %add3A_2106, %get3A_2119 : vector<16xf32>
      %scan3A_2121 = arith.constant 6 : i32
      %scan3A_2122 = arith.addi %scan3A_2037, %scan3A_2121 : i32
      %get3A_2123 = arith.constant 2 : i32
      %get3A_2124 = arith.index_cast %get3A_2123 : i32 to index
      %get3A_2125 = arith.index_cast %scan3A_2122 : i32 to index
      %get3A_2126 = arith.constant 0 : index
      %get3A_2127 = tpu.vector_load %arg7[%get3A_2124, %get3A_2125, %get3A_2126] {strides = array<i32>} : memref<20x128x32xf32, #tpu.memory_space<vmem>>, vector<16xf32>,
      %add3A_2128 = arith.addf %add3A_2114, %get3A_2127 : vector<16xf32>
      %get3A_2129 = arith.constant 2 : i32
      %get3A_2130 = arith.index_cast %get3A_2129 : i32 to index
      %get3A_2131 = arith.index_cast %scan3A_2122 : i32 to index
      %get3A_2132 = arith.constant 16 : index
      %get3A_2133 = tpu.vector_load %arg7[%get3A_2130, %get3A_2131, %get3A_2132] {strides = array<i32>} : memref<20x128x32xf32, #tpu.memory_space<vmem>>, vector<16xf32>,
      %add3A_2134 = arith.addf %add3A_2120, %get3A_2133 : vector<16xf32>
      %scan3A_2135 = arith.constant 7 : i32
      %scan3A_2136 = arith.addi %scan3A_2037, %scan3A_2135 : i32
      %get3A_2137 = arith.constant 2 : i32
      %get3A_2138 = arith.index_cast %get3A_2137 : i32 to index
      %get3A_2139 = arith.index_cast %scan3A_2136 : i32 to index
      %get3A_2140 = arith.constant 0 : index
      %get3A_2141 = tpu.vector_load %arg7[%get3A_2138, %get3A_2139, %get3A_2140] {strides = array<i32>} : memref<20x128x32xf32, #tpu.memory_space<vmem>>, vector<16xf32>,
      %add3A_2142 = arith.addf %add3A_2128, %get3A_2141 : vector<16xf32>
      %get3A_2143 = arith.constant 2 : i32
      %get3A_2144 = arith.index_cast %get3A_2143 : i32 to index
      %get3A_2145 = arith.index_cast %scan3A_2136 : i32 to index
      %get3A_2146 = arith.constant 16 : index
      %get3A_2147 = tpu.vector_load %arg7[%get3A_2144, %get3A_2145, %get3A_2146] {strides = array<i32>} : memref<20x128x32xf32, #tpu.memory_space<vmem>>, vector<16xf32>,
      %add3A_2148 = arith.addf %add3A_2134, %get3A_2147 : vector<16xf32>
      scf.yield %add3A_2142, %add3A_2148 : vector<16xf32>, vector<16xf32>
    }
    %scan3A_1624 = arith.constant 128 : i32
    %swap3A_1625 = arith.constant 64 : index
    %swap3A_1626 = tpu.vector_load %arg8[%swap3A_1625] {strides = array<i32>} : memref<640xf32, #tpu.memory_space<vmem>>, vector<16xf32>,
    tpu.vector_store %arg8[%swap3A_1625], %scan3A_1623#0 {strides = array<i32>} : memref<640xf32, #tpu.memory_space<vmem>>, vector<16xf32>,
    %swap3A_1627 = arith.constant 80 : index
    %swap3A_1628 = tpu.vector_load %arg8[%swap3A_1627] {strides = array<i32>} : memref<640xf32, #tpu.memory_space<vmem>>, vector<16xf32>,
    tpu.vector_store %arg8[%swap3A_1627], %scan3A_1623#1 {strides = array<i32>} : memref<640xf32, #tpu.memory_space<vmem>>, vector<16xf32>,
    %dma_wait3A_1629 = arith.constant 3 : i32
    %dma_wait3A_1630 = arith.constant 3 : i32
    %dma_wait3A_1631 = arith.constant 0 : i32
    %dma_wait3A_1632 = arith.constant 0 : i32
    %dma_wait3A_1633 = tpu.memref_slice %arg7[%dma_wait3A_1630, %dma_wait3A_1631, %dma_wait3A_1632] : memref<20x128x32xf32, #tpu.memory_space<vmem>> -> memref<1x128x32xf32, #tpu.memory_space<vmem>>
    %dma_wait3A_1634 = tpu.memref_squeeze %dma_wait3A_1633 : memref<1x128x32xf32, #tpu.memory_space<vmem>> -> memref<128x32xf32, #tpu.memory_space<vmem>>
    %dma_wait3A_1635 = arith.constant 0 : i32
    %dma_wait3A_1636 = tpu.memref_slice %arg6[%dma_wait3A_1629, %dma_wait3A_1635] : memref<20x128xi32, #tpu.memory_space<vmem>> -> memref<1x128xi32, #tpu.memory_space<vmem>>
    %dma_wait3A_1637 = tpu.memref_squeeze %dma_wait3A_1636 : memref<1x128xi32, #tpu.memory_space<vmem>> -> memref<128xi32, #tpu.memory_space<vmem>>
    %dma_wait3A_1638 = arith.constant 0 : i32
    %dma_wait3A_1639 = arith.constant 0 : i32
    %dma_wait3A_1640 = tpu.memref_slice %arg3[%dma_wait3A_1638, %dma_wait3A_1639] : memref<100000x32xf32, #tpu.memory_space<hbm>> -> memref<100000x32xf32, #tpu.memory_space<hbm>>
    tpu.wait_indirect_dma semaphore(%arg9 : memref<!tpu.dma_semaphore, #tpu.memory_space<semaphore_mem>>) src(%dma_wait3A_1640 : memref<100000x32xf32, #tpu.memory_space<hbm>>) dst(%dma_wait3A_1634 : memref<128x32xf32, #tpu.memory_space<vmem>>)
    %broadcast_in_dim3A_1641 = arith.constant 0.000000e+00 : f32
    %broadcast_in_dim3A_1642 = vector.broadcast %broadcast_in_dim3A_1641 : f32 to vector<16xf32>
    %scan3A_1643 = arith.constant 0 : i32
    %scan3A_1644 = arith.constant 128 : i32
    %scan3A_1645 = arith.addi %scan3A_1643, %scan3A_1644 : i32
    %scan3A_1646 = arith.constant 8 : i32
    %scan3A_1647:2 = scf.for %scan3A_2037 = %scan3A_1643 to %scan3A_1645 step %scan3A_1646 iter_args(%scan3A_2038 = %broadcast_in_dim3A_1642, %scan3A_2039 = %broadcast_in_dim3A_1642) -> (vector<16xf32>, vector<16xf32>)  : i32 {
      %get3A = arith.constant 3 : i32
      %get3A_2040 = arith.index_cast %get3A : i32 to index
      %get3A_2041 = arith.index_cast %scan3A_2037 : i32 to index
      %get3A_2042 = arith.constant 0 : index
      %get3A_2043 = tpu.vector_load %arg7[%get3A_2040, %get3A_2041, %get3A_2042] {strides = array<i32>} : memref<20x128x32xf32, #tpu.memory_space<vmem>>, vector<16xf32>,
      %add3A_2044 = arith.addf %scan3A_2038, %get3A_2043 : vector<16xf32>
      %get3A_2045 = arith.constant 3 : i32
      %get3A_2046 = arith.index_cast %get3A_2045 : i32 to index
      %get3A_2047 = arith.index_cast %scan3A_2037 : i32 to index
      %get3A_2048 = arith.constant 16 : index
      %get3A_2049 = tpu.vector_load %arg7[%get3A_2046, %get3A_2047, %get3A_2048] {strides = array<i32>} : memref<20x128x32xf32, #tpu.memory_space<vmem>>, vector<16xf32>,
      %add3A_2050 = arith.addf %scan3A_2039, %get3A_2049 : vector<16xf32>
      %scan3A_2051 = arith.constant 1 : i32
      %scan3A_2052 = arith.addi %scan3A_2037, %scan3A_2051 : i32
      %get3A_2053 = arith.constant 3 : i32
      %get3A_2054 = arith.index_cast %get3A_2053 : i32 to index
      %get3A_2055 = arith.index_cast %scan3A_2052 : i32 to index
      %get3A_2056 = arith.constant 0 : index
      %get3A_2057 = tpu.vector_load %arg7[%get3A_2054, %get3A_2055, %get3A_2056] {strides = array<i32>} : memref<20x128x32xf32, #tpu.memory_space<vmem>>, vector<16xf32>,
      %add3A_2058 = arith.addf %add3A_2044, %get3A_2057 : vector<16xf32>
      %get3A_2059 = arith.constant 3 : i32
      %get3A_2060 = arith.index_cast %get3A_2059 : i32 to index
      %get3A_2061 = arith.index_cast %scan3A_2052 : i32 to index
      %get3A_2062 = arith.constant 16 : index
      %get3A_2063 = tpu.vector_load %arg7[%get3A_2060, %get3A_2061, %get3A_2062] {strides = array<i32>} : memref<20x128x32xf32, #tpu.memory_space<vmem>>, vector<16xf32>,
      %add3A_2064 = arith.addf %add3A_2050, %get3A_2063 : vector<16xf32>
      %scan3A_2065 = arith.constant 2 : i32
      %scan3A_2066 = arith.addi %scan3A_2037, %scan3A_2065 : i32
      %get3A_2067 = arith.constant 3 : i32
      %get3A_2068 = arith.index_cast %get3A_2067 : i32 to index
      %get3A_2069 = arith.index_cast %scan3A_2066 : i32 to index
      %get3A_2070 = arith.constant 0 : index
      %get3A_2071 = tpu.vector_load %arg7[%get3A_2068, %get3A_2069, %get3A_2070] {strides = array<i32>} : memref<20x128x32xf32, #tpu.memory_space<vmem>>, vector<16xf32>,
      %add3A_2072 = arith.addf %add3A_2058, %get3A_2071 : vector<16xf32>
      %get3A_2073 = arith.constant 3 : i32
      %get3A_2074 = arith.index_cast %get3A_2073 : i32 to index
      %get3A_2075 = arith.index_cast %scan3A_2066 : i32 to index
      %get3A_2076 = arith.constant 16 : index
      %get3A_2077 = tpu.vector_load %arg7[%get3A_2074, %get3A_2075, %get3A_2076] {strides = array<i32>} : memref<20x128x32xf32, #tpu.memory_space<vmem>>, vector<16xf32>,
      %add3A_2078 = arith.addf %add3A_2064, %get3A_2077 : vector<16xf32>
      %scan3A_2079 = arith.constant 3 : i32
      %scan3A_2080 = arith.addi %scan3A_2037, %scan3A_2079 : i32
      %get3A_2081 = arith.constant 3 : i32
      %get3A_2082 = arith.index_cast %get3A_2081 : i32 to index
      %get3A_2083 = arith.index_cast %scan3A_2080 : i32 to index
      %get3A_2084 = arith.constant 0 : index
      %get3A_2085 = tpu.vector_load %arg7[%get3A_2082, %get3A_2083, %get3A_2084] {strides = array<i32>} : memref<20x128x32xf32, #tpu.memory_space<vmem>>, vector<16xf32>,
      %add3A_2086 = arith.addf %add3A_2072, %get3A_2085 : vector<16xf32>
      %get3A_2087 = arith.constant 3 : i32
      %get3A_2088 = arith.index_cast %get3A_2087 : i32 to index
      %get3A_2089 = arith.index_cast %scan3A_2080 : i32 to index
      %get3A_2090 = arith.constant 16 : index
      %get3A_2091 = tpu.vector_load %arg7[%get3A_2088, %get3A_2089, %get3A_2090] {strides = array<i32>} : memref<20x128x32xf32, #tpu.memory_space<vmem>>, vector<16xf32>,
      %add3A_2092 = arith.addf %add3A_2078, %get3A_2091 : vector<16xf32>
      %scan3A_2093 = arith.constant 4 : i32
      %scan3A_2094 = arith.addi %scan3A_2037, %scan3A_2093 : i32
      %get3A_2095 = arith.constant 3 : i32
      %get3A_2096 = arith.index_cast %get3A_2095 : i32 to index
      %get3A_2097 = arith.index_cast %scan3A_2094 : i32 to index
      %get3A_2098 = arith.constant 0 : index
      %get3A_2099 = tpu.vector_load %arg7[%get3A_2096, %get3A_2097, %get3A_2098] {strides = array<i32>} : memref<20x128x32xf32, #tpu.memory_space<vmem>>, vector<16xf32>,
      %add3A_2100 = arith.addf %add3A_2086, %get3A_2099 : vector<16xf32>
      %get3A_2101 = arith.constant 3 : i32
      %get3A_2102 = arith.index_cast %get3A_2101 : i32 to index
      %get3A_2103 = arith.index_cast %scan3A_2094 : i32 to index
      %get3A_2104 = arith.constant 16 : index
      %get3A_2105 = tpu.vector_load %arg7[%get3A_2102, %get3A_2103, %get3A_2104] {strides = array<i32>} : memref<20x128x32xf32, #tpu.memory_space<vmem>>, vector<16xf32>,
      %add3A_2106 = arith.addf %add3A_2092, %get3A_2105 : vector<16xf32>
      %scan3A_2107 = arith.constant 5 : i32
      %scan3A_2108 = arith.addi %scan3A_2037, %scan3A_2107 : i32
      %get3A_2109 = arith.constant 3 : i32
      %get3A_2110 = arith.index_cast %get3A_2109 : i32 to index
      %get3A_2111 = arith.index_cast %scan3A_2108 : i32 to index
      %get3A_2112 = arith.constant 0 : index
      %get3A_2113 = tpu.vector_load %arg7[%get3A_2110, %get3A_2111, %get3A_2112] {strides = array<i32>} : memref<20x128x32xf32, #tpu.memory_space<vmem>>, vector<16xf32>,
      %add3A_2114 = arith.addf %add3A_2100, %get3A_2113 : vector<16xf32>
      %get3A_2115 = arith.constant 3 : i32
      %get3A_2116 = arith.index_cast %get3A_2115 : i32 to index
      %get3A_2117 = arith.index_cast %scan3A_2108 : i32 to index
      %get3A_2118 = arith.constant 16 : index
      %get3A_2119 = tpu.vector_load %arg7[%get3A_2116, %get3A_2117, %get3A_2118] {strides = array<i32>} : memref<20x128x32xf32, #tpu.memory_space<vmem>>, vector<16xf32>,
      %add3A_2120 = arith.addf %add3A_2106, %get3A_2119 : vector<16xf32>
      %scan3A_2121 = arith.constant 6 : i32
      %scan3A_2122 = arith.addi %scan3A_2037, %scan3A_2121 : i32
      %get3A_2123 = arith.constant 3 : i32
      %get3A_2124 = arith.index_cast %get3A_2123 : i32 to index
      %get3A_2125 = arith.index_cast %scan3A_2122 : i32 to index
      %get3A_2126 = arith.constant 0 : index
      %get3A_2127 = tpu.vector_load %arg7[%get3A_2124, %get3A_2125, %get3A_2126] {strides = array<i32>} : memref<20x128x32xf32, #tpu.memory_space<vmem>>, vector<16xf32>,
      %add3A_2128 = arith.addf %add3A_2114, %get3A_2127 : vector<16xf32>
      %get3A_2129 = arith.constant 3 : i32
      %get3A_2130 = arith.index_cast %get3A_2129 : i32 to index
      %get3A_2131 = arith.index_cast %scan3A_2122 : i32 to index
      %get3A_2132 = arith.constant 16 : index
      %get3A_2133 = tpu.vector_load %arg7[%get3A_2130, %get3A_2131, %get3A_2132] {strides = array<i32>} : memref<20x128x32xf32, #tpu.memory_space<vmem>>, vector<16xf32>,
      %add3A_2134 = arith.addf %add3A_2120, %get3A_2133 : vector<16xf32>
      %scan3A_2135 = arith.constant 7 : i32
      %scan3A_2136 = arith.addi %scan3A_2037, %scan3A_2135 : i32
      %get3A_2137 = arith.constant 3 : i32
      %get3A_2138 = arith.index_cast %get3A_2137 : i32 to index
      %get3A_2139 = arith.index_cast %scan3A_2136 : i32 to index
      %get3A_2140 = arith.constant 0 : index
      %get3A_2141 = tpu.vector_load %arg7[%get3A_2138, %get3A_2139, %get3A_2140] {strides = array<i32>} : memref<20x128x32xf32, #tpu.memory_space<vmem>>, vector<16xf32>,
      %add3A_2142 = arith.addf %add3A_2128, %get3A_2141 : vector<16xf32>
      %get3A_2143 = arith.constant 3 : i32
      %get3A_2144 = arith.index_cast %get3A_2143 : i32 to index
      %get3A_2145 = arith.index_cast %scan3A_2136 : i32 to index
      %get3A_2146 = arith.constant 16 : index
      %get3A_2147 = tpu.vector_load %arg7[%get3A_2144, %get3A_2145, %get3A_2146] {strides = array<i32>} : memref<20x128x32xf32, #tpu.memory_space<vmem>>, vector<16xf32>,
      %add3A_2148 = arith.addf %add3A_2134, %get3A_2147 : vector<16xf32>
      scf.yield %add3A_2142, %add3A_2148 : vector<16xf32>, vector<16xf32>
    }
    %scan3A_1648 = arith.constant 128 : i32
    %swap3A_1649 = arith.constant 96 : index
    %swap3A_1650 = tpu.vector_load %arg8[%swap3A_1649] {strides = array<i32>} : memref<640xf32, #tpu.memory_space<vmem>>, vector<16xf32>,
    tpu.vector_store %arg8[%swap3A_1649], %scan3A_1647#0 {strides = array<i32>} : memref<640xf32, #tpu.memory_space<vmem>>, vector<16xf32>,
    %swap3A_1651 = arith.constant 112 : index
    %swap3A_1652 = tpu.vector_load %arg8[%swap3A_1651] {strides = array<i32>} : memref<640xf32, #tpu.memory_space<vmem>>, vector<16xf32>,
    tpu.vector_store %arg8[%swap3A_1651], %scan3A_1647#1 {strides = array<i32>} : memref<640xf32, #tpu.memory_space<vmem>>, vector<16xf32>,
    %dma_wait3A_1653 = arith.constant 4 : i32
    %dma_wait3A_1654 = arith.constant 4 : i32
    %dma_wait3A_1655 = arith.constant 0 : i32
    %dma_wait3A_1656 = arith.constant 0 : i32
    %dma_wait3A_1657 = tpu.memref_slice %arg7[%dma_wait3A_1654, %dma_wait3A_1655, %dma_wait3A_1656] : memref<20x128x32xf32, #tpu.memory_space<vmem>> -> memref<1x128x32xf32, #tpu.memory_space<vmem>>
    %dma_wait3A_1658 = tpu.memref_squeeze %dma_wait3A_1657 : memref<1x128x32xf32, #tpu.memory_space<vmem>> -> memref<128x32xf32, #tpu.memory_space<vmem>>
    %dma_wait3A_1659 = arith.constant 0 : i32
    %dma_wait3A_1660 = tpu.memref_slice %arg6[%dma_wait3A_1653, %dma_wait3A_1659] : memref<20x128xi32, #tpu.memory_space<vmem>> -> memref<1x128xi32, #tpu.memory_space<vmem>>
    %dma_wait3A_1661 = tpu.memref_squeeze %dma_wait3A_1660 : memref<1x128xi32, #tpu.memory_space<vmem>> -> memref<128xi32, #tpu.memory_space<vmem>>
    %dma_wait3A_1662 = arith.constant 0 : i32
    %dma_wait3A_1663 = arith.constant 0 : i32
    %dma_wait3A_1664 = tpu.memref_slice %arg3[%dma_wait3A_1662, %dma_wait3A_1663] : memref<100000x32xf32, #tpu.memory_space<hbm>> -> memref<100000x32xf32, #tpu.memory_space<hbm>>
    tpu.wait_indirect_dma semaphore(%arg9 : memref<!tpu.dma_semaphore, #tpu.memory_space<semaphore_mem>>) src(%dma_wait3A_1664 : memref<100000x32xf32, #tpu.memory_space<hbm>>) dst(%dma_wait3A_1658 : memref<128x32xf32, #tpu.memory_space<vmem>>)
    %broadcast_in_dim3A_1665 = arith.constant 0.000000e+00 : f32
    %broadcast_in_dim3A_1666 = vector.broadcast %broadcast_in_dim3A_1665 : f32 to vector<16xf32>
    %scan3A_1667 = arith.constant 0 : i32
    %scan3A_1668 = arith.constant 128 : i32
    %scan3A_1669 = arith.addi %scan3A_1667, %scan3A_1668 : i32
    %scan3A_1670 = arith.constant 8 : i32
    %scan3A_1671:2 = scf.for %scan3A_2037 = %scan3A_1667 to %scan3A_1669 step %scan3A_1670 iter_args(%scan3A_2038 = %broadcast_in_dim3A_1666, %scan3A_2039 = %broadcast_in_dim3A_1666) -> (vector<16xf32>, vector<16xf32>)  : i32 {
      %get3A = arith.constant 4 : i32
      %get3A_2040 = arith.index_cast %get3A : i32 to index
      %get3A_2041 = arith.index_cast %scan3A_2037 : i32 to index
      %get3A_2042 = arith.constant 0 : index
      %get3A_2043 = tpu.vector_load %arg7[%get3A_2040, %get3A_2041, %get3A_2042] {strides = array<i32>} : memref<20x128x32xf32, #tpu.memory_space<vmem>>, vector<16xf32>,
      %add3A_2044 = arith.addf %scan3A_2038, %get3A_2043 : vector<16xf32>
      %get3A_2045 = arith.constant 4 : i32
      %get3A_2046 = arith.index_cast %get3A_2045 : i32 to index
      %get3A_2047 = arith.index_cast %scan3A_2037 : i32 to index
      %get3A_2048 = arith.constant 16 : index
      %get3A_2049 = tpu.vector_load %arg7[%get3A_2046, %get3A_2047, %get3A_2048] {strides = array<i32>} : memref<20x128x32xf32, #tpu.memory_space<vmem>>, vector<16xf32>,
      %add3A_2050 = arith.addf %scan3A_2039, %get3A_2049 : vector<16xf32>
      %scan3A_2051 = arith.constant 1 : i32
      %scan3A_2052 = arith.addi %scan3A_2037, %scan3A_2051 : i32
      %get3A_2053 = arith.constant 4 : i32
      %get3A_2054 = arith.index_cast %get3A_2053 : i32 to index
      %get3A_2055 = arith.index_cast %scan3A_2052 : i32 to index
      %get3A_2056 = arith.constant 0 : index
      %get3A_2057 = tpu.vector_load %arg7[%get3A_2054, %get3A_2055, %get3A_2056] {strides = array<i32>} : memref<20x128x32xf32, #tpu.memory_space<vmem>>, vector<16xf32>,
      %add3A_2058 = arith.addf %add3A_2044, %get3A_2057 : vector<16xf32>
      %get3A_2059 = arith.constant 4 : i32
      %get3A_2060 = arith.index_cast %get3A_2059 : i32 to index
      %get3A_2061 = arith.index_cast %scan3A_2052 : i32 to index
      %get3A_2062 = arith.constant 16 : index
      %get3A_2063 = tpu.vector_load %arg7[%get3A_2060, %get3A_2061, %get3A_2062] {strides = array<i32>} : memref<20x128x32xf32, #tpu.memory_space<vmem>>, vector<16xf32>,
      %add3A_2064 = arith.addf %add3A_2050, %get3A_2063 : vector<16xf32>
      %scan3A_2065 = arith.constant 2 : i32
      %scan3A_2066 = arith.addi %scan3A_2037, %scan3A_2065 : i32
      %get3A_2067 = arith.constant 4 : i32
      %get3A_2068 = arith.index_cast %get3A_2067 : i32 to index
      %get3A_2069 = arith.index_cast %scan3A_2066 : i32 to index
      %get3A_2070 = arith.constant 0 : index
      %get3A_2071 = tpu.vector_load %arg7[%get3A_2068, %get3A_2069, %get3A_2070] {strides = array<i32>} : memref<20x128x32xf32, #tpu.memory_space<vmem>>, vector<16xf32>,
      %add3A_2072 = arith.addf %add3A_2058, %get3A_2071 : vector<16xf32>
      %get3A_2073 = arith.constant 4 : i32
      %get3A_2074 = arith.index_cast %get3A_2073 : i32 to index
      %get3A_2075 = arith.index_cast %scan3A_2066 : i32 to index
      %get3A_2076 = arith.constant 16 : index
      %get3A_2077 = tpu.vector_load %arg7[%get3A_2074, %get3A_2075, %get3A_2076] {strides = array<i32>} : memref<20x128x32xf32, #tpu.memory_space<vmem>>, vector<16xf32>,
      %add3A_2078 = arith.addf %add3A_2064, %get3A_2077 : vector<16xf32>
      %scan3A_2079 = arith.constant 3 : i32
      %scan3A_2080 = arith.addi %scan3A_2037, %scan3A_2079 : i32
      %get3A_2081 = arith.constant 4 : i32
      %get3A_2082 = arith.index_cast %get3A_2081 : i32 to index
      %get3A_2083 = arith.index_cast %scan3A_2080 : i32 to index
      %get3A_2084 = arith.constant 0 : index
      %get3A_2085 = tpu.vector_load %arg7[%get3A_2082, %get3A_2083, %get3A_2084] {strides = array<i32>} : memref<20x128x32xf32, #tpu.memory_space<vmem>>, vector<16xf32>,
      %add3A_2086 = arith.addf %add3A_2072, %get3A_2085 : vector<16xf32>
      %get3A_2087 = arith.constant 4 : i32
      %get3A_2088 = arith.index_cast %get3A_2087 : i32 to index
      %get3A_2089 = arith.index_cast %scan3A_2080 : i32 to index
      %get3A_2090 = arith.constant 16 : index
      %get3A_2091 = tpu.vector_load %arg7[%get3A_2088, %get3A_2089, %get3A_2090] {strides = array<i32>} : memref<20x128x32xf32, #tpu.memory_space<vmem>>, vector<16xf32>,
      %add3A_2092 = arith.addf %add3A_2078, %get3A_2091 : vector<16xf32>
      %scan3A_2093 = arith.constant 4 : i32
      %scan3A_2094 = arith.addi %scan3A_2037, %scan3A_2093 : i32
      %get3A_2095 = arith.constant 4 : i32
      %get3A_2096 = arith.index_cast %get3A_2095 : i32 to index
      %get3A_2097 = arith.index_cast %scan3A_2094 : i32 to index
      %get3A_2098 = arith.constant 0 : index
      %get3A_2099 = tpu.vector_load %arg7[%get3A_2096, %get3A_2097, %get3A_2098] {strides = array<i32>} : memref<20x128x32xf32, #tpu.memory_space<vmem>>, vector<16xf32>,
      %add3A_2100 = arith.addf %add3A_2086, %get3A_2099 : vector<16xf32>
      %get3A_2101 = arith.constant 4 : i32
      %get3A_2102 = arith.index_cast %get3A_2101 : i32 to index
      %get3A_2103 = arith.index_cast %scan3A_2094 : i32 to index
      %get3A_2104 = arith.constant 16 : index
      %get3A_2105 = tpu.vector_load %arg7[%get3A_2102, %get3A_2103, %get3A_2104] {strides = array<i32>} : memref<20x128x32xf32, #tpu.memory_space<vmem>>, vector<16xf32>,
      %add3A_2106 = arith.addf %add3A_2092, %get3A_2105 : vector<16xf32>
      %scan3A_2107 = arith.constant 5 : i32
      %scan3A_2108 = arith.addi %scan3A_2037, %scan3A_2107 : i32
      %get3A_2109 = arith.constant 4 : i32
      %get3A_2110 = arith.index_cast %get3A_2109 : i32 to index
      %get3A_2111 = arith.index_cast %scan3A_2108 : i32 to index
      %get3A_2112 = arith.constant 0 : index
      %get3A_2113 = tpu.vector_load %arg7[%get3A_2110, %get3A_2111, %get3A_2112] {strides = array<i32>} : memref<20x128x32xf32, #tpu.memory_space<vmem>>, vector<16xf32>,
      %add3A_2114 = arith.addf %add3A_2100, %get3A_2113 : vector<16xf32>
      %get3A_2115 = arith.constant 4 : i32
      %get3A_2116 = arith.index_cast %get3A_2115 : i32 to index
      %get3A_2117 = arith.index_cast %scan3A_2108 : i32 to index
      %get3A_2118 = arith.constant 16 : index
      %get3A_2119 = tpu.vector_load %arg7[%get3A_2116, %get3A_2117, %get3A_2118] {strides = array<i32>} : memref<20x128x32xf32, #tpu.memory_space<vmem>>, vector<16xf32>,
      %add3A_2120 = arith.addf %add3A_2106, %get3A_2119 : vector<16xf32>
      %scan3A_2121 = arith.constant 6 : i32
      %scan3A_2122 = arith.addi %scan3A_2037, %scan3A_2121 : i32
      %get3A_2123 = arith.constant 4 : i32
      %get3A_2124 = arith.index_cast %get3A_2123 : i32 to index
      %get3A_2125 = arith.index_cast %scan3A_2122 : i32 to index
      %get3A_2126 = arith.constant 0 : index
      %get3A_2127 = tpu.vector_load %arg7[%get3A_2124, %get3A_2125, %get3A_2126] {strides = array<i32>} : memref<20x128x32xf32, #tpu.memory_space<vmem>>, vector<16xf32>,
      %add3A_2128 = arith.addf %add3A_2114, %get3A_2127 : vector<16xf32>
      %get3A_2129 = arith.constant 4 : i32
      %get3A_2130 = arith.index_cast %get3A_2129 : i32 to index
      %get3A_2131 = arith.index_cast %scan3A_2122 : i32 to index
      %get3A_2132 = arith.constant 16 : index
      %get3A_2133 = tpu.vector_load %arg7[%get3A_2130, %get3A_2131, %get3A_2132] {strides = array<i32>} : memref<20x128x32xf32, #tpu.memory_space<vmem>>, vector<16xf32>,
      %add3A_2134 = arith.addf %add3A_2120, %get3A_2133 : vector<16xf32>
      %scan3A_2135 = arith.constant 7 : i32
      %scan3A_2136 = arith.addi %scan3A_2037, %scan3A_2135 : i32
      %get3A_2137 = arith.constant 4 : i32
      %get3A_2138 = arith.index_cast %get3A_2137 : i32 to index
      %get3A_2139 = arith.index_cast %scan3A_2136 : i32 to index
      %get3A_2140 = arith.constant 0 : index
      %get3A_2141 = tpu.vector_load %arg7[%get3A_2138, %get3A_2139, %get3A_2140] {strides = array<i32>} : memref<20x128x32xf32, #tpu.memory_space<vmem>>, vector<16xf32>,
      %add3A_2142 = arith.addf %add3A_2128, %get3A_2141 : vector<16xf32>
      %get3A_2143 = arith.constant 4 : i32
      %get3A_2144 = arith.index_cast %get3A_2143 : i32 to index
      %get3A_2145 = arith.index_cast %scan3A_2136 : i32 to index
      %get3A_2146 = arith.constant 16 : index
      %get3A_2147 = tpu.vector_load %arg7[%get3A_2144, %get3A_2145, %get3A_2146] {strides = array<i32>} : memref<20x128x32xf32, #tpu.memory_space<vmem>>, vector<16xf32>,
      %add3A_2148 = arith.addf %add3A_2134, %get3A_2147 : vector<16xf32>
      scf.yield %add3A_2142, %add3A_2148 : vector<16xf32>, vector<16xf32>
    }
    %scan3A_1672 = arith.constant 128 : i32
    %swap3A_1673 = arith.constant 128 : index
    %swap3A_1674 = tpu.vector_load %arg8[%swap3A_1673] {strides = array<i32>} : memref<640xf32, #tpu.memory_space<vmem>>, vector<16xf32>,
    tpu.vector_store %arg8[%swap3A_1673], %scan3A_1671#0 {strides = array<i32>} : memref<640xf32, #tpu.memory_space<vmem>>, vector<16xf32>,
    %swap3A_1675 = arith.constant 144 : index
    %swap3A_1676 = tpu.vector_load %arg8[%swap3A_1675] {strides = array<i32>} : memref<640xf32, #tpu.memory_space<vmem>>, vector<16xf32>,
    tpu.vector_store %arg8[%swap3A_1675], %scan3A_1671#1 {strides = array<i32>} : memref<640xf32, #tpu.memory_space<vmem>>, vector<16xf32>,
    %dma_wait3A_1677 = arith.constant 5 : i32
    %dma_wait3A_1678 = arith.constant 5 : i32
    %dma_wait3A_1679 = arith.constant 0 : i32
    %dma_wait3A_1680 = arith.constant 0 : i32
    %dma_wait3A_1681 = tpu.memref_slice %arg7[%dma_wait3A_1678, %dma_wait3A_1679, %dma_wait3A_1680] : memref<20x128x32xf32, #tpu.memory_space<vmem>> -> memref<1x128x32xf32, #tpu.memory_space<vmem>>
    %dma_wait3A_1682 = tpu.memref_squeeze %dma_wait3A_1681 : memref<1x128x32xf32, #tpu.memory_space<vmem>> -> memref<128x32xf32, #tpu.memory_space<vmem>>
    %dma_wait3A_1683 = arith.constant 0 : i32
    %dma_wait3A_1684 = tpu.memref_slice %arg6[%dma_wait3A_1677, %dma_wait3A_1683] : memref<20x128xi32, #tpu.memory_space<vmem>> -> memref<1x128xi32, #tpu.memory_space<vmem>>
    %dma_wait3A_1685 = tpu.memref_squeeze %dma_wait3A_1684 : memref<1x128xi32, #tpu.memory_space<vmem>> -> memref<128xi32, #tpu.memory_space<vmem>>
    %dma_wait3A_1686 = arith.constant 0 : i32
    %dma_wait3A_1687 = arith.constant 0 : i32
    %dma_wait3A_1688 = tpu.memref_slice %arg3[%dma_wait3A_1686, %dma_wait3A_1687] : memref<100000x32xf32, #tpu.memory_space<hbm>> -> memref<100000x32xf32, #tpu.memory_space<hbm>>
    tpu.wait_indirect_dma semaphore(%arg9 : memref<!tpu.dma_semaphore, #tpu.memory_space<semaphore_mem>>) src(%dma_wait3A_1688 : memref<100000x32xf32, #tpu.memory_space<hbm>>) dst(%dma_wait3A_1682 : memref<128x32xf32, #tpu.memory_space<vmem>>)
    %broadcast_in_dim3A_1689 = arith.constant 0.000000e+00 : f32
    %broadcast_in_dim3A_1690 = vector.broadcast %broadcast_in_dim3A_1689 : f32 to vector<16xf32>
    %scan3A_1691 = arith.constant 0 : i32
    %scan3A_1692 = arith.constant 128 : i32
    %scan3A_1693 = arith.addi %scan3A_1691, %scan3A_1692 : i32
    %scan3A_1694 = arith.constant 8 : i32
    %scan3A_1695:2 = scf.for %scan3A_2037 = %scan3A_1691 to %scan3A_1693 step %scan3A_1694 iter_args(%scan3A_2038 = %broadcast_in_dim3A_1690, %scan3A_2039 = %broadcast_in_dim3A_1690) -> (vector<16xf32>, vector<16xf32>)  : i32 {
      %get3A = arith.constant 5 : i32
      %get3A_2040 = arith.index_cast %get3A : i32 to index
      %get3A_2041 = arith.index_cast %scan3A_2037 : i32 to index
      %get3A_2042 = arith.constant 0 : index
      %get3A_2043 = tpu.vector_load %arg7[%get3A_2040, %get3A_2041, %get3A_2042] {strides = array<i32>} : memref<20x128x32xf32, #tpu.memory_space<vmem>>, vector<16xf32>,
      %add3A_2044 = arith.addf %scan3A_2038, %get3A_2043 : vector<16xf32>
      %get3A_2045 = arith.constant 5 : i32
      %get3A_2046 = arith.index_cast %get3A_2045 : i32 to index
      %get3A_2047 = arith.index_cast %scan3A_2037 : i32 to index
      %get3A_2048 = arith.constant 16 : index
      %get3A_2049 = tpu.vector_load %arg7[%get3A_2046, %get3A_2047, %get3A_2048] {strides = array<i32>} : memref<20x128x32xf32, #tpu.memory_space<vmem>>, vector<16xf32>,
      %add3A_2050 = arith.addf %scan3A_2039, %get3A_2049 : vector<16xf32>
      %scan3A_2051 = arith.constant 1 : i32
      %scan3A_2052 = arith.addi %scan3A_2037, %scan3A_2051 : i32
      %get3A_2053 = arith.constant 5 : i32
      %get3A_2054 = arith.index_cast %get3A_2053 : i32 to index
      %get3A_2055 = arith.index_cast %scan3A_2052 : i32 to index
      %get3A_2056 = arith.constant 0 : index
      %get3A_2057 = tpu.vector_load %arg7[%get3A_2054, %get3A_2055, %get3A_2056] {strides = array<i32>} : memref<20x128x32xf32, #tpu.memory_space<vmem>>, vector<16xf32>,
      %add3A_2058 = arith.addf %add3A_2044, %get3A_2057 : vector<16xf32>
      %get3A_2059 = arith.constant 5 : i32
      %get3A_2060 = arith.index_cast %get3A_2059 : i32 to index
      %get3A_2061 = arith.index_cast %scan3A_2052 : i32 to index
      %get3A_2062 = arith.constant 16 : index
      %get3A_2063 = tpu.vector_load %arg7[%get3A_2060, %get3A_2061, %get3A_2062] {strides = array<i32>} : memref<20x128x32xf32, #tpu.memory_space<vmem>>, vector<16xf32>,
      %add3A_2064 = arith.addf %add3A_2050, %get3A_2063 : vector<16xf32>
      %scan3A_2065 = arith.constant 2 : i32
      %scan3A_2066 = arith.addi %scan3A_2037, %scan3A_2065 : i32
      %get3A_2067 = arith.constant 5 : i32
      %get3A_2068 = arith.index_cast %get3A_2067 : i32 to index
      %get3A_2069 = arith.index_cast %scan3A_2066 : i32 to index
      %get3A_2070 = arith.constant 0 : index
      %get3A_2071 = tpu.vector_load %arg7[%get3A_2068, %get3A_2069, %get3A_2070] {strides = array<i32>} : memref<20x128x32xf32, #tpu.memory_space<vmem>>, vector<16xf32>,
      %add3A_2072 = arith.addf %add3A_2058, %get3A_2071 : vector<16xf32>
      %get3A_2073 = arith.constant 5 : i32
      %get3A_2074 = arith.index_cast %get3A_2073 : i32 to index
      %get3A_2075 = arith.index_cast %scan3A_2066 : i32 to index
      %get3A_2076 = arith.constant 16 : index
      %get3A_2077 = tpu.vector_load %arg7[%get3A_2074, %get3A_2075, %get3A_2076] {strides = array<i32>} : memref<20x128x32xf32, #tpu.memory_space<vmem>>, vector<16xf32>,
      %add3A_2078 = arith.addf %add3A_2064, %get3A_2077 : vector<16xf32>
      %scan3A_2079 = arith.constant 3 : i32
      %scan3A_2080 = arith.addi %scan3A_2037, %scan3A_2079 : i32
      %get3A_2081 = arith.constant 5 : i32
      %get3A_2082 = arith.index_cast %get3A_2081 : i32 to index
      %get3A_2083 = arith.index_cast %scan3A_2080 : i32 to index
      %get3A_2084 = arith.constant 0 : index
      %get3A_2085 = tpu.vector_load %arg7[%get3A_2082, %get3A_2083, %get3A_2084] {strides = array<i32>} : memref<20x128x32xf32, #tpu.memory_space<vmem>>, vector<16xf32>,
      %add3A_2086 = arith.addf %add3A_2072, %get3A_2085 : vector<16xf32>
      %get3A_2087 = arith.constant 5 : i32
      %get3A_2088 = arith.index_cast %get3A_2087 : i32 to index
      %get3A_2089 = arith.index_cast %scan3A_2080 : i32 to index
      %get3A_2090 = arith.constant 16 : index
      %get3A_2091 = tpu.vector_load %arg7[%get3A_2088, %get3A_2089, %get3A_2090] {strides = array<i32>} : memref<20x128x32xf32, #tpu.memory_space<vmem>>, vector<16xf32>,
      %add3A_2092 = arith.addf %add3A_2078, %get3A_2091 : vector<16xf32>
      %scan3A_2093 = arith.constant 4 : i32
      %scan3A_2094 = arith.addi %scan3A_2037, %scan3A_2093 : i32
      %get3A_2095 = arith.constant 5 : i32
      %get3A_2096 = arith.index_cast %get3A_2095 : i32 to index
      %get3A_2097 = arith.index_cast %scan3A_2094 : i32 to index
      %get3A_2098 = arith.constant 0 : index
      %get3A_2099 = tpu.vector_load %arg7[%get3A_2096, %get3A_2097, %get3A_2098] {strides = array<i32>} : memref<20x128x32xf32, #tpu.memory_space<vmem>>, vector<16xf32>,
      %add3A_2100 = arith.addf %add3A_2086, %get3A_2099 : vector<16xf32>
      %get3A_2101 = arith.constant 5 : i32
      %get3A_2102 = arith.index_cast %get3A_2101 : i32 to index
      %get3A_2103 = arith.index_cast %scan3A_2094 : i32 to index
      %get3A_2104 = arith.constant 16 : index
      %get3A_2105 = tpu.vector_load %arg7[%get3A_2102, %get3A_2103, %get3A_2104] {strides = array<i32>} : memref<20x128x32xf32, #tpu.memory_space<vmem>>, vector<16xf32>,
      %add3A_2106 = arith.addf %add3A_2092, %get3A_2105 : vector<16xf32>
      %scan3A_2107 = arith.constant 5 : i32
      %scan3A_2108 = arith.addi %scan3A_2037, %scan3A_2107 : i32
      %get3A_2109 = arith.constant 5 : i32
      %get3A_2110 = arith.index_cast %get3A_2109 : i32 to index
      %get3A_2111 = arith.index_cast %scan3A_2108 : i32 to index
      %get3A_2112 = arith.constant 0 : index
      %get3A_2113 = tpu.vector_load %arg7[%get3A_2110, %get3A_2111, %get3A_2112] {strides = array<i32>} : memref<20x128x32xf32, #tpu.memory_space<vmem>>, vector<16xf32>,
      %add3A_2114 = arith.addf %add3A_2100, %get3A_2113 : vector<16xf32>
      %get3A_2115 = arith.constant 5 : i32
      %get3A_2116 = arith.index_cast %get3A_2115 : i32 to index
      %get3A_2117 = arith.index_cast %scan3A_2108 : i32 to index
      %get3A_2118 = arith.constant 16 : index
      %get3A_2119 = tpu.vector_load %arg7[%get3A_2116, %get3A_2117, %get3A_2118] {strides = array<i32>} : memref<20x128x32xf32, #tpu.memory_space<vmem>>, vector<16xf32>,
      %add3A_2120 = arith.addf %add3A_2106, %get3A_2119 : vector<16xf32>
      %scan3A_2121 = arith.constant 6 : i32
      %scan3A_2122 = arith.addi %scan3A_2037, %scan3A_2121 : i32
      %get3A_2123 = arith.constant 5 : i32
      %get3A_2124 = arith.index_cast %get3A_2123 : i32 to index
      %get3A_2125 = arith.index_cast %scan3A_2122 : i32 to index
      %get3A_2126 = arith.constant 0 : index
      %get3A_2127 = tpu.vector_load %arg7[%get3A_2124, %get3A_2125, %get3A_2126] {strides = array<i32>} : memref<20x128x32xf32, #tpu.memory_space<vmem>>, vector<16xf32>,
      %add3A_2128 = arith.addf %add3A_2114, %get3A_2127 : vector<16xf32>
      %get3A_2129 = arith.constant 5 : i32
      %get3A_2130 = arith.index_cast %get3A_2129 : i32 to index
      %get3A_2131 = arith.index_cast %scan3A_2122 : i32 to index
      %get3A_2132 = arith.constant 16 : index
      %get3A_2133 = tpu.vector_load %arg7[%get3A_2130, %get3A_2131, %get3A_2132] {strides = array<i32>} : memref<20x128x32xf32, #tpu.memory_space<vmem>>, vector<16xf32>,
      %add3A_2134 = arith.addf %add3A_2120, %get3A_2133 : vector<16xf32>
      %scan3A_2135 = arith.constant 7 : i32
      %scan3A_2136 = arith.addi %scan3A_2037, %scan3A_2135 : i32
      %get3A_2137 = arith.constant 5 : i32
      %get3A_2138 = arith.index_cast %get3A_2137 : i32 to index
      %get3A_2139 = arith.index_cast %scan3A_2136 : i32 to index
      %get3A_2140 = arith.constant 0 : index
      %get3A_2141 = tpu.vector_load %arg7[%get3A_2138, %get3A_2139, %get3A_2140] {strides = array<i32>} : memref<20x128x32xf32, #tpu.memory_space<vmem>>, vector<16xf32>,
      %add3A_2142 = arith.addf %add3A_2128, %get3A_2141 : vector<16xf32>
      %get3A_2143 = arith.constant 5 : i32
      %get3A_2144 = arith.index_cast %get3A_2143 : i32 to index
      %get3A_2145 = arith.index_cast %scan3A_2136 : i32 to index
      %get3A_2146 = arith.constant 16 : index
      %get3A_2147 = tpu.vector_load %arg7[%get3A_2144, %get3A_2145, %get3A_2146] {strides = array<i32>} : memref<20x128x32xf32, #tpu.memory_space<vmem>>, vector<16xf32>,
      %add3A_2148 = arith.addf %add3A_2134, %get3A_2147 : vector<16xf32>
      scf.yield %add3A_2142, %add3A_2148 : vector<16xf32>, vector<16xf32>
    }
    %scan3A_1696 = arith.constant 128 : i32
    %swap3A_1697 = arith.constant 160 : index
    %swap3A_1698 = tpu.vector_load %arg8[%swap3A_1697] {strides = array<i32>} : memref<640xf32, #tpu.memory_space<vmem>>, vector<16xf32>,
    tpu.vector_store %arg8[%swap3A_1697], %scan3A_1695#0 {strides = array<i32>} : memref<640xf32, #tpu.memory_space<vmem>>, vector<16xf32>,
    %swap3A_1699 = arith.constant 176 : index
    %swap3A_1700 = tpu.vector_load %arg8[%swap3A_1699] {strides = array<i32>} : memref<640xf32, #tpu.memory_space<vmem>>, vector<16xf32>,
    tpu.vector_store %arg8[%swap3A_1699], %scan3A_1695#1 {strides = array<i32>} : memref<640xf32, #tpu.memory_space<vmem>>, vector<16xf32>,
    %dma_wait3A_1701 = arith.constant 6 : i32
    %dma_wait3A_1702 = arith.constant 6 : i32
    %dma_wait3A_1703 = arith.constant 0 : i32
    %dma_wait3A_1704 = arith.constant 0 : i32
    %dma_wait3A_1705 = tpu.memref_slice %arg7[%dma_wait3A_1702, %dma_wait3A_1703, %dma_wait3A_1704] : memref<20x128x32xf32, #tpu.memory_space<vmem>> -> memref<1x128x32xf32, #tpu.memory_space<vmem>>
    %dma_wait3A_1706 = tpu.memref_squeeze %dma_wait3A_1705 : memref<1x128x32xf32, #tpu.memory_space<vmem>> -> memref<128x32xf32, #tpu.memory_space<vmem>>
    %dma_wait3A_1707 = arith.constant 0 : i32
    %dma_wait3A_1708 = tpu.memref_slice %arg6[%dma_wait3A_1701, %dma_wait3A_1707] : memref<20x128xi32, #tpu.memory_space<vmem>> -> memref<1x128xi32, #tpu.memory_space<vmem>>
    %dma_wait3A_1709 = tpu.memref_squeeze %dma_wait3A_1708 : memref<1x128xi32, #tpu.memory_space<vmem>> -> memref<128xi32, #tpu.memory_space<vmem>>
    %dma_wait3A_1710 = arith.constant 0 : i32
    %dma_wait3A_1711 = arith.constant 0 : i32
    %dma_wait3A_1712 = tpu.memref_slice %arg3[%dma_wait3A_1710, %dma_wait3A_1711] : memref<100000x32xf32, #tpu.memory_space<hbm>> -> memref<100000x32xf32, #tpu.memory_space<hbm>>
    tpu.wait_indirect_dma semaphore(%arg9 : memref<!tpu.dma_semaphore, #tpu.memory_space<semaphore_mem>>) src(%dma_wait3A_1712 : memref<100000x32xf32, #tpu.memory_space<hbm>>) dst(%dma_wait3A_1706 : memref<128x32xf32, #tpu.memory_space<vmem>>)
    %broadcast_in_dim3A_1713 = arith.constant 0.000000e+00 : f32
    %broadcast_in_dim3A_1714 = vector.broadcast %broadcast_in_dim3A_1713 : f32 to vector<16xf32>
    %scan3A_1715 = arith.constant 0 : i32
    %scan3A_1716 = arith.constant 128 : i32
    %scan3A_1717 = arith.addi %scan3A_1715, %scan3A_1716 : i32
    %scan3A_1718 = arith.constant 8 : i32
    %scan3A_1719:2 = scf.for %scan3A_2037 = %scan3A_1715 to %scan3A_1717 step %scan3A_1718 iter_args(%scan3A_2038 = %broadcast_in_dim3A_1714, %scan3A_2039 = %broadcast_in_dim3A_1714) -> (vector<16xf32>, vector<16xf32>)  : i32 {
      %get3A = arith.constant 6 : i32
      %get3A_2040 = arith.index_cast %get3A : i32 to index
      %get3A_2041 = arith.index_cast %scan3A_2037 : i32 to index
      %get3A_2042 = arith.constant 0 : index
      %get3A_2043 = tpu.vector_load %arg7[%get3A_2040, %get3A_2041, %get3A_2042] {strides = array<i32>} : memref<20x128x32xf32, #tpu.memory_space<vmem>>, vector<16xf32>,
      %add3A_2044 = arith.addf %scan3A_2038, %get3A_2043 : vector<16xf32>
      %get3A_2045 = arith.constant 6 : i32
      %get3A_2046 = arith.index_cast %get3A_2045 : i32 to index
      %get3A_2047 = arith.index_cast %scan3A_2037 : i32 to index
      %get3A_2048 = arith.constant 16 : index
      %get3A_2049 = tpu.vector_load %arg7[%get3A_2046, %get3A_2047, %get3A_2048] {strides = array<i32>} : memref<20x128x32xf32, #tpu.memory_space<vmem>>, vector<16xf32>,
      %add3A_2050 = arith.addf %scan3A_2039, %get3A_2049 : vector<16xf32>
      %scan3A_2051 = arith.constant 1 : i32
      %scan3A_2052 = arith.addi %scan3A_2037, %scan3A_2051 : i32
      %get3A_2053 = arith.constant 6 : i32
      %get3A_2054 = arith.index_cast %get3A_2053 : i32 to index
      %get3A_2055 = arith.index_cast %scan3A_2052 : i32 to index
      %get3A_2056 = arith.constant 0 : index
      %get3A_2057 = tpu.vector_load %arg7[%get3A_2054, %get3A_2055, %get3A_2056] {strides = array<i32>} : memref<20x128x32xf32, #tpu.memory_space<vmem>>, vector<16xf32>,
      %add3A_2058 = arith.addf %add3A_2044, %get3A_2057 : vector<16xf32>
      %get3A_2059 = arith.constant 6 : i32
      %get3A_2060 = arith.index_cast %get3A_2059 : i32 to index
      %get3A_2061 = arith.index_cast %scan3A_2052 : i32 to index
      %get3A_2062 = arith.constant 16 : index
      %get3A_2063 = tpu.vector_load %arg7[%get3A_2060, %get3A_2061, %get3A_2062] {strides = array<i32>} : memref<20x128x32xf32, #tpu.memory_space<vmem>>, vector<16xf32>,
      %add3A_2064 = arith.addf %add3A_2050, %get3A_2063 : vector<16xf32>
      %scan3A_2065 = arith.constant 2 : i32
      %scan3A_2066 = arith.addi %scan3A_2037, %scan3A_2065 : i32
      %get3A_2067 = arith.constant 6 : i32
      %get3A_2068 = arith.index_cast %get3A_2067 : i32 to index
      %get3A_2069 = arith.index_cast %scan3A_2066 : i32 to index
      %get3A_2070 = arith.constant 0 : index
      %get3A_2071 = tpu.vector_load %arg7[%get3A_2068, %get3A_2069, %get3A_2070] {strides = array<i32>} : memref<20x128x32xf32, #tpu.memory_space<vmem>>, vector<16xf32>,
      %add3A_2072 = arith.addf %add3A_2058, %get3A_2071 : vector<16xf32>
      %get3A_2073 = arith.constant 6 : i32
      %get3A_2074 = arith.index_cast %get3A_2073 : i32 to index
      %get3A_2075 = arith.index_cast %scan3A_2066 : i32 to index
      %get3A_2076 = arith.constant 16 : index
      %get3A_2077 = tpu.vector_load %arg7[%get3A_2074, %get3A_2075, %get3A_2076] {strides = array<i32>} : memref<20x128x32xf32, #tpu.memory_space<vmem>>, vector<16xf32>,
      %add3A_2078 = arith.addf %add3A_2064, %get3A_2077 : vector<16xf32>
      %scan3A_2079 = arith.constant 3 : i32
      %scan3A_2080 = arith.addi %scan3A_2037, %scan3A_2079 : i32
      %get3A_2081 = arith.constant 6 : i32
      %get3A_2082 = arith.index_cast %get3A_2081 : i32 to index
      %get3A_2083 = arith.index_cast %scan3A_2080 : i32 to index
      %get3A_2084 = arith.constant 0 : index
      %get3A_2085 = tpu.vector_load %arg7[%get3A_2082, %get3A_2083, %get3A_2084] {strides = array<i32>} : memref<20x128x32xf32, #tpu.memory_space<vmem>>, vector<16xf32>,
      %add3A_2086 = arith.addf %add3A_2072, %get3A_2085 : vector<16xf32>
      %get3A_2087 = arith.constant 6 : i32
      %get3A_2088 = arith.index_cast %get3A_2087 : i32 to index
      %get3A_2089 = arith.index_cast %scan3A_2080 : i32 to index
      %get3A_2090 = arith.constant 16 : index
      %get3A_2091 = tpu.vector_load %arg7[%get3A_2088, %get3A_2089, %get3A_2090] {strides = array<i32>} : memref<20x128x32xf32, #tpu.memory_space<vmem>>, vector<16xf32>,
      %add3A_2092 = arith.addf %add3A_2078, %get3A_2091 : vector<16xf32>
      %scan3A_2093 = arith.constant 4 : i32
      %scan3A_2094 = arith.addi %scan3A_2037, %scan3A_2093 : i32
      %get3A_2095 = arith.constant 6 : i32
      %get3A_2096 = arith.index_cast %get3A_2095 : i32 to index
      %get3A_2097 = arith.index_cast %scan3A_2094 : i32 to index
      %get3A_2098 = arith.constant 0 : index
      %get3A_2099 = tpu.vector_load %arg7[%get3A_2096, %get3A_2097, %get3A_2098] {strides = array<i32>} : memref<20x128x32xf32, #tpu.memory_space<vmem>>, vector<16xf32>,
      %add3A_2100 = arith.addf %add3A_2086, %get3A_2099 : vector<16xf32>
      %get3A_2101 = arith.constant 6 : i32
      %get3A_2102 = arith.index_cast %get3A_2101 : i32 to index
      %get3A_2103 = arith.index_cast %scan3A_2094 : i32 to index
      %get3A_2104 = arith.constant 16 : index
      %get3A_2105 = tpu.vector_load %arg7[%get3A_2102, %get3A_2103, %get3A_2104] {strides = array<i32>} : memref<20x128x32xf32, #tpu.memory_space<vmem>>, vector<16xf32>,
      %add3A_2106 = arith.addf %add3A_2092, %get3A_2105 : vector<16xf32>
      %scan3A_2107 = arith.constant 5 : i32
      %scan3A_2108 = arith.addi %scan3A_2037, %scan3A_2107 : i32
      %get3A_2109 = arith.constant 6 : i32
      %get3A_2110 = arith.index_cast %get3A_2109 : i32 to index
      %get3A_2111 = arith.index_cast %scan3A_2108 : i32 to index
      %get3A_2112 = arith.constant 0 : index
      %get3A_2113 = tpu.vector_load %arg7[%get3A_2110, %get3A_2111, %get3A_2112] {strides = array<i32>} : memref<20x128x32xf32, #tpu.memory_space<vmem>>, vector<16xf32>,
      %add3A_2114 = arith.addf %add3A_2100, %get3A_2113 : vector<16xf32>
      %get3A_2115 = arith.constant 6 : i32
      %get3A_2116 = arith.index_cast %get3A_2115 : i32 to index
      %get3A_2117 = arith.index_cast %scan3A_2108 : i32 to index
      %get3A_2118 = arith.constant 16 : index
      %get3A_2119 = tpu.vector_load %arg7[%get3A_2116, %get3A_2117, %get3A_2118] {strides = array<i32>} : memref<20x128x32xf32, #tpu.memory_space<vmem>>, vector<16xf32>,
      %add3A_2120 = arith.addf %add3A_2106, %get3A_2119 : vector<16xf32>
      %scan3A_2121 = arith.constant 6 : i32
      %scan3A_2122 = arith.addi %scan3A_2037, %scan3A_2121 : i32
      %get3A_2123 = arith.constant 6 : i32
      %get3A_2124 = arith.index_cast %get3A_2123 : i32 to index
      %get3A_2125 = arith.index_cast %scan3A_2122 : i32 to index
      %get3A_2126 = arith.constant 0 : index
      %get3A_2127 = tpu.vector_load %arg7[%get3A_2124, %get3A_2125, %get3A_2126] {strides = array<i32>} : memref<20x128x32xf32, #tpu.memory_space<vmem>>, vector<16xf32>,
      %add3A_2128 = arith.addf %add3A_2114, %get3A_2127 : vector<16xf32>
      %get3A_2129 = arith.constant 6 : i32
      %get3A_2130 = arith.index_cast %get3A_2129 : i32 to index
      %get3A_2131 = arith.index_cast %scan3A_2122 : i32 to index
      %get3A_2132 = arith.constant 16 : index
      %get3A_2133 = tpu.vector_load %arg7[%get3A_2130, %get3A_2131, %get3A_2132] {strides = array<i32>} : memref<20x128x32xf32, #tpu.memory_space<vmem>>, vector<16xf32>,
      %add3A_2134 = arith.addf %add3A_2120, %get3A_2133 : vector<16xf32>
      %scan3A_2135 = arith.constant 7 : i32
      %scan3A_2136 = arith.addi %scan3A_2037, %scan3A_2135 : i32
      %get3A_2137 = arith.constant 6 : i32
      %get3A_2138 = arith.index_cast %get3A_2137 : i32 to index
      %get3A_2139 = arith.index_cast %scan3A_2136 : i32 to index
      %get3A_2140 = arith.constant 0 : index
      %get3A_2141 = tpu.vector_load %arg7[%get3A_2138, %get3A_2139, %get3A_2140] {strides = array<i32>} : memref<20x128x32xf32, #tpu.memory_space<vmem>>, vector<16xf32>,
      %add3A_2142 = arith.addf %add3A_2128, %get3A_2141 : vector<16xf32>
      %get3A_2143 = arith.constant 6 : i32
      %get3A_2144 = arith.index_cast %get3A_2143 : i32 to index
      %get3A_2145 = arith.index_cast %scan3A_2136 : i32 to index
      %get3A_2146 = arith.constant 16 : index
      %get3A_2147 = tpu.vector_load %arg7[%get3A_2144, %get3A_2145, %get3A_2146] {strides = array<i32>} : memref<20x128x32xf32, #tpu.memory_space<vmem>>, vector<16xf32>,
      %add3A_2148 = arith.addf %add3A_2134, %get3A_2147 : vector<16xf32>
      scf.yield %add3A_2142, %add3A_2148 : vector<16xf32>, vector<16xf32>
    }
    %scan3A_1720 = arith.constant 128 : i32
    %swap3A_1721 = arith.constant 192 : index
    %swap3A_1722 = tpu.vector_load %arg8[%swap3A_1721] {strides = array<i32>} : memref<640xf32, #tpu.memory_space<vmem>>, vector<16xf32>,
    tpu.vector_store %arg8[%swap3A_1721], %scan3A_1719#0 {strides = array<i32>} : memref<640xf32, #tpu.memory_space<vmem>>, vector<16xf32>,
    %swap3A_1723 = arith.constant 208 : index
    %swap3A_1724 = tpu.vector_load %arg8[%swap3A_1723] {strides = array<i32>} : memref<640xf32, #tpu.memory_space<vmem>>, vector<16xf32>,
    tpu.vector_store %arg8[%swap3A_1723], %scan3A_1719#1 {strides = array<i32>} : memref<640xf32, #tpu.memory_space<vmem>>, vector<16xf32>,
    %dma_wait3A_1725 = arith.constant 7 : i32
    %dma_wait3A_1726 = arith.constant 7 : i32
    %dma_wait3A_1727 = arith.constant 0 : i32
    %dma_wait3A_1728 = arith.constant 0 : i32
    %dma_wait3A_1729 = tpu.memref_slice %arg7[%dma_wait3A_1726, %dma_wait3A_1727, %dma_wait3A_1728] : memref<20x128x32xf32, #tpu.memory_space<vmem>> -> memref<1x128x32xf32, #tpu.memory_space<vmem>>
    %dma_wait3A_1730 = tpu.memref_squeeze %dma_wait3A_1729 : memref<1x128x32xf32, #tpu.memory_space<vmem>> -> memref<128x32xf32, #tpu.memory_space<vmem>>
    %dma_wait3A_1731 = arith.constant 0 : i32
    %dma_wait3A_1732 = tpu.memref_slice %arg6[%dma_wait3A_1725, %dma_wait3A_1731] : memref<20x128xi32, #tpu.memory_space<vmem>> -> memref<1x128xi32, #tpu.memory_space<vmem>>
    %dma_wait3A_1733 = tpu.memref_squeeze %dma_wait3A_1732 : memref<1x128xi32, #tpu.memory_space<vmem>> -> memref<128xi32, #tpu.memory_space<vmem>>
    %dma_wait3A_1734 = arith.constant 0 : i32
    %dma_wait3A_1735 = arith.constant 0 : i32
    %dma_wait3A_1736 = tpu.memref_slice %arg3[%dma_wait3A_1734, %dma_wait3A_1735] : memref<100000x32xf32, #tpu.memory_space<hbm>> -> memref<100000x32xf32, #tpu.memory_space<hbm>>
    tpu.wait_indirect_dma semaphore(%arg9 : memref<!tpu.dma_semaphore, #tpu.memory_space<semaphore_mem>>) src(%dma_wait3A_1736 : memref<100000x32xf32, #tpu.memory_space<hbm>>) dst(%dma_wait3A_1730 : memref<128x32xf32, #tpu.memory_space<vmem>>)
    %broadcast_in_dim3A_1737 = arith.constant 0.000000e+00 : f32
    %broadcast_in_dim3A_1738 = vector.broadcast %broadcast_in_dim3A_1737 : f32 to vector<16xf32>
    %scan3A_1739 = arith.constant 0 : i32
    %scan3A_1740 = arith.constant 128 : i32
    %scan3A_1741 = arith.addi %scan3A_1739, %scan3A_1740 : i32
    %scan3A_1742 = arith.constant 8 : i32
    %scan3A_1743:2 = scf.for %scan3A_2037 = %scan3A_1739 to %scan3A_1741 step %scan3A_1742 iter_args(%scan3A_2038 = %broadcast_in_dim3A_1738, %scan3A_2039 = %broadcast_in_dim3A_1738) -> (vector<16xf32>, vector<16xf32>)  : i32 {
      %get3A = arith.constant 7 : i32
      %get3A_2040 = arith.index_cast %get3A : i32 to index
      %get3A_2041 = arith.index_cast %scan3A_2037 : i32 to index
      %get3A_2042 = arith.constant 0 : index
      %get3A_2043 = tpu.vector_load %arg7[%get3A_2040, %get3A_2041, %get3A_2042] {strides = array<i32>} : memref<20x128x32xf32, #tpu.memory_space<vmem>>, vector<16xf32>,
      %add3A_2044 = arith.addf %scan3A_2038, %get3A_2043 : vector<16xf32>
      %get3A_2045 = arith.constant 7 : i32
      %get3A_2046 = arith.index_cast %get3A_2045 : i32 to index
      %get3A_2047 = arith.index_cast %scan3A_2037 : i32 to index
      %get3A_2048 = arith.constant 16 : index
      %get3A_2049 = tpu.vector_load %arg7[%get3A_2046, %get3A_2047, %get3A_2048] {strides = array<i32>} : memref<20x128x32xf32, #tpu.memory_space<vmem>>, vector<16xf32>,
      %add3A_2050 = arith.addf %scan3A_2039, %get3A_2049 : vector<16xf32>
      %scan3A_2051 = arith.constant 1 : i32
      %scan3A_2052 = arith.addi %scan3A_2037, %scan3A_2051 : i32
      %get3A_2053 = arith.constant 7 : i32
      %get3A_2054 = arith.index_cast %get3A_2053 : i32 to index
      %get3A_2055 = arith.index_cast %scan3A_2052 : i32 to index
      %get3A_2056 = arith.constant 0 : index
      %get3A_2057 = tpu.vector_load %arg7[%get3A_2054, %get3A_2055, %get3A_2056] {strides = array<i32>} : memref<20x128x32xf32, #tpu.memory_space<vmem>>, vector<16xf32>,
      %add3A_2058 = arith.addf %add3A_2044, %get3A_2057 : vector<16xf32>
      %get3A_2059 = arith.constant 7 : i32
      %get3A_2060 = arith.index_cast %get3A_2059 : i32 to index
      %get3A_2061 = arith.index_cast %scan3A_2052 : i32 to index
      %get3A_2062 = arith.constant 16 : index
      %get3A_2063 = tpu.vector_load %arg7[%get3A_2060, %get3A_2061, %get3A_2062] {strides = array<i32>} : memref<20x128x32xf32, #tpu.memory_space<vmem>>, vector<16xf32>,
      %add3A_2064 = arith.addf %add3A_2050, %get3A_2063 : vector<16xf32>
      %scan3A_2065 = arith.constant 2 : i32
      %scan3A_2066 = arith.addi %scan3A_2037, %scan3A_2065 : i32
      %get3A_2067 = arith.constant 7 : i32
      %get3A_2068 = arith.index_cast %get3A_2067 : i32 to index
      %get3A_2069 = arith.index_cast %scan3A_2066 : i32 to index
      %get3A_2070 = arith.constant 0 : index
      %get3A_2071 = tpu.vector_load %arg7[%get3A_2068, %get3A_2069, %get3A_2070] {strides = array<i32>} : memref<20x128x32xf32, #tpu.memory_space<vmem>>, vector<16xf32>,
      %add3A_2072 = arith.addf %add3A_2058, %get3A_2071 : vector<16xf32>
      %get3A_2073 = arith.constant 7 : i32
      %get3A_2074 = arith.index_cast %get3A_2073 : i32 to index
      %get3A_2075 = arith.index_cast %scan3A_2066 : i32 to index
      %get3A_2076 = arith.constant 16 : index
      %get3A_2077 = tpu.vector_load %arg7[%get3A_2074, %get3A_2075, %get3A_2076] {strides = array<i32>} : memref<20x128x32xf32, #tpu.memory_space<vmem>>, vector<16xf32>,
      %add3A_2078 = arith.addf %add3A_2064, %get3A_2077 : vector<16xf32>
      %scan3A_2079 = arith.constant 3 : i32
      %scan3A_2080 = arith.addi %scan3A_2037, %scan3A_2079 : i32
      %get3A_2081 = arith.constant 7 : i32
      %get3A_2082 = arith.index_cast %get3A_2081 : i32 to index
      %get3A_2083 = arith.index_cast %scan3A_2080 : i32 to index
      %get3A_2084 = arith.constant 0 : index
      %get3A_2085 = tpu.vector_load %arg7[%get3A_2082, %get3A_2083, %get3A_2084] {strides = array<i32>} : memref<20x128x32xf32, #tpu.memory_space<vmem>>, vector<16xf32>,
      %add3A_2086 = arith.addf %add3A_2072, %get3A_2085 : vector<16xf32>
      %get3A_2087 = arith.constant 7 : i32
      %get3A_2088 = arith.index_cast %get3A_2087 : i32 to index
      %get3A_2089 = arith.index_cast %scan3A_2080 : i32 to index
      %get3A_2090 = arith.constant 16 : index
      %get3A_2091 = tpu.vector_load %arg7[%get3A_2088, %get3A_2089, %get3A_2090] {strides = array<i32>} : memref<20x128x32xf32, #tpu.memory_space<vmem>>, vector<16xf32>,
      %add3A_2092 = arith.addf %add3A_2078, %get3A_2091 : vector<16xf32>
      %scan3A_2093 = arith.constant 4 : i32
      %scan3A_2094 = arith.addi %scan3A_2037, %scan3A_2093 : i32
      %get3A_2095 = arith.constant 7 : i32
      %get3A_2096 = arith.index_cast %get3A_2095 : i32 to index
      %get3A_2097 = arith.index_cast %scan3A_2094 : i32 to index
      %get3A_2098 = arith.constant 0 : index
      %get3A_2099 = tpu.vector_load %arg7[%get3A_2096, %get3A_2097, %get3A_2098] {strides = array<i32>} : memref<20x128x32xf32, #tpu.memory_space<vmem>>, vector<16xf32>,
      %add3A_2100 = arith.addf %add3A_2086, %get3A_2099 : vector<16xf32>
      %get3A_2101 = arith.constant 7 : i32
      %get3A_2102 = arith.index_cast %get3A_2101 : i32 to index
      %get3A_2103 = arith.index_cast %scan3A_2094 : i32 to index
      %get3A_2104 = arith.constant 16 : index
      %get3A_2105 = tpu.vector_load %arg7[%get3A_2102, %get3A_2103, %get3A_2104] {strides = array<i32>} : memref<20x128x32xf32, #tpu.memory_space<vmem>>, vector<16xf32>,
      %add3A_2106 = arith.addf %add3A_2092, %get3A_2105 : vector<16xf32>
      %scan3A_2107 = arith.constant 5 : i32
      %scan3A_2108 = arith.addi %scan3A_2037, %scan3A_2107 : i32
      %get3A_2109 = arith.constant 7 : i32
      %get3A_2110 = arith.index_cast %get3A_2109 : i32 to index
      %get3A_2111 = arith.index_cast %scan3A_2108 : i32 to index
      %get3A_2112 = arith.constant 0 : index
      %get3A_2113 = tpu.vector_load %arg7[%get3A_2110, %get3A_2111, %get3A_2112] {strides = array<i32>} : memref<20x128x32xf32, #tpu.memory_space<vmem>>, vector<16xf32>,
      %add3A_2114 = arith.addf %add3A_2100, %get3A_2113 : vector<16xf32>
      %get3A_2115 = arith.constant 7 : i32
      %get3A_2116 = arith.index_cast %get3A_2115 : i32 to index
      %get3A_2117 = arith.index_cast %scan3A_2108 : i32 to index
      %get3A_2118 = arith.constant 16 : index
      %get3A_2119 = tpu.vector_load %arg7[%get3A_2116, %get3A_2117, %get3A_2118] {strides = array<i32>} : memref<20x128x32xf32, #tpu.memory_space<vmem>>, vector<16xf32>,
      %add3A_2120 = arith.addf %add3A_2106, %get3A_2119 : vector<16xf32>
      %scan3A_2121 = arith.constant 6 : i32
      %scan3A_2122 = arith.addi %scan3A_2037, %scan3A_2121 : i32
      %get3A_2123 = arith.constant 7 : i32
      %get3A_2124 = arith.index_cast %get3A_2123 : i32 to index
      %get3A_2125 = arith.index_cast %scan3A_2122 : i32 to index
      %get3A_2126 = arith.constant 0 : index
      %get3A_2127 = tpu.vector_load %arg7[%get3A_2124, %get3A_2125, %get3A_2126] {strides = array<i32>} : memref<20x128x32xf32, #tpu.memory_space<vmem>>, vector<16xf32>,
      %add3A_2128 = arith.addf %add3A_2114, %get3A_2127 : vector<16xf32>
      %get3A_2129 = arith.constant 7 : i32
      %get3A_2130 = arith.index_cast %get3A_2129 : i32 to index
      %get3A_2131 = arith.index_cast %scan3A_2122 : i32 to index
      %get3A_2132 = arith.constant 16 : index
      %get3A_2133 = tpu.vector_load %arg7[%get3A_2130, %get3A_2131, %get3A_2132] {strides = array<i32>} : memref<20x128x32xf32, #tpu.memory_space<vmem>>, vector<16xf32>,
      %add3A_2134 = arith.addf %add3A_2120, %get3A_2133 : vector<16xf32>
      %scan3A_2135 = arith.constant 7 : i32
      %scan3A_2136 = arith.addi %scan3A_2037, %scan3A_2135 : i32
      %get3A_2137 = arith.constant 7 : i32
      %get3A_2138 = arith.index_cast %get3A_2137 : i32 to index
      %get3A_2139 = arith.index_cast %scan3A_2136 : i32 to index
      %get3A_2140 = arith.constant 0 : index
      %get3A_2141 = tpu.vector_load %arg7[%get3A_2138, %get3A_2139, %get3A_2140] {strides = array<i32>} : memref<20x128x32xf32, #tpu.memory_space<vmem>>, vector<16xf32>,
      %add3A_2142 = arith.addf %add3A_2128, %get3A_2141 : vector<16xf32>
      %get3A_2143 = arith.constant 7 : i32
      %get3A_2144 = arith.index_cast %get3A_2143 : i32 to index
      %get3A_2145 = arith.index_cast %scan3A_2136 : i32 to index
      %get3A_2146 = arith.constant 16 : index
      %get3A_2147 = tpu.vector_load %arg7[%get3A_2144, %get3A_2145, %get3A_2146] {strides = array<i32>} : memref<20x128x32xf32, #tpu.memory_space<vmem>>, vector<16xf32>,
      %add3A_2148 = arith.addf %add3A_2134, %get3A_2147 : vector<16xf32>
      scf.yield %add3A_2142, %add3A_2148 : vector<16xf32>, vector<16xf32>
    }
    %scan3A_1744 = arith.constant 128 : i32
    %swap3A_1745 = arith.constant 224 : index
    %swap3A_1746 = tpu.vector_load %arg8[%swap3A_1745] {strides = array<i32>} : memref<640xf32, #tpu.memory_space<vmem>>, vector<16xf32>,
    tpu.vector_store %arg8[%swap3A_1745], %scan3A_1743#0 {strides = array<i32>} : memref<640xf32, #tpu.memory_space<vmem>>, vector<16xf32>,
    %swap3A_1747 = arith.constant 240 : index
    %swap3A_1748 = tpu.vector_load %arg8[%swap3A_1747] {strides = array<i32>} : memref<640xf32, #tpu.memory_space<vmem>>, vector<16xf32>,
    tpu.vector_store %arg8[%swap3A_1747], %scan3A_1743#1 {strides = array<i32>} : memref<640xf32, #tpu.memory_space<vmem>>, vector<16xf32>,
    %dma_wait3A_1749 = arith.constant 8 : i32
    %dma_wait3A_1750 = arith.constant 8 : i32
    %dma_wait3A_1751 = arith.constant 0 : i32
    %dma_wait3A_1752 = arith.constant 0 : i32
    %dma_wait3A_1753 = tpu.memref_slice %arg7[%dma_wait3A_1750, %dma_wait3A_1751, %dma_wait3A_1752] : memref<20x128x32xf32, #tpu.memory_space<vmem>> -> memref<1x128x32xf32, #tpu.memory_space<vmem>>
    %dma_wait3A_1754 = tpu.memref_squeeze %dma_wait3A_1753 : memref<1x128x32xf32, #tpu.memory_space<vmem>> -> memref<128x32xf32, #tpu.memory_space<vmem>>
    %dma_wait3A_1755 = arith.constant 0 : i32
    %dma_wait3A_1756 = tpu.memref_slice %arg6[%dma_wait3A_1749, %dma_wait3A_1755] : memref<20x128xi32, #tpu.memory_space<vmem>> -> memref<1x128xi32, #tpu.memory_space<vmem>>
    %dma_wait3A_1757 = tpu.memref_squeeze %dma_wait3A_1756 : memref<1x128xi32, #tpu.memory_space<vmem>> -> memref<128xi32, #tpu.memory_space<vmem>>
    %dma_wait3A_1758 = arith.constant 0 : i32
    %dma_wait3A_1759 = arith.constant 0 : i32
    %dma_wait3A_1760 = tpu.memref_slice %arg3[%dma_wait3A_1758, %dma_wait3A_1759] : memref<100000x32xf32, #tpu.memory_space<hbm>> -> memref<100000x32xf32, #tpu.memory_space<hbm>>
    tpu.wait_indirect_dma semaphore(%arg9 : memref<!tpu.dma_semaphore, #tpu.memory_space<semaphore_mem>>) src(%dma_wait3A_1760 : memref<100000x32xf32, #tpu.memory_space<hbm>>) dst(%dma_wait3A_1754 : memref<128x32xf32, #tpu.memory_space<vmem>>)
    %broadcast_in_dim3A_1761 = arith.constant 0.000000e+00 : f32
    %broadcast_in_dim3A_1762 = vector.broadcast %broadcast_in_dim3A_1761 : f32 to vector<16xf32>
    %scan3A_1763 = arith.constant 0 : i32
    %scan3A_1764 = arith.constant 128 : i32
    %scan3A_1765 = arith.addi %scan3A_1763, %scan3A_1764 : i32
    %scan3A_1766 = arith.constant 8 : i32
    %scan3A_1767:2 = scf.for %scan3A_2037 = %scan3A_1763 to %scan3A_1765 step %scan3A_1766 iter_args(%scan3A_2038 = %broadcast_in_dim3A_1762, %scan3A_2039 = %broadcast_in_dim3A_1762) -> (vector<16xf32>, vector<16xf32>)  : i32 {
      %get3A = arith.constant 8 : i32
      %get3A_2040 = arith.index_cast %get3A : i32 to index
      %get3A_2041 = arith.index_cast %scan3A_2037 : i32 to index
      %get3A_2042 = arith.constant 0 : index
      %get3A_2043 = tpu.vector_load %arg7[%get3A_2040, %get3A_2041, %get3A_2042] {strides = array<i32>} : memref<20x128x32xf32, #tpu.memory_space<vmem>>, vector<16xf32>,
      %add3A_2044 = arith.addf %scan3A_2038, %get3A_2043 : vector<16xf32>
      %get3A_2045 = arith.constant 8 : i32
      %get3A_2046 = arith.index_cast %get3A_2045 : i32 to index
      %get3A_2047 = arith.index_cast %scan3A_2037 : i32 to index
      %get3A_2048 = arith.constant 16 : index
      %get3A_2049 = tpu.vector_load %arg7[%get3A_2046, %get3A_2047, %get3A_2048] {strides = array<i32>} : memref<20x128x32xf32, #tpu.memory_space<vmem>>, vector<16xf32>,
      %add3A_2050 = arith.addf %scan3A_2039, %get3A_2049 : vector<16xf32>
      %scan3A_2051 = arith.constant 1 : i32
      %scan3A_2052 = arith.addi %scan3A_2037, %scan3A_2051 : i32
      %get3A_2053 = arith.constant 8 : i32
      %get3A_2054 = arith.index_cast %get3A_2053 : i32 to index
      %get3A_2055 = arith.index_cast %scan3A_2052 : i32 to index
      %get3A_2056 = arith.constant 0 : index
      %get3A_2057 = tpu.vector_load %arg7[%get3A_2054, %get3A_2055, %get3A_2056] {strides = array<i32>} : memref<20x128x32xf32, #tpu.memory_space<vmem>>, vector<16xf32>,
      %add3A_2058 = arith.addf %add3A_2044, %get3A_2057 : vector<16xf32>
      %get3A_2059 = arith.constant 8 : i32
      %get3A_2060 = arith.index_cast %get3A_2059 : i32 to index
      %get3A_2061 = arith.index_cast %scan3A_2052 : i32 to index
      %get3A_2062 = arith.constant 16 : index
      %get3A_2063 = tpu.vector_load %arg7[%get3A_2060, %get3A_2061, %get3A_2062] {strides = array<i32>} : memref<20x128x32xf32, #tpu.memory_space<vmem>>, vector<16xf32>,
      %add3A_2064 = arith.addf %add3A_2050, %get3A_2063 : vector<16xf32>
      %scan3A_2065 = arith.constant 2 : i32
      %scan3A_2066 = arith.addi %scan3A_2037, %scan3A_2065 : i32
      %get3A_2067 = arith.constant 8 : i32
      %get3A_2068 = arith.index_cast %get3A_2067 : i32 to index
      %get3A_2069 = arith.index_cast %scan3A_2066 : i32 to index
      %get3A_2070 = arith.constant 0 : index
      %get3A_2071 = tpu.vector_load %arg7[%get3A_2068, %get3A_2069, %get3A_2070] {strides = array<i32>} : memref<20x128x32xf32, #tpu.memory_space<vmem>>, vector<16xf32>,
      %add3A_2072 = arith.addf %add3A_2058, %get3A_2071 : vector<16xf32>
      %get3A_2073 = arith.constant 8 : i32
      %get3A_2074 = arith.index_cast %get3A_2073 : i32 to index
      %get3A_2075 = arith.index_cast %scan3A_2066 : i32 to index
      %get3A_2076 = arith.constant 16 : index
      %get3A_2077 = tpu.vector_load %arg7[%get3A_2074, %get3A_2075, %get3A_2076] {strides = array<i32>} : memref<20x128x32xf32, #tpu.memory_space<vmem>>, vector<16xf32>,
      %add3A_2078 = arith.addf %add3A_2064, %get3A_2077 : vector<16xf32>
      %scan3A_2079 = arith.constant 3 : i32
      %scan3A_2080 = arith.addi %scan3A_2037, %scan3A_2079 : i32
      %get3A_2081 = arith.constant 8 : i32
      %get3A_2082 = arith.index_cast %get3A_2081 : i32 to index
      %get3A_2083 = arith.index_cast %scan3A_2080 : i32 to index
      %get3A_2084 = arith.constant 0 : index
      %get3A_2085 = tpu.vector_load %arg7[%get3A_2082, %get3A_2083, %get3A_2084] {strides = array<i32>} : memref<20x128x32xf32, #tpu.memory_space<vmem>>, vector<16xf32>,
      %add3A_2086 = arith.addf %add3A_2072, %get3A_2085 : vector<16xf32>
      %get3A_2087 = arith.constant 8 : i32
      %get3A_2088 = arith.index_cast %get3A_2087 : i32 to index
      %get3A_2089 = arith.index_cast %scan3A_2080 : i32 to index
      %get3A_2090 = arith.constant 16 : index
      %get3A_2091 = tpu.vector_load %arg7[%get3A_2088, %get3A_2089, %get3A_2090] {strides = array<i32>} : memref<20x128x32xf32, #tpu.memory_space<vmem>>, vector<16xf32>,
      %add3A_2092 = arith.addf %add3A_2078, %get3A_2091 : vector<16xf32>
      %scan3A_2093 = arith.constant 4 : i32
      %scan3A_2094 = arith.addi %scan3A_2037, %scan3A_2093 : i32
      %get3A_2095 = arith.constant 8 : i32
      %get3A_2096 = arith.index_cast %get3A_2095 : i32 to index
      %get3A_2097 = arith.index_cast %scan3A_2094 : i32 to index
      %get3A_2098 = arith.constant 0 : index
      %get3A_2099 = tpu.vector_load %arg7[%get3A_2096, %get3A_2097, %get3A_2098] {strides = array<i32>} : memref<20x128x32xf32, #tpu.memory_space<vmem>>, vector<16xf32>,
      %add3A_2100 = arith.addf %add3A_2086, %get3A_2099 : vector<16xf32>
      %get3A_2101 = arith.constant 8 : i32
      %get3A_2102 = arith.index_cast %get3A_2101 : i32 to index
      %get3A_2103 = arith.index_cast %scan3A_2094 : i32 to index
      %get3A_2104 = arith.constant 16 : index
      %get3A_2105 = tpu.vector_load %arg7[%get3A_2102, %get3A_2103, %get3A_2104] {strides = array<i32>} : memref<20x128x32xf32, #tpu.memory_space<vmem>>, vector<16xf32>,
      %add3A_2106 = arith.addf %add3A_2092, %get3A_2105 : vector<16xf32>
      %scan3A_2107 = arith.constant 5 : i32
      %scan3A_2108 = arith.addi %scan3A_2037, %scan3A_2107 : i32
      %get3A_2109 = arith.constant 8 : i32
      %get3A_2110 = arith.index_cast %get3A_2109 : i32 to index
      %get3A_2111 = arith.index_cast %scan3A_2108 : i32 to index
      %get3A_2112 = arith.constant 0 : index
      %get3A_2113 = tpu.vector_load %arg7[%get3A_2110, %get3A_2111, %get3A_2112] {strides = array<i32>} : memref<20x128x32xf32, #tpu.memory_space<vmem>>, vector<16xf32>,
      %add3A_2114 = arith.addf %add3A_2100, %get3A_2113 : vector<16xf32>
      %get3A_2115 = arith.constant 8 : i32
      %get3A_2116 = arith.index_cast %get3A_2115 : i32 to index
      %get3A_2117 = arith.index_cast %scan3A_2108 : i32 to index
      %get3A_2118 = arith.constant 16 : index
      %get3A_2119 = tpu.vector_load %arg7[%get3A_2116, %get3A_2117, %get3A_2118] {strides = array<i32>} : memref<20x128x32xf32, #tpu.memory_space<vmem>>, vector<16xf32>,
      %add3A_2120 = arith.addf %add3A_2106, %get3A_2119 : vector<16xf32>
      %scan3A_2121 = arith.constant 6 : i32
      %scan3A_2122 = arith.addi %scan3A_2037, %scan3A_2121 : i32
      %get3A_2123 = arith.constant 8 : i32
      %get3A_2124 = arith.index_cast %get3A_2123 : i32 to index
      %get3A_2125 = arith.index_cast %scan3A_2122 : i32 to index
      %get3A_2126 = arith.constant 0 : index
      %get3A_2127 = tpu.vector_load %arg7[%get3A_2124, %get3A_2125, %get3A_2126] {strides = array<i32>} : memref<20x128x32xf32, #tpu.memory_space<vmem>>, vector<16xf32>,
      %add3A_2128 = arith.addf %add3A_2114, %get3A_2127 : vector<16xf32>
      %get3A_2129 = arith.constant 8 : i32
      %get3A_2130 = arith.index_cast %get3A_2129 : i32 to index
      %get3A_2131 = arith.index_cast %scan3A_2122 : i32 to index
      %get3A_2132 = arith.constant 16 : index
      %get3A_2133 = tpu.vector_load %arg7[%get3A_2130, %get3A_2131, %get3A_2132] {strides = array<i32>} : memref<20x128x32xf32, #tpu.memory_space<vmem>>, vector<16xf32>,
      %add3A_2134 = arith.addf %add3A_2120, %get3A_2133 : vector<16xf32>
      %scan3A_2135 = arith.constant 7 : i32
      %scan3A_2136 = arith.addi %scan3A_2037, %scan3A_2135 : i32
      %get3A_2137 = arith.constant 8 : i32
      %get3A_2138 = arith.index_cast %get3A_2137 : i32 to index
      %get3A_2139 = arith.index_cast %scan3A_2136 : i32 to index
      %get3A_2140 = arith.constant 0 : index
      %get3A_2141 = tpu.vector_load %arg7[%get3A_2138, %get3A_2139, %get3A_2140] {strides = array<i32>} : memref<20x128x32xf32, #tpu.memory_space<vmem>>, vector<16xf32>,
      %add3A_2142 = arith.addf %add3A_2128, %get3A_2141 : vector<16xf32>
      %get3A_2143 = arith.constant 8 : i32
      %get3A_2144 = arith.index_cast %get3A_2143 : i32 to index
      %get3A_2145 = arith.index_cast %scan3A_2136 : i32 to index
      %get3A_2146 = arith.constant 16 : index
      %get3A_2147 = tpu.vector_load %arg7[%get3A_2144, %get3A_2145, %get3A_2146] {strides = array<i32>} : memref<20x128x32xf32, #tpu.memory_space<vmem>>, vector<16xf32>,
      %add3A_2148 = arith.addf %add3A_2134, %get3A_2147 : vector<16xf32>
      scf.yield %add3A_2142, %add3A_2148 : vector<16xf32>, vector<16xf32>
    }
    %scan3A_1768 = arith.constant 128 : i32
    %swap3A_1769 = arith.constant 256 : index
    %swap3A_1770 = tpu.vector_load %arg8[%swap3A_1769] {strides = array<i32>} : memref<640xf32, #tpu.memory_space<vmem>>, vector<16xf32>,
    tpu.vector_store %arg8[%swap3A_1769], %scan3A_1767#0 {strides = array<i32>} : memref<640xf32, #tpu.memory_space<vmem>>, vector<16xf32>,
    %swap3A_1771 = arith.constant 272 : index
    %swap3A_1772 = tpu.vector_load %arg8[%swap3A_1771] {strides = array<i32>} : memref<640xf32, #tpu.memory_space<vmem>>, vector<16xf32>,
    tpu.vector_store %arg8[%swap3A_1771], %scan3A_1767#1 {strides = array<i32>} : memref<640xf32, #tpu.memory_space<vmem>>, vector<16xf32>,
    %dma_wait3A_1773 = arith.constant 9 : i32
    %dma_wait3A_1774 = arith.constant 9 : i32
    %dma_wait3A_1775 = arith.constant 0 : i32
    %dma_wait3A_1776 = arith.constant 0 : i32
    %dma_wait3A_1777 = tpu.memref_slice %arg7[%dma_wait3A_1774, %dma_wait3A_1775, %dma_wait3A_1776] : memref<20x128x32xf32, #tpu.memory_space<vmem>> -> memref<1x128x32xf32, #tpu.memory_space<vmem>>
    %dma_wait3A_1778 = tpu.memref_squeeze %dma_wait3A_1777 : memref<1x128x32xf32, #tpu.memory_space<vmem>> -> memref<128x32xf32, #tpu.memory_space<vmem>>
    %dma_wait3A_1779 = arith.constant 0 : i32
    %dma_wait3A_1780 = tpu.memref_slice %arg6[%dma_wait3A_1773, %dma_wait3A_1779] : memref<20x128xi32, #tpu.memory_space<vmem>> -> memref<1x128xi32, #tpu.memory_space<vmem>>
    %dma_wait3A_1781 = tpu.memref_squeeze %dma_wait3A_1780 : memref<1x128xi32, #tpu.memory_space<vmem>> -> memref<128xi32, #tpu.memory_space<vmem>>
    %dma_wait3A_1782 = arith.constant 0 : i32
    %dma_wait3A_1783 = arith.constant 0 : i32
    %dma_wait3A_1784 = tpu.memref_slice %arg3[%dma_wait3A_1782, %dma_wait3A_1783] : memref<100000x32xf32, #tpu.memory_space<hbm>> -> memref<100000x32xf32, #tpu.memory_space<hbm>>
    tpu.wait_indirect_dma semaphore(%arg9 : memref<!tpu.dma_semaphore, #tpu.memory_space<semaphore_mem>>) src(%dma_wait3A_1784 : memref<100000x32xf32, #tpu.memory_space<hbm>>) dst(%dma_wait3A_1778 : memref<128x32xf32, #tpu.memory_space<vmem>>)
    %broadcast_in_dim3A_1785 = arith.constant 0.000000e+00 : f32
    %broadcast_in_dim3A_1786 = vector.broadcast %broadcast_in_dim3A_1785 : f32 to vector<16xf32>
    %scan3A_1787 = arith.constant 0 : i32
    %scan3A_1788 = arith.constant 128 : i32
    %scan3A_1789 = arith.addi %scan3A_1787, %scan3A_1788 : i32
    %scan3A_1790 = arith.constant 8 : i32
    %scan3A_1791:2 = scf.for %scan3A_2037 = %scan3A_1787 to %scan3A_1789 step %scan3A_1790 iter_args(%scan3A_2038 = %broadcast_in_dim3A_1786, %scan3A_2039 = %broadcast_in_dim3A_1786) -> (vector<16xf32>, vector<16xf32>)  : i32 {
      %get3A = arith.constant 9 : i32
      %get3A_2040 = arith.index_cast %get3A : i32 to index
      %get3A_2041 = arith.index_cast %scan3A_2037 : i32 to index
      %get3A_2042 = arith.constant 0 : index
      %get3A_2043 = tpu.vector_load %arg7[%get3A_2040, %get3A_2041, %get3A_2042] {strides = array<i32>} : memref<20x128x32xf32, #tpu.memory_space<vmem>>, vector<16xf32>,
      %add3A_2044 = arith.addf %scan3A_2038, %get3A_2043 : vector<16xf32>
      %get3A_2045 = arith.constant 9 : i32
      %get3A_2046 = arith.index_cast %get3A_2045 : i32 to index
      %get3A_2047 = arith.index_cast %scan3A_2037 : i32 to index
      %get3A_2048 = arith.constant 16 : index
      %get3A_2049 = tpu.vector_load %arg7[%get3A_2046, %get3A_2047, %get3A_2048] {strides = array<i32>} : memref<20x128x32xf32, #tpu.memory_space<vmem>>, vector<16xf32>,
      %add3A_2050 = arith.addf %scan3A_2039, %get3A_2049 : vector<16xf32>
      %scan3A_2051 = arith.constant 1 : i32
      %scan3A_2052 = arith.addi %scan3A_2037, %scan3A_2051 : i32
      %get3A_2053 = arith.constant 9 : i32
      %get3A_2054 = arith.index_cast %get3A_2053 : i32 to index
      %get3A_2055 = arith.index_cast %scan3A_2052 : i32 to index
      %get3A_2056 = arith.constant 0 : index
      %get3A_2057 = tpu.vector_load %arg7[%get3A_2054, %get3A_2055, %get3A_2056] {strides = array<i32>} : memref<20x128x32xf32, #tpu.memory_space<vmem>>, vector<16xf32>,
      %add3A_2058 = arith.addf %add3A_2044, %get3A_2057 : vector<16xf32>
      %get3A_2059 = arith.constant 9 : i32
      %get3A_2060 = arith.index_cast %get3A_2059 : i32 to index
      %get3A_2061 = arith.index_cast %scan3A_2052 : i32 to index
      %get3A_2062 = arith.constant 16 : index
      %get3A_2063 = tpu.vector_load %arg7[%get3A_2060, %get3A_2061, %get3A_2062] {strides = array<i32>} : memref<20x128x32xf32, #tpu.memory_space<vmem>>, vector<16xf32>,
      %add3A_2064 = arith.addf %add3A_2050, %get3A_2063 : vector<16xf32>
      %scan3A_2065 = arith.constant 2 : i32
      %scan3A_2066 = arith.addi %scan3A_2037, %scan3A_2065 : i32
      %get3A_2067 = arith.constant 9 : i32
      %get3A_2068 = arith.index_cast %get3A_2067 : i32 to index
      %get3A_2069 = arith.index_cast %scan3A_2066 : i32 to index
      %get3A_2070 = arith.constant 0 : index
      %get3A_2071 = tpu.vector_load %arg7[%get3A_2068, %get3A_2069, %get3A_2070] {strides = array<i32>} : memref<20x128x32xf32, #tpu.memory_space<vmem>>, vector<16xf32>,
      %add3A_2072 = arith.addf %add3A_2058, %get3A_2071 : vector<16xf32>
      %get3A_2073 = arith.constant 9 : i32
      %get3A_2074 = arith.index_cast %get3A_2073 : i32 to index
      %get3A_2075 = arith.index_cast %scan3A_2066 : i32 to index
      %get3A_2076 = arith.constant 16 : index
      %get3A_2077 = tpu.vector_load %arg7[%get3A_2074, %get3A_2075, %get3A_2076] {strides = array<i32>} : memref<20x128x32xf32, #tpu.memory_space<vmem>>, vector<16xf32>,
      %add3A_2078 = arith.addf %add3A_2064, %get3A_2077 : vector<16xf32>
      %scan3A_2079 = arith.constant 3 : i32
      %scan3A_2080 = arith.addi %scan3A_2037, %scan3A_2079 : i32
      %get3A_2081 = arith.constant 9 : i32
      %get3A_2082 = arith.index_cast %get3A_2081 : i32 to index
      %get3A_2083 = arith.index_cast %scan3A_2080 : i32 to index
      %get3A_2084 = arith.constant 0 : index
      %get3A_2085 = tpu.vector_load %arg7[%get3A_2082, %get3A_2083, %get3A_2084] {strides = array<i32>} : memref<20x128x32xf32, #tpu.memory_space<vmem>>, vector<16xf32>,
      %add3A_2086 = arith.addf %add3A_2072, %get3A_2085 : vector<16xf32>
      %get3A_2087 = arith.constant 9 : i32
      %get3A_2088 = arith.index_cast %get3A_2087 : i32 to index
      %get3A_2089 = arith.index_cast %scan3A_2080 : i32 to index
      %get3A_2090 = arith.constant 16 : index
      %get3A_2091 = tpu.vector_load %arg7[%get3A_2088, %get3A_2089, %get3A_2090] {strides = array<i32>} : memref<20x128x32xf32, #tpu.memory_space<vmem>>, vector<16xf32>,
      %add3A_2092 = arith.addf %add3A_2078, %get3A_2091 : vector<16xf32>
      %scan3A_2093 = arith.constant 4 : i32
      %scan3A_2094 = arith.addi %scan3A_2037, %scan3A_2093 : i32
      %get3A_2095 = arith.constant 9 : i32
      %get3A_2096 = arith.index_cast %get3A_2095 : i32 to index
      %get3A_2097 = arith.index_cast %scan3A_2094 : i32 to index
      %get3A_2098 = arith.constant 0 : index
      %get3A_2099 = tpu.vector_load %arg7[%get3A_2096, %get3A_2097, %get3A_2098] {strides = array<i32>} : memref<20x128x32xf32, #tpu.memory_space<vmem>>, vector<16xf32>,
      %add3A_2100 = arith.addf %add3A_2086, %get3A_2099 : vector<16xf32>
      %get3A_2101 = arith.constant 9 : i32
      %get3A_2102 = arith.index_cast %get3A_2101 : i32 to index
      %get3A_2103 = arith.index_cast %scan3A_2094 : i32 to index
      %get3A_2104 = arith.constant 16 : index
      %get3A_2105 = tpu.vector_load %arg7[%get3A_2102, %get3A_2103, %get3A_2104] {strides = array<i32>} : memref<20x128x32xf32, #tpu.memory_space<vmem>>, vector<16xf32>,
      %add3A_2106 = arith.addf %add3A_2092, %get3A_2105 : vector<16xf32>
      %scan3A_2107 = arith.constant 5 : i32
      %scan3A_2108 = arith.addi %scan3A_2037, %scan3A_2107 : i32
      %get3A_2109 = arith.constant 9 : i32
      %get3A_2110 = arith.index_cast %get3A_2109 : i32 to index
      %get3A_2111 = arith.index_cast %scan3A_2108 : i32 to index
      %get3A_2112 = arith.constant 0 : index
      %get3A_2113 = tpu.vector_load %arg7[%get3A_2110, %get3A_2111, %get3A_2112] {strides = array<i32>} : memref<20x128x32xf32, #tpu.memory_space<vmem>>, vector<16xf32>,
      %add3A_2114 = arith.addf %add3A_2100, %get3A_2113 : vector<16xf32>
      %get3A_2115 = arith.constant 9 : i32
      %get3A_2116 = arith.index_cast %get3A_2115 : i32 to index
      %get3A_2117 = arith.index_cast %scan3A_2108 : i32 to index
      %get3A_2118 = arith.constant 16 : index
      %get3A_2119 = tpu.vector_load %arg7[%get3A_2116, %get3A_2117, %get3A_2118] {strides = array<i32>} : memref<20x128x32xf32, #tpu.memory_space<vmem>>, vector<16xf32>,
      %add3A_2120 = arith.addf %add3A_2106, %get3A_2119 : vector<16xf32>
      %scan3A_2121 = arith.constant 6 : i32
      %scan3A_2122 = arith.addi %scan3A_2037, %scan3A_2121 : i32
      %get3A_2123 = arith.constant 9 : i32
      %get3A_2124 = arith.index_cast %get3A_2123 : i32 to index
      %get3A_2125 = arith.index_cast %scan3A_2122 : i32 to index
      %get3A_2126 = arith.constant 0 : index
      %get3A_2127 = tpu.vector_load %arg7[%get3A_2124, %get3A_2125, %get3A_2126] {strides = array<i32>} : memref<20x128x32xf32, #tpu.memory_space<vmem>>, vector<16xf32>,
      %add3A_2128 = arith.addf %add3A_2114, %get3A_2127 : vector<16xf32>
      %get3A_2129 = arith.constant 9 : i32
      %get3A_2130 = arith.index_cast %get3A_2129 : i32 to index
      %get3A_2131 = arith.index_cast %scan3A_2122 : i32 to index
      %get3A_2132 = arith.constant 16 : index
      %get3A_2133 = tpu.vector_load %arg7[%get3A_2130, %get3A_2131, %get3A_2132] {strides = array<i32>} : memref<20x128x32xf32, #tpu.memory_space<vmem>>, vector<16xf32>,
      %add3A_2134 = arith.addf %add3A_2120, %get3A_2133 : vector<16xf32>
      %scan3A_2135 = arith.constant 7 : i32
      %scan3A_2136 = arith.addi %scan3A_2037, %scan3A_2135 : i32
      %get3A_2137 = arith.constant 9 : i32
      %get3A_2138 = arith.index_cast %get3A_2137 : i32 to index
      %get3A_2139 = arith.index_cast %scan3A_2136 : i32 to index
      %get3A_2140 = arith.constant 0 : index
      %get3A_2141 = tpu.vector_load %arg7[%get3A_2138, %get3A_2139, %get3A_2140] {strides = array<i32>} : memref<20x128x32xf32, #tpu.memory_space<vmem>>, vector<16xf32>,
      %add3A_2142 = arith.addf %add3A_2128, %get3A_2141 : vector<16xf32>
      %get3A_2143 = arith.constant 9 : i32
      %get3A_2144 = arith.index_cast %get3A_2143 : i32 to index
      %get3A_2145 = arith.index_cast %scan3A_2136 : i32 to index
      %get3A_2146 = arith.constant 16 : index
      %get3A_2147 = tpu.vector_load %arg7[%get3A_2144, %get3A_2145, %get3A_2146] {strides = array<i32>} : memref<20x128x32xf32, #tpu.memory_space<vmem>>, vector<16xf32>,
      %add3A_2148 = arith.addf %add3A_2134, %get3A_2147 : vector<16xf32>
      scf.yield %add3A_2142, %add3A_2148 : vector<16xf32>, vector<16xf32>
    }
    %scan3A_1792 = arith.constant 128 : i32
    %swap3A_1793 = arith.constant 288 : index
    %swap3A_1794 = tpu.vector_load %arg8[%swap3A_1793] {strides = array<i32>} : memref<640xf32, #tpu.memory_space<vmem>>, vector<16xf32>,
    tpu.vector_store %arg8[%swap3A_1793], %scan3A_1791#0 {strides = array<i32>} : memref<640xf32, #tpu.memory_space<vmem>>, vector<16xf32>,
    %swap3A_1795 = arith.constant 304 : index
    %swap3A_1796 = tpu.vector_load %arg8[%swap3A_1795] {strides = array<i32>} : memref<640xf32, #tpu.memory_space<vmem>>, vector<16xf32>,
    tpu.vector_store %arg8[%swap3A_1795], %scan3A_1791#1 {strides = array<i32>} : memref<640xf32, #tpu.memory_space<vmem>>, vector<16xf32>,
    %dma_wait3A_1797 = arith.constant 10 : i32
    %dma_wait3A_1798 = arith.constant 10 : i32
    %dma_wait3A_1799 = arith.constant 0 : i32
    %dma_wait3A_1800 = arith.constant 0 : i32
    %dma_wait3A_1801 = tpu.memref_slice %arg7[%dma_wait3A_1798, %dma_wait3A_1799, %dma_wait3A_1800] : memref<20x128x32xf32, #tpu.memory_space<vmem>> -> memref<1x128x32xf32, #tpu.memory_space<vmem>>
    %dma_wait3A_1802 = tpu.memref_squeeze %dma_wait3A_1801 : memref<1x128x32xf32, #tpu.memory_space<vmem>> -> memref<128x32xf32, #tpu.memory_space<vmem>>
    %dma_wait3A_1803 = arith.constant 0 : i32
    %dma_wait3A_1804 = tpu.memref_slice %arg6[%dma_wait3A_1797, %dma_wait3A_1803] : memref<20x128xi32, #tpu.memory_space<vmem>> -> memref<1x128xi32, #tpu.memory_space<vmem>>
    %dma_wait3A_1805 = tpu.memref_squeeze %dma_wait3A_1804 : memref<1x128xi32, #tpu.memory_space<vmem>> -> memref<128xi32, #tpu.memory_space<vmem>>
    %dma_wait3A_1806 = arith.constant 0 : i32
    %dma_wait3A_1807 = arith.constant 0 : i32
    %dma_wait3A_1808 = tpu.memref_slice %arg3[%dma_wait3A_1806, %dma_wait3A_1807] : memref<100000x32xf32, #tpu.memory_space<hbm>> -> memref<100000x32xf32, #tpu.memory_space<hbm>>
    tpu.wait_indirect_dma semaphore(%arg9 : memref<!tpu.dma_semaphore, #tpu.memory_space<semaphore_mem>>) src(%dma_wait3A_1808 : memref<100000x32xf32, #tpu.memory_space<hbm>>) dst(%dma_wait3A_1802 : memref<128x32xf32, #tpu.memory_space<vmem>>)
    %broadcast_in_dim3A_1809 = arith.constant 0.000000e+00 : f32
    %broadcast_in_dim3A_1810 = vector.broadcast %broadcast_in_dim3A_1809 : f32 to vector<16xf32>
    %scan3A_1811 = arith.constant 0 : i32
    %scan3A_1812 = arith.constant 128 : i32
    %scan3A_1813 = arith.addi %scan3A_1811, %scan3A_1812 : i32
    %scan3A_1814 = arith.constant 8 : i32
    %scan3A_1815:2 = scf.for %scan3A_2037 = %scan3A_1811 to %scan3A_1813 step %scan3A_1814 iter_args(%scan3A_2038 = %broadcast_in_dim3A_1810, %scan3A_2039 = %broadcast_in_dim3A_1810) -> (vector<16xf32>, vector<16xf32>)  : i32 {
      %get3A = arith.constant 10 : i32
      %get3A_2040 = arith.index_cast %get3A : i32 to index
      %get3A_2041 = arith.index_cast %scan3A_2037 : i32 to index
      %get3A_2042 = arith.constant 0 : index
      %get3A_2043 = tpu.vector_load %arg7[%get3A_2040, %get3A_2041, %get3A_2042] {strides = array<i32>} : memref<20x128x32xf32, #tpu.memory_space<vmem>>, vector<16xf32>,
      %add3A_2044 = arith.addf %scan3A_2038, %get3A_2043 : vector<16xf32>
      %get3A_2045 = arith.constant 10 : i32
      %get3A_2046 = arith.index_cast %get3A_2045 : i32 to index
      %get3A_2047 = arith.index_cast %scan3A_2037 : i32 to index
      %get3A_2048 = arith.constant 16 : index
      %get3A_2049 = tpu.vector_load %arg7[%get3A_2046, %get3A_2047, %get3A_2048] {strides = array<i32>} : memref<20x128x32xf32, #tpu.memory_space<vmem>>, vector<16xf32>,
      %add3A_2050 = arith.addf %scan3A_2039, %get3A_2049 : vector<16xf32>
      %scan3A_2051 = arith.constant 1 : i32
      %scan3A_2052 = arith.addi %scan3A_2037, %scan3A_2051 : i32
      %get3A_2053 = arith.constant 10 : i32
      %get3A_2054 = arith.index_cast %get3A_2053 : i32 to index
      %get3A_2055 = arith.index_cast %scan3A_2052 : i32 to index
      %get3A_2056 = arith.constant 0 : index
      %get3A_2057 = tpu.vector_load %arg7[%get3A_2054, %get3A_2055, %get3A_2056] {strides = array<i32>} : memref<20x128x32xf32, #tpu.memory_space<vmem>>, vector<16xf32>,
      %add3A_2058 = arith.addf %add3A_2044, %get3A_2057 : vector<16xf32>
      %get3A_2059 = arith.constant 10 : i32
      %get3A_2060 = arith.index_cast %get3A_2059 : i32 to index
      %get3A_2061 = arith.index_cast %scan3A_2052 : i32 to index
      %get3A_2062 = arith.constant 16 : index
      %get3A_2063 = tpu.vector_load %arg7[%get3A_2060, %get3A_2061, %get3A_2062] {strides = array<i32>} : memref<20x128x32xf32, #tpu.memory_space<vmem>>, vector<16xf32>,
      %add3A_2064 = arith.addf %add3A_2050, %get3A_2063 : vector<16xf32>
      %scan3A_2065 = arith.constant 2 : i32
      %scan3A_2066 = arith.addi %scan3A_2037, %scan3A_2065 : i32
      %get3A_2067 = arith.constant 10 : i32
      %get3A_2068 = arith.index_cast %get3A_2067 : i32 to index
      %get3A_2069 = arith.index_cast %scan3A_2066 : i32 to index
      %get3A_2070 = arith.constant 0 : index
      %get3A_2071 = tpu.vector_load %arg7[%get3A_2068, %get3A_2069, %get3A_2070] {strides = array<i32>} : memref<20x128x32xf32, #tpu.memory_space<vmem>>, vector<16xf32>,
      %add3A_2072 = arith.addf %add3A_2058, %get3A_2071 : vector<16xf32>
      %get3A_2073 = arith.constant 10 : i32
      %get3A_2074 = arith.index_cast %get3A_2073 : i32 to index
      %get3A_2075 = arith.index_cast %scan3A_2066 : i32 to index
      %get3A_2076 = arith.constant 16 : index
      %get3A_2077 = tpu.vector_load %arg7[%get3A_2074, %get3A_2075, %get3A_2076] {strides = array<i32>} : memref<20x128x32xf32, #tpu.memory_space<vmem>>, vector<16xf32>,
      %add3A_2078 = arith.addf %add3A_2064, %get3A_2077 : vector<16xf32>
      %scan3A_2079 = arith.constant 3 : i32
      %scan3A_2080 = arith.addi %scan3A_2037, %scan3A_2079 : i32
      %get3A_2081 = arith.constant 10 : i32
      %get3A_2082 = arith.index_cast %get3A_2081 : i32 to index
      %get3A_2083 = arith.index_cast %scan3A_2080 : i32 to index
      %get3A_2084 = arith.constant 0 : index
      %get3A_2085 = tpu.vector_load %arg7[%get3A_2082, %get3A_2083, %get3A_2084] {strides = array<i32>} : memref<20x128x32xf32, #tpu.memory_space<vmem>>, vector<16xf32>,
      %add3A_2086 = arith.addf %add3A_2072, %get3A_2085 : vector<16xf32>
      %get3A_2087 = arith.constant 10 : i32
      %get3A_2088 = arith.index_cast %get3A_2087 : i32 to index
      %get3A_2089 = arith.index_cast %scan3A_2080 : i32 to index
      %get3A_2090 = arith.constant 16 : index
      %get3A_2091 = tpu.vector_load %arg7[%get3A_2088, %get3A_2089, %get3A_2090] {strides = array<i32>} : memref<20x128x32xf32, #tpu.memory_space<vmem>>, vector<16xf32>,
      %add3A_2092 = arith.addf %add3A_2078, %get3A_2091 : vector<16xf32>
      %scan3A_2093 = arith.constant 4 : i32
      %scan3A_2094 = arith.addi %scan3A_2037, %scan3A_2093 : i32
      %get3A_2095 = arith.constant 10 : i32
      %get3A_2096 = arith.index_cast %get3A_2095 : i32 to index
      %get3A_2097 = arith.index_cast %scan3A_2094 : i32 to index
      %get3A_2098 = arith.constant 0 : index
      %get3A_2099 = tpu.vector_load %arg7[%get3A_2096, %get3A_2097, %get3A_2098] {strides = array<i32>} : memref<20x128x32xf32, #tpu.memory_space<vmem>>, vector<16xf32>,
      %add3A_2100 = arith.addf %add3A_2086, %get3A_2099 : vector<16xf32>
      %get3A_2101 = arith.constant 10 : i32
      %get3A_2102 = arith.index_cast %get3A_2101 : i32 to index
      %get3A_2103 = arith.index_cast %scan3A_2094 : i32 to index
      %get3A_2104 = arith.constant 16 : index
      %get3A_2105 = tpu.vector_load %arg7[%get3A_2102, %get3A_2103, %get3A_2104] {strides = array<i32>} : memref<20x128x32xf32, #tpu.memory_space<vmem>>, vector<16xf32>,
      %add3A_2106 = arith.addf %add3A_2092, %get3A_2105 : vector<16xf32>
      %scan3A_2107 = arith.constant 5 : i32
      %scan3A_2108 = arith.addi %scan3A_2037, %scan3A_2107 : i32
      %get3A_2109 = arith.constant 10 : i32
      %get3A_2110 = arith.index_cast %get3A_2109 : i32 to index
      %get3A_2111 = arith.index_cast %scan3A_2108 : i32 to index
      %get3A_2112 = arith.constant 0 : index
      %get3A_2113 = tpu.vector_load %arg7[%get3A_2110, %get3A_2111, %get3A_2112] {strides = array<i32>} : memref<20x128x32xf32, #tpu.memory_space<vmem>>, vector<16xf32>,
      %add3A_2114 = arith.addf %add3A_2100, %get3A_2113 : vector<16xf32>
      %get3A_2115 = arith.constant 10 : i32
      %get3A_2116 = arith.index_cast %get3A_2115 : i32 to index
      %get3A_2117 = arith.index_cast %scan3A_2108 : i32 to index
      %get3A_2118 = arith.constant 16 : index
      %get3A_2119 = tpu.vector_load %arg7[%get3A_2116, %get3A_2117, %get3A_2118] {strides = array<i32>} : memref<20x128x32xf32, #tpu.memory_space<vmem>>, vector<16xf32>,
      %add3A_2120 = arith.addf %add3A_2106, %get3A_2119 : vector<16xf32>
      %scan3A_2121 = arith.constant 6 : i32
      %scan3A_2122 = arith.addi %scan3A_2037, %scan3A_2121 : i32
      %get3A_2123 = arith.constant 10 : i32
      %get3A_2124 = arith.index_cast %get3A_2123 : i32 to index
      %get3A_2125 = arith.index_cast %scan3A_2122 : i32 to index
      %get3A_2126 = arith.constant 0 : index
      %get3A_2127 = tpu.vector_load %arg7[%get3A_2124, %get3A_2125, %get3A_2126] {strides = array<i32>} : memref<20x128x32xf32, #tpu.memory_space<vmem>>, vector<16xf32>,
      %add3A_2128 = arith.addf %add3A_2114, %get3A_2127 : vector<16xf32>
      %get3A_2129 = arith.constant 10 : i32
      %get3A_2130 = arith.index_cast %get3A_2129 : i32 to index
      %get3A_2131 = arith.index_cast %scan3A_2122 : i32 to index
      %get3A_2132 = arith.constant 16 : index
      %get3A_2133 = tpu.vector_load %arg7[%get3A_2130, %get3A_2131, %get3A_2132] {strides = array<i32>} : memref<20x128x32xf32, #tpu.memory_space<vmem>>, vector<16xf32>,
      %add3A_2134 = arith.addf %add3A_2120, %get3A_2133 : vector<16xf32>
      %scan3A_2135 = arith.constant 7 : i32
      %scan3A_2136 = arith.addi %scan3A_2037, %scan3A_2135 : i32
      %get3A_2137 = arith.constant 10 : i32
      %get3A_2138 = arith.index_cast %get3A_2137 : i32 to index
      %get3A_2139 = arith.index_cast %scan3A_2136 : i32 to index
      %get3A_2140 = arith.constant 0 : index
      %get3A_2141 = tpu.vector_load %arg7[%get3A_2138, %get3A_2139, %get3A_2140] {strides = array<i32>} : memref<20x128x32xf32, #tpu.memory_space<vmem>>, vector<16xf32>,
      %add3A_2142 = arith.addf %add3A_2128, %get3A_2141 : vector<16xf32>
      %get3A_2143 = arith.constant 10 : i32
      %get3A_2144 = arith.index_cast %get3A_2143 : i32 to index
      %get3A_2145 = arith.index_cast %scan3A_2136 : i32 to index
      %get3A_2146 = arith.constant 16 : index
      %get3A_2147 = tpu.vector_load %arg7[%get3A_2144, %get3A_2145, %get3A_2146] {strides = array<i32>} : memref<20x128x32xf32, #tpu.memory_space<vmem>>, vector<16xf32>,
      %add3A_2148 = arith.addf %add3A_2134, %get3A_2147 : vector<16xf32>
      scf.yield %add3A_2142, %add3A_2148 : vector<16xf32>, vector<16xf32>
    }
    %scan3A_1816 = arith.constant 128 : i32
    %swap3A_1817 = arith.constant 320 : index
    %swap3A_1818 = tpu.vector_load %arg8[%swap3A_1817] {strides = array<i32>} : memref<640xf32, #tpu.memory_space<vmem>>, vector<16xf32>,
    tpu.vector_store %arg8[%swap3A_1817], %scan3A_1815#0 {strides = array<i32>} : memref<640xf32, #tpu.memory_space<vmem>>, vector<16xf32>,
    %swap3A_1819 = arith.constant 336 : index
    %swap3A_1820 = tpu.vector_load %arg8[%swap3A_1819] {strides = array<i32>} : memref<640xf32, #tpu.memory_space<vmem>>, vector<16xf32>,
    tpu.vector_store %arg8[%swap3A_1819], %scan3A_1815#1 {strides = array<i32>} : memref<640xf32, #tpu.memory_space<vmem>>, vector<16xf32>,
    %dma_wait3A_1821 = arith.constant 11 : i32
    %dma_wait3A_1822 = arith.constant 11 : i32
    %dma_wait3A_1823 = arith.constant 0 : i32
    %dma_wait3A_1824 = arith.constant 0 : i32
    %dma_wait3A_1825 = tpu.memref_slice %arg7[%dma_wait3A_1822, %dma_wait3A_1823, %dma_wait3A_1824] : memref<20x128x32xf32, #tpu.memory_space<vmem>> -> memref<1x128x32xf32, #tpu.memory_space<vmem>>
    %dma_wait3A_1826 = tpu.memref_squeeze %dma_wait3A_1825 : memref<1x128x32xf32, #tpu.memory_space<vmem>> -> memref<128x32xf32, #tpu.memory_space<vmem>>
    %dma_wait3A_1827 = arith.constant 0 : i32
    %dma_wait3A_1828 = tpu.memref_slice %arg6[%dma_wait3A_1821, %dma_wait3A_1827] : memref<20x128xi32, #tpu.memory_space<vmem>> -> memref<1x128xi32, #tpu.memory_space<vmem>>
    %dma_wait3A_1829 = tpu.memref_squeeze %dma_wait3A_1828 : memref<1x128xi32, #tpu.memory_space<vmem>> -> memref<128xi32, #tpu.memory_space<vmem>>
    %dma_wait3A_1830 = arith.constant 0 : i32
    %dma_wait3A_1831 = arith.constant 0 : i32
    %dma_wait3A_1832 = tpu.memref_slice %arg3[%dma_wait3A_1830, %dma_wait3A_1831] : memref<100000x32xf32, #tpu.memory_space<hbm>> -> memref<100000x32xf32, #tpu.memory_space<hbm>>
    tpu.wait_indirect_dma semaphore(%arg9 : memref<!tpu.dma_semaphore, #tpu.memory_space<semaphore_mem>>) src(%dma_wait3A_1832 : memref<100000x32xf32, #tpu.memory_space<hbm>>) dst(%dma_wait3A_1826 : memref<128x32xf32, #tpu.memory_space<vmem>>)
    %broadcast_in_dim3A_1833 = arith.constant 0.000000e+00 : f32
    %broadcast_in_dim3A_1834 = vector.broadcast %broadcast_in_dim3A_1833 : f32 to vector<16xf32>
    %scan3A_1835 = arith.constant 0 : i32
    %scan3A_1836 = arith.constant 128 : i32
    %scan3A_1837 = arith.addi %scan3A_1835, %scan3A_1836 : i32
    %scan3A_1838 = arith.constant 8 : i32
    %scan3A_1839:2 = scf.for %scan3A_2037 = %scan3A_1835 to %scan3A_1837 step %scan3A_1838 iter_args(%scan3A_2038 = %broadcast_in_dim3A_1834, %scan3A_2039 = %broadcast_in_dim3A_1834) -> (vector<16xf32>, vector<16xf32>)  : i32 {
      %get3A = arith.constant 11 : i32
      %get3A_2040 = arith.index_cast %get3A : i32 to index
      %get3A_2041 = arith.index_cast %scan3A_2037 : i32 to index
      %get3A_2042 = arith.constant 0 : index
      %get3A_2043 = tpu.vector_load %arg7[%get3A_2040, %get3A_2041, %get3A_2042] {strides = array<i32>} : memref<20x128x32xf32, #tpu.memory_space<vmem>>, vector<16xf32>,
      %add3A_2044 = arith.addf %scan3A_2038, %get3A_2043 : vector<16xf32>
      %get3A_2045 = arith.constant 11 : i32
      %get3A_2046 = arith.index_cast %get3A_2045 : i32 to index
      %get3A_2047 = arith.index_cast %scan3A_2037 : i32 to index
      %get3A_2048 = arith.constant 16 : index
      %get3A_2049 = tpu.vector_load %arg7[%get3A_2046, %get3A_2047, %get3A_2048] {strides = array<i32>} : memref<20x128x32xf32, #tpu.memory_space<vmem>>, vector<16xf32>,
      %add3A_2050 = arith.addf %scan3A_2039, %get3A_2049 : vector<16xf32>
      %scan3A_2051 = arith.constant 1 : i32
      %scan3A_2052 = arith.addi %scan3A_2037, %scan3A_2051 : i32
      %get3A_2053 = arith.constant 11 : i32
      %get3A_2054 = arith.index_cast %get3A_2053 : i32 to index
      %get3A_2055 = arith.index_cast %scan3A_2052 : i32 to index
      %get3A_2056 = arith.constant 0 : index
      %get3A_2057 = tpu.vector_load %arg7[%get3A_2054, %get3A_2055, %get3A_2056] {strides = array<i32>} : memref<20x128x32xf32, #tpu.memory_space<vmem>>, vector<16xf32>,
      %add3A_2058 = arith.addf %add3A_2044, %get3A_2057 : vector<16xf32>
      %get3A_2059 = arith.constant 11 : i32
      %get3A_2060 = arith.index_cast %get3A_2059 : i32 to index
      %get3A_2061 = arith.index_cast %scan3A_2052 : i32 to index
      %get3A_2062 = arith.constant 16 : index
      %get3A_2063 = tpu.vector_load %arg7[%get3A_2060, %get3A_2061, %get3A_2062] {strides = array<i32>} : memref<20x128x32xf32, #tpu.memory_space<vmem>>, vector<16xf32>,
      %add3A_2064 = arith.addf %add3A_2050, %get3A_2063 : vector<16xf32>
      %scan3A_2065 = arith.constant 2 : i32
      %scan3A_2066 = arith.addi %scan3A_2037, %scan3A_2065 : i32
      %get3A_2067 = arith.constant 11 : i32
      %get3A_2068 = arith.index_cast %get3A_2067 : i32 to index
      %get3A_2069 = arith.index_cast %scan3A_2066 : i32 to index
      %get3A_2070 = arith.constant 0 : index
      %get3A_2071 = tpu.vector_load %arg7[%get3A_2068, %get3A_2069, %get3A_2070] {strides = array<i32>} : memref<20x128x32xf32, #tpu.memory_space<vmem>>, vector<16xf32>,
      %add3A_2072 = arith.addf %add3A_2058, %get3A_2071 : vector<16xf32>
      %get3A_2073 = arith.constant 11 : i32
      %get3A_2074 = arith.index_cast %get3A_2073 : i32 to index
      %get3A_2075 = arith.index_cast %scan3A_2066 : i32 to index
      %get3A_2076 = arith.constant 16 : index
      %get3A_2077 = tpu.vector_load %arg7[%get3A_2074, %get3A_2075, %get3A_2076] {strides = array<i32>} : memref<20x128x32xf32, #tpu.memory_space<vmem>>, vector<16xf32>,
      %add3A_2078 = arith.addf %add3A_2064, %get3A_2077 : vector<16xf32>
      %scan3A_2079 = arith.constant 3 : i32
      %scan3A_2080 = arith.addi %scan3A_2037, %scan3A_2079 : i32
      %get3A_2081 = arith.constant 11 : i32
      %get3A_2082 = arith.index_cast %get3A_2081 : i32 to index
      %get3A_2083 = arith.index_cast %scan3A_2080 : i32 to index
      %get3A_2084 = arith.constant 0 : index
      %get3A_2085 = tpu.vector_load %arg7[%get3A_2082, %get3A_2083, %get3A_2084] {strides = array<i32>} : memref<20x128x32xf32, #tpu.memory_space<vmem>>, vector<16xf32>,
      %add3A_2086 = arith.addf %add3A_2072, %get3A_2085 : vector<16xf32>
      %get3A_2087 = arith.constant 11 : i32
      %get3A_2088 = arith.index_cast %get3A_2087 : i32 to index
      %get3A_2089 = arith.index_cast %scan3A_2080 : i32 to index
      %get3A_2090 = arith.constant 16 : index
      %get3A_2091 = tpu.vector_load %arg7[%get3A_2088, %get3A_2089, %get3A_2090] {strides = array<i32>} : memref<20x128x32xf32, #tpu.memory_space<vmem>>, vector<16xf32>,
      %add3A_2092 = arith.addf %add3A_2078, %get3A_2091 : vector<16xf32>
      %scan3A_2093 = arith.constant 4 : i32
      %scan3A_2094 = arith.addi %scan3A_2037, %scan3A_2093 : i32
      %get3A_2095 = arith.constant 11 : i32
      %get3A_2096 = arith.index_cast %get3A_2095 : i32 to index
      %get3A_2097 = arith.index_cast %scan3A_2094 : i32 to index
      %get3A_2098 = arith.constant 0 : index
      %get3A_2099 = tpu.vector_load %arg7[%get3A_2096, %get3A_2097, %get3A_2098] {strides = array<i32>} : memref<20x128x32xf32, #tpu.memory_space<vmem>>, vector<16xf32>,
      %add3A_2100 = arith.addf %add3A_2086, %get3A_2099 : vector<16xf32>
      %get3A_2101 = arith.constant 11 : i32
      %get3A_2102 = arith.index_cast %get3A_2101 : i32 to index
      %get3A_2103 = arith.index_cast %scan3A_2094 : i32 to index
      %get3A_2104 = arith.constant 16 : index
      %get3A_2105 = tpu.vector_load %arg7[%get3A_2102, %get3A_2103, %get3A_2104] {strides = array<i32>} : memref<20x128x32xf32, #tpu.memory_space<vmem>>, vector<16xf32>,
      %add3A_2106 = arith.addf %add3A_2092, %get3A_2105 : vector<16xf32>
      %scan3A_2107 = arith.constant 5 : i32
      %scan3A_2108 = arith.addi %scan3A_2037, %scan3A_2107 : i32
      %get3A_2109 = arith.constant 11 : i32
      %get3A_2110 = arith.index_cast %get3A_2109 : i32 to index
      %get3A_2111 = arith.index_cast %scan3A_2108 : i32 to index
      %get3A_2112 = arith.constant 0 : index
      %get3A_2113 = tpu.vector_load %arg7[%get3A_2110, %get3A_2111, %get3A_2112] {strides = array<i32>} : memref<20x128x32xf32, #tpu.memory_space<vmem>>, vector<16xf32>,
      %add3A_2114 = arith.addf %add3A_2100, %get3A_2113 : vector<16xf32>
      %get3A_2115 = arith.constant 11 : i32
      %get3A_2116 = arith.index_cast %get3A_2115 : i32 to index
      %get3A_2117 = arith.index_cast %scan3A_2108 : i32 to index
      %get3A_2118 = arith.constant 16 : index
      %get3A_2119 = tpu.vector_load %arg7[%get3A_2116, %get3A_2117, %get3A_2118] {strides = array<i32>} : memref<20x128x32xf32, #tpu.memory_space<vmem>>, vector<16xf32>,
      %add3A_2120 = arith.addf %add3A_2106, %get3A_2119 : vector<16xf32>
      %scan3A_2121 = arith.constant 6 : i32
      %scan3A_2122 = arith.addi %scan3A_2037, %scan3A_2121 : i32
      %get3A_2123 = arith.constant 11 : i32
      %get3A_2124 = arith.index_cast %get3A_2123 : i32 to index
      %get3A_2125 = arith.index_cast %scan3A_2122 : i32 to index
      %get3A_2126 = arith.constant 0 : index
      %get3A_2127 = tpu.vector_load %arg7[%get3A_2124, %get3A_2125, %get3A_2126] {strides = array<i32>} : memref<20x128x32xf32, #tpu.memory_space<vmem>>, vector<16xf32>,
      %add3A_2128 = arith.addf %add3A_2114, %get3A_2127 : vector<16xf32>
      %get3A_2129 = arith.constant 11 : i32
      %get3A_2130 = arith.index_cast %get3A_2129 : i32 to index
      %get3A_2131 = arith.index_cast %scan3A_2122 : i32 to index
      %get3A_2132 = arith.constant 16 : index
      %get3A_2133 = tpu.vector_load %arg7[%get3A_2130, %get3A_2131, %get3A_2132] {strides = array<i32>} : memref<20x128x32xf32, #tpu.memory_space<vmem>>, vector<16xf32>,
      %add3A_2134 = arith.addf %add3A_2120, %get3A_2133 : vector<16xf32>
      %scan3A_2135 = arith.constant 7 : i32
      %scan3A_2136 = arith.addi %scan3A_2037, %scan3A_2135 : i32
      %get3A_2137 = arith.constant 11 : i32
      %get3A_2138 = arith.index_cast %get3A_2137 : i32 to index
      %get3A_2139 = arith.index_cast %scan3A_2136 : i32 to index
      %get3A_2140 = arith.constant 0 : index
      %get3A_2141 = tpu.vector_load %arg7[%get3A_2138, %get3A_2139, %get3A_2140] {strides = array<i32>} : memref<20x128x32xf32, #tpu.memory_space<vmem>>, vector<16xf32>,
      %add3A_2142 = arith.addf %add3A_2128, %get3A_2141 : vector<16xf32>
      %get3A_2143 = arith.constant 11 : i32
      %get3A_2144 = arith.index_cast %get3A_2143 : i32 to index
      %get3A_2145 = arith.index_cast %scan3A_2136 : i32 to index
      %get3A_2146 = arith.constant 16 : index
      %get3A_2147 = tpu.vector_load %arg7[%get3A_2144, %get3A_2145, %get3A_2146] {strides = array<i32>} : memref<20x128x32xf32, #tpu.memory_space<vmem>>, vector<16xf32>,
      %add3A_2148 = arith.addf %add3A_2134, %get3A_2147 : vector<16xf32>
      scf.yield %add3A_2142, %add3A_2148 : vector<16xf32>, vector<16xf32>
    }
    %scan3A_1840 = arith.constant 128 : i32
    %swap3A_1841 = arith.constant 352 : index
    %swap3A_1842 = tpu.vector_load %arg8[%swap3A_1841] {strides = array<i32>} : memref<640xf32, #tpu.memory_space<vmem>>, vector<16xf32>,
    tpu.vector_store %arg8[%swap3A_1841], %scan3A_1839#0 {strides = array<i32>} : memref<640xf32, #tpu.memory_space<vmem>>, vector<16xf32>,
    %swap3A_1843 = arith.constant 368 : index
    %swap3A_1844 = tpu.vector_load %arg8[%swap3A_1843] {strides = array<i32>} : memref<640xf32, #tpu.memory_space<vmem>>, vector<16xf32>,
    tpu.vector_store %arg8[%swap3A_1843], %scan3A_1839#1 {strides = array<i32>} : memref<640xf32, #tpu.memory_space<vmem>>, vector<16xf32>,
    %dma_wait3A_1845 = arith.constant 12 : i32
    %dma_wait3A_1846 = arith.constant 12 : i32
    %dma_wait3A_1847 = arith.constant 0 : i32
    %dma_wait3A_1848 = arith.constant 0 : i32
    %dma_wait3A_1849 = tpu.memref_slice %arg7[%dma_wait3A_1846, %dma_wait3A_1847, %dma_wait3A_1848] : memref<20x128x32xf32, #tpu.memory_space<vmem>> -> memref<1x128x32xf32, #tpu.memory_space<vmem>>
    %dma_wait3A_1850 = tpu.memref_squeeze %dma_wait3A_1849 : memref<1x128x32xf32, #tpu.memory_space<vmem>> -> memref<128x32xf32, #tpu.memory_space<vmem>>
    %dma_wait3A_1851 = arith.constant 0 : i32
    %dma_wait3A_1852 = tpu.memref_slice %arg6[%dma_wait3A_1845, %dma_wait3A_1851] : memref<20x128xi32, #tpu.memory_space<vmem>> -> memref<1x128xi32, #tpu.memory_space<vmem>>
    %dma_wait3A_1853 = tpu.memref_squeeze %dma_wait3A_1852 : memref<1x128xi32, #tpu.memory_space<vmem>> -> memref<128xi32, #tpu.memory_space<vmem>>
    %dma_wait3A_1854 = arith.constant 0 : i32
    %dma_wait3A_1855 = arith.constant 0 : i32
    %dma_wait3A_1856 = tpu.memref_slice %arg3[%dma_wait3A_1854, %dma_wait3A_1855] : memref<100000x32xf32, #tpu.memory_space<hbm>> -> memref<100000x32xf32, #tpu.memory_space<hbm>>
    tpu.wait_indirect_dma semaphore(%arg9 : memref<!tpu.dma_semaphore, #tpu.memory_space<semaphore_mem>>) src(%dma_wait3A_1856 : memref<100000x32xf32, #tpu.memory_space<hbm>>) dst(%dma_wait3A_1850 : memref<128x32xf32, #tpu.memory_space<vmem>>)
    %broadcast_in_dim3A_1857 = arith.constant 0.000000e+00 : f32
    %broadcast_in_dim3A_1858 = vector.broadcast %broadcast_in_dim3A_1857 : f32 to vector<16xf32>
    %scan3A_1859 = arith.constant 0 : i32
    %scan3A_1860 = arith.constant 128 : i32
    %scan3A_1861 = arith.addi %scan3A_1859, %scan3A_1860 : i32
    %scan3A_1862 = arith.constant 8 : i32
    %scan3A_1863:2 = scf.for %scan3A_2037 = %scan3A_1859 to %scan3A_1861 step %scan3A_1862 iter_args(%scan3A_2038 = %broadcast_in_dim3A_1858, %scan3A_2039 = %broadcast_in_dim3A_1858) -> (vector<16xf32>, vector<16xf32>)  : i32 {
      %get3A = arith.constant 12 : i32
      %get3A_2040 = arith.index_cast %get3A : i32 to index
      %get3A_2041 = arith.index_cast %scan3A_2037 : i32 to index
      %get3A_2042 = arith.constant 0 : index
      %get3A_2043 = tpu.vector_load %arg7[%get3A_2040, %get3A_2041, %get3A_2042] {strides = array<i32>} : memref<20x128x32xf32, #tpu.memory_space<vmem>>, vector<16xf32>,
      %add3A_2044 = arith.addf %scan3A_2038, %get3A_2043 : vector<16xf32>
      %get3A_2045 = arith.constant 12 : i32
      %get3A_2046 = arith.index_cast %get3A_2045 : i32 to index
      %get3A_2047 = arith.index_cast %scan3A_2037 : i32 to index
      %get3A_2048 = arith.constant 16 : index
      %get3A_2049 = tpu.vector_load %arg7[%get3A_2046, %get3A_2047, %get3A_2048] {strides = array<i32>} : memref<20x128x32xf32, #tpu.memory_space<vmem>>, vector<16xf32>,
      %add3A_2050 = arith.addf %scan3A_2039, %get3A_2049 : vector<16xf32>
      %scan3A_2051 = arith.constant 1 : i32
      %scan3A_2052 = arith.addi %scan3A_2037, %scan3A_2051 : i32
      %get3A_2053 = arith.constant 12 : i32
      %get3A_2054 = arith.index_cast %get3A_2053 : i32 to index
      %get3A_2055 = arith.index_cast %scan3A_2052 : i32 to index
      %get3A_2056 = arith.constant 0 : index
      %get3A_2057 = tpu.vector_load %arg7[%get3A_2054, %get3A_2055, %get3A_2056] {strides = array<i32>} : memref<20x128x32xf32, #tpu.memory_space<vmem>>, vector<16xf32>,
      %add3A_2058 = arith.addf %add3A_2044, %get3A_2057 : vector<16xf32>
      %get3A_2059 = arith.constant 12 : i32
      %get3A_2060 = arith.index_cast %get3A_2059 : i32 to index
      %get3A_2061 = arith.index_cast %scan3A_2052 : i32 to index
      %get3A_2062 = arith.constant 16 : index
      %get3A_2063 = tpu.vector_load %arg7[%get3A_2060, %get3A_2061, %get3A_2062] {strides = array<i32>} : memref<20x128x32xf32, #tpu.memory_space<vmem>>, vector<16xf32>,
      %add3A_2064 = arith.addf %add3A_2050, %get3A_2063 : vector<16xf32>
      %scan3A_2065 = arith.constant 2 : i32
      %scan3A_2066 = arith.addi %scan3A_2037, %scan3A_2065 : i32
      %get3A_2067 = arith.constant 12 : i32
      %get3A_2068 = arith.index_cast %get3A_2067 : i32 to index
      %get3A_2069 = arith.index_cast %scan3A_2066 : i32 to index
      %get3A_2070 = arith.constant 0 : index
      %get3A_2071 = tpu.vector_load %arg7[%get3A_2068, %get3A_2069, %get3A_2070] {strides = array<i32>} : memref<20x128x32xf32, #tpu.memory_space<vmem>>, vector<16xf32>,
      %add3A_2072 = arith.addf %add3A_2058, %get3A_2071 : vector<16xf32>
      %get3A_2073 = arith.constant 12 : i32
      %get3A_2074 = arith.index_cast %get3A_2073 : i32 to index
      %get3A_2075 = arith.index_cast %scan3A_2066 : i32 to index
      %get3A_2076 = arith.constant 16 : index
      %get3A_2077 = tpu.vector_load %arg7[%get3A_2074, %get3A_2075, %get3A_2076] {strides = array<i32>} : memref<20x128x32xf32, #tpu.memory_space<vmem>>, vector<16xf32>,
      %add3A_2078 = arith.addf %add3A_2064, %get3A_2077 : vector<16xf32>
      %scan3A_2079 = arith.constant 3 : i32
      %scan3A_2080 = arith.addi %scan3A_2037, %scan3A_2079 : i32
      %get3A_2081 = arith.constant 12 : i32
      %get3A_2082 = arith.index_cast %get3A_2081 : i32 to index
      %get3A_2083 = arith.index_cast %scan3A_2080 : i32 to index
      %get3A_2084 = arith.constant 0 : index
      %get3A_2085 = tpu.vector_load %arg7[%get3A_2082, %get3A_2083, %get3A_2084] {strides = array<i32>} : memref<20x128x32xf32, #tpu.memory_space<vmem>>, vector<16xf32>,
      %add3A_2086 = arith.addf %add3A_2072, %get3A_2085 : vector<16xf32>
      %get3A_2087 = arith.constant 12 : i32
      %get3A_2088 = arith.index_cast %get3A_2087 : i32 to index
      %get3A_2089 = arith.index_cast %scan3A_2080 : i32 to index
      %get3A_2090 = arith.constant 16 : index
      %get3A_2091 = tpu.vector_load %arg7[%get3A_2088, %get3A_2089, %get3A_2090] {strides = array<i32>} : memref<20x128x32xf32, #tpu.memory_space<vmem>>, vector<16xf32>,
      %add3A_2092 = arith.addf %add3A_2078, %get3A_2091 : vector<16xf32>
      %scan3A_2093 = arith.constant 4 : i32
      %scan3A_2094 = arith.addi %scan3A_2037, %scan3A_2093 : i32
      %get3A_2095 = arith.constant 12 : i32
      %get3A_2096 = arith.index_cast %get3A_2095 : i32 to index
      %get3A_2097 = arith.index_cast %scan3A_2094 : i32 to index
      %get3A_2098 = arith.constant 0 : index
      %get3A_2099 = tpu.vector_load %arg7[%get3A_2096, %get3A_2097, %get3A_2098] {strides = array<i32>} : memref<20x128x32xf32, #tpu.memory_space<vmem>>, vector<16xf32>,
      %add3A_2100 = arith.addf %add3A_2086, %get3A_2099 : vector<16xf32>
      %get3A_2101 = arith.constant 12 : i32
      %get3A_2102 = arith.index_cast %get3A_2101 : i32 to index
      %get3A_2103 = arith.index_cast %scan3A_2094 : i32 to index
      %get3A_2104 = arith.constant 16 : index
      %get3A_2105 = tpu.vector_load %arg7[%get3A_2102, %get3A_2103, %get3A_2104] {strides = array<i32>} : memref<20x128x32xf32, #tpu.memory_space<vmem>>, vector<16xf32>,
      %add3A_2106 = arith.addf %add3A_2092, %get3A_2105 : vector<16xf32>
      %scan3A_2107 = arith.constant 5 : i32
      %scan3A_2108 = arith.addi %scan3A_2037, %scan3A_2107 : i32
      %get3A_2109 = arith.constant 12 : i32
      %get3A_2110 = arith.index_cast %get3A_2109 : i32 to index
      %get3A_2111 = arith.index_cast %scan3A_2108 : i32 to index
      %get3A_2112 = arith.constant 0 : index
      %get3A_2113 = tpu.vector_load %arg7[%get3A_2110, %get3A_2111, %get3A_2112] {strides = array<i32>} : memref<20x128x32xf32, #tpu.memory_space<vmem>>, vector<16xf32>,
      %add3A_2114 = arith.addf %add3A_2100, %get3A_2113 : vector<16xf32>
      %get3A_2115 = arith.constant 12 : i32
      %get3A_2116 = arith.index_cast %get3A_2115 : i32 to index
      %get3A_2117 = arith.index_cast %scan3A_2108 : i32 to index
      %get3A_2118 = arith.constant 16 : index
      %get3A_2119 = tpu.vector_load %arg7[%get3A_2116, %get3A_2117, %get3A_2118] {strides = array<i32>} : memref<20x128x32xf32, #tpu.memory_space<vmem>>, vector<16xf32>,
      %add3A_2120 = arith.addf %add3A_2106, %get3A_2119 : vector<16xf32>
      %scan3A_2121 = arith.constant 6 : i32
      %scan3A_2122 = arith.addi %scan3A_2037, %scan3A_2121 : i32
      %get3A_2123 = arith.constant 12 : i32
      %get3A_2124 = arith.index_cast %get3A_2123 : i32 to index
      %get3A_2125 = arith.index_cast %scan3A_2122 : i32 to index
      %get3A_2126 = arith.constant 0 : index
      %get3A_2127 = tpu.vector_load %arg7[%get3A_2124, %get3A_2125, %get3A_2126] {strides = array<i32>} : memref<20x128x32xf32, #tpu.memory_space<vmem>>, vector<16xf32>,
      %add3A_2128 = arith.addf %add3A_2114, %get3A_2127 : vector<16xf32>
      %get3A_2129 = arith.constant 12 : i32
      %get3A_2130 = arith.index_cast %get3A_2129 : i32 to index
      %get3A_2131 = arith.index_cast %scan3A_2122 : i32 to index
      %get3A_2132 = arith.constant 16 : index
      %get3A_2133 = tpu.vector_load %arg7[%get3A_2130, %get3A_2131, %get3A_2132] {strides = array<i32>} : memref<20x128x32xf32, #tpu.memory_space<vmem>>, vector<16xf32>,
      %add3A_2134 = arith.addf %add3A_2120, %get3A_2133 : vector<16xf32>
      %scan3A_2135 = arith.constant 7 : i32
      %scan3A_2136 = arith.addi %scan3A_2037, %scan3A_2135 : i32
      %get3A_2137 = arith.constant 12 : i32
      %get3A_2138 = arith.index_cast %get3A_2137 : i32 to index
      %get3A_2139 = arith.index_cast %scan3A_2136 : i32 to index
      %get3A_2140 = arith.constant 0 : index
      %get3A_2141 = tpu.vector_load %arg7[%get3A_2138, %get3A_2139, %get3A_2140] {strides = array<i32>} : memref<20x128x32xf32, #tpu.memory_space<vmem>>, vector<16xf32>,
      %add3A_2142 = arith.addf %add3A_2128, %get3A_2141 : vector<16xf32>
      %get3A_2143 = arith.constant 12 : i32
      %get3A_2144 = arith.index_cast %get3A_2143 : i32 to index
      %get3A_2145 = arith.index_cast %scan3A_2136 : i32 to index
      %get3A_2146 = arith.constant 16 : index
      %get3A_2147 = tpu.vector_load %arg7[%get3A_2144, %get3A_2145, %get3A_2146] {strides = array<i32>} : memref<20x128x32xf32, #tpu.memory_space<vmem>>, vector<16xf32>,
      %add3A_2148 = arith.addf %add3A_2134, %get3A_2147 : vector<16xf32>
      scf.yield %add3A_2142, %add3A_2148 : vector<16xf32>, vector<16xf32>
    }
    %scan3A_1864 = arith.constant 128 : i32
    %swap3A_1865 = arith.constant 384 : index
    %swap3A_1866 = tpu.vector_load %arg8[%swap3A_1865] {strides = array<i32>} : memref<640xf32, #tpu.memory_space<vmem>>, vector<16xf32>,
    tpu.vector_store %arg8[%swap3A_1865], %scan3A_1863#0 {strides = array<i32>} : memref<640xf32, #tpu.memory_space<vmem>>, vector<16xf32>,
    %swap3A_1867 = arith.constant 400 : index
    %swap3A_1868 = tpu.vector_load %arg8[%swap3A_1867] {strides = array<i32>} : memref<640xf32, #tpu.memory_space<vmem>>, vector<16xf32>,
    tpu.vector_store %arg8[%swap3A_1867], %scan3A_1863#1 {strides = array<i32>} : memref<640xf32, #tpu.memory_space<vmem>>, vector<16xf32>,
    %dma_wait3A_1869 = arith.constant 13 : i32
    %dma_wait3A_1870 = arith.constant 13 : i32
    %dma_wait3A_1871 = arith.constant 0 : i32
    %dma_wait3A_1872 = arith.constant 0 : i32
    %dma_wait3A_1873 = tpu.memref_slice %arg7[%dma_wait3A_1870, %dma_wait3A_1871, %dma_wait3A_1872] : memref<20x128x32xf32, #tpu.memory_space<vmem>> -> memref<1x128x32xf32, #tpu.memory_space<vmem>>
    %dma_wait3A_1874 = tpu.memref_squeeze %dma_wait3A_1873 : memref<1x128x32xf32, #tpu.memory_space<vmem>> -> memref<128x32xf32, #tpu.memory_space<vmem>>
    %dma_wait3A_1875 = arith.constant 0 : i32
    %dma_wait3A_1876 = tpu.memref_slice %arg6[%dma_wait3A_1869, %dma_wait3A_1875] : memref<20x128xi32, #tpu.memory_space<vmem>> -> memref<1x128xi32, #tpu.memory_space<vmem>>
    %dma_wait3A_1877 = tpu.memref_squeeze %dma_wait3A_1876 : memref<1x128xi32, #tpu.memory_space<vmem>> -> memref<128xi32, #tpu.memory_space<vmem>>
    %dma_wait3A_1878 = arith.constant 0 : i32
    %dma_wait3A_1879 = arith.constant 0 : i32
    %dma_wait3A_1880 = tpu.memref_slice %arg3[%dma_wait3A_1878, %dma_wait3A_1879] : memref<100000x32xf32, #tpu.memory_space<hbm>> -> memref<100000x32xf32, #tpu.memory_space<hbm>>
    tpu.wait_indirect_dma semaphore(%arg9 : memref<!tpu.dma_semaphore, #tpu.memory_space<semaphore_mem>>) src(%dma_wait3A_1880 : memref<100000x32xf32, #tpu.memory_space<hbm>>) dst(%dma_wait3A_1874 : memref<128x32xf32, #tpu.memory_space<vmem>>)
    %broadcast_in_dim3A_1881 = arith.constant 0.000000e+00 : f32
    %broadcast_in_dim3A_1882 = vector.broadcast %broadcast_in_dim3A_1881 : f32 to vector<16xf32>
    %scan3A_1883 = arith.constant 0 : i32
    %scan3A_1884 = arith.constant 128 : i32
    %scan3A_1885 = arith.addi %scan3A_1883, %scan3A_1884 : i32
    %scan3A_1886 = arith.constant 8 : i32
    %scan3A_1887:2 = scf.for %scan3A_2037 = %scan3A_1883 to %scan3A_1885 step %scan3A_1886 iter_args(%scan3A_2038 = %broadcast_in_dim3A_1882, %scan3A_2039 = %broadcast_in_dim3A_1882) -> (vector<16xf32>, vector<16xf32>)  : i32 {
      %get3A = arith.constant 13 : i32
      %get3A_2040 = arith.index_cast %get3A : i32 to index
      %get3A_2041 = arith.index_cast %scan3A_2037 : i32 to index
      %get3A_2042 = arith.constant 0 : index
      %get3A_2043 = tpu.vector_load %arg7[%get3A_2040, %get3A_2041, %get3A_2042] {strides = array<i32>} : memref<20x128x32xf32, #tpu.memory_space<vmem>>, vector<16xf32>,
      %add3A_2044 = arith.addf %scan3A_2038, %get3A_2043 : vector<16xf32>
      %get3A_2045 = arith.constant 13 : i32
      %get3A_2046 = arith.index_cast %get3A_2045 : i32 to index
      %get3A_2047 = arith.index_cast %scan3A_2037 : i32 to index
      %get3A_2048 = arith.constant 16 : index
      %get3A_2049 = tpu.vector_load %arg7[%get3A_2046, %get3A_2047, %get3A_2048] {strides = array<i32>} : memref<20x128x32xf32, #tpu.memory_space<vmem>>, vector<16xf32>,
      %add3A_2050 = arith.addf %scan3A_2039, %get3A_2049 : vector<16xf32>
      %scan3A_2051 = arith.constant 1 : i32
      %scan3A_2052 = arith.addi %scan3A_2037, %scan3A_2051 : i32
      %get3A_2053 = arith.constant 13 : i32
      %get3A_2054 = arith.index_cast %get3A_2053 : i32 to index
      %get3A_2055 = arith.index_cast %scan3A_2052 : i32 to index
      %get3A_2056 = arith.constant 0 : index
      %get3A_2057 = tpu.vector_load %arg7[%get3A_2054, %get3A_2055, %get3A_2056] {strides = array<i32>} : memref<20x128x32xf32, #tpu.memory_space<vmem>>, vector<16xf32>,
      %add3A_2058 = arith.addf %add3A_2044, %get3A_2057 : vector<16xf32>
      %get3A_2059 = arith.constant 13 : i32
      %get3A_2060 = arith.index_cast %get3A_2059 : i32 to index
      %get3A_2061 = arith.index_cast %scan3A_2052 : i32 to index
      %get3A_2062 = arith.constant 16 : index
      %get3A_2063 = tpu.vector_load %arg7[%get3A_2060, %get3A_2061, %get3A_2062] {strides = array<i32>} : memref<20x128x32xf32, #tpu.memory_space<vmem>>, vector<16xf32>,
      %add3A_2064 = arith.addf %add3A_2050, %get3A_2063 : vector<16xf32>
      %scan3A_2065 = arith.constant 2 : i32
      %scan3A_2066 = arith.addi %scan3A_2037, %scan3A_2065 : i32
      %get3A_2067 = arith.constant 13 : i32
      %get3A_2068 = arith.index_cast %get3A_2067 : i32 to index
      %get3A_2069 = arith.index_cast %scan3A_2066 : i32 to index
      %get3A_2070 = arith.constant 0 : index
      %get3A_2071 = tpu.vector_load %arg7[%get3A_2068, %get3A_2069, %get3A_2070] {strides = array<i32>} : memref<20x128x32xf32, #tpu.memory_space<vmem>>, vector<16xf32>,
      %add3A_2072 = arith.addf %add3A_2058, %get3A_2071 : vector<16xf32>
      %get3A_2073 = arith.constant 13 : i32
      %get3A_2074 = arith.index_cast %get3A_2073 : i32 to index
      %get3A_2075 = arith.index_cast %scan3A_2066 : i32 to index
      %get3A_2076 = arith.constant 16 : index
      %get3A_2077 = tpu.vector_load %arg7[%get3A_2074, %get3A_2075, %get3A_2076] {strides = array<i32>} : memref<20x128x32xf32, #tpu.memory_space<vmem>>, vector<16xf32>,
      %add3A_2078 = arith.addf %add3A_2064, %get3A_2077 : vector<16xf32>
      %scan3A_2079 = arith.constant 3 : i32
      %scan3A_2080 = arith.addi %scan3A_2037, %scan3A_2079 : i32
      %get3A_2081 = arith.constant 13 : i32
      %get3A_2082 = arith.index_cast %get3A_2081 : i32 to index
      %get3A_2083 = arith.index_cast %scan3A_2080 : i32 to index
      %get3A_2084 = arith.constant 0 : index
      %get3A_2085 = tpu.vector_load %arg7[%get3A_2082, %get3A_2083, %get3A_2084] {strides = array<i32>} : memref<20x128x32xf32, #tpu.memory_space<vmem>>, vector<16xf32>,
      %add3A_2086 = arith.addf %add3A_2072, %get3A_2085 : vector<16xf32>
      %get3A_2087 = arith.constant 13 : i32
      %get3A_2088 = arith.index_cast %get3A_2087 : i32 to index
      %get3A_2089 = arith.index_cast %scan3A_2080 : i32 to index
      %get3A_2090 = arith.constant 16 : index
      %get3A_2091 = tpu.vector_load %arg7[%get3A_2088, %get3A_2089, %get3A_2090] {strides = array<i32>} : memref<20x128x32xf32, #tpu.memory_space<vmem>>, vector<16xf32>,
      %add3A_2092 = arith.addf %add3A_2078, %get3A_2091 : vector<16xf32>
      %scan3A_2093 = arith.constant 4 : i32
      %scan3A_2094 = arith.addi %scan3A_2037, %scan3A_2093 : i32
      %get3A_2095 = arith.constant 13 : i32
      %get3A_2096 = arith.index_cast %get3A_2095 : i32 to index
      %get3A_2097 = arith.index_cast %scan3A_2094 : i32 to index
      %get3A_2098 = arith.constant 0 : index
      %get3A_2099 = tpu.vector_load %arg7[%get3A_2096, %get3A_2097, %get3A_2098] {strides = array<i32>} : memref<20x128x32xf32, #tpu.memory_space<vmem>>, vector<16xf32>,
      %add3A_2100 = arith.addf %add3A_2086, %get3A_2099 : vector<16xf32>
      %get3A_2101 = arith.constant 13 : i32
      %get3A_2102 = arith.index_cast %get3A_2101 : i32 to index
      %get3A_2103 = arith.index_cast %scan3A_2094 : i32 to index
      %get3A_2104 = arith.constant 16 : index
      %get3A_2105 = tpu.vector_load %arg7[%get3A_2102, %get3A_2103, %get3A_2104] {strides = array<i32>} : memref<20x128x32xf32, #tpu.memory_space<vmem>>, vector<16xf32>,
      %add3A_2106 = arith.addf %add3A_2092, %get3A_2105 : vector<16xf32>
      %scan3A_2107 = arith.constant 5 : i32
      %scan3A_2108 = arith.addi %scan3A_2037, %scan3A_2107 : i32
      %get3A_2109 = arith.constant 13 : i32
      %get3A_2110 = arith.index_cast %get3A_2109 : i32 to index
      %get3A_2111 = arith.index_cast %scan3A_2108 : i32 to index
      %get3A_2112 = arith.constant 0 : index
      %get3A_2113 = tpu.vector_load %arg7[%get3A_2110, %get3A_2111, %get3A_2112] {strides = array<i32>} : memref<20x128x32xf32, #tpu.memory_space<vmem>>, vector<16xf32>,
      %add3A_2114 = arith.addf %add3A_2100, %get3A_2113 : vector<16xf32>
      %get3A_2115 = arith.constant 13 : i32
      %get3A_2116 = arith.index_cast %get3A_2115 : i32 to index
      %get3A_2117 = arith.index_cast %scan3A_2108 : i32 to index
      %get3A_2118 = arith.constant 16 : index
      %get3A_2119 = tpu.vector_load %arg7[%get3A_2116, %get3A_2117, %get3A_2118] {strides = array<i32>} : memref<20x128x32xf32, #tpu.memory_space<vmem>>, vector<16xf32>,
      %add3A_2120 = arith.addf %add3A_2106, %get3A_2119 : vector<16xf32>
      %scan3A_2121 = arith.constant 6 : i32
      %scan3A_2122 = arith.addi %scan3A_2037, %scan3A_2121 : i32
      %get3A_2123 = arith.constant 13 : i32
      %get3A_2124 = arith.index_cast %get3A_2123 : i32 to index
      %get3A_2125 = arith.index_cast %scan3A_2122 : i32 to index
      %get3A_2126 = arith.constant 0 : index
      %get3A_2127 = tpu.vector_load %arg7[%get3A_2124, %get3A_2125, %get3A_2126] {strides = array<i32>} : memref<20x128x32xf32, #tpu.memory_space<vmem>>, vector<16xf32>,
      %add3A_2128 = arith.addf %add3A_2114, %get3A_2127 : vector<16xf32>
      %get3A_2129 = arith.constant 13 : i32
      %get3A_2130 = arith.index_cast %get3A_2129 : i32 to index
      %get3A_2131 = arith.index_cast %scan3A_2122 : i32 to index
      %get3A_2132 = arith.constant 16 : index
      %get3A_2133 = tpu.vector_load %arg7[%get3A_2130, %get3A_2131, %get3A_2132] {strides = array<i32>} : memref<20x128x32xf32, #tpu.memory_space<vmem>>, vector<16xf32>,
      %add3A_2134 = arith.addf %add3A_2120, %get3A_2133 : vector<16xf32>
      %scan3A_2135 = arith.constant 7 : i32
      %scan3A_2136 = arith.addi %scan3A_2037, %scan3A_2135 : i32
      %get3A_2137 = arith.constant 13 : i32
      %get3A_2138 = arith.index_cast %get3A_2137 : i32 to index
      %get3A_2139 = arith.index_cast %scan3A_2136 : i32 to index
      %get3A_2140 = arith.constant 0 : index
      %get3A_2141 = tpu.vector_load %arg7[%get3A_2138, %get3A_2139, %get3A_2140] {strides = array<i32>} : memref<20x128x32xf32, #tpu.memory_space<vmem>>, vector<16xf32>,
      %add3A_2142 = arith.addf %add3A_2128, %get3A_2141 : vector<16xf32>
      %get3A_2143 = arith.constant 13 : i32
      %get3A_2144 = arith.index_cast %get3A_2143 : i32 to index
      %get3A_2145 = arith.index_cast %scan3A_2136 : i32 to index
      %get3A_2146 = arith.constant 16 : index
      %get3A_2147 = tpu.vector_load %arg7[%get3A_2144, %get3A_2145, %get3A_2146] {strides = array<i32>} : memref<20x128x32xf32, #tpu.memory_space<vmem>>, vector<16xf32>,
      %add3A_2148 = arith.addf %add3A_2134, %get3A_2147 : vector<16xf32>
      scf.yield %add3A_2142, %add3A_2148 : vector<16xf32>, vector<16xf32>
    }
    %scan3A_1888 = arith.constant 128 : i32
    %swap3A_1889 = arith.constant 416 : index
    %swap3A_1890 = tpu.vector_load %arg8[%swap3A_1889] {strides = array<i32>} : memref<640xf32, #tpu.memory_space<vmem>>, vector<16xf32>,
    tpu.vector_store %arg8[%swap3A_1889], %scan3A_1887#0 {strides = array<i32>} : memref<640xf32, #tpu.memory_space<vmem>>, vector<16xf32>,
    %swap3A_1891 = arith.constant 432 : index
    %swap3A_1892 = tpu.vector_load %arg8[%swap3A_1891] {strides = array<i32>} : memref<640xf32, #tpu.memory_space<vmem>>, vector<16xf32>,
    tpu.vector_store %arg8[%swap3A_1891], %scan3A_1887#1 {strides = array<i32>} : memref<640xf32, #tpu.memory_space<vmem>>, vector<16xf32>,
    %dma_wait3A_1893 = arith.constant 14 : i32
    %dma_wait3A_1894 = arith.constant 14 : i32
    %dma_wait3A_1895 = arith.constant 0 : i32
    %dma_wait3A_1896 = arith.constant 0 : i32
    %dma_wait3A_1897 = tpu.memref_slice %arg7[%dma_wait3A_1894, %dma_wait3A_1895, %dma_wait3A_1896] : memref<20x128x32xf32, #tpu.memory_space<vmem>> -> memref<1x128x32xf32, #tpu.memory_space<vmem>>
    %dma_wait3A_1898 = tpu.memref_squeeze %dma_wait3A_1897 : memref<1x128x32xf32, #tpu.memory_space<vmem>> -> memref<128x32xf32, #tpu.memory_space<vmem>>
    %dma_wait3A_1899 = arith.constant 0 : i32
    %dma_wait3A_1900 = tpu.memref_slice %arg6[%dma_wait3A_1893, %dma_wait3A_1899] : memref<20x128xi32, #tpu.memory_space<vmem>> -> memref<1x128xi32, #tpu.memory_space<vmem>>
    %dma_wait3A_1901 = tpu.memref_squeeze %dma_wait3A_1900 : memref<1x128xi32, #tpu.memory_space<vmem>> -> memref<128xi32, #tpu.memory_space<vmem>>
    %dma_wait3A_1902 = arith.constant 0 : i32
    %dma_wait3A_1903 = arith.constant 0 : i32
    %dma_wait3A_1904 = tpu.memref_slice %arg3[%dma_wait3A_1902, %dma_wait3A_1903] : memref<100000x32xf32, #tpu.memory_space<hbm>> -> memref<100000x32xf32, #tpu.memory_space<hbm>>
    tpu.wait_indirect_dma semaphore(%arg9 : memref<!tpu.dma_semaphore, #tpu.memory_space<semaphore_mem>>) src(%dma_wait3A_1904 : memref<100000x32xf32, #tpu.memory_space<hbm>>) dst(%dma_wait3A_1898 : memref<128x32xf32, #tpu.memory_space<vmem>>)
    %broadcast_in_dim3A_1905 = arith.constant 0.000000e+00 : f32
    %broadcast_in_dim3A_1906 = vector.broadcast %broadcast_in_dim3A_1905 : f32 to vector<16xf32>
    %scan3A_1907 = arith.constant 0 : i32
    %scan3A_1908 = arith.constant 128 : i32
    %scan3A_1909 = arith.addi %scan3A_1907, %scan3A_1908 : i32
    %scan3A_1910 = arith.constant 8 : i32
    %scan3A_1911:2 = scf.for %scan3A_2037 = %scan3A_1907 to %scan3A_1909 step %scan3A_1910 iter_args(%scan3A_2038 = %broadcast_in_dim3A_1906, %scan3A_2039 = %broadcast_in_dim3A_1906) -> (vector<16xf32>, vector<16xf32>)  : i32 {
      %get3A = arith.constant 14 : i32
      %get3A_2040 = arith.index_cast %get3A : i32 to index
      %get3A_2041 = arith.index_cast %scan3A_2037 : i32 to index
      %get3A_2042 = arith.constant 0 : index
      %get3A_2043 = tpu.vector_load %arg7[%get3A_2040, %get3A_2041, %get3A_2042] {strides = array<i32>} : memref<20x128x32xf32, #tpu.memory_space<vmem>>, vector<16xf32>,
      %add3A_2044 = arith.addf %scan3A_2038, %get3A_2043 : vector<16xf32>
      %get3A_2045 = arith.constant 14 : i32
      %get3A_2046 = arith.index_cast %get3A_2045 : i32 to index
      %get3A_2047 = arith.index_cast %scan3A_2037 : i32 to index
      %get3A_2048 = arith.constant 16 : index
      %get3A_2049 = tpu.vector_load %arg7[%get3A_2046, %get3A_2047, %get3A_2048] {strides = array<i32>} : memref<20x128x32xf32, #tpu.memory_space<vmem>>, vector<16xf32>,
      %add3A_2050 = arith.addf %scan3A_2039, %get3A_2049 : vector<16xf32>
      %scan3A_2051 = arith.constant 1 : i32
      %scan3A_2052 = arith.addi %scan3A_2037, %scan3A_2051 : i32
      %get3A_2053 = arith.constant 14 : i32
      %get3A_2054 = arith.index_cast %get3A_2053 : i32 to index
      %get3A_2055 = arith.index_cast %scan3A_2052 : i32 to index
      %get3A_2056 = arith.constant 0 : index
      %get3A_2057 = tpu.vector_load %arg7[%get3A_2054, %get3A_2055, %get3A_2056] {strides = array<i32>} : memref<20x128x32xf32, #tpu.memory_space<vmem>>, vector<16xf32>,
      %add3A_2058 = arith.addf %add3A_2044, %get3A_2057 : vector<16xf32>
      %get3A_2059 = arith.constant 14 : i32
      %get3A_2060 = arith.index_cast %get3A_2059 : i32 to index
      %get3A_2061 = arith.index_cast %scan3A_2052 : i32 to index
      %get3A_2062 = arith.constant 16 : index
      %get3A_2063 = tpu.vector_load %arg7[%get3A_2060, %get3A_2061, %get3A_2062] {strides = array<i32>} : memref<20x128x32xf32, #tpu.memory_space<vmem>>, vector<16xf32>,
      %add3A_2064 = arith.addf %add3A_2050, %get3A_2063 : vector<16xf32>
      %scan3A_2065 = arith.constant 2 : i32
      %scan3A_2066 = arith.addi %scan3A_2037, %scan3A_2065 : i32
      %get3A_2067 = arith.constant 14 : i32
      %get3A_2068 = arith.index_cast %get3A_2067 : i32 to index
      %get3A_2069 = arith.index_cast %scan3A_2066 : i32 to index
      %get3A_2070 = arith.constant 0 : index
      %get3A_2071 = tpu.vector_load %arg7[%get3A_2068, %get3A_2069, %get3A_2070] {strides = array<i32>} : memref<20x128x32xf32, #tpu.memory_space<vmem>>, vector<16xf32>,
      %add3A_2072 = arith.addf %add3A_2058, %get3A_2071 : vector<16xf32>
      %get3A_2073 = arith.constant 14 : i32
      %get3A_2074 = arith.index_cast %get3A_2073 : i32 to index
      %get3A_2075 = arith.index_cast %scan3A_2066 : i32 to index
      %get3A_2076 = arith.constant 16 : index
      %get3A_2077 = tpu.vector_load %arg7[%get3A_2074, %get3A_2075, %get3A_2076] {strides = array<i32>} : memref<20x128x32xf32, #tpu.memory_space<vmem>>, vector<16xf32>,
      %add3A_2078 = arith.addf %add3A_2064, %get3A_2077 : vector<16xf32>
      %scan3A_2079 = arith.constant 3 : i32
      %scan3A_2080 = arith.addi %scan3A_2037, %scan3A_2079 : i32
      %get3A_2081 = arith.constant 14 : i32
      %get3A_2082 = arith.index_cast %get3A_2081 : i32 to index
      %get3A_2083 = arith.index_cast %scan3A_2080 : i32 to index
      %get3A_2084 = arith.constant 0 : index
      %get3A_2085 = tpu.vector_load %arg7[%get3A_2082, %get3A_2083, %get3A_2084] {strides = array<i32>} : memref<20x128x32xf32, #tpu.memory_space<vmem>>, vector<16xf32>,
      %add3A_2086 = arith.addf %add3A_2072, %get3A_2085 : vector<16xf32>
      %get3A_2087 = arith.constant 14 : i32
      %get3A_2088 = arith.index_cast %get3A_2087 : i32 to index
      %get3A_2089 = arith.index_cast %scan3A_2080 : i32 to index
      %get3A_2090 = arith.constant 16 : index
      %get3A_2091 = tpu.vector_load %arg7[%get3A_2088, %get3A_2089, %get3A_2090] {strides = array<i32>} : memref<20x128x32xf32, #tpu.memory_space<vmem>>, vector<16xf32>,
      %add3A_2092 = arith.addf %add3A_2078, %get3A_2091 : vector<16xf32>
      %scan3A_2093 = arith.constant 4 : i32
      %scan3A_2094 = arith.addi %scan3A_2037, %scan3A_2093 : i32
      %get3A_2095 = arith.constant 14 : i32
      %get3A_2096 = arith.index_cast %get3A_2095 : i32 to index
      %get3A_2097 = arith.index_cast %scan3A_2094 : i32 to index
      %get3A_2098 = arith.constant 0 : index
      %get3A_2099 = tpu.vector_load %arg7[%get3A_2096, %get3A_2097, %get3A_2098] {strides = array<i32>} : memref<20x128x32xf32, #tpu.memory_space<vmem>>, vector<16xf32>,
      %add3A_2100 = arith.addf %add3A_2086, %get3A_2099 : vector<16xf32>
      %get3A_2101 = arith.constant 14 : i32
      %get3A_2102 = arith.index_cast %get3A_2101 : i32 to index
      %get3A_2103 = arith.index_cast %scan3A_2094 : i32 to index
      %get3A_2104 = arith.constant 16 : index
      %get3A_2105 = tpu.vector_load %arg7[%get3A_2102, %get3A_2103, %get3A_2104] {strides = array<i32>} : memref<20x128x32xf32, #tpu.memory_space<vmem>>, vector<16xf32>,
      %add3A_2106 = arith.addf %add3A_2092, %get3A_2105 : vector<16xf32>
      %scan3A_2107 = arith.constant 5 : i32
      %scan3A_2108 = arith.addi %scan3A_2037, %scan3A_2107 : i32
      %get3A_2109 = arith.constant 14 : i32
      %get3A_2110 = arith.index_cast %get3A_2109 : i32 to index
      %get3A_2111 = arith.index_cast %scan3A_2108 : i32 to index
      %get3A_2112 = arith.constant 0 : index
      %get3A_2113 = tpu.vector_load %arg7[%get3A_2110, %get3A_2111, %get3A_2112] {strides = array<i32>} : memref<20x128x32xf32, #tpu.memory_space<vmem>>, vector<16xf32>,
      %add3A_2114 = arith.addf %add3A_2100, %get3A_2113 : vector<16xf32>
      %get3A_2115 = arith.constant 14 : i32
      %get3A_2116 = arith.index_cast %get3A_2115 : i32 to index
      %get3A_2117 = arith.index_cast %scan3A_2108 : i32 to index
      %get3A_2118 = arith.constant 16 : index
      %get3A_2119 = tpu.vector_load %arg7[%get3A_2116, %get3A_2117, %get3A_2118] {strides = array<i32>} : memref<20x128x32xf32, #tpu.memory_space<vmem>>, vector<16xf32>,
      %add3A_2120 = arith.addf %add3A_2106, %get3A_2119 : vector<16xf32>
      %scan3A_2121 = arith.constant 6 : i32
      %scan3A_2122 = arith.addi %scan3A_2037, %scan3A_2121 : i32
      %get3A_2123 = arith.constant 14 : i32
      %get3A_2124 = arith.index_cast %get3A_2123 : i32 to index
      %get3A_2125 = arith.index_cast %scan3A_2122 : i32 to index
      %get3A_2126 = arith.constant 0 : index
      %get3A_2127 = tpu.vector_load %arg7[%get3A_2124, %get3A_2125, %get3A_2126] {strides = array<i32>} : memref<20x128x32xf32, #tpu.memory_space<vmem>>, vector<16xf32>,
      %add3A_2128 = arith.addf %add3A_2114, %get3A_2127 : vector<16xf32>
      %get3A_2129 = arith.constant 14 : i32
      %get3A_2130 = arith.index_cast %get3A_2129 : i32 to index
      %get3A_2131 = arith.index_cast %scan3A_2122 : i32 to index
      %get3A_2132 = arith.constant 16 : index
      %get3A_2133 = tpu.vector_load %arg7[%get3A_2130, %get3A_2131, %get3A_2132] {strides = array<i32>} : memref<20x128x32xf32, #tpu.memory_space<vmem>>, vector<16xf32>,
      %add3A_2134 = arith.addf %add3A_2120, %get3A_2133 : vector<16xf32>
      %scan3A_2135 = arith.constant 7 : i32
      %scan3A_2136 = arith.addi %scan3A_2037, %scan3A_2135 : i32
      %get3A_2137 = arith.constant 14 : i32
      %get3A_2138 = arith.index_cast %get3A_2137 : i32 to index
      %get3A_2139 = arith.index_cast %scan3A_2136 : i32 to index
      %get3A_2140 = arith.constant 0 : index
      %get3A_2141 = tpu.vector_load %arg7[%get3A_2138, %get3A_2139, %get3A_2140] {strides = array<i32>} : memref<20x128x32xf32, #tpu.memory_space<vmem>>, vector<16xf32>,
      %add3A_2142 = arith.addf %add3A_2128, %get3A_2141 : vector<16xf32>
      %get3A_2143 = arith.constant 14 : i32
      %get3A_2144 = arith.index_cast %get3A_2143 : i32 to index
      %get3A_2145 = arith.index_cast %scan3A_2136 : i32 to index
      %get3A_2146 = arith.constant 16 : index
      %get3A_2147 = tpu.vector_load %arg7[%get3A_2144, %get3A_2145, %get3A_2146] {strides = array<i32>} : memref<20x128x32xf32, #tpu.memory_space<vmem>>, vector<16xf32>,
      %add3A_2148 = arith.addf %add3A_2134, %get3A_2147 : vector<16xf32>
      scf.yield %add3A_2142, %add3A_2148 : vector<16xf32>, vector<16xf32>
    }
    %scan3A_1912 = arith.constant 128 : i32
    %swap3A_1913 = arith.constant 448 : index
    %swap3A_1914 = tpu.vector_load %arg8[%swap3A_1913] {strides = array<i32>} : memref<640xf32, #tpu.memory_space<vmem>>, vector<16xf32>,
    tpu.vector_store %arg8[%swap3A_1913], %scan3A_1911#0 {strides = array<i32>} : memref<640xf32, #tpu.memory_space<vmem>>, vector<16xf32>,
    %swap3A_1915 = arith.constant 464 : index
    %swap3A_1916 = tpu.vector_load %arg8[%swap3A_1915] {strides = array<i32>} : memref<640xf32, #tpu.memory_space<vmem>>, vector<16xf32>,
    tpu.vector_store %arg8[%swap3A_1915], %scan3A_1911#1 {strides = array<i32>} : memref<640xf32, #tpu.memory_space<vmem>>, vector<16xf32>,
    %dma_wait3A_1917 = arith.constant 15 : i32
    %dma_wait3A_1918 = arith.constant 15 : i32
    %dma_wait3A_1919 = arith.constant 0 : i32
    %dma_wait3A_1920 = arith.constant 0 : i32
    %dma_wait3A_1921 = tpu.memref_slice %arg7[%dma_wait3A_1918, %dma_wait3A_1919, %dma_wait3A_1920] : memref<20x128x32xf32, #tpu.memory_space<vmem>> -> memref<1x128x32xf32, #tpu.memory_space<vmem>>
    %dma_wait3A_1922 = tpu.memref_squeeze %dma_wait3A_1921 : memref<1x128x32xf32, #tpu.memory_space<vmem>> -> memref<128x32xf32, #tpu.memory_space<vmem>>
    %dma_wait3A_1923 = arith.constant 0 : i32
    %dma_wait3A_1924 = tpu.memref_slice %arg6[%dma_wait3A_1917, %dma_wait3A_1923] : memref<20x128xi32, #tpu.memory_space<vmem>> -> memref<1x128xi32, #tpu.memory_space<vmem>>
    %dma_wait3A_1925 = tpu.memref_squeeze %dma_wait3A_1924 : memref<1x128xi32, #tpu.memory_space<vmem>> -> memref<128xi32, #tpu.memory_space<vmem>>
    %dma_wait3A_1926 = arith.constant 0 : i32
    %dma_wait3A_1927 = arith.constant 0 : i32
    %dma_wait3A_1928 = tpu.memref_slice %arg3[%dma_wait3A_1926, %dma_wait3A_1927] : memref<100000x32xf32, #tpu.memory_space<hbm>> -> memref<100000x32xf32, #tpu.memory_space<hbm>>
    tpu.wait_indirect_dma semaphore(%arg9 : memref<!tpu.dma_semaphore, #tpu.memory_space<semaphore_mem>>) src(%dma_wait3A_1928 : memref<100000x32xf32, #tpu.memory_space<hbm>>) dst(%dma_wait3A_1922 : memref<128x32xf32, #tpu.memory_space<vmem>>)
    %broadcast_in_dim3A_1929 = arith.constant 0.000000e+00 : f32
    %broadcast_in_dim3A_1930 = vector.broadcast %broadcast_in_dim3A_1929 : f32 to vector<16xf32>
    %scan3A_1931 = arith.constant 0 : i32
    %scan3A_1932 = arith.constant 128 : i32
    %scan3A_1933 = arith.addi %scan3A_1931, %scan3A_1932 : i32
    %scan3A_1934 = arith.constant 8 : i32
    %scan3A_1935:2 = scf.for %scan3A_2037 = %scan3A_1931 to %scan3A_1933 step %scan3A_1934 iter_args(%scan3A_2038 = %broadcast_in_dim3A_1930, %scan3A_2039 = %broadcast_in_dim3A_1930) -> (vector<16xf32>, vector<16xf32>)  : i32 {
      %get3A = arith.constant 15 : i32
      %get3A_2040 = arith.index_cast %get3A : i32 to index
      %get3A_2041 = arith.index_cast %scan3A_2037 : i32 to index
      %get3A_2042 = arith.constant 0 : index
      %get3A_2043 = tpu.vector_load %arg7[%get3A_2040, %get3A_2041, %get3A_2042] {strides = array<i32>} : memref<20x128x32xf32, #tpu.memory_space<vmem>>, vector<16xf32>,
      %add3A_2044 = arith.addf %scan3A_2038, %get3A_2043 : vector<16xf32>
      %get3A_2045 = arith.constant 15 : i32
      %get3A_2046 = arith.index_cast %get3A_2045 : i32 to index
      %get3A_2047 = arith.index_cast %scan3A_2037 : i32 to index
      %get3A_2048 = arith.constant 16 : index
      %get3A_2049 = tpu.vector_load %arg7[%get3A_2046, %get3A_2047, %get3A_2048] {strides = array<i32>} : memref<20x128x32xf32, #tpu.memory_space<vmem>>, vector<16xf32>,
      %add3A_2050 = arith.addf %scan3A_2039, %get3A_2049 : vector<16xf32>
      %scan3A_2051 = arith.constant 1 : i32
      %scan3A_2052 = arith.addi %scan3A_2037, %scan3A_2051 : i32
      %get3A_2053 = arith.constant 15 : i32
      %get3A_2054 = arith.index_cast %get3A_2053 : i32 to index
      %get3A_2055 = arith.index_cast %scan3A_2052 : i32 to index
      %get3A_2056 = arith.constant 0 : index
      %get3A_2057 = tpu.vector_load %arg7[%get3A_2054, %get3A_2055, %get3A_2056] {strides = array<i32>} : memref<20x128x32xf32, #tpu.memory_space<vmem>>, vector<16xf32>,
      %add3A_2058 = arith.addf %add3A_2044, %get3A_2057 : vector<16xf32>
      %get3A_2059 = arith.constant 15 : i32
      %get3A_2060 = arith.index_cast %get3A_2059 : i32 to index
      %get3A_2061 = arith.index_cast %scan3A_2052 : i32 to index
      %get3A_2062 = arith.constant 16 : index
      %get3A_2063 = tpu.vector_load %arg7[%get3A_2060, %get3A_2061, %get3A_2062] {strides = array<i32>} : memref<20x128x32xf32, #tpu.memory_space<vmem>>, vector<16xf32>,
      %add3A_2064 = arith.addf %add3A_2050, %get3A_2063 : vector<16xf32>
      %scan3A_2065 = arith.constant 2 : i32
      %scan3A_2066 = arith.addi %scan3A_2037, %scan3A_2065 : i32
      %get3A_2067 = arith.constant 15 : i32
      %get3A_2068 = arith.index_cast %get3A_2067 : i32 to index
      %get3A_2069 = arith.index_cast %scan3A_2066 : i32 to index
      %get3A_2070 = arith.constant 0 : index
      %get3A_2071 = tpu.vector_load %arg7[%get3A_2068, %get3A_2069, %get3A_2070] {strides = array<i32>} : memref<20x128x32xf32, #tpu.memory_space<vmem>>, vector<16xf32>,
      %add3A_2072 = arith.addf %add3A_2058, %get3A_2071 : vector<16xf32>
      %get3A_2073 = arith.constant 15 : i32
      %get3A_2074 = arith.index_cast %get3A_2073 : i32 to index
      %get3A_2075 = arith.index_cast %scan3A_2066 : i32 to index
      %get3A_2076 = arith.constant 16 : index
      %get3A_2077 = tpu.vector_load %arg7[%get3A_2074, %get3A_2075, %get3A_2076] {strides = array<i32>} : memref<20x128x32xf32, #tpu.memory_space<vmem>>, vector<16xf32>,
      %add3A_2078 = arith.addf %add3A_2064, %get3A_2077 : vector<16xf32>
      %scan3A_2079 = arith.constant 3 : i32
      %scan3A_2080 = arith.addi %scan3A_2037, %scan3A_2079 : i32
      %get3A_2081 = arith.constant 15 : i32
      %get3A_2082 = arith.index_cast %get3A_2081 : i32 to index
      %get3A_2083 = arith.index_cast %scan3A_2080 : i32 to index
      %get3A_2084 = arith.constant 0 : index
      %get3A_2085 = tpu.vector_load %arg7[%get3A_2082, %get3A_2083, %get3A_2084] {strides = array<i32>} : memref<20x128x32xf32, #tpu.memory_space<vmem>>, vector<16xf32>,
      %add3A_2086 = arith.addf %add3A_2072, %get3A_2085 : vector<16xf32>
      %get3A_2087 = arith.constant 15 : i32
      %get3A_2088 = arith.index_cast %get3A_2087 : i32 to index
      %get3A_2089 = arith.index_cast %scan3A_2080 : i32 to index
      %get3A_2090 = arith.constant 16 : index
      %get3A_2091 = tpu.vector_load %arg7[%get3A_2088, %get3A_2089, %get3A_2090] {strides = array<i32>} : memref<20x128x32xf32, #tpu.memory_space<vmem>>, vector<16xf32>,
      %add3A_2092 = arith.addf %add3A_2078, %get3A_2091 : vector<16xf32>
      %scan3A_2093 = arith.constant 4 : i32
      %scan3A_2094 = arith.addi %scan3A_2037, %scan3A_2093 : i32
      %get3A_2095 = arith.constant 15 : i32
      %get3A_2096 = arith.index_cast %get3A_2095 : i32 to index
      %get3A_2097 = arith.index_cast %scan3A_2094 : i32 to index
      %get3A_2098 = arith.constant 0 : index
      %get3A_2099 = tpu.vector_load %arg7[%get3A_2096, %get3A_2097, %get3A_2098] {strides = array<i32>} : memref<20x128x32xf32, #tpu.memory_space<vmem>>, vector<16xf32>,
      %add3A_2100 = arith.addf %add3A_2086, %get3A_2099 : vector<16xf32>
      %get3A_2101 = arith.constant 15 : i32
      %get3A_2102 = arith.index_cast %get3A_2101 : i32 to index
      %get3A_2103 = arith.index_cast %scan3A_2094 : i32 to index
      %get3A_2104 = arith.constant 16 : index
      %get3A_2105 = tpu.vector_load %arg7[%get3A_2102, %get3A_2103, %get3A_2104] {strides = array<i32>} : memref<20x128x32xf32, #tpu.memory_space<vmem>>, vector<16xf32>,
      %add3A_2106 = arith.addf %add3A_2092, %get3A_2105 : vector<16xf32>
      %scan3A_2107 = arith.constant 5 : i32
      %scan3A_2108 = arith.addi %scan3A_2037, %scan3A_2107 : i32
      %get3A_2109 = arith.constant 15 : i32
      %get3A_2110 = arith.index_cast %get3A_2109 : i32 to index
      %get3A_2111 = arith.index_cast %scan3A_2108 : i32 to index
      %get3A_2112 = arith.constant 0 : index
      %get3A_2113 = tpu.vector_load %arg7[%get3A_2110, %get3A_2111, %get3A_2112] {strides = array<i32>} : memref<20x128x32xf32, #tpu.memory_space<vmem>>, vector<16xf32>,
      %add3A_2114 = arith.addf %add3A_2100, %get3A_2113 : vector<16xf32>
      %get3A_2115 = arith.constant 15 : i32
      %get3A_2116 = arith.index_cast %get3A_2115 : i32 to index
      %get3A_2117 = arith.index_cast %scan3A_2108 : i32 to index
      %get3A_2118 = arith.constant 16 : index
      %get3A_2119 = tpu.vector_load %arg7[%get3A_2116, %get3A_2117, %get3A_2118] {strides = array<i32>} : memref<20x128x32xf32, #tpu.memory_space<vmem>>, vector<16xf32>,
      %add3A_2120 = arith.addf %add3A_2106, %get3A_2119 : vector<16xf32>
      %scan3A_2121 = arith.constant 6 : i32
      %scan3A_2122 = arith.addi %scan3A_2037, %scan3A_2121 : i32
      %get3A_2123 = arith.constant 15 : i32
      %get3A_2124 = arith.index_cast %get3A_2123 : i32 to index
      %get3A_2125 = arith.index_cast %scan3A_2122 : i32 to index
      %get3A_2126 = arith.constant 0 : index
      %get3A_2127 = tpu.vector_load %arg7[%get3A_2124, %get3A_2125, %get3A_2126] {strides = array<i32>} : memref<20x128x32xf32, #tpu.memory_space<vmem>>, vector<16xf32>,
      %add3A_2128 = arith.addf %add3A_2114, %get3A_2127 : vector<16xf32>
      %get3A_2129 = arith.constant 15 : i32
      %get3A_2130 = arith.index_cast %get3A_2129 : i32 to index
      %get3A_2131 = arith.index_cast %scan3A_2122 : i32 to index
      %get3A_2132 = arith.constant 16 : index
      %get3A_2133 = tpu.vector_load %arg7[%get3A_2130, %get3A_2131, %get3A_2132] {strides = array<i32>} : memref<20x128x32xf32, #tpu.memory_space<vmem>>, vector<16xf32>,
      %add3A_2134 = arith.addf %add3A_2120, %get3A_2133 : vector<16xf32>
      %scan3A_2135 = arith.constant 7 : i32
      %scan3A_2136 = arith.addi %scan3A_2037, %scan3A_2135 : i32
      %get3A_2137 = arith.constant 15 : i32
      %get3A_2138 = arith.index_cast %get3A_2137 : i32 to index
      %get3A_2139 = arith.index_cast %scan3A_2136 : i32 to index
      %get3A_2140 = arith.constant 0 : index
      %get3A_2141 = tpu.vector_load %arg7[%get3A_2138, %get3A_2139, %get3A_2140] {strides = array<i32>} : memref<20x128x32xf32, #tpu.memory_space<vmem>>, vector<16xf32>,
      %add3A_2142 = arith.addf %add3A_2128, %get3A_2141 : vector<16xf32>
      %get3A_2143 = arith.constant 15 : i32
      %get3A_2144 = arith.index_cast %get3A_2143 : i32 to index
      %get3A_2145 = arith.index_cast %scan3A_2136 : i32 to index
      %get3A_2146 = arith.constant 16 : index
      %get3A_2147 = tpu.vector_load %arg7[%get3A_2144, %get3A_2145, %get3A_2146] {strides = array<i32>} : memref<20x128x32xf32, #tpu.memory_space<vmem>>, vector<16xf32>,
      %add3A_2148 = arith.addf %add3A_2134, %get3A_2147 : vector<16xf32>
      scf.yield %add3A_2142, %add3A_2148 : vector<16xf32>, vector<16xf32>
    }
    %scan3A_1936 = arith.constant 128 : i32
    %swap3A_1937 = arith.constant 480 : index
    %swap3A_1938 = tpu.vector_load %arg8[%swap3A_1937] {strides = array<i32>} : memref<640xf32, #tpu.memory_space<vmem>>, vector<16xf32>,
    tpu.vector_store %arg8[%swap3A_1937], %scan3A_1935#0 {strides = array<i32>} : memref<640xf32, #tpu.memory_space<vmem>>, vector<16xf32>,
    %swap3A_1939 = arith.constant 496 : index
    %swap3A_1940 = tpu.vector_load %arg8[%swap3A_1939] {strides = array<i32>} : memref<640xf32, #tpu.memory_space<vmem>>, vector<16xf32>,
    tpu.vector_store %arg8[%swap3A_1939], %scan3A_1935#1 {strides = array<i32>} : memref<640xf32, #tpu.memory_space<vmem>>, vector<16xf32>,
    %dma_wait3A_1941 = arith.constant 16 : i32
    %dma_wait3A_1942 = arith.constant 16 : i32
    %dma_wait3A_1943 = arith.constant 0 : i32
    %dma_wait3A_1944 = arith.constant 0 : i32
    %dma_wait3A_1945 = tpu.memref_slice %arg7[%dma_wait3A_1942, %dma_wait3A_1943, %dma_wait3A_1944] : memref<20x128x32xf32, #tpu.memory_space<vmem>> -> memref<1x128x32xf32, #tpu.memory_space<vmem>>
    %dma_wait3A_1946 = tpu.memref_squeeze %dma_wait3A_1945 : memref<1x128x32xf32, #tpu.memory_space<vmem>> -> memref<128x32xf32, #tpu.memory_space<vmem>>
    %dma_wait3A_1947 = arith.constant 0 : i32
    %dma_wait3A_1948 = tpu.memref_slice %arg6[%dma_wait3A_1941, %dma_wait3A_1947] : memref<20x128xi32, #tpu.memory_space<vmem>> -> memref<1x128xi32, #tpu.memory_space<vmem>>
    %dma_wait3A_1949 = tpu.memref_squeeze %dma_wait3A_1948 : memref<1x128xi32, #tpu.memory_space<vmem>> -> memref<128xi32, #tpu.memory_space<vmem>>
    %dma_wait3A_1950 = arith.constant 0 : i32
    %dma_wait3A_1951 = arith.constant 0 : i32
    %dma_wait3A_1952 = tpu.memref_slice %arg3[%dma_wait3A_1950, %dma_wait3A_1951] : memref<100000x32xf32, #tpu.memory_space<hbm>> -> memref<100000x32xf32, #tpu.memory_space<hbm>>
    tpu.wait_indirect_dma semaphore(%arg9 : memref<!tpu.dma_semaphore, #tpu.memory_space<semaphore_mem>>) src(%dma_wait3A_1952 : memref<100000x32xf32, #tpu.memory_space<hbm>>) dst(%dma_wait3A_1946 : memref<128x32xf32, #tpu.memory_space<vmem>>)
    %broadcast_in_dim3A_1953 = arith.constant 0.000000e+00 : f32
    %broadcast_in_dim3A_1954 = vector.broadcast %broadcast_in_dim3A_1953 : f32 to vector<16xf32>
    %scan3A_1955 = arith.constant 0 : i32
    %scan3A_1956 = arith.constant 128 : i32
    %scan3A_1957 = arith.addi %scan3A_1955, %scan3A_1956 : i32
    %scan3A_1958 = arith.constant 8 : i32
    %scan3A_1959:2 = scf.for %scan3A_2037 = %scan3A_1955 to %scan3A_1957 step %scan3A_1958 iter_args(%scan3A_2038 = %broadcast_in_dim3A_1954, %scan3A_2039 = %broadcast_in_dim3A_1954) -> (vector<16xf32>, vector<16xf32>)  : i32 {
      %get3A = arith.constant 16 : i32
      %get3A_2040 = arith.index_cast %get3A : i32 to index
      %get3A_2041 = arith.index_cast %scan3A_2037 : i32 to index
      %get3A_2042 = arith.constant 0 : index
      %get3A_2043 = tpu.vector_load %arg7[%get3A_2040, %get3A_2041, %get3A_2042] {strides = array<i32>} : memref<20x128x32xf32, #tpu.memory_space<vmem>>, vector<16xf32>,
      %add3A_2044 = arith.addf %scan3A_2038, %get3A_2043 : vector<16xf32>
      %get3A_2045 = arith.constant 16 : i32
      %get3A_2046 = arith.index_cast %get3A_2045 : i32 to index
      %get3A_2047 = arith.index_cast %scan3A_2037 : i32 to index
      %get3A_2048 = arith.constant 16 : index
      %get3A_2049 = tpu.vector_load %arg7[%get3A_2046, %get3A_2047, %get3A_2048] {strides = array<i32>} : memref<20x128x32xf32, #tpu.memory_space<vmem>>, vector<16xf32>,
      %add3A_2050 = arith.addf %scan3A_2039, %get3A_2049 : vector<16xf32>
      %scan3A_2051 = arith.constant 1 : i32
      %scan3A_2052 = arith.addi %scan3A_2037, %scan3A_2051 : i32
      %get3A_2053 = arith.constant 16 : i32
      %get3A_2054 = arith.index_cast %get3A_2053 : i32 to index
      %get3A_2055 = arith.index_cast %scan3A_2052 : i32 to index
      %get3A_2056 = arith.constant 0 : index
      %get3A_2057 = tpu.vector_load %arg7[%get3A_2054, %get3A_2055, %get3A_2056] {strides = array<i32>} : memref<20x128x32xf32, #tpu.memory_space<vmem>>, vector<16xf32>,
      %add3A_2058 = arith.addf %add3A_2044, %get3A_2057 : vector<16xf32>
      %get3A_2059 = arith.constant 16 : i32
      %get3A_2060 = arith.index_cast %get3A_2059 : i32 to index
      %get3A_2061 = arith.index_cast %scan3A_2052 : i32 to index
      %get3A_2062 = arith.constant 16 : index
      %get3A_2063 = tpu.vector_load %arg7[%get3A_2060, %get3A_2061, %get3A_2062] {strides = array<i32>} : memref<20x128x32xf32, #tpu.memory_space<vmem>>, vector<16xf32>,
      %add3A_2064 = arith.addf %add3A_2050, %get3A_2063 : vector<16xf32>
      %scan3A_2065 = arith.constant 2 : i32
      %scan3A_2066 = arith.addi %scan3A_2037, %scan3A_2065 : i32
      %get3A_2067 = arith.constant 16 : i32
      %get3A_2068 = arith.index_cast %get3A_2067 : i32 to index
      %get3A_2069 = arith.index_cast %scan3A_2066 : i32 to index
      %get3A_2070 = arith.constant 0 : index
      %get3A_2071 = tpu.vector_load %arg7[%get3A_2068, %get3A_2069, %get3A_2070] {strides = array<i32>} : memref<20x128x32xf32, #tpu.memory_space<vmem>>, vector<16xf32>,
      %add3A_2072 = arith.addf %add3A_2058, %get3A_2071 : vector<16xf32>
      %get3A_2073 = arith.constant 16 : i32
      %get3A_2074 = arith.index_cast %get3A_2073 : i32 to index
      %get3A_2075 = arith.index_cast %scan3A_2066 : i32 to index
      %get3A_2076 = arith.constant 16 : index
      %get3A_2077 = tpu.vector_load %arg7[%get3A_2074, %get3A_2075, %get3A_2076] {strides = array<i32>} : memref<20x128x32xf32, #tpu.memory_space<vmem>>, vector<16xf32>,
      %add3A_2078 = arith.addf %add3A_2064, %get3A_2077 : vector<16xf32>
      %scan3A_2079 = arith.constant 3 : i32
      %scan3A_2080 = arith.addi %scan3A_2037, %scan3A_2079 : i32
      %get3A_2081 = arith.constant 16 : i32
      %get3A_2082 = arith.index_cast %get3A_2081 : i32 to index
      %get3A_2083 = arith.index_cast %scan3A_2080 : i32 to index
      %get3A_2084 = arith.constant 0 : index
      %get3A_2085 = tpu.vector_load %arg7[%get3A_2082, %get3A_2083, %get3A_2084] {strides = array<i32>} : memref<20x128x32xf32, #tpu.memory_space<vmem>>, vector<16xf32>,
      %add3A_2086 = arith.addf %add3A_2072, %get3A_2085 : vector<16xf32>
      %get3A_2087 = arith.constant 16 : i32
      %get3A_2088 = arith.index_cast %get3A_2087 : i32 to index
      %get3A_2089 = arith.index_cast %scan3A_2080 : i32 to index
      %get3A_2090 = arith.constant 16 : index
      %get3A_2091 = tpu.vector_load %arg7[%get3A_2088, %get3A_2089, %get3A_2090] {strides = array<i32>} : memref<20x128x32xf32, #tpu.memory_space<vmem>>, vector<16xf32>,
      %add3A_2092 = arith.addf %add3A_2078, %get3A_2091 : vector<16xf32>
      %scan3A_2093 = arith.constant 4 : i32
      %scan3A_2094 = arith.addi %scan3A_2037, %scan3A_2093 : i32
      %get3A_2095 = arith.constant 16 : i32
      %get3A_2096 = arith.index_cast %get3A_2095 : i32 to index
      %get3A_2097 = arith.index_cast %scan3A_2094 : i32 to index
      %get3A_2098 = arith.constant 0 : index
      %get3A_2099 = tpu.vector_load %arg7[%get3A_2096, %get3A_2097, %get3A_2098] {strides = array<i32>} : memref<20x128x32xf32, #tpu.memory_space<vmem>>, vector<16xf32>,
      %add3A_2100 = arith.addf %add3A_2086, %get3A_2099 : vector<16xf32>
      %get3A_2101 = arith.constant 16 : i32
      %get3A_2102 = arith.index_cast %get3A_2101 : i32 to index
      %get3A_2103 = arith.index_cast %scan3A_2094 : i32 to index
      %get3A_2104 = arith.constant 16 : index
      %get3A_2105 = tpu.vector_load %arg7[%get3A_2102, %get3A_2103, %get3A_2104] {strides = array<i32>} : memref<20x128x32xf32, #tpu.memory_space<vmem>>, vector<16xf32>,
      %add3A_2106 = arith.addf %add3A_2092, %get3A_2105 : vector<16xf32>
      %scan3A_2107 = arith.constant 5 : i32
      %scan3A_2108 = arith.addi %scan3A_2037, %scan3A_2107 : i32
      %get3A_2109 = arith.constant 16 : i32
      %get3A_2110 = arith.index_cast %get3A_2109 : i32 to index
      %get3A_2111 = arith.index_cast %scan3A_2108 : i32 to index
      %get3A_2112 = arith.constant 0 : index
      %get3A_2113 = tpu.vector_load %arg7[%get3A_2110, %get3A_2111, %get3A_2112] {strides = array<i32>} : memref<20x128x32xf32, #tpu.memory_space<vmem>>, vector<16xf32>,
      %add3A_2114 = arith.addf %add3A_2100, %get3A_2113 : vector<16xf32>
      %get3A_2115 = arith.constant 16 : i32
      %get3A_2116 = arith.index_cast %get3A_2115 : i32 to index
      %get3A_2117 = arith.index_cast %scan3A_2108 : i32 to index
      %get3A_2118 = arith.constant 16 : index
      %get3A_2119 = tpu.vector_load %arg7[%get3A_2116, %get3A_2117, %get3A_2118] {strides = array<i32>} : memref<20x128x32xf32, #tpu.memory_space<vmem>>, vector<16xf32>,
      %add3A_2120 = arith.addf %add3A_2106, %get3A_2119 : vector<16xf32>
      %scan3A_2121 = arith.constant 6 : i32
      %scan3A_2122 = arith.addi %scan3A_2037, %scan3A_2121 : i32
      %get3A_2123 = arith.constant 16 : i32
      %get3A_2124 = arith.index_cast %get3A_2123 : i32 to index
      %get3A_2125 = arith.index_cast %scan3A_2122 : i32 to index
      %get3A_2126 = arith.constant 0 : index
      %get3A_2127 = tpu.vector_load %arg7[%get3A_2124, %get3A_2125, %get3A_2126] {strides = array<i32>} : memref<20x128x32xf32, #tpu.memory_space<vmem>>, vector<16xf32>,
      %add3A_2128 = arith.addf %add3A_2114, %get3A_2127 : vector<16xf32>
      %get3A_2129 = arith.constant 16 : i32
      %get3A_2130 = arith.index_cast %get3A_2129 : i32 to index
      %get3A_2131 = arith.index_cast %scan3A_2122 : i32 to index
      %get3A_2132 = arith.constant 16 : index
      %get3A_2133 = tpu.vector_load %arg7[%get3A_2130, %get3A_2131, %get3A_2132] {strides = array<i32>} : memref<20x128x32xf32, #tpu.memory_space<vmem>>, vector<16xf32>,
      %add3A_2134 = arith.addf %add3A_2120, %get3A_2133 : vector<16xf32>
      %scan3A_2135 = arith.constant 7 : i32
      %scan3A_2136 = arith.addi %scan3A_2037, %scan3A_2135 : i32
      %get3A_2137 = arith.constant 16 : i32
      %get3A_2138 = arith.index_cast %get3A_2137 : i32 to index
      %get3A_2139 = arith.index_cast %scan3A_2136 : i32 to index
      %get3A_2140 = arith.constant 0 : index
      %get3A_2141 = tpu.vector_load %arg7[%get3A_2138, %get3A_2139, %get3A_2140] {strides = array<i32>} : memref<20x128x32xf32, #tpu.memory_space<vmem>>, vector<16xf32>,
      %add3A_2142 = arith.addf %add3A_2128, %get3A_2141 : vector<16xf32>
      %get3A_2143 = arith.constant 16 : i32
      %get3A_2144 = arith.index_cast %get3A_2143 : i32 to index
      %get3A_2145 = arith.index_cast %scan3A_2136 : i32 to index
      %get3A_2146 = arith.constant 16 : index
      %get3A_2147 = tpu.vector_load %arg7[%get3A_2144, %get3A_2145, %get3A_2146] {strides = array<i32>} : memref<20x128x32xf32, #tpu.memory_space<vmem>>, vector<16xf32>,
      %add3A_2148 = arith.addf %add3A_2134, %get3A_2147 : vector<16xf32>
      scf.yield %add3A_2142, %add3A_2148 : vector<16xf32>, vector<16xf32>
    }
    %scan3A_1960 = arith.constant 128 : i32
    %swap3A_1961 = arith.constant 512 : index
    %swap3A_1962 = tpu.vector_load %arg8[%swap3A_1961] {strides = array<i32>} : memref<640xf32, #tpu.memory_space<vmem>>, vector<16xf32>,
    tpu.vector_store %arg8[%swap3A_1961], %scan3A_1959#0 {strides = array<i32>} : memref<640xf32, #tpu.memory_space<vmem>>, vector<16xf32>,
    %swap3A_1963 = arith.constant 528 : index
    %swap3A_1964 = tpu.vector_load %arg8[%swap3A_1963] {strides = array<i32>} : memref<640xf32, #tpu.memory_space<vmem>>, vector<16xf32>,
    tpu.vector_store %arg8[%swap3A_1963], %scan3A_1959#1 {strides = array<i32>} : memref<640xf32, #tpu.memory_space<vmem>>, vector<16xf32>,
    %dma_wait3A_1965 = arith.constant 17 : i32
    %dma_wait3A_1966 = arith.constant 17 : i32
    %dma_wait3A_1967 = arith.constant 0 : i32
    %dma_wait3A_1968 = arith.constant 0 : i32
    %dma_wait3A_1969 = tpu.memref_slice %arg7[%dma_wait3A_1966, %dma_wait3A_1967, %dma_wait3A_1968] : memref<20x128x32xf32, #tpu.memory_space<vmem>> -> memref<1x128x32xf32, #tpu.memory_space<vmem>>
    %dma_wait3A_1970 = tpu.memref_squeeze %dma_wait3A_1969 : memref<1x128x32xf32, #tpu.memory_space<vmem>> -> memref<128x32xf32, #tpu.memory_space<vmem>>
    %dma_wait3A_1971 = arith.constant 0 : i32
    %dma_wait3A_1972 = tpu.memref_slice %arg6[%dma_wait3A_1965, %dma_wait3A_1971] : memref<20x128xi32, #tpu.memory_space<vmem>> -> memref<1x128xi32, #tpu.memory_space<vmem>>
    %dma_wait3A_1973 = tpu.memref_squeeze %dma_wait3A_1972 : memref<1x128xi32, #tpu.memory_space<vmem>> -> memref<128xi32, #tpu.memory_space<vmem>>
    %dma_wait3A_1974 = arith.constant 0 : i32
    %dma_wait3A_1975 = arith.constant 0 : i32
    %dma_wait3A_1976 = tpu.memref_slice %arg3[%dma_wait3A_1974, %dma_wait3A_1975] : memref<100000x32xf32, #tpu.memory_space<hbm>> -> memref<100000x32xf32, #tpu.memory_space<hbm>>
    tpu.wait_indirect_dma semaphore(%arg9 : memref<!tpu.dma_semaphore, #tpu.memory_space<semaphore_mem>>) src(%dma_wait3A_1976 : memref<100000x32xf32, #tpu.memory_space<hbm>>) dst(%dma_wait3A_1970 : memref<128x32xf32, #tpu.memory_space<vmem>>)
    %broadcast_in_dim3A_1977 = arith.constant 0.000000e+00 : f32
    %broadcast_in_dim3A_1978 = vector.broadcast %broadcast_in_dim3A_1977 : f32 to vector<16xf32>
    %scan3A_1979 = arith.constant 0 : i32
    %scan3A_1980 = arith.constant 128 : i32
    %scan3A_1981 = arith.addi %scan3A_1979, %scan3A_1980 : i32
    %scan3A_1982 = arith.constant 8 : i32
    %scan3A_1983:2 = scf.for %scan3A_2037 = %scan3A_1979 to %scan3A_1981 step %scan3A_1982 iter_args(%scan3A_2038 = %broadcast_in_dim3A_1978, %scan3A_2039 = %broadcast_in_dim3A_1978) -> (vector<16xf32>, vector<16xf32>)  : i32 {
      %get3A = arith.constant 17 : i32
      %get3A_2040 = arith.index_cast %get3A : i32 to index
      %get3A_2041 = arith.index_cast %scan3A_2037 : i32 to index
      %get3A_2042 = arith.constant 0 : index
      %get3A_2043 = tpu.vector_load %arg7[%get3A_2040, %get3A_2041, %get3A_2042] {strides = array<i32>} : memref<20x128x32xf32, #tpu.memory_space<vmem>>, vector<16xf32>,
      %add3A_2044 = arith.addf %scan3A_2038, %get3A_2043 : vector<16xf32>
      %get3A_2045 = arith.constant 17 : i32
      %get3A_2046 = arith.index_cast %get3A_2045 : i32 to index
      %get3A_2047 = arith.index_cast %scan3A_2037 : i32 to index
      %get3A_2048 = arith.constant 16 : index
      %get3A_2049 = tpu.vector_load %arg7[%get3A_2046, %get3A_2047, %get3A_2048] {strides = array<i32>} : memref<20x128x32xf32, #tpu.memory_space<vmem>>, vector<16xf32>,
      %add3A_2050 = arith.addf %scan3A_2039, %get3A_2049 : vector<16xf32>
      %scan3A_2051 = arith.constant 1 : i32
      %scan3A_2052 = arith.addi %scan3A_2037, %scan3A_2051 : i32
      %get3A_2053 = arith.constant 17 : i32
      %get3A_2054 = arith.index_cast %get3A_2053 : i32 to index
      %get3A_2055 = arith.index_cast %scan3A_2052 : i32 to index
      %get3A_2056 = arith.constant 0 : index
      %get3A_2057 = tpu.vector_load %arg7[%get3A_2054, %get3A_2055, %get3A_2056] {strides = array<i32>} : memref<20x128x32xf32, #tpu.memory_space<vmem>>, vector<16xf32>,
      %add3A_2058 = arith.addf %add3A_2044, %get3A_2057 : vector<16xf32>
      %get3A_2059 = arith.constant 17 : i32
      %get3A_2060 = arith.index_cast %get3A_2059 : i32 to index
      %get3A_2061 = arith.index_cast %scan3A_2052 : i32 to index
      %get3A_2062 = arith.constant 16 : index
      %get3A_2063 = tpu.vector_load %arg7[%get3A_2060, %get3A_2061, %get3A_2062] {strides = array<i32>} : memref<20x128x32xf32, #tpu.memory_space<vmem>>, vector<16xf32>,
      %add3A_2064 = arith.addf %add3A_2050, %get3A_2063 : vector<16xf32>
      %scan3A_2065 = arith.constant 2 : i32
      %scan3A_2066 = arith.addi %scan3A_2037, %scan3A_2065 : i32
      %get3A_2067 = arith.constant 17 : i32
      %get3A_2068 = arith.index_cast %get3A_2067 : i32 to index
      %get3A_2069 = arith.index_cast %scan3A_2066 : i32 to index
      %get3A_2070 = arith.constant 0 : index
      %get3A_2071 = tpu.vector_load %arg7[%get3A_2068, %get3A_2069, %get3A_2070] {strides = array<i32>} : memref<20x128x32xf32, #tpu.memory_space<vmem>>, vector<16xf32>,
      %add3A_2072 = arith.addf %add3A_2058, %get3A_2071 : vector<16xf32>
      %get3A_2073 = arith.constant 17 : i32
      %get3A_2074 = arith.index_cast %get3A_2073 : i32 to index
      %get3A_2075 = arith.index_cast %scan3A_2066 : i32 to index
      %get3A_2076 = arith.constant 16 : index
      %get3A_2077 = tpu.vector_load %arg7[%get3A_2074, %get3A_2075, %get3A_2076] {strides = array<i32>} : memref<20x128x32xf32, #tpu.memory_space<vmem>>, vector<16xf32>,
      %add3A_2078 = arith.addf %add3A_2064, %get3A_2077 : vector<16xf32>
      %scan3A_2079 = arith.constant 3 : i32
      %scan3A_2080 = arith.addi %scan3A_2037, %scan3A_2079 : i32
      %get3A_2081 = arith.constant 17 : i32
      %get3A_2082 = arith.index_cast %get3A_2081 : i32 to index
      %get3A_2083 = arith.index_cast %scan3A_2080 : i32 to index
      %get3A_2084 = arith.constant 0 : index
      %get3A_2085 = tpu.vector_load %arg7[%get3A_2082, %get3A_2083, %get3A_2084] {strides = array<i32>} : memref<20x128x32xf32, #tpu.memory_space<vmem>>, vector<16xf32>,
      %add3A_2086 = arith.addf %add3A_2072, %get3A_2085 : vector<16xf32>
      %get3A_2087 = arith.constant 17 : i32
      %get3A_2088 = arith.index_cast %get3A_2087 : i32 to index
      %get3A_2089 = arith.index_cast %scan3A_2080 : i32 to index
      %get3A_2090 = arith.constant 16 : index
      %get3A_2091 = tpu.vector_load %arg7[%get3A_2088, %get3A_2089, %get3A_2090] {strides = array<i32>} : memref<20x128x32xf32, #tpu.memory_space<vmem>>, vector<16xf32>,
      %add3A_2092 = arith.addf %add3A_2078, %get3A_2091 : vector<16xf32>
      %scan3A_2093 = arith.constant 4 : i32
      %scan3A_2094 = arith.addi %scan3A_2037, %scan3A_2093 : i32
      %get3A_2095 = arith.constant 17 : i32
      %get3A_2096 = arith.index_cast %get3A_2095 : i32 to index
      %get3A_2097 = arith.index_cast %scan3A_2094 : i32 to index
      %get3A_2098 = arith.constant 0 : index
      %get3A_2099 = tpu.vector_load %arg7[%get3A_2096, %get3A_2097, %get3A_2098] {strides = array<i32>} : memref<20x128x32xf32, #tpu.memory_space<vmem>>, vector<16xf32>,
      %add3A_2100 = arith.addf %add3A_2086, %get3A_2099 : vector<16xf32>
      %get3A_2101 = arith.constant 17 : i32
      %get3A_2102 = arith.index_cast %get3A_2101 : i32 to index
      %get3A_2103 = arith.index_cast %scan3A_2094 : i32 to index
      %get3A_2104 = arith.constant 16 : index
      %get3A_2105 = tpu.vector_load %arg7[%get3A_2102, %get3A_2103, %get3A_2104] {strides = array<i32>} : memref<20x128x32xf32, #tpu.memory_space<vmem>>, vector<16xf32>,
      %add3A_2106 = arith.addf %add3A_2092, %get3A_2105 : vector<16xf32>
      %scan3A_2107 = arith.constant 5 : i32
      %scan3A_2108 = arith.addi %scan3A_2037, %scan3A_2107 : i32
      %get3A_2109 = arith.constant 17 : i32
      %get3A_2110 = arith.index_cast %get3A_2109 : i32 to index
      %get3A_2111 = arith.index_cast %scan3A_2108 : i32 to index
      %get3A_2112 = arith.constant 0 : index
      %get3A_2113 = tpu.vector_load %arg7[%get3A_2110, %get3A_2111, %get3A_2112] {strides = array<i32>} : memref<20x128x32xf32, #tpu.memory_space<vmem>>, vector<16xf32>,
      %add3A_2114 = arith.addf %add3A_2100, %get3A_2113 : vector<16xf32>
      %get3A_2115 = arith.constant 17 : i32
      %get3A_2116 = arith.index_cast %get3A_2115 : i32 to index
      %get3A_2117 = arith.index_cast %scan3A_2108 : i32 to index
      %get3A_2118 = arith.constant 16 : index
      %get3A_2119 = tpu.vector_load %arg7[%get3A_2116, %get3A_2117, %get3A_2118] {strides = array<i32>} : memref<20x128x32xf32, #tpu.memory_space<vmem>>, vector<16xf32>,
      %add3A_2120 = arith.addf %add3A_2106, %get3A_2119 : vector<16xf32>
      %scan3A_2121 = arith.constant 6 : i32
      %scan3A_2122 = arith.addi %scan3A_2037, %scan3A_2121 : i32
      %get3A_2123 = arith.constant 17 : i32
      %get3A_2124 = arith.index_cast %get3A_2123 : i32 to index
      %get3A_2125 = arith.index_cast %scan3A_2122 : i32 to index
      %get3A_2126 = arith.constant 0 : index
      %get3A_2127 = tpu.vector_load %arg7[%get3A_2124, %get3A_2125, %get3A_2126] {strides = array<i32>} : memref<20x128x32xf32, #tpu.memory_space<vmem>>, vector<16xf32>,
      %add3A_2128 = arith.addf %add3A_2114, %get3A_2127 : vector<16xf32>
      %get3A_2129 = arith.constant 17 : i32
      %get3A_2130 = arith.index_cast %get3A_2129 : i32 to index
      %get3A_2131 = arith.index_cast %scan3A_2122 : i32 to index
      %get3A_2132 = arith.constant 16 : index
      %get3A_2133 = tpu.vector_load %arg7[%get3A_2130, %get3A_2131, %get3A_2132] {strides = array<i32>} : memref<20x128x32xf32, #tpu.memory_space<vmem>>, vector<16xf32>,
      %add3A_2134 = arith.addf %add3A_2120, %get3A_2133 : vector<16xf32>
      %scan3A_2135 = arith.constant 7 : i32
      %scan3A_2136 = arith.addi %scan3A_2037, %scan3A_2135 : i32
      %get3A_2137 = arith.constant 17 : i32
      %get3A_2138 = arith.index_cast %get3A_2137 : i32 to index
      %get3A_2139 = arith.index_cast %scan3A_2136 : i32 to index
      %get3A_2140 = arith.constant 0 : index
      %get3A_2141 = tpu.vector_load %arg7[%get3A_2138, %get3A_2139, %get3A_2140] {strides = array<i32>} : memref<20x128x32xf32, #tpu.memory_space<vmem>>, vector<16xf32>,
      %add3A_2142 = arith.addf %add3A_2128, %get3A_2141 : vector<16xf32>
      %get3A_2143 = arith.constant 17 : i32
      %get3A_2144 = arith.index_cast %get3A_2143 : i32 to index
      %get3A_2145 = arith.index_cast %scan3A_2136 : i32 to index
      %get3A_2146 = arith.constant 16 : index
      %get3A_2147 = tpu.vector_load %arg7[%get3A_2144, %get3A_2145, %get3A_2146] {strides = array<i32>} : memref<20x128x32xf32, #tpu.memory_space<vmem>>, vector<16xf32>,
      %add3A_2148 = arith.addf %add3A_2134, %get3A_2147 : vector<16xf32>
      scf.yield %add3A_2142, %add3A_2148 : vector<16xf32>, vector<16xf32>
    }
    %scan3A_1984 = arith.constant 128 : i32
    %swap3A_1985 = arith.constant 544 : index
    %swap3A_1986 = tpu.vector_load %arg8[%swap3A_1985] {strides = array<i32>} : memref<640xf32, #tpu.memory_space<vmem>>, vector<16xf32>,
    tpu.vector_store %arg8[%swap3A_1985], %scan3A_1983#0 {strides = array<i32>} : memref<640xf32, #tpu.memory_space<vmem>>, vector<16xf32>,
    %swap3A_1987 = arith.constant 560 : index
    %swap3A_1988 = tpu.vector_load %arg8[%swap3A_1987] {strides = array<i32>} : memref<640xf32, #tpu.memory_space<vmem>>, vector<16xf32>,
    tpu.vector_store %arg8[%swap3A_1987], %scan3A_1983#1 {strides = array<i32>} : memref<640xf32, #tpu.memory_space<vmem>>, vector<16xf32>,
    %dma_wait3A_1989 = arith.constant 18 : i32
    %dma_wait3A_1990 = arith.constant 18 : i32
    %dma_wait3A_1991 = arith.constant 0 : i32
    %dma_wait3A_1992 = arith.constant 0 : i32
    %dma_wait3A_1993 = tpu.memref_slice %arg7[%dma_wait3A_1990, %dma_wait3A_1991, %dma_wait3A_1992] : memref<20x128x32xf32, #tpu.memory_space<vmem>> -> memref<1x128x32xf32, #tpu.memory_space<vmem>>
    %dma_wait3A_1994 = tpu.memref_squeeze %dma_wait3A_1993 : memref<1x128x32xf32, #tpu.memory_space<vmem>> -> memref<128x32xf32, #tpu.memory_space<vmem>>
    %dma_wait3A_1995 = arith.constant 0 : i32
    %dma_wait3A_1996 = tpu.memref_slice %arg6[%dma_wait3A_1989, %dma_wait3A_1995] : memref<20x128xi32, #tpu.memory_space<vmem>> -> memref<1x128xi32, #tpu.memory_space<vmem>>
    %dma_wait3A_1997 = tpu.memref_squeeze %dma_wait3A_1996 : memref<1x128xi32, #tpu.memory_space<vmem>> -> memref<128xi32, #tpu.memory_space<vmem>>
    %dma_wait3A_1998 = arith.constant 0 : i32
    %dma_wait3A_1999 = arith.constant 0 : i32
    %dma_wait3A_2000 = tpu.memref_slice %arg3[%dma_wait3A_1998, %dma_wait3A_1999] : memref<100000x32xf32, #tpu.memory_space<hbm>> -> memref<100000x32xf32, #tpu.memory_space<hbm>>
    tpu.wait_indirect_dma semaphore(%arg9 : memref<!tpu.dma_semaphore, #tpu.memory_space<semaphore_mem>>) src(%dma_wait3A_2000 : memref<100000x32xf32, #tpu.memory_space<hbm>>) dst(%dma_wait3A_1994 : memref<128x32xf32, #tpu.memory_space<vmem>>)
    %broadcast_in_dim3A_2001 = arith.constant 0.000000e+00 : f32
    %broadcast_in_dim3A_2002 = vector.broadcast %broadcast_in_dim3A_2001 : f32 to vector<16xf32>
    %scan3A_2003 = arith.constant 0 : i32
    %scan3A_2004 = arith.constant 128 : i32
    %scan3A_2005 = arith.addi %scan3A_2003, %scan3A_2004 : i32
    %scan3A_2006 = arith.constant 8 : i32
    %scan3A_2007:2 = scf.for %scan3A_2037 = %scan3A_2003 to %scan3A_2005 step %scan3A_2006 iter_args(%scan3A_2038 = %broadcast_in_dim3A_2002, %scan3A_2039 = %broadcast_in_dim3A_2002) -> (vector<16xf32>, vector<16xf32>)  : i32 {
      %get3A = arith.constant 18 : i32
      %get3A_2040 = arith.index_cast %get3A : i32 to index
      %get3A_2041 = arith.index_cast %scan3A_2037 : i32 to index
      %get3A_2042 = arith.constant 0 : index
      %get3A_2043 = tpu.vector_load %arg7[%get3A_2040, %get3A_2041, %get3A_2042] {strides = array<i32>} : memref<20x128x32xf32, #tpu.memory_space<vmem>>, vector<16xf32>,
      %add3A_2044 = arith.addf %scan3A_2038, %get3A_2043 : vector<16xf32>
      %get3A_2045 = arith.constant 18 : i32
      %get3A_2046 = arith.index_cast %get3A_2045 : i32 to index
      %get3A_2047 = arith.index_cast %scan3A_2037 : i32 to index
      %get3A_2048 = arith.constant 16 : index
      %get3A_2049 = tpu.vector_load %arg7[%get3A_2046, %get3A_2047, %get3A_2048] {strides = array<i32>} : memref<20x128x32xf32, #tpu.memory_space<vmem>>, vector<16xf32>,
      %add3A_2050 = arith.addf %scan3A_2039, %get3A_2049 : vector<16xf32>
      %scan3A_2051 = arith.constant 1 : i32
      %scan3A_2052 = arith.addi %scan3A_2037, %scan3A_2051 : i32
      %get3A_2053 = arith.constant 18 : i32
      %get3A_2054 = arith.index_cast %get3A_2053 : i32 to index
      %get3A_2055 = arith.index_cast %scan3A_2052 : i32 to index
      %get3A_2056 = arith.constant 0 : index
      %get3A_2057 = tpu.vector_load %arg7[%get3A_2054, %get3A_2055, %get3A_2056] {strides = array<i32>} : memref<20x128x32xf32, #tpu.memory_space<vmem>>, vector<16xf32>,
      %add3A_2058 = arith.addf %add3A_2044, %get3A_2057 : vector<16xf32>
      %get3A_2059 = arith.constant 18 : i32
      %get3A_2060 = arith.index_cast %get3A_2059 : i32 to index
      %get3A_2061 = arith.index_cast %scan3A_2052 : i32 to index
      %get3A_2062 = arith.constant 16 : index
      %get3A_2063 = tpu.vector_load %arg7[%get3A_2060, %get3A_2061, %get3A_2062] {strides = array<i32>} : memref<20x128x32xf32, #tpu.memory_space<vmem>>, vector<16xf32>,
      %add3A_2064 = arith.addf %add3A_2050, %get3A_2063 : vector<16xf32>
      %scan3A_2065 = arith.constant 2 : i32
      %scan3A_2066 = arith.addi %scan3A_2037, %scan3A_2065 : i32
      %get3A_2067 = arith.constant 18 : i32
      %get3A_2068 = arith.index_cast %get3A_2067 : i32 to index
      %get3A_2069 = arith.index_cast %scan3A_2066 : i32 to index
      %get3A_2070 = arith.constant 0 : index
      %get3A_2071 = tpu.vector_load %arg7[%get3A_2068, %get3A_2069, %get3A_2070] {strides = array<i32>} : memref<20x128x32xf32, #tpu.memory_space<vmem>>, vector<16xf32>,
      %add3A_2072 = arith.addf %add3A_2058, %get3A_2071 : vector<16xf32>
      %get3A_2073 = arith.constant 18 : i32
      %get3A_2074 = arith.index_cast %get3A_2073 : i32 to index
      %get3A_2075 = arith.index_cast %scan3A_2066 : i32 to index
      %get3A_2076 = arith.constant 16 : index
      %get3A_2077 = tpu.vector_load %arg7[%get3A_2074, %get3A_2075, %get3A_2076] {strides = array<i32>} : memref<20x128x32xf32, #tpu.memory_space<vmem>>, vector<16xf32>,
      %add3A_2078 = arith.addf %add3A_2064, %get3A_2077 : vector<16xf32>
      %scan3A_2079 = arith.constant 3 : i32
      %scan3A_2080 = arith.addi %scan3A_2037, %scan3A_2079 : i32
      %get3A_2081 = arith.constant 18 : i32
      %get3A_2082 = arith.index_cast %get3A_2081 : i32 to index
      %get3A_2083 = arith.index_cast %scan3A_2080 : i32 to index
      %get3A_2084 = arith.constant 0 : index
      %get3A_2085 = tpu.vector_load %arg7[%get3A_2082, %get3A_2083, %get3A_2084] {strides = array<i32>} : memref<20x128x32xf32, #tpu.memory_space<vmem>>, vector<16xf32>,
      %add3A_2086 = arith.addf %add3A_2072, %get3A_2085 : vector<16xf32>
      %get3A_2087 = arith.constant 18 : i32
      %get3A_2088 = arith.index_cast %get3A_2087 : i32 to index
      %get3A_2089 = arith.index_cast %scan3A_2080 : i32 to index
      %get3A_2090 = arith.constant 16 : index
      %get3A_2091 = tpu.vector_load %arg7[%get3A_2088, %get3A_2089, %get3A_2090] {strides = array<i32>} : memref<20x128x32xf32, #tpu.memory_space<vmem>>, vector<16xf32>,
      %add3A_2092 = arith.addf %add3A_2078, %get3A_2091 : vector<16xf32>
      %scan3A_2093 = arith.constant 4 : i32
      %scan3A_2094 = arith.addi %scan3A_2037, %scan3A_2093 : i32
      %get3A_2095 = arith.constant 18 : i32
      %get3A_2096 = arith.index_cast %get3A_2095 : i32 to index
      %get3A_2097 = arith.index_cast %scan3A_2094 : i32 to index
      %get3A_2098 = arith.constant 0 : index
      %get3A_2099 = tpu.vector_load %arg7[%get3A_2096, %get3A_2097, %get3A_2098] {strides = array<i32>} : memref<20x128x32xf32, #tpu.memory_space<vmem>>, vector<16xf32>,
      %add3A_2100 = arith.addf %add3A_2086, %get3A_2099 : vector<16xf32>
      %get3A_2101 = arith.constant 18 : i32
      %get3A_2102 = arith.index_cast %get3A_2101 : i32 to index
      %get3A_2103 = arith.index_cast %scan3A_2094 : i32 to index
      %get3A_2104 = arith.constant 16 : index
      %get3A_2105 = tpu.vector_load %arg7[%get3A_2102, %get3A_2103, %get3A_2104] {strides = array<i32>} : memref<20x128x32xf32, #tpu.memory_space<vmem>>, vector<16xf32>,
      %add3A_2106 = arith.addf %add3A_2092, %get3A_2105 : vector<16xf32>
      %scan3A_2107 = arith.constant 5 : i32
      %scan3A_2108 = arith.addi %scan3A_2037, %scan3A_2107 : i32
      %get3A_2109 = arith.constant 18 : i32
      %get3A_2110 = arith.index_cast %get3A_2109 : i32 to index
      %get3A_2111 = arith.index_cast %scan3A_2108 : i32 to index
      %get3A_2112 = arith.constant 0 : index
      %get3A_2113 = tpu.vector_load %arg7[%get3A_2110, %get3A_2111, %get3A_2112] {strides = array<i32>} : memref<20x128x32xf32, #tpu.memory_space<vmem>>, vector<16xf32>,
      %add3A_2114 = arith.addf %add3A_2100, %get3A_2113 : vector<16xf32>
      %get3A_2115 = arith.constant 18 : i32
      %get3A_2116 = arith.index_cast %get3A_2115 : i32 to index
      %get3A_2117 = arith.index_cast %scan3A_2108 : i32 to index
      %get3A_2118 = arith.constant 16 : index
      %get3A_2119 = tpu.vector_load %arg7[%get3A_2116, %get3A_2117, %get3A_2118] {strides = array<i32>} : memref<20x128x32xf32, #tpu.memory_space<vmem>>, vector<16xf32>,
      %add3A_2120 = arith.addf %add3A_2106, %get3A_2119 : vector<16xf32>
      %scan3A_2121 = arith.constant 6 : i32
      %scan3A_2122 = arith.addi %scan3A_2037, %scan3A_2121 : i32
      %get3A_2123 = arith.constant 18 : i32
      %get3A_2124 = arith.index_cast %get3A_2123 : i32 to index
      %get3A_2125 = arith.index_cast %scan3A_2122 : i32 to index
      %get3A_2126 = arith.constant 0 : index
      %get3A_2127 = tpu.vector_load %arg7[%get3A_2124, %get3A_2125, %get3A_2126] {strides = array<i32>} : memref<20x128x32xf32, #tpu.memory_space<vmem>>, vector<16xf32>,
      %add3A_2128 = arith.addf %add3A_2114, %get3A_2127 : vector<16xf32>
      %get3A_2129 = arith.constant 18 : i32
      %get3A_2130 = arith.index_cast %get3A_2129 : i32 to index
      %get3A_2131 = arith.index_cast %scan3A_2122 : i32 to index
      %get3A_2132 = arith.constant 16 : index
      %get3A_2133 = tpu.vector_load %arg7[%get3A_2130, %get3A_2131, %get3A_2132] {strides = array<i32>} : memref<20x128x32xf32, #tpu.memory_space<vmem>>, vector<16xf32>,
      %add3A_2134 = arith.addf %add3A_2120, %get3A_2133 : vector<16xf32>
      %scan3A_2135 = arith.constant 7 : i32
      %scan3A_2136 = arith.addi %scan3A_2037, %scan3A_2135 : i32
      %get3A_2137 = arith.constant 18 : i32
      %get3A_2138 = arith.index_cast %get3A_2137 : i32 to index
      %get3A_2139 = arith.index_cast %scan3A_2136 : i32 to index
      %get3A_2140 = arith.constant 0 : index
      %get3A_2141 = tpu.vector_load %arg7[%get3A_2138, %get3A_2139, %get3A_2140] {strides = array<i32>} : memref<20x128x32xf32, #tpu.memory_space<vmem>>, vector<16xf32>,
      %add3A_2142 = arith.addf %add3A_2128, %get3A_2141 : vector<16xf32>
      %get3A_2143 = arith.constant 18 : i32
      %get3A_2144 = arith.index_cast %get3A_2143 : i32 to index
      %get3A_2145 = arith.index_cast %scan3A_2136 : i32 to index
      %get3A_2146 = arith.constant 16 : index
      %get3A_2147 = tpu.vector_load %arg7[%get3A_2144, %get3A_2145, %get3A_2146] {strides = array<i32>} : memref<20x128x32xf32, #tpu.memory_space<vmem>>, vector<16xf32>,
      %add3A_2148 = arith.addf %add3A_2134, %get3A_2147 : vector<16xf32>
      scf.yield %add3A_2142, %add3A_2148 : vector<16xf32>, vector<16xf32>
    }
    %scan3A_2008 = arith.constant 128 : i32
    %swap3A_2009 = arith.constant 576 : index
    %swap3A_2010 = tpu.vector_load %arg8[%swap3A_2009] {strides = array<i32>} : memref<640xf32, #tpu.memory_space<vmem>>, vector<16xf32>,
    tpu.vector_store %arg8[%swap3A_2009], %scan3A_2007#0 {strides = array<i32>} : memref<640xf32, #tpu.memory_space<vmem>>, vector<16xf32>,
    %swap3A_2011 = arith.constant 592 : index
    %swap3A_2012 = tpu.vector_load %arg8[%swap3A_2011] {strides = array<i32>} : memref<640xf32, #tpu.memory_space<vmem>>, vector<16xf32>,
    tpu.vector_store %arg8[%swap3A_2011], %scan3A_2007#1 {strides = array<i32>} : memref<640xf32, #tpu.memory_space<vmem>>, vector<16xf32>,
    %dma_wait3A_2013 = arith.constant 19 : i32
    %dma_wait3A_2014 = arith.constant 19 : i32
    %dma_wait3A_2015 = arith.constant 0 : i32
    %dma_wait3A_2016 = arith.constant 0 : i32
    %dma_wait3A_2017 = tpu.memref_slice %arg7[%dma_wait3A_2014, %dma_wait3A_2015, %dma_wait3A_2016] : memref<20x128x32xf32, #tpu.memory_space<vmem>> -> memref<1x128x32xf32, #tpu.memory_space<vmem>>
    %dma_wait3A_2018 = tpu.memref_squeeze %dma_wait3A_2017 : memref<1x128x32xf32, #tpu.memory_space<vmem>> -> memref<128x32xf32, #tpu.memory_space<vmem>>
    %dma_wait3A_2019 = arith.constant 0 : i32
    %dma_wait3A_2020 = tpu.memref_slice %arg6[%dma_wait3A_2013, %dma_wait3A_2019] : memref<20x128xi32, #tpu.memory_space<vmem>> -> memref<1x128xi32, #tpu.memory_space<vmem>>
    %dma_wait3A_2021 = tpu.memref_squeeze %dma_wait3A_2020 : memref<1x128xi32, #tpu.memory_space<vmem>> -> memref<128xi32, #tpu.memory_space<vmem>>
    %dma_wait3A_2022 = arith.constant 0 : i32
    %dma_wait3A_2023 = arith.constant 0 : i32
    %dma_wait3A_2024 = tpu.memref_slice %arg3[%dma_wait3A_2022, %dma_wait3A_2023] : memref<100000x32xf32, #tpu.memory_space<hbm>> -> memref<100000x32xf32, #tpu.memory_space<hbm>>
    tpu.wait_indirect_dma semaphore(%arg9 : memref<!tpu.dma_semaphore, #tpu.memory_space<semaphore_mem>>) src(%dma_wait3A_2024 : memref<100000x32xf32, #tpu.memory_space<hbm>>) dst(%dma_wait3A_2018 : memref<128x32xf32, #tpu.memory_space<vmem>>)
    %broadcast_in_dim3A_2025 = arith.constant 0.000000e+00 : f32
    %broadcast_in_dim3A_2026 = vector.broadcast %broadcast_in_dim3A_2025 : f32 to vector<16xf32>
    %scan3A_2027 = arith.constant 0 : i32
    %scan3A_2028 = arith.constant 128 : i32
    %scan3A_2029 = arith.addi %scan3A_2027, %scan3A_2028 : i32
    %scan3A_2030 = arith.constant 8 : i32
    %scan3A_2031:2 = scf.for %scan3A_2037 = %scan3A_2027 to %scan3A_2029 step %scan3A_2030 iter_args(%scan3A_2038 = %broadcast_in_dim3A_2026, %scan3A_2039 = %broadcast_in_dim3A_2026) -> (vector<16xf32>, vector<16xf32>)  : i32 {
      %get3A = arith.constant 19 : i32
      %get3A_2040 = arith.index_cast %get3A : i32 to index
      %get3A_2041 = arith.index_cast %scan3A_2037 : i32 to index
      %get3A_2042 = arith.constant 0 : index
      %get3A_2043 = tpu.vector_load %arg7[%get3A_2040, %get3A_2041, %get3A_2042] {strides = array<i32>} : memref<20x128x32xf32, #tpu.memory_space<vmem>>, vector<16xf32>,
      %add3A_2044 = arith.addf %scan3A_2038, %get3A_2043 : vector<16xf32>
      %get3A_2045 = arith.constant 19 : i32
      %get3A_2046 = arith.index_cast %get3A_2045 : i32 to index
      %get3A_2047 = arith.index_cast %scan3A_2037 : i32 to index
      %get3A_2048 = arith.constant 16 : index
      %get3A_2049 = tpu.vector_load %arg7[%get3A_2046, %get3A_2047, %get3A_2048] {strides = array<i32>} : memref<20x128x32xf32, #tpu.memory_space<vmem>>, vector<16xf32>,
      %add3A_2050 = arith.addf %scan3A_2039, %get3A_2049 : vector<16xf32>
      %scan3A_2051 = arith.constant 1 : i32
      %scan3A_2052 = arith.addi %scan3A_2037, %scan3A_2051 : i32
      %get3A_2053 = arith.constant 19 : i32
      %get3A_2054 = arith.index_cast %get3A_2053 : i32 to index
      %get3A_2055 = arith.index_cast %scan3A_2052 : i32 to index
      %get3A_2056 = arith.constant 0 : index
      %get3A_2057 = tpu.vector_load %arg7[%get3A_2054, %get3A_2055, %get3A_2056] {strides = array<i32>} : memref<20x128x32xf32, #tpu.memory_space<vmem>>, vector<16xf32>,
      %add3A_2058 = arith.addf %add3A_2044, %get3A_2057 : vector<16xf32>
      %get3A_2059 = arith.constant 19 : i32
      %get3A_2060 = arith.index_cast %get3A_2059 : i32 to index
      %get3A_2061 = arith.index_cast %scan3A_2052 : i32 to index
      %get3A_2062 = arith.constant 16 : index
      %get3A_2063 = tpu.vector_load %arg7[%get3A_2060, %get3A_2061, %get3A_2062] {strides = array<i32>} : memref<20x128x32xf32, #tpu.memory_space<vmem>>, vector<16xf32>,
      %add3A_2064 = arith.addf %add3A_2050, %get3A_2063 : vector<16xf32>
      %scan3A_2065 = arith.constant 2 : i32
      %scan3A_2066 = arith.addi %scan3A_2037, %scan3A_2065 : i32
      %get3A_2067 = arith.constant 19 : i32
      %get3A_2068 = arith.index_cast %get3A_2067 : i32 to index
      %get3A_2069 = arith.index_cast %scan3A_2066 : i32 to index
      %get3A_2070 = arith.constant 0 : index
      %get3A_2071 = tpu.vector_load %arg7[%get3A_2068, %get3A_2069, %get3A_2070] {strides = array<i32>} : memref<20x128x32xf32, #tpu.memory_space<vmem>>, vector<16xf32>,
      %add3A_2072 = arith.addf %add3A_2058, %get3A_2071 : vector<16xf32>
      %get3A_2073 = arith.constant 19 : i32
      %get3A_2074 = arith.index_cast %get3A_2073 : i32 to index
      %get3A_2075 = arith.index_cast %scan3A_2066 : i32 to index
      %get3A_2076 = arith.constant 16 : index
      %get3A_2077 = tpu.vector_load %arg7[%get3A_2074, %get3A_2075, %get3A_2076] {strides = array<i32>} : memref<20x128x32xf32, #tpu.memory_space<vmem>>, vector<16xf32>,
      %add3A_2078 = arith.addf %add3A_2064, %get3A_2077 : vector<16xf32>
      %scan3A_2079 = arith.constant 3 : i32
      %scan3A_2080 = arith.addi %scan3A_2037, %scan3A_2079 : i32
      %get3A_2081 = arith.constant 19 : i32
      %get3A_2082 = arith.index_cast %get3A_2081 : i32 to index
      %get3A_2083 = arith.index_cast %scan3A_2080 : i32 to index
      %get3A_2084 = arith.constant 0 : index
      %get3A_2085 = tpu.vector_load %arg7[%get3A_2082, %get3A_2083, %get3A_2084] {strides = array<i32>} : memref<20x128x32xf32, #tpu.memory_space<vmem>>, vector<16xf32>,
      %add3A_2086 = arith.addf %add3A_2072, %get3A_2085 : vector<16xf32>
      %get3A_2087 = arith.constant 19 : i32
      %get3A_2088 = arith.index_cast %get3A_2087 : i32 to index
      %get3A_2089 = arith.index_cast %scan3A_2080 : i32 to index
      %get3A_2090 = arith.constant 16 : index
      %get3A_2091 = tpu.vector_load %arg7[%get3A_2088, %get3A_2089, %get3A_2090] {strides = array<i32>} : memref<20x128x32xf32, #tpu.memory_space<vmem>>, vector<16xf32>,
      %add3A_2092 = arith.addf %add3A_2078, %get3A_2091 : vector<16xf32>
      %scan3A_2093 = arith.constant 4 : i32
      %scan3A_2094 = arith.addi %scan3A_2037, %scan3A_2093 : i32
      %get3A_2095 = arith.constant 19 : i32
      %get3A_2096 = arith.index_cast %get3A_2095 : i32 to index
      %get3A_2097 = arith.index_cast %scan3A_2094 : i32 to index
      %get3A_2098 = arith.constant 0 : index
      %get3A_2099 = tpu.vector_load %arg7[%get3A_2096, %get3A_2097, %get3A_2098] {strides = array<i32>} : memref<20x128x32xf32, #tpu.memory_space<vmem>>, vector<16xf32>,
      %add3A_2100 = arith.addf %add3A_2086, %get3A_2099 : vector<16xf32>
      %get3A_2101 = arith.constant 19 : i32
      %get3A_2102 = arith.index_cast %get3A_2101 : i32 to index
      %get3A_2103 = arith.index_cast %scan3A_2094 : i32 to index
      %get3A_2104 = arith.constant 16 : index
      %get3A_2105 = tpu.vector_load %arg7[%get3A_2102, %get3A_2103, %get3A_2104] {strides = array<i32>} : memref<20x128x32xf32, #tpu.memory_space<vmem>>, vector<16xf32>,
      %add3A_2106 = arith.addf %add3A_2092, %get3A_2105 : vector<16xf32>
      %scan3A_2107 = arith.constant 5 : i32
      %scan3A_2108 = arith.addi %scan3A_2037, %scan3A_2107 : i32
      %get3A_2109 = arith.constant 19 : i32
      %get3A_2110 = arith.index_cast %get3A_2109 : i32 to index
      %get3A_2111 = arith.index_cast %scan3A_2108 : i32 to index
      %get3A_2112 = arith.constant 0 : index
      %get3A_2113 = tpu.vector_load %arg7[%get3A_2110, %get3A_2111, %get3A_2112] {strides = array<i32>} : memref<20x128x32xf32, #tpu.memory_space<vmem>>, vector<16xf32>,
      %add3A_2114 = arith.addf %add3A_2100, %get3A_2113 : vector<16xf32>
      %get3A_2115 = arith.constant 19 : i32
      %get3A_2116 = arith.index_cast %get3A_2115 : i32 to index
      %get3A_2117 = arith.index_cast %scan3A_2108 : i32 to index
      %get3A_2118 = arith.constant 16 : index
      %get3A_2119 = tpu.vector_load %arg7[%get3A_2116, %get3A_2117, %get3A_2118] {strides = array<i32>} : memref<20x128x32xf32, #tpu.memory_space<vmem>>, vector<16xf32>,
      %add3A_2120 = arith.addf %add3A_2106, %get3A_2119 : vector<16xf32>
      %scan3A_2121 = arith.constant 6 : i32
      %scan3A_2122 = arith.addi %scan3A_2037, %scan3A_2121 : i32
      %get3A_2123 = arith.constant 19 : i32
      %get3A_2124 = arith.index_cast %get3A_2123 : i32 to index
      %get3A_2125 = arith.index_cast %scan3A_2122 : i32 to index
      %get3A_2126 = arith.constant 0 : index
      %get3A_2127 = tpu.vector_load %arg7[%get3A_2124, %get3A_2125, %get3A_2126] {strides = array<i32>} : memref<20x128x32xf32, #tpu.memory_space<vmem>>, vector<16xf32>,
      %add3A_2128 = arith.addf %add3A_2114, %get3A_2127 : vector<16xf32>
      %get3A_2129 = arith.constant 19 : i32
      %get3A_2130 = arith.index_cast %get3A_2129 : i32 to index
      %get3A_2131 = arith.index_cast %scan3A_2122 : i32 to index
      %get3A_2132 = arith.constant 16 : index
      %get3A_2133 = tpu.vector_load %arg7[%get3A_2130, %get3A_2131, %get3A_2132] {strides = array<i32>} : memref<20x128x32xf32, #tpu.memory_space<vmem>>, vector<16xf32>,
      %add3A_2134 = arith.addf %add3A_2120, %get3A_2133 : vector<16xf32>
      %scan3A_2135 = arith.constant 7 : i32
      %scan3A_2136 = arith.addi %scan3A_2037, %scan3A_2135 : i32
      %get3A_2137 = arith.constant 19 : i32
      %get3A_2138 = arith.index_cast %get3A_2137 : i32 to index
      %get3A_2139 = arith.index_cast %scan3A_2136 : i32 to index
      %get3A_2140 = arith.constant 0 : index
      %get3A_2141 = tpu.vector_load %arg7[%get3A_2138, %get3A_2139, %get3A_2140] {strides = array<i32>} : memref<20x128x32xf32, #tpu.memory_space<vmem>>, vector<16xf32>,
      %add3A_2142 = arith.addf %add3A_2128, %get3A_2141 : vector<16xf32>
      %get3A_2143 = arith.constant 19 : i32
      %get3A_2144 = arith.index_cast %get3A_2143 : i32 to index
      %get3A_2145 = arith.index_cast %scan3A_2136 : i32 to index
      %get3A_2146 = arith.constant 16 : index
      %get3A_2147 = tpu.vector_load %arg7[%get3A_2144, %get3A_2145, %get3A_2146] {strides = array<i32>} : memref<20x128x32xf32, #tpu.memory_space<vmem>>, vector<16xf32>,
      %add3A_2148 = arith.addf %add3A_2134, %get3A_2147 : vector<16xf32>
      scf.yield %add3A_2142, %add3A_2148 : vector<16xf32>, vector<16xf32>
    }
    %scan3A_2032 = arith.constant 128 : i32
    %swap3A_2033 = arith.constant 608 : index
    %swap3A_2034 = tpu.vector_load %arg8[%swap3A_2033] {strides = array<i32>} : memref<640xf32, #tpu.memory_space<vmem>>, vector<16xf32>,
    tpu.vector_store %arg8[%swap3A_2033], %scan3A_2031#0 {strides = array<i32>} : memref<640xf32, #tpu.memory_space<vmem>>, vector<16xf32>,
    %swap3A_2035 = arith.constant 624 : index
    %swap3A_2036 = tpu.vector_load %arg8[%swap3A_2035] {strides = array<i32>} : memref<640xf32, #tpu.memory_space<vmem>>, vector<16xf32>,
    tpu.vector_store %arg8[%swap3A_2035], %scan3A_2031#1 {strides = array<i32>} : memref<640xf32, #tpu.memory_space<vmem>>, vector<16xf32>,
    "tpu.region"() ({
      %run_scoped3A = tpu.sem_alloc : memref<!tpu.dma_semaphore, #tpu.memory_space<semaphore_mem>>
      %dma_start3A_2037 = arith.constant 0 : i32
      %dma_start3A_2038 = tpu.memref_slice %arg4[%add3A, %dma_start3A_2037] : memref<32x640xf32, #tpu.memory_space<hbm>> -> memref<1x640xf32, #tpu.memory_space<hbm>>
      %dma_start3A_2039 = tpu.memref_squeeze %dma_start3A_2038 : memref<1x640xf32, #tpu.memory_space<hbm>> -> memref<640xf32, #tpu.memory_space<hbm>>
      %dma_start3A_2040 = arith.constant 0 : i32
      %dma_start3A_2041 = tpu.memref_slice %arg4[%add3A, %dma_start3A_2040] : memref<32x640xf32, #tpu.memory_space<hbm>> -> memref<1x640xf32, #tpu.memory_space<hbm>>
      %dma_start3A_2042 = tpu.memref_squeeze %dma_start3A_2041 : memref<1x640xf32, #tpu.memory_space<hbm>> -> memref<640xf32, #tpu.memory_space<hbm>>
      tpu.enqueue_dma source(%arg8 : memref<640xf32, #tpu.memory_space<vmem>>) target(%dma_start3A_2042 : memref<640xf32, #tpu.memory_space<hbm>>) target_semaphore(%run_scoped3A : memref<!tpu.dma_semaphore, #tpu.memory_space<semaphore_mem>>)
      %dma_wait3A_2043 = arith.constant 0 : i32
      %dma_wait3A_2044 = tpu.memref_slice %arg4[%add3A, %dma_wait3A_2043] : memref<32x640xf32, #tpu.memory_space<hbm>> -> memref<1x640xf32, #tpu.memory_space<hbm>>
      %dma_wait3A_2045 = tpu.memref_squeeze %dma_wait3A_2044 : memref<1x640xf32, #tpu.memory_space<hbm>> -> memref<640xf32, #tpu.memory_space<hbm>>
      %dma_wait3A_2046 = arith.constant 0 : i32
      %dma_wait3A_2047 = tpu.memref_slice %arg4[%add3A, %dma_wait3A_2046] : memref<32x640xf32, #tpu.memory_space<hbm>> -> memref<1x640xf32, #tpu.memory_space<hbm>>
      %dma_wait3A_2048 = tpu.memref_squeeze %dma_wait3A_2047 : memref<1x640xf32, #tpu.memory_space<hbm>> -> memref<640xf32, #tpu.memory_space<hbm>>
      tpu.wait_dma2 semaphore(%run_scoped3A : memref<!tpu.dma_semaphore, #tpu.memory_space<semaphore_mem>>) src(%arg8 : memref<640xf32, #tpu.memory_space<vmem>>) dst(%dma_wait3A_2048 : memref<640xf32, #tpu.memory_space<hbm>>)
      tpu.yield
    }) : () -> ()
    return
  }
}

module attributes {stable_mosaic.version = 14 : i64} {
  func.func @body(%arg0: i32, %arg1: memref<32x640xf32, #tpu.memory_space<vmem>>, %arg2: memref<4096x640xf32, #tpu.memory_space<vmem>>, %arg3: memref<1x4096xf32, #tpu.memory_space<vmem>>, %arg4: memref<1x4096xf32, #tpu.memory_space<vmem>>, %arg5: memref<1x1xf32, #tpu.memory_space<vmem>>, %arg6: memref<1x640xf32, #tpu.memory_space<vmem>>, %arg7: memref<1xf32, #tpu.memory_space<smem>>, %arg8: memref<1xf32, #tpu.memory_space<smem>>) attributes {dimension_semantics = [#tpu.dimension_semantics<arbitrary>], iteration_bounds = array<i64: 25>, scalar_prefetch = 0 : i64, scratch_operands = 3 : i64, tpu.core_type = #tpu.core_type<tc>, window_params = [{pipeline_mode = #tpu.pipeline_mode<synchronous>, transform_indices = @transform_0, window_bounds = array<i64: 32, 640>}, {transform_indices = @transform_1, window_bounds = array<i64: 4096, 640>}, {transform_indices = @transform_2, window_bounds = array<i64: 1, 4096>}, {transform_indices = @transform_3, window_bounds = array<i64: 1, 4096>}, {pipeline_mode = #tpu.pipeline_mode<synchronous>, transform_indices = @transform_4, window_bounds = array<i64: 1, 1>}]} {
    %eq3A = arith.constant 0 : i32
    %eq3A_0 = arith.cmpi eq, %arg0, %eq3A : i32
    %convert_element_type3A = arith.extui %eq3A_0 : i1 to i32
    %cond3A = arith.constant 0 : i32
    %cond3A_1 = arith.cmpi ne, %convert_element_type3A, %cond3A : i32
    scf.if %cond3A_1 {
      %swap3A_44 = arith.constant 0xFF800000 : f32
      %swap3A_45 = arith.constant 0 : index
      %swap3A_46 = memref.load %arg7[%swap3A_45] : memref<1xf32, #tpu.memory_space<smem>>
      memref.store %swap3A_44, %arg7[%swap3A_45] : memref<1xf32, #tpu.memory_space<smem>>
      %swap3A_47 = arith.constant 0.000000e+00 : f32
      %swap3A_48 = arith.constant 0 : index
      %swap3A_49 = memref.load %arg8[%swap3A_48] : memref<1xf32, #tpu.memory_space<smem>>
      memref.store %swap3A_47, %arg8[%swap3A_48] : memref<1xf32, #tpu.memory_space<smem>>
      %get3A_50 = arith.constant 0 : index
      %get3A_51 = arith.constant 0 : index
      %get3A_52 = vector.load %arg1[%get3A_50, %get3A_51] : memref<32x640xf32, #tpu.memory_space<vmem>>, vector<32x640xf32>
      %reduce_sum3A_53 = arith.constant dense<0.000000e+00> : vector<640xf32>
      %reduce_sum3A_54 = vector.multi_reduction <add>, %get3A_52, %reduce_sum3A_53 [0] : vector<32x640xf32> to vector<640xf32>
      %broadcast_in_dim3A_55 = vector.shape_cast %reduce_sum3A_54 : vector<640xf32> to vector<1x640xf32>
      %swap3A_56 = arith.constant 0 : index
      %swap3A_57 = arith.constant 0 : index
      %swap3A_58 = vector.load %arg6[%swap3A_56, %swap3A_57] : memref<1x640xf32, #tpu.memory_space<vmem>>, vector<1x640xf32>
      tpu.vector_store %arg6[%swap3A_56, %swap3A_57], %broadcast_in_dim3A_55 {strides = array<i32>} : memref<1x640xf32, #tpu.memory_space<vmem>>, vector<1x640xf32>,
    } else {
    }
    %get3A = arith.constant 0 : index
    %get3A_2 = arith.constant 0 : index
    %get3A_3 = vector.load %arg6[%get3A, %get3A_2] : memref<1x640xf32, #tpu.memory_space<vmem>>, vector<1x640xf32>
    %get3A_4 = arith.constant 0 : index
    %get3A_5 = arith.constant 0 : index
    %get3A_6 = vector.load %arg2[%get3A_4, %get3A_5] : memref<4096x640xf32, #tpu.memory_space<vmem>>, vector<4096x640xf32>
    %dot_general3A = arith.constant dense<0.000000e+00> : vector<1x4096xf32>
    %dot_general3A_7 = tpu.matmul %get3A_3, %get3A_6, %dot_general3A {dimension_numbers = #tpu.dot_dimension_numbers<[1], [1], [0], [0], [0, 0, 1, 0], [], []>, transpose_lhs_hint = false} : vector<1x640xf32>, vector<4096x640xf32>, vector<1x4096xf32> -> vector<1x4096xf32>
    %get3A_8 = arith.constant 0 : index
    %get3A_9 = arith.constant 0 : index
    %get3A_10 = vector.load %arg3[%get3A_8, %get3A_9] : memref<1x4096xf32, #tpu.memory_space<vmem>>, vector<1x4096xf32>
    %add3A = arith.addf %dot_general3A_7, %get3A_10 : vector<1x4096xf32>
    %mul3A = arith.constant 4096 : i32
    %mul3A_11 = arith.muli %arg0, %mul3A : i32
    %iota3A = tpu.iota {dimensions = array<i32: 1>} : vector<1x4096xi32>
    %add3A_12 = vector.broadcast %mul3A_11 : i32 to vector<1x4096xi32>
    %add3A_13 = arith.addi %add3A_12, %iota3A : vector<1x4096xi32>
    %lt3A = arith.constant 100000 : i32
    %lt3A_14 = vector.broadcast %lt3A : i32 to vector<1x4096xi32>
    %lt3A_15 = arith.cmpi slt, %add3A_13, %lt3A_14 : vector<1x4096xi32>
    %jit3A = arith.constant 0xFF800000 : f32
    %broadcast_in_dim3A = vector.broadcast %jit3A : f32 to vector<1x4096xf32>
    %select_n3A = arith.select %lt3A_15, %add3A, %broadcast_in_dim3A : vector<1x4096xi1>, vector<1x4096xf32>
    %get3A_16 = arith.constant 0 : index
    %get3A_17 = memref.load %arg7[%get3A_16] : memref<1xf32, #tpu.memory_space<smem>>
    %reduce_max3A = vector.shape_cast %select_n3A : vector<1x4096xf32> to vector<1x1x4096xf32>
    %reduce_max3A_18 = arith.constant dense<0xFF800000> : vector<1xf32>
    %reduce_max3A_19 = vector.multi_reduction <maximumf>, %reduce_max3A, %reduce_max3A_18 [1, 2] : vector<1x1x4096xf32> to vector<1xf32>
    %reduce_max3A_20 = vector.shape_cast %reduce_max3A_19 : vector<1xf32> to vector<1x1x1xf32>
    %reduce_max3A_21 = vector.extract %reduce_max3A_20[0, 0, 0] : f32 from vector<1x1x1xf32>
    %max3A = arith.maximumf %get3A_17, %reduce_max3A_21 : f32
    %get3A_22 = arith.constant 0 : index
    %get3A_23 = memref.load %arg8[%get3A_22] : memref<1xf32, #tpu.memory_space<smem>>
    %sub3A = arith.subf %get3A_17, %max3A : f32
    %exp3A = math.exp %sub3A : f32
    %mul3A_24 = arith.mulf %get3A_23, %exp3A : f32
    %sub3A_25 = vector.broadcast %max3A : f32 to vector<1x4096xf32>
    %sub3A_26 = arith.subf %select_n3A, %sub3A_25 : vector<1x4096xf32>
    %exp3A_27 = math.exp %sub3A_26 : vector<1x4096xf32>
    %reduce_sum3A = vector.shape_cast %exp3A_27 : vector<1x4096xf32> to vector<1x1x4096xf32>
    %reduce_sum3A_28 = arith.constant dense<0.000000e+00> : vector<1xf32>
    %reduce_sum3A_29 = vector.multi_reduction <add>, %reduce_sum3A, %reduce_sum3A_28 [1, 2] : vector<1x1x4096xf32> to vector<1xf32>
    %reduce_sum3A_30 = vector.shape_cast %reduce_sum3A_29 : vector<1xf32> to vector<1x1x1xf32>
    %reduce_sum3A_31 = vector.extract %reduce_sum3A_30[0, 0, 0] : f32 from vector<1x1x1xf32>
    %add3A_32 = arith.addf %mul3A_24, %reduce_sum3A_31 : f32
    %swap3A = arith.constant 0 : index
    %swap3A_33 = memref.load %arg8[%swap3A] : memref<1xf32, #tpu.memory_space<smem>>
    memref.store %add3A_32, %arg8[%swap3A] : memref<1xf32, #tpu.memory_space<smem>>
    %swap3A_34 = arith.constant 0 : index
    %swap3A_35 = memref.load %arg7[%swap3A_34] : memref<1xf32, #tpu.memory_space<smem>>
    memref.store %max3A, %arg7[%swap3A_34] : memref<1xf32, #tpu.memory_space<smem>>
    %swap3A_36 = arith.constant 0 : index
    %swap3A_37 = arith.constant 0 : index
    %swap3A_38 = vector.load %arg4[%swap3A_36, %swap3A_37] : memref<1x4096xf32, #tpu.memory_space<vmem>>, vector<1x4096xf32>
    tpu.vector_store %arg4[%swap3A_36, %swap3A_37], %add3A {strides = array<i32>} : memref<1x4096xf32, #tpu.memory_space<vmem>>, vector<1x4096xf32>,
    %eq3A_39 = arith.constant 24 : i32
    %eq3A_40 = arith.cmpi eq, %arg0, %eq3A_39 : i32
    %convert_element_type3A_41 = arith.extui %eq3A_40 : i1 to i32
    %cond3A_42 = arith.constant 0 : i32
    %cond3A_43 = arith.cmpi ne, %convert_element_type3A_41, %cond3A_42 : i32
    scf.if %cond3A_43 {
      %get3A_44 = arith.constant 0 : index
      %get3A_45 = memref.load %arg7[%get3A_44] : memref<1xf32, #tpu.memory_space<smem>>
      %get3A_46 = arith.constant 0 : index
      %get3A_47 = memref.load %arg8[%get3A_46] : memref<1xf32, #tpu.memory_space<smem>>
      %log3A = math.log %get3A_47 : f32
      %add3A_48 = arith.addf %get3A_45, %log3A : f32
      %broadcast_in_dim3A_49 = vector.broadcast %add3A_48 : f32 to vector<1x1xf32>
      %swap3A_50 = arith.constant 0 : index
      %swap3A_51 = arith.constant 0 : index
      %swap3A_52 = vector.load %arg5[%swap3A_50, %swap3A_51] : memref<1x1xf32, #tpu.memory_space<vmem>>, vector<1x1xf32>
      tpu.vector_store %arg5[%swap3A_50, %swap3A_51], %broadcast_in_dim3A_49 {strides = array<i32>} : memref<1x1xf32, #tpu.memory_space<vmem>>, vector<1x1xf32>,
    } else {
    }
    return
  }
  func.func @transform_0(%arg0: i32) -> (i32, i32) {
    %c0_i32 = arith.constant 0 : i32
    %c0_i32_0 = arith.constant 0 : i32
    %c0_i32_1 = arith.constant 0 : i32
    return %c0_i32, %c0_i32_0 : i32, i32
  }
  func.func @transform_1(%arg0: i32) -> (i32, i32) {
    %c0_i32 = arith.constant 0 : i32
    %c0_i32_0 = arith.constant 0 : i32
    return %arg0, %c0_i32 : i32, i32
  }
  func.func @transform_2(%arg0: i32) -> (i32, i32) {
    %c0_i32 = arith.constant 0 : i32
    %c0_i32_0 = arith.constant 0 : i32
    return %c0_i32, %arg0 : i32, i32
  }
  func.func @transform_3(%arg0: i32) -> (i32, i32) {
    %c0_i32 = arith.constant 0 : i32
    %c0_i32_0 = arith.constant 0 : i32
    return %c0_i32, %arg0 : i32, i32
  }
  func.func @transform_4(%arg0: i32) -> (i32, i32) {
    %c0_i32 = arith.constant 0 : i32
    %c0_i32_0 = arith.constant 0 : i32
    %c0_i32_1 = arith.constant 0 : i32
    return %c0_i32, %c0_i32_0 : i32, i32
  }
}

module attributes {stable_mosaic.version = 14 : i64} {
  func.func @body(%arg0: i32, %arg1: memref<1x100000xf32, #tpu.memory_space<vmem>>, %arg2: memref<1x1xf32, #tpu.memory_space<vmem>>, %arg3: memref<1x100000xf32, #tpu.memory_space<vmem>>) attributes {dimension_semantics = [#tpu.dimension_semantics<arbitrary>], iteration_bounds = array<i64: 1>, scalar_prefetch = 0 : i64, scratch_operands = 0 : i64, tpu.core_type = #tpu.core_type<tc>, window_params = [{transform_indices = @transform_0, window_bounds = array<i64: 1, 100000>}, {pipeline_mode = #tpu.pipeline_mode<synchronous>, transform_indices = @transform_1, window_bounds = array<i64: 1, 1>}, {transform_indices = @transform_2, window_bounds = array<i64: 1, 100000>}]} {
    %get3A = arith.constant 0 : index
    %get3A_0 = arith.constant 0 : index
    %get3A_1 = vector.load %arg1[%get3A, %get3A_0] : memref<1x100000xf32, #tpu.memory_space<vmem>>, vector<1x100000xf32>
    %get3A_2 = arith.constant 0 : index
    %get3A_3 = arith.constant 0 : index
    %get3A_4 = vector.load %arg2[%get3A_2, %get3A_3] : memref<1x1xf32, #tpu.memory_space<vmem>>, vector<1x1xf32>
    %get3A_5 = vector.extract %get3A_4[0, 0] : f32 from vector<1x1xf32>
    %sub3A = vector.broadcast %get3A_5 : f32 to vector<1x100000xf32>
    %sub3A_6 = arith.subf %get3A_1, %sub3A : vector<1x100000xf32>
    %swap3A = arith.constant 0 : index
    %swap3A_7 = arith.constant 0 : index
    %swap3A_8 = vector.load %arg3[%swap3A, %swap3A_7] : memref<1x100000xf32, #tpu.memory_space<vmem>>, vector<1x100000xf32>
    tpu.vector_store %arg3[%swap3A, %swap3A_7], %sub3A_6 {strides = array<i32>} : memref<1x100000xf32, #tpu.memory_space<vmem>>, vector<1x100000xf32>,
    return
  }
  func.func @transform_0(%arg0: i32) -> (i32, i32) {
    %c0_i32 = arith.constant 0 : i32
    %c0_i32_0 = arith.constant 0 : i32
    return %c0_i32, %arg0 : i32, i32
  }
  func.func @transform_1(%arg0: i32) -> (i32, i32) {
    %c0_i32 = arith.constant 0 : i32
    %c0_i32_0 = arith.constant 0 : i32
    %c0_i32_1 = arith.constant 0 : i32
    return %c0_i32, %c0_i32_0 : i32, i32
  }
  func.func @transform_2(%arg0: i32) -> (i32, i32) {
    %c0_i32 = arith.constant 0 : i32
    %c0_i32_0 = arith.constant 0 : i32
    return %c0_i32, %arg0 : i32, i32
  }
}

</mosaic_0001>

<sc_bundles>
// kernel: kernel.5.cloned.1.call-start
scs
__scs_entry_jumppad:
0x0: {  	(pc) =	sbr.rel $0x88, $3  }
0x1: {  	(tag) =	ssettag $0x0;
	lr =	simm.s32 $0x1  }
0x2: {  	[smem:$0x3F9D] =	sst lr;
	_ =	strace $0xD0000000  }
0x3: {  	_ = 	snop  }
0x4: {  	_ = 	snop  }
0x5: {  	_ = 	snop  }
0x6: {  	_ = 	snop  }
0x7: {  	_ = 	snop  }
__scs_overlays_trampoline_lowered:
0x8: {  	[smem:$0x3FAC] =	sst s0  }
0x9: {  	[smem:$0x3FAD] =	sst s1  }
0xa: {  	[smem:$0x3FAE] =	sst s2  }
0xb: {  	[smem:$0x3FAF] =	sst s3  }
0xc: {  	[smem:$0x3FB0] =	sst s4  }
0xd: {  	[smem:$0x3FB1] =	sst s5  }
0xe: {  	[smem:$0x3FB2] =	sst s6  }
0xf: {  	[smem:$0x3FB3] =	sst s7  }
0x10: {  	[smem:$0x3FB4] =	sst s8  }
0x11: {  	[smem:$0x3FB5] =	sst s9;
	s0 =	simm.s32 @!p0 $0x0  }
0x12: {  	s1 =	sld [smem:$0x3F9B];
	s0 =	simm.s32 @p0 $0x1  }
0x13: {  	[smem:$0x3FB6] =	sst s0;
	s0 =	simm.s32 @!p1 $0x0  }
0x14: {  	s2 =	sld [smem:$0x3F9A];
	s0 =	simm.s32 @p1 $0x1  }
0x15: {  	[smem:$0x3FB7] =	sst s0;
	s0 =	simm.s32 @!p2 $0x0  }
0x16: {  	s3 =	sld [smem:$0x3FDB];
	s0 =	simm.s32 @p2 $0x1  }
0x17: {  	s4 =	simm.s32 $0x1BF5;
	[smem:$0x3FB9] =	sst s0  }
0x18: {  	s0 =	sld [smem:$0x3F9C];
	_ =	swait.ge [sflag:s4], $0x0  }
0x19: {  	s7 =	sld [smem:$0x3F9D]  }
0x1a: {  	s8 =	sadd.s32 $0xFFFFE003, lr  }
0x1b: {  	s9 =	sadd.s32 $0xFFFFFEF7, lr;
	s5 =	simm.s32 $0xFFFFFFFF;
	p2 =	slt.u32 s8, $0xFFFFF086  }
0x1c: {  	p1 =	slt.u32 s9, $0xF7A;
	s5 =	simm.s32 @!p2 $0x0  }
0x1d: {  	s5 =	simm.s32 @p1 $0x1;
	p0 =	seq.s32 s7, s2  }
0x1e: {  	s7 =	smul.u32 @!p0 $0xF7A, s2;
	p2 =	seq.s32 @!p0 s5, $0x0  }
0x1f: {  	s9 =	smul.u32 $0xF7A, s1;
	s8 =	simm.s32 @!p0 $0x1BF5;
	p2 =	por !p2, p0  }
0x20: {  	[sflag:s8] =	ssyncset.s32 @!p0 $0xFFFFF086;
	s6 =	sadd.s32 @!p0 s3, s7;
	s7 =	simm.s32 @!p0 $0x108  }
0x21: {  	s3 =	sadd.s32 s3, s9;
	s6 =	sadd.s32 @!p0 $0x88, s6;
	s7 =	simm.s32 @p2 $0x1082  }
0x22: {  	[simem:s7], [sflag:s8] =	dma.local @!p0 [hbm:s6], $0xF7A  }
0x23: {  	s9 =	sor.u32 $0xD0000000, s2;
	s6 =	simm.s32 $0x108;
	_ =	swait.ge @!p0 [sflag:s8], $0x0  }
0x24: {  	s3 =	sadd.s32 $0x88, s3;
	s6 =	simm.s32 @!p1 $0x1082;
	[sflag:s4] =	ssyncset.s32 $0xFFFFF086  }
0x25: {  	[simem:s6], [sflag:s4] =	dma.local [hbm:s3], $0xF7A  }
0x26: {  	[smem:$0x3F9D] =	sst s1;
	(tag) =	ssettag s2;
	_ =	strace s9  }
0x27: {  	s1 =	sld [smem:$0x3FAD]  }
0x28: {  	s2 =	sld [smem:$0x3FAE]  }
0x29: {  	s4 =	sld [smem:$0x3FB0]  }
0x2a: {  	p0 =	seq.s32 s5, $0x0;
	s5 =	sld [smem:$0x3FB1]  }
0x2b: {  	s6 =	sld [smem:$0x3FB2]  }
0x2c: {  	s7 =	sld [smem:$0x3FB3]  }
0x2d: {  	s3 =	simm.s32 $0x108;
	s8 =	sld [smem:$0x3FB4]  }
0x2e: {  	s3 =	simm.s32 @!p0 $0x1082;
	s9 =	sld [smem:$0x3FB5]  }
0x2f: {  	lr =	sadd.s32 s0, s3;
	s0 =	sld [smem:$0x3FAC]  }
0x30: {  	s3 =	sld [smem:$0x3FAF]  }
0x31: {  	[smem:$0x3FB8] =	sst s10  }
0x32: {  	s10 =	sld [smem:$0x3FB6];
	_ =	sdelay $0x3  }
0x33: {  	p0 =	seq.s32 s10, $0x1;
	s10 =	sld [smem:$0x3FB8];
	_ =	sdelay $0x3  }
0x34: {  	[smem:$0x3FB8] =	sst s10  }
0x35: {  	s10 =	sld [smem:$0x3FB7];
	_ =	sdelay $0x3  }
0x36: {  	p1 =	seq.s32 s10, $0x1;
	s10 =	sld [smem:$0x3FB8];
	_ =	sdelay $0x3  }
0x37: {  	[smem:$0x3FB8] =	sst s10  }
0x38: {  	s10 =	sld [smem:$0x3FB9]  }
0x39: {  	_ = 	snop;
	(pc) =	sbr.ind lr, $3  }
0x3a: {  	_ = 	snop  }
0x3b: {  	_ = 	snop  }
0x3c: {  	p2 =	seq.s32 s10, $0x1;
	s10 =	sld [smem:$0x3FB8]  }
0x3d: {  	_ =	shalt  }
0x3e: {  	_ =	shalt  }
0x3f: {  	_ =	shalt  }
0x40: {  	_ =	shalt  }
0x41: {  	_ =	shalt  }
0x42: {  	_ =	shalt  }
0x43: {  	_ =	shalt  }
0x44: {  	_ =	shalt  }
0x45: {  	_ =	shalt  }
0x46: {  	_ =	shalt  }
0x47: {  	_ =	shalt  }
0x48: {  	_ =	shalt  }
0x49: {  	_ =	shalt  }
0x4a: {  	_ =	shalt  }
0x4b: {  	_ =	shalt  }
0x4c: {  	_ =	shalt  }
0x4d: {  	_ =	shalt  }
0x4e: {  	_ =	shalt  }
0x4f: {  	_ =	shalt  }
0x50: {  	_ =	shalt  }
0x51: {  	_ =	shalt  }
0x52: {  	_ =	shalt  }
0x53: {  	_ =	shalt  }
0x54: {  	_ =	shalt  }
0x55: {  	_ =	shalt  }
0x56: {  	_ =	shalt  }
0x57: {  	_ =	shalt  }
0x58: {  	_ =	shalt  }
0x59: {  	_ =	shalt  }
0x5a: {  	_ =	shalt  }
0x5b: {  	_ =	shalt  }
0x5c: {  	_ =	shalt  }
0x5d: {  	_ =	shalt  }
0x5e: {  	_ =	shalt  }
0x5f: {  	_ =	shalt  }
0x60: {  	_ =	shalt  }
0x61: {  	_ =	shalt  }
0x62: {  	_ =	shalt  }
0x63: {  	_ =	shalt  }
0x64: {  	_ =	shalt  }
0x65: {  	_ =	shalt  }
0x66: {  	_ =	shalt  }
0x67: {  	_ =	shalt  }
0x68: {  	_ =	shalt  }
0x69: {  	_ =	shalt  }
0x6a: {  	_ =	shalt  }
0x6b: {  	_ =	shalt  }
0x6c: {  	_ =	shalt  }
0x6d: {  	_ =	shalt  }
0x6e: {  	_ =	shalt  }
0x6f: {  	_ =	shalt  }
0x70: {  	_ =	shalt  }
0x71: {  	_ =	shalt  }
0x72: {  	_ =	shalt  }
0x73: {  	_ =	shalt  }
0x74: {  	_ =	shalt  }
0x75: {  	_ =	shalt  }
0x76: {  	_ =	shalt  }
0x77: {  	_ =	shalt  }
0x78: {  	_ =	shalt  }
0x79: {  	_ =	shalt  }
0x7a: {  	_ =	shalt  }
0x7b: {  	_ =	shalt  }
0x7c: {  	_ =	shalt  }
0x7d: {  	_ =	shalt  }
0x7e: {  	_ =	shalt  }
0x7f: {  	_ =	shalt  }
0x80: {  	_ =	shalt  }
0x81: {  	_ =	shalt  }
0x82: {  	_ =	shalt  }
0x83: {  	_ =	shalt  }
0x84: {  	_ =	shalt  }
0x85: {  	_ =	shalt  }
0x86: {  	_ =	shalt  }
0x87: {  	_ =	shalt  }
.Lfunc_end0:
.L_simem_size_0:
called_computation_lowered:
.L_overlay_start_0:
0x88: {  	s2 =	sld [smem:$0x3FD9]  }
0x89: {  	s3 =	sld [smem:$0x3FFE];
	_ =	sdelay $0x1  }
0x8a: {  	s1 =	srdreg.scid  }
0x8b: {  	s0 =	sand.u32 $0x1, s1  }
0x8c: {  	s17 =	sshll.u32 s0, $0xA;
	s2 =	sadd.s32 s3, s2  }
0x8d: {  	s2 =	sadd.s32 s2, s17  }
0x8e: {  	[smem:$0x3FC4] =	sst s2  }
0x8f: {  	_ = 	snop  }
0x90: {  	s2 =	sld [smem:$0x3FD0];
	(tm) =	ssettm $0x1  }
0x91: {  	s18 =	sld [smem:$0x3FFB];
	_ =	sdelay $0x3  }
0x92: {  	_ =	strace s18  }
0x93: {  	s3 =	sld [smem:$0x3FFC];
	_ =	sdelay $0x3  }
0x94: {  	_ =	strace s3  }
0x95: {  	s3 =	sld [smem:$0x3FFD];
	_ =	sdelay $0x3  }
0x96: {  	_ =	strace s3  }
0x97: {  	_ =	strace $0x8FFFFFFF  }
0x98: {  	s19 =	sld [smem:$0x3FDB];
	_ =	sdelay $0x1  }
0x99: {  	s4 =	simm.s32 $_scs_section_size  }
0x9a: {  	s5 =	simm.s32 $_size__tile_overlayer_lowered;
	s6 =	simm.s32 $_tile_overlayer_lowered  }
0x9b: {  	s22 =	simm.s32 $0x1BFF;
	s21 =	sshll.u32 s6, $0x1;
	s3 =	sadd.s32 s4, s19  }
0x9c: {  	s7 =	simm.s32 $0x0;
	s20 =	sshll.u32 s5, $0x1;
	s5 =	sadd.s32 s21, s3  }
0x9d: {  	[timem:s7], [sflag:s22] =	dma.local [hbm:s5], s20  }
0x9e: {  	_ =	swait.ge [sflag:s22], s20  }
0x9f: {  	s4 =	ssub.s32 $0x0, s20;
	[sflag:s22] =	ssyncset.done $0x0  }
0xa0: {  	[sflag:s22] =	ssyncadd.s32 s4;
	_ =	sdelay $0x1  }
0xa1: {  	s23 =	simm.s32 $0x1B8B  }
0xa2: {  	_ =	swait.ge [sflag:s23], $0x1  }
0xa3: {  	[sflag:s23] =	ssyncset.done $0x0  }
0xa4: {  	s25 =	simm.s32 $0x1B8E;
	s24 =	sld [smem:$0x3FFE];
	[sflag:s23] =	ssyncadd.s32 $0xFFFFFFFF  }
0xa5: {  	s26 =	simm.s32 $execute0_lowered;
	[smem:$0x3FD2] =	sst s25  }
0xa6: {  	s5 =	sshll.u32 s26, $0x1;
	_ =	strace $0x80000046;
	[dreg:$0x1] =	wrdreg $0xFFFFFFFF  }
0xa7: {  	s28 =	simm.s32 $_size_execute0_lowered;
	s3 =	sadd.s32 s3, s5;
	[dreg:$0x0] =	wrdreg $0x0  }
0xa8: {  	s5 =	sshll.u32 s28, $0x1;
	[dreg:$0x2] =	wrdreg s3  }
0xa9: {  	[dreg:$0x3] =	wrdreg s5  }
0xaa: {  	[dreg:$0x4] =	wrdreg $0xC0  }
0xab: {  	_ =	task [dreg:s7], $0x5FFFF  }
0xac: {  	[dreg:$0x1] =	wrdreg $0xFFFFFFFF  }
0xad: {  	[dreg:$0x0] =	wrdreg $0x60  }
0xae: {  	[dreg:$0x2] =	wrdreg s2  }
0xaf: {  	[dreg:$0x3] =	wrdreg s24  }
0xb0: {  	[dreg:$0x4] =	wrdreg $0x9  }
0xb1: {  	_ =	task.clear_ibuf [dreg:s7], $0x5FFFF;
	_ =	strace $0x90000046  }
0xb2: {  	s29 =	simm.s32 $0x9;
	_ =	strace $0x80000048  }
0xb3: {  	_ =	swait.ge [sflag:s29], $0x1  }
0xb4: {  	[sflag:s29] =	ssyncadd.s32 $0xFFFFFFFF  }
0xb5: {  	_ =	strace $0x90000048  }
0xb6: {  	_ =	sfence  }
0xb7: {  	s30 =	sld [smem:$0x0];
	_ =	sdelay $0x2  }
0xb8: {  	s31 =	sshll.u32 s1, $0xD;
	s1 =	sshrl.u32 s1, $0x2  }
0xb9: {  	s3 =	sand.u32 $0x4000, s31;
	s1 =	sadd.s32 s1, s30  }
0xba: {  	s0 =	sor.u32 s3, s0;
	s1 =	sshll.u32 s1, $0x11  }
0xbb: {  	s0 =	sor.u32 s1, s0  }
0xbc: {  	s0 =	sadd.s32 $0x8F2B, s0  }
0xbd: {  	[sflag:s0] =	ssyncadd.remote.s32 $0x1  }
0xbe: {  	_ =	sfence.sel $0xFFFF  }
0xbf: {  	[dreg:$0x0] =	wrdreg $0xFFFFFFFF;
	(pc) =	sbr.abs _section_cstart, $3  }
0xc0: {  	[dreg:$0x1] =	wrdreg $0xFFFFFFFF  }
0xc1: {  	_ =	task.clear_ibuf [dreg:s7], $0x2FFFF;
	_ =	strace $0x9FFFFFFF  }
0xc2: {  	(tm) =	ssettm $0x7FFFFFFF  }
0xc3: {  	_ =	shalt  }
tec
execute0_lowered:
.L_overlay_start_1:
0x0: {  	(tag) =	ssettag $0x1  }
0x1: {  	v0 =	vlaneseq.u32  }
0x2: {  	v0 =	vmul.u32 $0x18, v0;
	_ =	sdelay $0x1  }
0x3: {  	v1 =	vadd.s32 $0x180, v0;
	v11 =	vadd.s32 $0x481, v0;
	v12 =	vor.u32 $0x601, v0  }
0x4: {  	v13 =	vadd.s32 $0x781, v0;
	v14 =	vadd.s32 $0x901, v0;
	v15 =	vadd.s32 $0xA81, v0  }
0x5: {  	v16 =	vor.u32 $0x2, v0;
	v17 =	vadd.s32 $0x182, v0;
	v18 =	vadd.s32 $0x302, v0  }
0x6: {  	v19 =	vadd.s32 $0x482, v0;
	v20 =	vor.u32 $0x602, v0;
	v21 =	vadd.s32 $0x782, v0  }
0x7: {  	v22 =	vadd.s32 $0x902, v0;
	v23 =	vadd.s32 $0xA82, v0;
	v24 =	vor.u32 $0x3, v0  }
0x8: {  	v25 =	vadd.s32 $0x183, v0;
	v26 =	vadd.s32 $0x303, v0;
	v27 =	vadd.s32 $0x483, v0  }
0x9: {  	s0 =	rddreg [dreg:$0x0];
	s1 =	srdreg.scid;
	v28 =	vor.u32 $0x603, v0;
	v29 =	vadd.s32 $0x783, v0;
	v30 =	vadd.s32 $0x903, v0  }
0xa: {  	s2 =	stileid.u32;
	s31 =	simm.s32 $0xB600;
	s9 =	simm.s32 $0x1200;
	v31 =	vadd.s32 $0xA83, v0;
	v32 =	vor.u32 $0x4, v0;
	v33 =	vadd.s32 $0x184, v0  }
0xb: {  	s10 =	simm.s32 $0xD600;
	s11 =	simm.s32 $0x1280;
	s12 =	simm.s32 $0xE600;
	v34 =	vadd.s32 $0x304, v0;
	v35 =	vadd.s32 $0x484, v0;
	v36 =	vor.u32 $0x604, v0  }
0xc: {  	s13 =	simm.s32 $0x1300;
	s14 =	simm.s32 $0xF600;
	s15 =	simm.s32 $0x1380;
	v37 =	vadd.s32 $0x784, v0;
	v38 =	vadd.s32 $0x904, v0;
	v39 =	vadd.s32 $0xA84, v0  }
0xd: {  	s16 =	simm.s32 $0x10600;
	s17 =	simm.s32 $0x1400;
	s18 =	simm.s32 $0x11600;
	v40 =	vor.u32 $0x5, v0;
	v41 =	vadd.s32 $0x185, v0;
	v42 =	vadd.s32 $0x305, v0  }
0xe: {  	s4 =	rddreg [dreg:$0x1];
	s19 =	simm.s32 $0x1480;
	s20 =	simm.s32 $0x12600;
	v43 =	vadd.s32 $0x485, v0;
	v44 =	vor.u32 $0x605, v0;
	[tilespmem:$0x1FF60] =	vst v1;
	v1 =	vadd.s32 $0x300, v0  }
0xf: {  	s8 =	simm.s32 $0x80;
	s21 =	simm.s32 $0x1500;
	s22 =	simm.s32 $0x13600;
	v45 =	vadd.s32 $0x785, v0;
	v46 =	vadd.s32 $0x905, v0;
	[tilespmem:$0x1FF70] =	vst v1;
	v1 =	vadd.s32 $0x480, v0  }
0x10: {  	s23 =	simm.s32 $0x1580;
	s1 =	sand.u32 $0x1, s1;
	s3 =	sshll.u32 s2, $0x1;
	v47 =	vadd.s32 $0xA85, v0;
	v49 =	vadd.s32 $0x186, v0;
	[tilespmem:$0x1FF80] =	vst v1;
	v1 =	vor.u32 $0x600, v0  }
0x11: {  	s24 =	simm.s32 $0x14600;
	s25 =	simm.s32 $0x1;
	s3 =	sor.u32 s1, s3;
	v50 =	vadd.s32 $0x306, v0;
	v51 =	vadd.s32 $0x486, v0;
	[tilespmem:$0x1FF90] =	vst v1;
	v1 =	vadd.s32 $0x780, v0  }
0x12: {  	s26 =	simm.s32 $0x15600;
	s28 =	simm.s32 $0x0;
	s5 =	smul.u32 $0x50, s3;
	v52 =	vor.u32 $0x606, v0;
	v53 =	vadd.s32 $0x786, v0;
	[tilespmem:$0x1FFA0] =	vst v1;
	v1 =	vadd.s32 $0x900, v0  }
0x13: {  	s2 =	simm.s32 $0x0;
	s1 =	ssub.s32 $0x2, s1;
	s7 =	smul.u32 $0x180, s3;
	v54 =	vadd.s32 $0x906, v0;
	v55 =	vadd.s32 $0xA86, v0;
	[tilespmem:$0x1FFB0] =	vst v1;
	v1 =	vadd.s32 $0xA80, v0  }
0x14: {  	[smem:$0x7FF] =	sst s2;
	s6 =	sshrl.u32 s1, $0x1;
	s3 =	sadd.s32 $0x187400, s4;
	v57 =	vadd.s32 $0x187, v0;
	v58 =	vadd.s32 $0x307, v0;
	[tilespmem:$0x1FFC0] =	vst v1;
	v1 =	vor.u32 $0x1, v0  }
0x15: {  	v59 =	vadd.s32 $0x487, v0;
	v60 =	vor.u32 $0x607, v0;
	s1 =	ssub.s32 s1, s6;
	s5 =	sadd.s32 s5, s4;
	s4 =	sadd.s32 s0, s7;
	[tilespmem:$0x1FFD0] =	vst v1;
	v1 =	vadd.s32 $0x181, v0  }
0x16: {  	v61 =	vadd.s32 $0x787, v0;
	v62 =	vadd.s32 $0x907, v0;
	s6 =	smax.u32 s1, $0x1;
	s7 =	simm.s32 $0x2;
	s1 =	simm.s32 $0x1180;
	[tilespmem:$0x1FFE0] =	vst v1;
	v1 =	vadd.s32 $0x301, v0  }
0x17: {  	v48 =	vor.u32 $0x6, v0;
	v56 =	vor.u32 $0x7, v0;
	v63 =	vadd.s32 $0xA87, v0;
	s0 =	simm.s32 $0xC600;
	s5 =	sadd.s32 $0xA00, s5;
	_ =	strace $0x80000047;
	[tilespmem:$0x1FFF0] =	vst v1  }
.LBB2_1:
0x18: {  	[tilespmem:s2], [sflag:$0x2] =	stream.linear.gather [hbm4b:s4+s2], $0xC00, $0x38;
	[tilespmem:$0x15880] =	vst v63  }
0x19: {  	_ =	swait.ge [sflag:s7], $0xC00  }
0x1a: {  	[sflag:s7] =	ssyncset.done $0x0  }
0x1b: {  	[sflag:s7] =	ssyncadd.s32 $0xFFFFF400  }
0x1c: {  	v1 =	vld.idx.msk [tilespmem:v0+s2+$0x0], $0xffff;
	_ =	sdelay $0x4  }
0x1d: {  	[tilespmem:$0xC00] =	vst v1;
	v1 =	vld [tilespmem:$0x1FF60];
	_ =	sdelay $0x7  }
0x1e: {  	v1 =	vld.idx.msk [tilespmem:v1+s2+$0x0], $0xffff;
	_ =	sdelay $0x4  }
0x1f: {  	[tilespmem:$0xC10] =	vst v1;
	v1 =	vld [tilespmem:$0x1FF70];
	_ =	sdelay $0x7  }
0x20: {  	v1 =	vld.idx.msk [tilespmem:v1+s2+$0x0], $0xffff;
	_ =	sdelay $0x4  }
0x21: {  	[tilespmem:$0xC20] =	vst v1;
	v1 =	vld [tilespmem:$0x1FF80];
	_ =	sdelay $0x7  }
0x22: {  	v1 =	vld.idx.msk [tilespmem:v1+s2+$0x0], $0xffff;
	_ =	sdelay $0x4  }
0x23: {  	[tilespmem:$0xC30] =	vst v1;
	v1 =	vld [tilespmem:$0x1FF90];
	_ =	sdelay $0x7  }
0x24: {  	v1 =	vld.idx.msk [tilespmem:v1+s2+$0x0], $0xffff;
	_ =	sdelay $0x4  }
0x25: {  	[tilespmem:$0xC40] =	vst v1;
	v1 =	vld [tilespmem:$0x1FFA0];
	_ =	sdelay $0x7  }
0x26: {  	v1 =	vld.idx.msk [tilespmem:v1+s2+$0x0], $0xffff;
	_ =	sdelay $0x4  }
0x27: {  	[tilespmem:$0xC50] =	vst v1;
	v1 =	vld [tilespmem:$0x1FFB0];
	_ =	sdelay $0x7  }
0x28: {  	v1 =	vld.idx.msk [tilespmem:v1+s2+$0x0], $0xffff;
	_ =	sdelay $0x4  }
0x29: {  	[tilespmem:$0xC60] =	vst v1;
	v1 =	vld [tilespmem:$0x1FFC0];
	_ =	sdelay $0x7  }
0x2a: {  	v1 =	vld.idx.msk [tilespmem:v1+s2+$0x0], $0xffff;
	_ =	sdelay $0x4  }
0x2b: {  	[tilespmem:$0xC70] =	vst v1;
	v1 =	vld [tilespmem:$0x1FFD0];
	_ =	sdelay $0x5  }
0x2c: {  	s29 =	simm.s32 $0xC00;
	s30 =	simm.s32 $0x1600  }
0x2d: {  	[tilespmem:s30], [sflag:$0x1] =	stream.indirect.gather [hbm4b:s3+s8], $0x20, s29, s8, $0xb8;
	[tilespmem:$0x15880] =	vst v63  }
0x2e: {  	v1 =	vld.idx.msk [tilespmem:v1+s2+$0x0], $0xffff;
	_ =	sdelay $0x4  }
0x2f: {  	[tilespmem:$0xC80] =	vst v1;
	v1 =	vld [tilespmem:$0x1FFE0];
	_ =	sdelay $0x7  }
0x30: {  	v1 =	vld.idx.msk [tilespmem:v1+s2+$0x0], $0xffff;
	_ =	sdelay $0x4  }
0x31: {  	[tilespmem:$0xC90] =	vst v1;
	v1 =	vld [tilespmem:$0x1FFF0];
	_ =	sdelay $0x7  }
0x32: {  	v1 =	vld.idx.msk [tilespmem:v1+s2+$0x0], $0xffff;
	_ =	sdelay $0x4  }
0x33: {  	[tilespmem:$0xCA0] =	vst v1  }
0x34: {  	v1 =	vld.idx.msk [tilespmem:v11+s2+$0x0], $0xffff;
	_ =	sdelay $0x4  }
0x35: {  	[tilespmem:$0xCB0] =	vst v1  }
0x36: {  	v1 =	vld.idx.msk [tilespmem:v12+s2+$0x0], $0xffff;
	_ =	sdelay $0x4  }
0x37: {  	[tilespmem:$0xCC0] =	vst v1  }
0x38: {  	v1 =	vld.idx.msk [tilespmem:v13+s2+$0x0], $0xffff;
	_ =	sdelay $0x4  }
0x39: {  	[tilespmem:$0xCD0] =	vst v1  }
0x3a: {  	v1 =	vld.idx.msk [tilespmem:v14+s2+$0x0], $0xffff;
	_ =	sdelay $0x4  }
0x3b: {  	[tilespmem:$0xCE0] =	vst v1  }
0x3c: {  	v1 =	vld.idx.msk [tilespmem:v15+s2+$0x0], $0xffff;
	_ =	sdelay $0x4  }
0x3d: {  	s29 =	simm.s32 $0xC80;
	s30 =	simm.s32 $0x2600;
	[tilespmem:$0xCF0] =	vst v1  }
0x3e: {  	[tilespmem:s30], [sflag:$0x1] =	stream.indirect.gather [hbm4b:s3+s8], $0x20, s29, s8, $0xb8;
	[tilespmem:$0x15880] =	vst v63  }
0x3f: {  	v1 =	vld.idx.msk [tilespmem:v16+s2+$0x0], $0xffff;
	_ =	sdelay $0x4  }
0x40: {  	[tilespmem:$0xD00] =	vst v1  }
0x41: {  	v1 =	vld.idx.msk [tilespmem:v17+s2+$0x0], $0xffff;
	_ =	sdelay $0x4  }
0x42: {  	[tilespmem:$0xD10] =	vst v1  }
0x43: {  	v1 =	vld.idx.msk [tilespmem:v18+s2+$0x0], $0xffff;
	_ =	sdelay $0x4  }
0x44: {  	[tilespmem:$0xD20] =	vst v1  }
0x45: {  	v1 =	vld.idx.msk [tilespmem:v19+s2+$0x0], $0xffff;
	_ =	sdelay $0x4  }
0x46: {  	[tilespmem:$0xD30] =	vst v1  }
0x47: {  	v1 =	vld.idx.msk [tilespmem:v20+s2+$0x0], $0xffff;
	_ =	sdelay $0x4  }
0x48: {  	[tilespmem:$0xD40] =	vst v1  }
0x49: {  	v1 =	vld.idx.msk [tilespmem:v21+s2+$0x0], $0xffff;
	_ =	sdelay $0x4  }
0x4a: {  	[tilespmem:$0xD50] =	vst v1  }
0x4b: {  	v1 =	vld.idx.msk [tilespmem:v22+s2+$0x0], $0xffff;
	_ =	sdelay $0x4  }
0x4c: {  	[tilespmem:$0xD60] =	vst v1  }
0x4d: {  	v1 =	vld.idx.msk [tilespmem:v23+s2+$0x0], $0xffff;
	_ =	sdelay $0x4  }
0x4e: {  	s29 =	simm.s32 $0xD00;
	s30 =	simm.s32 $0x3600;
	[tilespmem:$0xD70] =	vst v1  }
0x4f: {  	[tilespmem:s30], [sflag:$0x1] =	stream.indirect.gather [hbm4b:s3+s8], $0x20, s29, s8, $0xb8;
	[tilespmem:$0x15880] =	vst v63  }
0x50: {  	v1 =	vld.idx.msk [tilespmem:v24+s2+$0x0], $0xffff;
	_ =	sdelay $0x4  }
0x51: {  	[tilespmem:$0xD80] =	vst v1  }
0x52: {  	v1 =	vld.idx.msk [tilespmem:v25+s2+$0x0], $0xffff;
	_ =	sdelay $0x4  }
0x53: {  	[tilespmem:$0xD90] =	vst v1  }
0x54: {  	v1 =	vld.idx.msk [tilespmem:v26+s2+$0x0], $0xffff;
	_ =	sdelay $0x4  }
0x55: {  	[tilespmem:$0xDA0] =	vst v1  }
0x56: {  	v1 =	vld.idx.msk [tilespmem:v27+s2+$0x0], $0xffff;
	_ =	sdelay $0x4  }
0x57: {  	[tilespmem:$0xDB0] =	vst v1  }
0x58: {  	v1 =	vld.idx.msk [tilespmem:v28+s2+$0x0], $0xffff;
	_ =	sdelay $0x4  }
0x59: {  	[tilespmem:$0xDC0] =	vst v1  }
0x5a: {  	v1 =	vld.idx.msk [tilespmem:v29+s2+$0x0], $0xffff;
	_ =	sdelay $0x4  }
0x5b: {  	[tilespmem:$0xDD0] =	vst v1  }
0x5c: {  	v1 =	vld.idx.msk [tilespmem:v30+s2+$0x0], $0xffff;
	_ =	sdelay $0x4  }
0x5d: {  	[tilespmem:$0xDE0] =	vst v1  }
0x5e: {  	v1 =	vld.idx.msk [tilespmem:v31+s2+$0x0], $0xffff;
	_ =	sdelay $0x4  }
0x5f: {  	s29 =	simm.s32 $0xD80;
	s30 =	simm.s32 $0x4600;
	[tilespmem:$0xDF0] =	vst v1  }
0x60: {  	[tilespmem:s30], [sflag:$0x1] =	stream.indirect.gather [hbm4b:s3+s8], $0x20, s29, s8, $0xb8;
	[tilespmem:$0x15880] =	vst v63  }
0x61: {  	v1 =	vld.idx.msk [tilespmem:v32+s2+$0x0], $0xffff;
	_ =	sdelay $0x4  }
0x62: {  	[tilespmem:$0xE00] =	vst v1  }
0x63: {  	v1 =	vld.idx.msk [tilespmem:v33+s2+$0x0], $0xffff;
	_ =	sdelay $0x4  }
0x64: {  	[tilespmem:$0xE10] =	vst v1  }
0x65: {  	v1 =	vld.idx.msk [tilespmem:v34+s2+$0x0], $0xffff;
	_ =	sdelay $0x4  }
0x66: {  	[tilespmem:$0xE20] =	vst v1  }
0x67: {  	v1 =	vld.idx.msk [tilespmem:v35+s2+$0x0], $0xffff;
	_ =	sdelay $0x4  }
0x68: {  	[tilespmem:$0xE30] =	vst v1  }
0x69: {  	v1 =	vld.idx.msk [tilespmem:v36+s2+$0x0], $0xffff;
	_ =	sdelay $0x4  }
0x6a: {  	[tilespmem:$0xE40] =	vst v1  }
0x6b: {  	v1 =	vld.idx.msk [tilespmem:v37+s2+$0x0], $0xffff;
	_ =	sdelay $0x4  }
0x6c: {  	[tilespmem:$0xE50] =	vst v1  }
0x6d: {  	v1 =	vld.idx.msk [tilespmem:v38+s2+$0x0], $0xffff;
	_ =	sdelay $0x4  }
0x6e: {  	[tilespmem:$0xE60] =	vst v1  }
0x6f: {  	v1 =	vld.idx.msk [tilespmem:v39+s2+$0x0], $0xffff;
	_ =	sdelay $0x4  }
0x70: {  	s29 =	simm.s32 $0xE00;
	s30 =	simm.s32 $0x5600;
	[tilespmem:$0xE70] =	vst v1  }
0x71: {  	[tilespmem:s30], [sflag:$0x1] =	stream.indirect.gather [hbm4b:s3+s8], $0x20, s29, s8, $0xb8;
	[tilespmem:$0x15880] =	vst v63  }
0x72: {  	v1 =	vld.idx.msk [tilespmem:v40+s2+$0x0], $0xffff;
	_ =	sdelay $0x4  }
0x73: {  	[tilespmem:$0xE80] =	vst v1  }
0x74: {  	v1 =	vld.idx.msk [tilespmem:v41+s2+$0x0], $0xffff;
	_ =	sdelay $0x4  }
0x75: {  	[tilespmem:$0xE90] =	vst v1  }
0x76: {  	v1 =	vld.idx.msk [tilespmem:v42+s2+$0x0], $0xffff;
	_ =	sdelay $0x4  }
0x77: {  	[tilespmem:$0xEA0] =	vst v1  }
0x78: {  	v1 =	vld.idx.msk [tilespmem:v43+s2+$0x0], $0xffff;
	_ =	sdelay $0x4  }
0x79: {  	[tilespmem:$0xEB0] =	vst v1  }
0x7a: {  	v1 =	vld.idx.msk [tilespmem:v44+s2+$0x0], $0xffff;
	_ =	sdelay $0x4  }
0x7b: {  	[tilespmem:$0xEC0] =	vst v1  }
0x7c: {  	v1 =	vld.idx.msk [tilespmem:v45+s2+$0x0], $0xffff;
	_ =	sdelay $0x4  }
0x7d: {  	[tilespmem:$0xED0] =	vst v1  }
0x7e: {  	v1 =	vld.idx.msk [tilespmem:v46+s2+$0x0], $0xffff;
	_ =	sdelay $0x4  }
0x7f: {  	[tilespmem:$0xEE0] =	vst v1  }
0x80: {  	v1 =	vld.idx.msk [tilespmem:v47+s2+$0x0], $0xffff;
	_ =	sdelay $0x4  }
0x81: {  	s29 =	simm.s32 $0xE80;
	s30 =	simm.s32 $0x6600;
	[tilespmem:$0xEF0] =	vst v1  }
0x82: {  	[tilespmem:s30], [sflag:$0x1] =	stream.indirect.gather [hbm4b:s3+s8], $0x20, s29, s8, $0xb8;
	[tilespmem:$0x15880] =	vst v63  }
0x83: {  	v1 =	vld.idx.msk [tilespmem:v48+s2+$0x0], $0xffff;
	_ =	sdelay $0x4  }
0x84: {  	[tilespmem:$0xF00] =	vst v1  }
0x85: {  	v1 =	vld.idx.msk [tilespmem:v49+s2+$0x0], $0xffff;
	_ =	sdelay $0x4  }
0x86: {  	[tilespmem:$0xF10] =	vst v1  }
0x87: {  	v1 =	vld.idx.msk [tilespmem:v50+s2+$0x0], $0xffff;
	_ =	sdelay $0x4  }
0x88: {  	[tilespmem:$0xF20] =	vst v1  }
0x89: {  	v1 =	vld.idx.msk [tilespmem:v51+s2+$0x0], $0xffff;
	_ =	sdelay $0x4  }
0x8a: {  	[tilespmem:$0xF30] =	vst v1  }
0x8b: {  	v1 =	vld.idx.msk [tilespmem:v52+s2+$0x0], $0xffff;
	_ =	sdelay $0x4  }
0x8c: {  	[tilespmem:$0xF40] =	vst v1  }
0x8d: {  	v1 =	vld.idx.msk [tilespmem:v53+s2+$0x0], $0xffff;
	_ =	sdelay $0x4  }
0x8e: {  	[tilespmem:$0xF50] =	vst v1  }
0x8f: {  	v1 =	vld.idx.msk [tilespmem:v54+s2+$0x0], $0xffff;
	_ =	sdelay $0x4  }
0x90: {  	[tilespmem:$0xF60] =	vst v1  }
0x91: {  	v1 =	vld.idx.msk [tilespmem:v55+s2+$0x0], $0xffff;
	_ =	sdelay $0x4  }
0x92: {  	s29 =	simm.s32 $0xF00;
	s30 =	simm.s32 $0x7600;
	[tilespmem:$0xF70] =	vst v1  }
0x93: {  	[tilespmem:s30], [sflag:$0x1] =	stream.indirect.gather [hbm4b:s3+s8], $0x20, s29, s8, $0xb8;
	[tilespmem:$0x15880] =	vst v63  }
0x94: {  	v1 =	vld.idx.msk [tilespmem:v56+s2+$0x0], $0xffff;
	_ =	sdelay $0x4  }
0x95: {  	[tilespmem:$0xF80] =	vst v1  }
0x96: {  	v1 =	vld.idx.msk [tilespmem:v57+s2+$0x0], $0xffff;
	_ =	sdelay $0x4  }
0x97: {  	[tilespmem:$0xF90] =	vst v1  }
0x98: {  	v1 =	vld.idx.msk [tilespmem:v58+s2+$0x0], $0xffff;
	_ =	sdelay $0x4  }
0x99: {  	[tilespmem:$0xFA0] =	vst v1  }
0x9a: {  	v1 =	vld.idx.msk [tilespmem:v59+s2+$0x0], $0xffff;
	_ =	sdelay $0x4  }
0x9b: {  	[tilespmem:$0xFB0] =	vst v1  }
0x9c: {  	v1 =	vld.idx.msk [tilespmem:v60+s2+$0x0], $0xffff;
	_ =	sdelay $0x4  }
0x9d: {  	[tilespmem:$0xFC0] =	vst v1  }
0x9e: {  	v1 =	vld.idx.msk [tilespmem:v61+s2+$0x0], $0xffff;
	_ =	sdelay $0x4  }
0x9f: {  	[tilespmem:$0xFD0] =	vst v1  }
0xa0: {  	v1 =	vld.idx.msk [tilespmem:v62+s2+$0x0], $0xffff;
	_ =	sdelay $0x4  }
0xa1: {  	[tilespmem:$0xFE0] =	vst v1  }
0xa2: {  	v1 =	vld.idx.msk [tilespmem:v63+s2+$0x0], $0xffff;
	_ =	sdelay $0x1  }
0xa3: {  	v2 =	vadd.s32 $0x8, v0;
	_ =	sdelay $0x2  }
0xa4: {  	s29 =	simm.s32 $0xF80;
	s30 =	simm.s32 $0x8600;
	[tilespmem:$0xFF0] =	vst v1  }
0xa5: {  	[tilespmem:s30], [sflag:$0x1] =	stream.indirect.gather [hbm4b:s3+s8], $0x20, s29, s8, $0xb8;
	[tilespmem:$0x15880] =	vst v63  }
0xa6: {  	v1 =	vld.idx.msk [tilespmem:v2+s2+$0x0], $0xffff  }
0xa7: {  	v2 =	vadd.s32 $0x188, v0;
	_ =	sdelay $0x3  }
0xa8: {  	[tilespmem:$0x1000] =	vst v1  }
0xa9: {  	v1 =	vld.idx.msk [tilespmem:v2+s2+$0x0], $0xffff  }
0xaa: {  	v2 =	vadd.s32 $0x308, v0;
	_ =	sdelay $0x3  }
0xab: {  	[tilespmem:$0x1010] =	vst v1  }
0xac: {  	v1 =	vld.idx.msk [tilespmem:v2+s2+$0x0], $0xffff  }
0xad: {  	v2 =	vadd.s32 $0x488, v0;
	_ =	sdelay $0x3  }
0xae: {  	[tilespmem:$0x1020] =	vst v1  }
0xaf: {  	v1 =	vld.idx.msk [tilespmem:v2+s2+$0x0], $0xffff  }
0xb0: {  	v2 =	vadd.s32 $0x608, v0;
	_ =	sdelay $0x3  }
0xb1: {  	[tilespmem:$0x1030] =	vst v1  }
0xb2: {  	v1 =	vld.idx.msk [tilespmem:v2+s2+$0x0], $0xffff  }
0xb3: {  	v2 =	vadd.s32 $0x788, v0;
	_ =	sdelay $0x3  }
0xb4: {  	[tilespmem:$0x1040] =	vst v1  }
0xb5: {  	v1 =	vld.idx.msk [tilespmem:v2+s2+$0x0], $0xffff  }
0xb6: {  	v2 =	vadd.s32 $0x908, v0;
	_ =	sdelay $0x3  }
0xb7: {  	[tilespmem:$0x1050] =	vst v1  }
0xb8: {  	v1 =	vld.idx.msk [tilespmem:v2+s2+$0x0], $0xffff  }
0xb9: {  	v2 =	vadd.s32 $0xA88, v0;
	_ =	sdelay $0x3  }
0xba: {  	[tilespmem:$0x1060] =	vst v1  }
0xbb: {  	v1 =	vld.idx.msk [tilespmem:v2+s2+$0x0], $0xffff;
	_ =	sdelay $0x1  }
0xbc: {  	v2 =	vadd.s32 $0x9, v0;
	_ =	sdelay $0x2  }
0xbd: {  	s29 =	simm.s32 $0x1000;
	s30 =	simm.s32 $0x9600;
	[tilespmem:$0x1070] =	vst v1  }
0xbe: {  	[tilespmem:s30], [sflag:$0x1] =	stream.indirect.gather [hbm4b:s3+s8], $0x20, s29, s8, $0xb8;
	[tilespmem:$0x15880] =	vst v63  }
0xbf: {  	v1 =	vld.idx.msk [tilespmem:v2+s2+$0x0], $0xffff  }
0xc0: {  	v2 =	vadd.s32 $0x189, v0;
	_ =	sdelay $0x3  }
0xc1: {  	[tilespmem:$0x1080] =	vst v1  }
0xc2: {  	v1 =	vld.idx.msk [tilespmem:v2+s2+$0x0], $0xffff  }
0xc3: {  	v2 =	vadd.s32 $0x309, v0;
	_ =	sdelay $0x3  }
0xc4: {  	[tilespmem:$0x1090] =	vst v1  }
0xc5: {  	v1 =	vld.idx.msk [tilespmem:v2+s2+$0x0], $0xffff  }
0xc6: {  	v2 =	vadd.s32 $0x489, v0;
	_ =	sdelay $0x3  }
0xc7: {  	[tilespmem:$0x10A0] =	vst v1  }
0xc8: {  	v1 =	vld.idx.msk [tilespmem:v2+s2+$0x0], $0xffff  }
0xc9: {  	v2 =	vadd.s32 $0x609, v0;
	_ =	sdelay $0x3  }
0xca: {  	[tilespmem:$0x10B0] =	vst v1  }
0xcb: {  	v1 =	vld.idx.msk [tilespmem:v2+s2+$0x0], $0xffff  }
0xcc: {  	v2 =	vadd.s32 $0x789, v0;
	_ =	sdelay $0x3  }
0xcd: {  	[tilespmem:$0x10C0] =	vst v1  }
0xce: {  	v1 =	vld.idx.msk [tilespmem:v2+s2+$0x0], $0xffff  }
0xcf: {  	v2 =	vadd.s32 $0x909, v0;
	_ =	sdelay $0x3  }
0xd0: {  	[tilespmem:$0x10D0] =	vst v1  }
0xd1: {  	v1 =	vld.idx.msk [tilespmem:v2+s2+$0x0], $0xffff  }
0xd2: {  	v2 =	vadd.s32 $0xA89, v0;
	_ =	sdelay $0x3  }
0xd3: {  	[tilespmem:$0x10E0] =	vst v1  }
0xd4: {  	v1 =	vld.idx.msk [tilespmem:v2+s2+$0x0], $0xffff;
	_ =	sdelay $0x1  }
0xd5: {  	v2 =	vadd.s32 $0xA, v0;
	_ =	sdelay $0x2  }
0xd6: {  	s29 =	simm.s32 $0x1080;
	s30 =	simm.s32 $0xA600;
	[tilespmem:$0x10F0] =	vst v1  }
0xd7: {  	[tilespmem:s30], [sflag:$0x1] =	stream.indirect.gather [hbm4b:s3+s8], $0x20, s29, s8, $0xb8;
	[tilespmem:$0x15880] =	vst v63  }
0xd8: {  	v1 =	vld.idx.msk [tilespmem:v2+s2+$0x0], $0xffff  }
0xd9: {  	v2 =	vadd.s32 $0x18A, v0;
	_ =	sdelay $0x3  }
0xda: {  	[tilespmem:$0x1100] =	vst v1  }
0xdb: {  	v1 =	vld.idx.msk [tilespmem:v2+s2+$0x0], $0xffff  }
0xdc: {  	v2 =	vadd.s32 $0x30A, v0;
	_ =	sdelay $0x3  }
0xdd: {  	[tilespmem:$0x1110] =	vst v1  }
0xde: {  	v1 =	vld.idx.msk [tilespmem:v2+s2+$0x0], $0xffff  }
0xdf: {  	v2 =	vadd.s32 $0x48A, v0;
	_ =	sdelay $0x3  }
0xe0: {  	[tilespmem:$0x1120] =	vst v1  }
0xe1: {  	v1 =	vld.idx.msk [tilespmem:v2+s2+$0x0], $0xffff  }
0xe2: {  	v2 =	vadd.s32 $0x60A, v0;
	_ =	sdelay $0x3  }
0xe3: {  	[tilespmem:$0x1130] =	vst v1  }
0xe4: {  	v1 =	vld.idx.msk [tilespmem:v2+s2+$0x0], $0xffff  }
0xe5: {  	v2 =	vadd.s32 $0x78A, v0;
	_ =	sdelay $0x3  }
0xe6: {  	[tilespmem:$0x1140] =	vst v1  }
0xe7: {  	v1 =	vld.idx.msk [tilespmem:v2+s2+$0x0], $0xffff  }
0xe8: {  	v2 =	vadd.s32 $0x90A, v0;
	_ =	sdelay $0x3  }
0xe9: {  	[tilespmem:$0x1150] =	vst v1  }
0xea: {  	v1 =	vld.idx.msk [tilespmem:v2+s2+$0x0], $0xffff  }
0xeb: {  	v2 =	vadd.s32 $0xA8A, v0;
	_ =	sdelay $0x3  }
0xec: {  	[tilespmem:$0x1160] =	vst v1  }
0xed: {  	v1 =	vld.idx.msk [tilespmem:v2+s2+$0x0], $0xffff;
	_ =	sdelay $0x1  }
0xee: {  	v2 =	vadd.s32 $0xB, v0;
	_ =	sdelay $0x2  }
0xef: {  	s29 =	simm.s32 $0x1100;
	[tilespmem:$0x1170] =	vst v1  }
0xf0: {  	[tilespmem:s31], [sflag:$0x1] =	stream.indirect.gather [hbm4b:s3+s8], $0x20, s29, s8, $0xb8;
	[tilespmem:$0x15880] =	vst v63  }
0xf1: {  	v1 =	vld.idx.msk [tilespmem:v2+s2+$0x0], $0xffff  }
0xf2: {  	v2 =	vadd.s32 $0x18B, v0;
	_ =	sdelay $0x3  }
0xf3: {  	[tilespmem:$0x1180] =	vst v1  }
0xf4: {  	v1 =	vld.idx.msk [tilespmem:v2+s2+$0x0], $0xffff  }
0xf5: {  	v2 =	vadd.s32 $0x30B, v0;
	_ =	sdelay $0x3  }
0xf6: {  	[tilespmem:$0x1190] =	vst v1  }
0xf7: {  	v1 =	vld.idx.msk [tilespmem:v2+s2+$0x0], $0xffff  }
0xf8: {  	v2 =	vadd.s32 $0x48B, v0;
	_ =	sdelay $0x3  }
0xf9: {  	[tilespmem:$0x11A0] =	vst v1  }
0xfa: {  	v1 =	vld.idx.msk [tilespmem:v2+s2+$0x0], $0xffff  }
0xfb: {  	v2 =	vadd.s32 $0x60B, v0;
	_ =	sdelay $0x3  }
0xfc: {  	[tilespmem:$0x11B0] =	vst v1  }
0xfd: {  	v1 =	vld.idx.msk [tilespmem:v2+s2+$0x0], $0xffff  }
0xfe: {  	v2 =	vadd.s32 $0x78B, v0;
	_ =	sdelay $0x3  }
0xff: {  	[tilespmem:$0x11C0] =	vst v1  }
0x100: {  	v1 =	vld.idx.msk [tilespmem:v2+s2+$0x0], $0xffff  }
0x101: {  	v2 =	vadd.s32 $0x90B, v0;
	_ =	sdelay $0x3  }
0x102: {  	[tilespmem:$0x11D0] =	vst v1  }
0x103: {  	v1 =	vld.idx.msk [tilespmem:v2+s2+$0x0], $0xffff  }
0x104: {  	v2 =	vadd.s32 $0xA8B, v0;
	_ =	sdelay $0x3  }
0x105: {  	[tilespmem:$0x11E0] =	vst v1  }
0x106: {  	v1 =	vld.idx.msk [tilespmem:v2+s2+$0x0], $0xffff;
	_ =	sdelay $0x1  }
0x107: {  	v2 =	vadd.s32 $0xC, v0;
	_ =	sdelay $0x2  }
0x108: {  	[tilespmem:$0x11F0] =	vst v1  }
0x109: {  	[tilespmem:s0], [sflag:$0x1] =	stream.indirect.gather [hbm4b:s3+s8], $0x20, s1, s8, $0xb8;
	[tilespmem:$0x15880] =	vst v63  }
0x10a: {  	v1 =	vld.idx.msk [tilespmem:v2+s2+$0x0], $0xffff  }
0x10b: {  	v2 =	vadd.s32 $0x18C, v0;
	_ =	sdelay $0x3  }
0x10c: {  	[tilespmem:$0x1200] =	vst v1  }
0x10d: {  	v1 =	vld.idx.msk [tilespmem:v2+s2+$0x0], $0xffff  }
0x10e: {  	v2 =	vadd.s32 $0x30C, v0;
	_ =	sdelay $0x3  }
0x10f: {  	[tilespmem:$0x1210] =	vst v1  }
0x110: {  	v1 =	vld.idx.msk [tilespmem:v2+s2+$0x0], $0xffff  }
0x111: {  	v2 =	vadd.s32 $0x48C, v0;
	_ =	sdelay $0x3  }
0x112: {  	[tilespmem:$0x1220] =	vst v1  }
0x113: {  	v1 =	vld.idx.msk [tilespmem:v2+s2+$0x0], $0xffff  }
0x114: {  	v2 =	vadd.s32 $0x60C, v0;
	_ =	sdelay $0x3  }
0x115: {  	[tilespmem:$0x1230] =	vst v1  }
0x116: {  	v1 =	vld.idx.msk [tilespmem:v2+s2+$0x0], $0xffff  }
0x117: {  	v2 =	vadd.s32 $0x78C, v0;
	_ =	sdelay $0x3  }
0x118: {  	[tilespmem:$0x1240] =	vst v1  }
0x119: {  	v1 =	vld.idx.msk [tilespmem:v2+s2+$0x0], $0xffff  }
0x11a: {  	v2 =	vadd.s32 $0x90C, v0;
	_ =	sdelay $0x3  }
0x11b: {  	[tilespmem:$0x1250] =	vst v1  }
0x11c: {  	v1 =	vld.idx.msk [tilespmem:v2+s2+$0x0], $0xffff  }
0x11d: {  	v2 =	vadd.s32 $0xA8C, v0;
	_ =	sdelay $0x3  }
0x11e: {  	[tilespmem:$0x1260] =	vst v1  }
0x11f: {  	v1 =	vld.idx.msk [tilespmem:v2+s2+$0x0], $0xffff;
	_ =	sdelay $0x1  }
0x120: {  	v2 =	vadd.s32 $0xD, v0;
	_ =	sdelay $0x2  }
0x121: {  	[tilespmem:$0x1270] =	vst v1  }
0x122: {  	[tilespmem:s10], [sflag:$0x1] =	stream.indirect.gather [hbm4b:s3+s8], $0x20, s9, s8, $0xb8;
	[tilespmem:$0x15880] =	vst v63  }
0x123: {  	v1 =	vld.idx.msk [tilespmem:v2+s2+$0x0], $0xffff  }
0x124: {  	v2 =	vadd.s32 $0x18D, v0;
	_ =	sdelay $0x3  }
0x125: {  	[tilespmem:$0x1280] =	vst v1  }
0x126: {  	v1 =	vld.idx.msk [tilespmem:v2+s2+$0x0], $0xffff  }
0x127: {  	v2 =	vadd.s32 $0x30D, v0;
	_ =	sdelay $0x3  }
0x128: {  	[tilespmem:$0x1290] =	vst v1  }
0x129: {  	v1 =	vld.idx.msk [tilespmem:v2+s2+$0x0], $0xffff  }
0x12a: {  	v2 =	vadd.s32 $0x48D, v0;
	_ =	sdelay $0x3  }
0x12b: {  	[tilespmem:$0x12A0] =	vst v1  }
0x12c: {  	v1 =	vld.idx.msk [tilespmem:v2+s2+$0x0], $0xffff  }
0x12d: {  	v2 =	vadd.s32 $0x60D, v0;
	_ =	sdelay $0x3  }
0x12e: {  	[tilespmem:$0x12B0] =	vst v1  }
0x12f: {  	v1 =	vld.idx.msk [tilespmem:v2+s2+$0x0], $0xffff  }
0x130: {  	v2 =	vadd.s32 $0x78D, v0;
	_ =	sdelay $0x3  }
0x131: {  	[tilespmem:$0x12C0] =	vst v1  }
0x132: {  	v1 =	vld.idx.msk [tilespmem:v2+s2+$0x0], $0xffff  }
0x133: {  	v2 =	vadd.s32 $0x90D, v0;
	_ =	sdelay $0x3  }
0x134: {  	[tilespmem:$0x12D0] =	vst v1  }
0x135: {  	v1 =	vld.idx.msk [tilespmem:v2+s2+$0x0], $0xffff  }
0x136: {  	v2 =	vadd.s32 $0xA8D, v0;
	_ =	sdelay $0x3  }
0x137: {  	[tilespmem:$0x12E0] =	vst v1  }
0x138: {  	v1 =	vld.idx.msk [tilespmem:v2+s2+$0x0], $0xffff;
	_ =	sdelay $0x1  }
0x139: {  	v2 =	vadd.s32 $0xE, v0;
	_ =	sdelay $0x2  }
0x13a: {  	[tilespmem:$0x12F0] =	vst v1  }
0x13b: {  	[tilespmem:s12], [sflag:$0x1] =	stream.indirect.gather [hbm4b:s3+s8], $0x20, s11, s8, $0xb8;
	[tilespmem:$0x15880] =	vst v63  }
0x13c: {  	v1 =	vld.idx.msk [tilespmem:v2+s2+$0x0], $0xffff  }
0x13d: {  	v2 =	vadd.s32 $0x18E, v0;
	_ =	sdelay $0x3  }
0x13e: {  	[tilespmem:$0x1300] =	vst v1  }
0x13f: {  	v1 =	vld.idx.msk [tilespmem:v2+s2+$0x0], $0xffff  }
0x140: {  	v2 =	vadd.s32 $0x30E, v0;
	_ =	sdelay $0x3  }
0x141: {  	[tilespmem:$0x1310] =	vst v1  }
0x142: {  	v1 =	vld.idx.msk [tilespmem:v2+s2+$0x0], $0xffff  }
0x143: {  	v2 =	vadd.s32 $0x48E, v0;
	_ =	sdelay $0x3  }
0x144: {  	[tilespmem:$0x1320] =	vst v1  }
0x145: {  	v1 =	vld.idx.msk [tilespmem:v2+s2+$0x0], $0xffff  }
0x146: {  	v2 =	vadd.s32 $0x60E, v0;
	_ =	sdelay $0x3  }
0x147: {  	[tilespmem:$0x1330] =	vst v1  }
0x148: {  	v1 =	vld.idx.msk [tilespmem:v2+s2+$0x0], $0xffff  }
0x149: {  	v2 =	vadd.s32 $0x78E, v0;
	_ =	sdelay $0x3  }
0x14a: {  	[tilespmem:$0x1340] =	vst v1  }
0x14b: {  	v1 =	vld.idx.msk [tilespmem:v2+s2+$0x0], $0xffff  }
0x14c: {  	v2 =	vadd.s32 $0x90E, v0;
	_ =	sdelay $0x3  }
0x14d: {  	[tilespmem:$0x1350] =	vst v1  }
0x14e: {  	v1 =	vld.idx.msk [tilespmem:v2+s2+$0x0], $0xffff  }
0x14f: {  	v2 =	vadd.s32 $0xA8E, v0;
	_ =	sdelay $0x3  }
0x150: {  	[tilespmem:$0x1360] =	vst v1  }
0x151: {  	v1 =	vld.idx.msk [tilespmem:v2+s2+$0x0], $0xffff;
	_ =	sdelay $0x1  }
0x152: {  	v2 =	vadd.s32 $0xF, v0;
	_ =	sdelay $0x2  }
0x153: {  	[tilespmem:$0x1370] =	vst v1  }
0x154: {  	[tilespmem:s14], [sflag:$0x1] =	stream.indirect.gather [hbm4b:s3+s8], $0x20, s13, s8, $0xb8;
	[tilespmem:$0x15880] =	vst v63  }
0x155: {  	v1 =	vld.idx.msk [tilespmem:v2+s2+$0x0], $0xffff  }
0x156: {  	v2 =	vadd.s32 $0x18F, v0;
	_ =	sdelay $0x3  }
0x157: {  	[tilespmem:$0x1380] =	vst v1  }
0x158: {  	v1 =	vld.idx.msk [tilespmem:v2+s2+$0x0], $0xffff  }
0x159: {  	v2 =	vadd.s32 $0x30F, v0;
	_ =	sdelay $0x3  }
0x15a: {  	[tilespmem:$0x1390] =	vst v1  }
0x15b: {  	v1 =	vld.idx.msk [tilespmem:v2+s2+$0x0], $0xffff  }
0x15c: {  	v2 =	vadd.s32 $0x48F, v0;
	_ =	sdelay $0x3  }
0x15d: {  	[tilespmem:$0x13A0] =	vst v1  }
0x15e: {  	v1 =	vld.idx.msk [tilespmem:v2+s2+$0x0], $0xffff  }
0x15f: {  	v2 =	vadd.s32 $0x60F, v0;
	_ =	sdelay $0x3  }
0x160: {  	[tilespmem:$0x13B0] =	vst v1  }
0x161: {  	v1 =	vld.idx.msk [tilespmem:v2+s2+$0x0], $0xffff  }
0x162: {  	v2 =	vadd.s32 $0x78F, v0;
	_ =	sdelay $0x3  }
0x163: {  	[tilespmem:$0x13C0] =	vst v1  }
0x164: {  	v1 =	vld.idx.msk [tilespmem:v2+s2+$0x0], $0xffff  }
0x165: {  	v2 =	vadd.s32 $0x90F, v0;
	_ =	sdelay $0x3  }
0x166: {  	[tilespmem:$0x13D0] =	vst v1  }
0x167: {  	v1 =	vld.idx.msk [tilespmem:v2+s2+$0x0], $0xffff  }
0x168: {  	v2 =	vadd.s32 $0xA8F, v0;
	_ =	sdelay $0x3  }
0x169: {  	[tilespmem:$0x13E0] =	vst v1  }
0x16a: {  	v1 =	vld.idx.msk [tilespmem:v2+s2+$0x0], $0xffff;
	_ =	sdelay $0x1  }
0x16b: {  	v2 =	vadd.s32 $0x10, v0;
	_ =	sdelay $0x2  }
0x16c: {  	[tilespmem:$0x13F0] =	vst v1  }
0x16d: {  	[tilespmem:s16], [sflag:$0x1] =	stream.indirect.gather [hbm4b:s3+s8], $0x20, s15, s8, $0xb8;
	[tilespmem:$0x15880] =	vst v63  }
0x16e: {  	v1 =	vld.idx.msk [tilespmem:v2+s2+$0x0], $0xffff  }
0x16f: {  	v2 =	vadd.s32 $0x190, v0;
	_ =	sdelay $0x3  }
0x170: {  	[tilespmem:$0x1400] =	vst v1  }
0x171: {  	v1 =	vld.idx.msk [tilespmem:v2+s2+$0x0], $0xffff  }
0x172: {  	v2 =	vadd.s32 $0x310, v0;
	_ =	sdelay $0x3  }
0x173: {  	[tilespmem:$0x1410] =	vst v1  }
0x174: {  	v1 =	vld.idx.msk [tilespmem:v2+s2+$0x0], $0xffff  }
0x175: {  	v2 =	vadd.s32 $0x490, v0;
	_ =	sdelay $0x3  }
0x176: {  	[tilespmem:$0x1420] =	vst v1  }
0x177: {  	v1 =	vld.idx.msk [tilespmem:v2+s2+$0x0], $0xffff  }
0x178: {  	v2 =	vadd.s32 $0x610, v0;
	_ =	sdelay $0x3  }
0x179: {  	[tilespmem:$0x1430] =	vst v1  }
0x17a: {  	v1 =	vld.idx.msk [tilespmem:v2+s2+$0x0], $0xffff  }
0x17b: {  	v2 =	vadd.s32 $0x790, v0;
	_ =	sdelay $0x3  }
0x17c: {  	[tilespmem:$0x1440] =	vst v1  }
0x17d: {  	v1 =	vld.idx.msk [tilespmem:v2+s2+$0x0], $0xffff  }
0x17e: {  	v2 =	vadd.s32 $0x910, v0;
	_ =	sdelay $0x3  }
0x17f: {  	[tilespmem:$0x1450] =	vst v1  }
0x180: {  	v1 =	vld.idx.msk [tilespmem:v2+s2+$0x0], $0xffff  }
0x181: {  	v2 =	vadd.s32 $0xA90, v0;
	_ =	sdelay $0x3  }
0x182: {  	[tilespmem:$0x1460] =	vst v1  }
0x183: {  	v1 =	vld.idx.msk [tilespmem:v2+s2+$0x0], $0xffff;
	_ =	sdelay $0x1  }
0x184: {  	v2 =	vadd.s32 $0x11, v0;
	_ =	sdelay $0x2  }
0x185: {  	[tilespmem:$0x1470] =	vst v1  }
0x186: {  	[tilespmem:s18], [sflag:$0x1] =	stream.indirect.gather [hbm4b:s3+s8], $0x20, s17, s8, $0xb8;
	[tilespmem:$0x15880] =	vst v63  }
0x187: {  	v1 =	vld.idx.msk [tilespmem:v2+s2+$0x0], $0xffff  }
0x188: {  	v2 =	vadd.s32 $0x191, v0;
	_ =	sdelay $0x3  }
0x189: {  	[tilespmem:$0x1480] =	vst v1  }
0x18a: {  	v1 =	vld.idx.msk [tilespmem:v2+s2+$0x0], $0xffff  }
0x18b: {  	v2 =	vadd.s32 $0x311, v0;
	_ =	sdelay $0x3  }
0x18c: {  	[tilespmem:$0x1490] =	vst v1  }
0x18d: {  	v1 =	vld.idx.msk [tilespmem:v2+s2+$0x0], $0xffff  }
0x18e: {  	v2 =	vadd.s32 $0x491, v0;
	_ =	sdelay $0x3  }
0x18f: {  	[tilespmem:$0x14A0] =	vst v1  }
0x190: {  	v1 =	vld.idx.msk [tilespmem:v2+s2+$0x0], $0xffff  }
0x191: {  	v2 =	vadd.s32 $0x611, v0;
	_ =	sdelay $0x3  }
0x192: {  	[tilespmem:$0x14B0] =	vst v1  }
0x193: {  	v1 =	vld.idx.msk [tilespmem:v2+s2+$0x0], $0xffff  }
0x194: {  	v2 =	vadd.s32 $0x791, v0;
	_ =	sdelay $0x3  }
0x195: {  	[tilespmem:$0x14C0] =	vst v1  }
0x196: {  	v1 =	vld.idx.msk [tilespmem:v2+s2+$0x0], $0xffff  }
0x197: {  	v2 =	vadd.s32 $0x911, v0;
	_ =	sdelay $0x3  }
0x198: {  	[tilespmem:$0x14D0] =	vst v1  }
0x199: {  	v1 =	vld.idx.msk [tilespmem:v2+s2+$0x0], $0xffff  }
0x19a: {  	v2 =	vadd.s32 $0xA91, v0;
	_ =	sdelay $0x3  }
0x19b: {  	[tilespmem:$0x14E0] =	vst v1  }
0x19c: {  	v1 =	vld.idx.msk [tilespmem:v2+s2+$0x0], $0xffff;
	_ =	sdelay $0x1  }
0x19d: {  	v2 =	vadd.s32 $0x12, v0;
	_ =	sdelay $0x2  }
0x19e: {  	[tilespmem:$0x14F0] =	vst v1  }
0x19f: {  	[tilespmem:s20], [sflag:$0x1] =	stream.indirect.gather [hbm4b:s3+s8], $0x20, s19, s8, $0xb8;
	[tilespmem:$0x15880] =	vst v63  }
0x1a0: {  	v1 =	vld.idx.msk [tilespmem:v2+s2+$0x0], $0xffff  }
0x1a1: {  	v2 =	vadd.s32 $0x192, v0;
	_ =	sdelay $0x3  }
0x1a2: {  	[tilespmem:$0x1500] =	vst v1  }
0x1a3: {  	v1 =	vld.idx.msk [tilespmem:v2+s2+$0x0], $0xffff  }
0x1a4: {  	v2 =	vadd.s32 $0x312, v0;
	_ =	sdelay $0x3  }
0x1a5: {  	[tilespmem:$0x1510] =	vst v1  }
0x1a6: {  	v1 =	vld.idx.msk [tilespmem:v2+s2+$0x0], $0xffff  }
0x1a7: {  	v2 =	vadd.s32 $0x492, v0;
	_ =	sdelay $0x3  }
0x1a8: {  	[tilespmem:$0x1520] =	vst v1  }
0x1a9: {  	v1 =	vld.idx.msk [tilespmem:v2+s2+$0x0], $0xffff  }
0x1aa: {  	v2 =	vadd.s32 $0x612, v0;
	_ =	sdelay $0x3  }
0x1ab: {  	[tilespmem:$0x1530] =	vst v1  }
0x1ac: {  	v1 =	vld.idx.msk [tilespmem:v2+s2+$0x0], $0xffff  }
0x1ad: {  	v2 =	vadd.s32 $0x792, v0;
	_ =	sdelay $0x3  }
0x1ae: {  	[tilespmem:$0x1540] =	vst v1  }
0x1af: {  	v1 =	vld.idx.msk [tilespmem:v2+s2+$0x0], $0xffff  }
0x1b0: {  	v2 =	vadd.s32 $0x912, v0;
	_ =	sdelay $0x3  }
0x1b1: {  	[tilespmem:$0x1550] =	vst v1  }
0x1b2: {  	v1 =	vld.idx.msk [tilespmem:v2+s2+$0x0], $0xffff  }
0x1b3: {  	v2 =	vadd.s32 $0xA92, v0;
	_ =	sdelay $0x3  }
0x1b4: {  	[tilespmem:$0x1560] =	vst v1  }
0x1b5: {  	v1 =	vld.idx.msk [tilespmem:v2+s2+$0x0], $0xffff;
	_ =	sdelay $0x1  }
0x1b6: {  	v2 =	vadd.s32 $0x13, v0;
	_ =	sdelay $0x2  }
0x1b7: {  	[tilespmem:$0x1570] =	vst v1  }
0x1b8: {  	[tilespmem:s22], [sflag:$0x1] =	stream.indirect.gather [hbm4b:s3+s8], $0x20, s21, s8, $0xb8;
	[tilespmem:$0x15880] =	vst v63  }
0x1b9: {  	v1 =	vld.idx.msk [tilespmem:v2+s2+$0x0], $0xffff  }
0x1ba: {  	v2 =	vadd.s32 $0x193, v0;
	_ =	sdelay $0x3  }
0x1bb: {  	[tilespmem:$0x1580] =	vst v1  }
0x1bc: {  	v1 =	vld.idx.msk [tilespmem:v2+s2+$0x0], $0xffff  }
0x1bd: {  	v2 =	vadd.s32 $0x313, v0;
	_ =	sdelay $0x3  }
0x1be: {  	[tilespmem:$0x1590] =	vst v1  }
0x1bf: {  	v1 =	vld.idx.msk [tilespmem:v2+s2+$0x0], $0xffff  }
0x1c0: {  	v2 =	vadd.s32 $0x493, v0;
	_ =	sdelay $0x3  }
0x1c1: {  	[tilespmem:$0x15A0] =	vst v1  }
0x1c2: {  	v1 =	vld.idx.msk [tilespmem:v2+s2+$0x0], $0xffff  }
0x1c3: {  	v2 =	vadd.s32 $0x613, v0;
	_ =	sdelay $0x3  }
0x1c4: {  	[tilespmem:$0x15B0] =	vst v1  }
0x1c5: {  	v1 =	vld.idx.msk [tilespmem:v2+s2+$0x0], $0xffff  }
0x1c6: {  	v2 =	vadd.s32 $0x793, v0;
	_ =	sdelay $0x3  }
0x1c7: {  	[tilespmem:$0x15C0] =	vst v1  }
0x1c8: {  	v1 =	vld.idx.msk [tilespmem:v2+s2+$0x0], $0xffff  }
0x1c9: {  	v2 =	vadd.s32 $0x913, v0;
	_ =	sdelay $0x3  }
0x1ca: {  	[tilespmem:$0x15D0] =	vst v1  }
0x1cb: {  	v1 =	vld.idx.msk [tilespmem:v2+s2+$0x0], $0xffff  }
0x1cc: {  	v2 =	vadd.s32 $0xA93, v0;
	_ =	sdelay $0x3  }
0x1cd: {  	[tilespmem:$0x15E0] =	vst v1  }
0x1ce: {  	v1 =	vld.idx.msk [tilespmem:v2+s2+$0x0], $0xffff;
	_ =	sdelay $0x4  }
0x1cf: {  	[tilespmem:$0x15F0] =	vst v1  }
0x1d0: {  	[tilespmem:s24], [sflag:$0x1] =	stream.indirect.gather [hbm4b:s3+s8], $0x20, s23, s8, $0xb8;
	[tilespmem:$0x15880] =	vst v63  }
0x1d1: {  	_ =	swait.ge [sflag:s25], $0x1000  }
0x1d2: {  	[sflag:s25] =	ssyncset.done $0x0  }
0x1d3: {  	s30 =	simm.s32 $0x1680;
	[sflag:s25] =	ssyncadd.s32 $0xFFFFF000  }
0x1d4: {  	v1 =	vld [tilespmem:s30+$0xFFFFFF80]  }
0x1d5: {  	v2 =	vld [tilespmem:s30+$0xFFFFFF90]  }
0x1d6: {  	v3 =	vld [tilespmem:s30+$0xFFFFFFA0]  }
0x1d7: {  	v4 =	vld [tilespmem:s30+$0xFFFFFFB0]  }
0x1d8: {  	v5 =	vld [tilespmem:s30+$0xFFFFFFC0]  }
0x1d9: {  	v7 =	vimm.f32 $0.0e+00;
	v6 =	vld [tilespmem:s30+$0xFFFFFFD0]  }
0x1da: {  	v8 =	vld [tilespmem:s30+$0xFFFFFFE0];
	v1 =	vadd.f32 v1, v7;
	v2 =	vadd.f32 v2, v7  }
0x1db: {  	v7 =	vld [tilespmem:s30+$0xFFFFFFF0]  }
0x1dc: {  	v9 =	vld [tilespmem:s30+$0x0];
	v3 =	vadd.f32 v3, v1;
	v2 =	vadd.f32 v4, v2  }
0x1dd: {  	v10 =	vld [tilespmem:s30+$0x10]  }
0x1de: {  	v1 =	vld [tilespmem:s30+$0x20];
	v3 =	vadd.f32 v5, v3;
	v5 =	vadd.f32 v6, v2  }
0x1df: {  	v4 =	vld [tilespmem:s30+$0x30]  }
0x1e0: {  	v2 =	vld [tilespmem:s30+$0x40];
	v6 =	vadd.f32 v8, v3;
	v8 =	vadd.f32 v7, v5  }
0x1e1: {  	v5 =	vld [tilespmem:s30+$0x50]  }
0x1e2: {  	v3 =	vld [tilespmem:s30+$0x60];
	v7 =	vadd.f32 v9, v6;
	v8 =	vadd.f32 v10, v8  }
0x1e3: {  	s29 =	simm.s32 $0x0;
	v6 =	vld [tilespmem:s30+$0x70];
	s30 =	simm.s32 $0x1780  }
.LBB2_2:
0x1e4: {  	v9 =	vld [tilespmem:s30+$0xFFFFFF80];
	v1 =	vadd.f32 v1, v7;
	v4 =	vadd.f32 v4, v8  }
0x1e5: {  	s29 =	sadd.s32 $0x8, s29;
	v7 =	vld [tilespmem:s30+$0xFFFFFF90]  }
0x1e6: {  	p0 =	slt.u32 s29, $0x78;
	v8 =	vld [tilespmem:s30+$0xFFFFFFA0];
	v1 =	vadd.f32 v2, v1;
	v2 =	vadd.f32 v5, v4  }
0x1e7: {  	v4 =	vld [tilespmem:s30+$0xFFFFFFB0]  }
0x1e8: {  	v5 =	vld [tilespmem:s30+$0xFFFFFFC0];
	v1 =	vadd.f32 v3, v1;
	v2 =	vadd.f32 v6, v2  }
0x1e9: {  	v3 =	vld [tilespmem:s30+$0xFFFFFFD0]  }
0x1ea: {  	v1 =	vadd.f32 v9, v1;
	v2 =	vadd.f32 v7, v2;
	v6 =	vld [tilespmem:s30+$0xFFFFFFE0]  }
0x1eb: {  	v7 =	vld [tilespmem:s30+$0xFFFFFFF0]  }
0x1ec: {  	v1 =	vadd.f32 v8, v1;
	v2 =	vadd.f32 v4, v2;
	v8 =	vld [tilespmem:s30+$0x0]  }
0x1ed: {  	v9 =	vld [tilespmem:s30+$0x10]  }
0x1ee: {  	v5 =	vadd.f32 v5, v1;
	v2 =	vadd.f32 v3, v2;
	v1 =	vld [tilespmem:s30+$0x20]  }
.Ltmp0:
0x1ef: {  	v4 =	vld [tilespmem:s30+$0x30];
	(pc) =	sbr.rel @p0 .LBB2_2-.Ltmp0, $4  }
0x1f0: {  	v3 =	vadd.f32 v6, v5;
	v6 =	vadd.f32 v7, v2;
	v2 =	vld [tilespmem:s30+$0x40]  }
0x1f1: {  	v5 =	vld [tilespmem:s30+$0x50]  }
0x1f2: {  	v7 =	vadd.f32 v8, v3;
	v8 =	vadd.f32 v9, v6;
	v3 =	vld [tilespmem:s30+$0x60]  }
0x1f3: {  	v6 =	vld [tilespmem:s30+$0x70];
	s30 =	sadd.s32 $0x100, s30  }
0x1f4: {  	v1 =	vadd.f32 v1, v7  }
0x1f5: {  	v4 =	vadd.f32 v4, v8  }
0x1f6: {  	v1 =	vadd.f32 v2, v1  }
0x1f7: {  	v2 =	vadd.f32 v5, v4  }
0x1f8: {  	v1 =	vadd.f32 v3, v1  }
0x1f9: {  	v2 =	vadd.f32 v6, v2  }
0x1fa: {  	[tilespmem:$0x15600] =	vst v1  }
0x1fb: {  	[tilespmem:$0x15610] =	vst v2  }
0x1fc: {  	_ =	swait.ge [sflag:s25], $0x1000  }
0x1fd: {  	[sflag:s25] =	ssyncset.done $0x0  }
0x1fe: {  	s30 =	simm.s32 $0x26F0;
	[sflag:s25] =	ssyncadd.s32 $0xFFFFF000  }
0x1ff: {  	v1 =	vld [tilespmem:s30+$0xFFFFFF10]  }
0x200: {  	v2 =	vld [tilespmem:s30+$0xFFFFFF20]  }
0x201: {  	v3 =	vld [tilespmem:s30+$0xFFFFFF30]  }
0x202: {  	v4 =	vld [tilespmem:s30+$0xFFFFFF40]  }
0x203: {  	v5 =	vld [tilespmem:s30+$0xFFFFFF50]  }
0x204: {  	v7 =	vimm.f32 $0.0e+00;
	v6 =	vld [tilespmem:s30+$0xFFFFFF60]  }
0x205: {  	v8 =	vld [tilespmem:s30+$0xFFFFFF70];
	v1 =	vadd.f32 v1, v7;
	v2 =	vadd.f32 v2, v7  }
0x206: {  	v7 =	vld [tilespmem:s30+$0xFFFFFF80]  }
0x207: {  	v9 =	vld [tilespmem:s30+$0xFFFFFF90];
	v3 =	vadd.f32 v3, v1;
	v2 =	vadd.f32 v4, v2  }
0x208: {  	v10 =	vld [tilespmem:s30+$0xFFFFFFA0]  }
0x209: {  	v1 =	vld [tilespmem:s30+$0xFFFFFFB0];
	v3 =	vadd.f32 v5, v3;
	v5 =	vadd.f32 v6, v2  }
0x20a: {  	v4 =	vld [tilespmem:s30+$0xFFFFFFC0]  }
0x20b: {  	v2 =	vld [tilespmem:s30+$0xFFFFFFD0];
	v6 =	vadd.f32 v8, v3;
	v8 =	vadd.f32 v7, v5  }
0x20c: {  	v5 =	vld [tilespmem:s30+$0xFFFFFFE0]  }
0x20d: {  	v3 =	vld [tilespmem:s30+$0xFFFFFFF0];
	v7 =	vadd.f32 v9, v6;
	v8 =	vadd.f32 v10, v8  }
0x20e: {  	s29 =	simm.s32 $0x0;
	v6 =	vld [tilespmem:s30+$0x0];
	s30 =	simm.s32 $0x27F0  }
.LBB2_4:
0x20f: {  	v9 =	vld [tilespmem:s30+$0xFFFFFF10];
	v1 =	vadd.f32 v1, v7;
	v4 =	vadd.f32 v4, v8  }
0x210: {  	s29 =	sadd.s32 $0x8, s29;
	v7 =	vld [tilespmem:s30+$0xFFFFFF20]  }
0x211: {  	p0 =	slt.u32 s29, $0x78;
	v8 =	vld [tilespmem:s30+$0xFFFFFF30];
	v1 =	vadd.f32 v2, v1;
	v2 =	vadd.f32 v5, v4  }
0x212: {  	v4 =	vld [tilespmem:s30+$0xFFFFFF40]  }
0x213: {  	v5 =	vld [tilespmem:s30+$0xFFFFFF50];
	v1 =	vadd.f32 v3, v1;
	v2 =	vadd.f32 v6, v2  }
0x214: {  	v3 =	vld [tilespmem:s30+$0xFFFFFF60]  }
0x215: {  	v1 =	vadd.f32 v9, v1;
	v2 =	vadd.f32 v7, v2;
	v6 =	vld [tilespmem:s30+$0xFFFFFF70]  }
0x216: {  	v7 =	vld [tilespmem:s30+$0xFFFFFF80]  }
0x217: {  	v1 =	vadd.f32 v8, v1;
	v2 =	vadd.f32 v4, v2;
	v8 =	vld [tilespmem:s30+$0xFFFFFF90]  }
0x218: {  	v9 =	vld [tilespmem:s30+$0xFFFFFFA0]  }
0x219: {  	v5 =	vadd.f32 v5, v1;
	v2 =	vadd.f32 v3, v2;
	v1 =	vld [tilespmem:s30+$0xFFFFFFB0]  }
.Ltmp1:
0x21a: {  	v4 =	vld [tilespmem:s30+$0xFFFFFFC0];
	(pc) =	sbr.rel @p0 .LBB2_4-.Ltmp1, $4  }
0x21b: {  	v3 =	vadd.f32 v6, v5;
	v6 =	vadd.f32 v7, v2;
	v2 =	vld [tilespmem:s30+$0xFFFFFFD0]  }
0x21c: {  	v5 =	vld [tilespmem:s30+$0xFFFFFFE0]  }
0x21d: {  	v7 =	vadd.f32 v8, v3;
	v8 =	vadd.f32 v9, v6;
	v3 =	vld [tilespmem:s30+$0xFFFFFFF0]  }
0x21e: {  	v6 =	vld [tilespmem:s30+$0x0];
	s30 =	sadd.s32 $0x100, s30  }
0x21f: {  	v1 =	vadd.f32 v1, v7  }
0x220: {  	v4 =	vadd.f32 v4, v8  }
0x221: {  	v1 =	vadd.f32 v2, v1  }
0x222: {  	v2 =	vadd.f32 v5, v4  }
0x223: {  	v1 =	vadd.f32 v3, v1  }
0x224: {  	v2 =	vadd.f32 v6, v2  }
0x225: {  	[tilespmem:$0x15620] =	vst v1  }
0x226: {  	[tilespmem:$0x15630] =	vst v2  }
0x227: {  	_ =	swait.ge [sflag:s25], $0x1000  }
0x228: {  	[sflag:s25] =	ssyncset.done $0x0  }
0x229: {  	s30 =	simm.s32 $0x36F0;
	[sflag:s25] =	ssyncadd.s32 $0xFFFFF000  }
0x22a: {  	v1 =	vld [tilespmem:s30+$0xFFFFFF10]  }
0x22b: {  	v2 =	vld [tilespmem:s30+$0xFFFFFF20]  }
0x22c: {  	v3 =	vld [tilespmem:s30+$0xFFFFFF30]  }
0x22d: {  	v4 =	vld [tilespmem:s30+$0xFFFFFF40]  }
0x22e: {  	v5 =	vld [tilespmem:s30+$0xFFFFFF50]  }
0x22f: {  	v7 =	vimm.f32 $0.0e+00;
	v6 =	vld [tilespmem:s30+$0xFFFFFF60]  }
0x230: {  	v8 =	vld [tilespmem:s30+$0xFFFFFF70];
	v1 =	vadd.f32 v1, v7;
	v2 =	vadd.f32 v2, v7  }
0x231: {  	v7 =	vld [tilespmem:s30+$0xFFFFFF80]  }
0x232: {  	v9 =	vld [tilespmem:s30+$0xFFFFFF90];
	v3 =	vadd.f32 v3, v1;
	v2 =	vadd.f32 v4, v2  }
0x233: {  	v10 =	vld [tilespmem:s30+$0xFFFFFFA0]  }
0x234: {  	v1 =	vld [tilespmem:s30+$0xFFFFFFB0];
	v3 =	vadd.f32 v5, v3;
	v5 =	vadd.f32 v6, v2  }
0x235: {  	v4 =	vld [tilespmem:s30+$0xFFFFFFC0]  }
0x236: {  	v2 =	vld [tilespmem:s30+$0xFFFFFFD0];
	v6 =	vadd.f32 v8, v3;
	v8 =	vadd.f32 v7, v5  }
0x237: {  	v5 =	vld [tilespmem:s30+$0xFFFFFFE0]  }
0x238: {  	v3 =	vld [tilespmem:s30+$0xFFFFFFF0];
	v7 =	vadd.f32 v9, v6;
	v8 =	vadd.f32 v10, v8  }
0x239: {  	s29 =	simm.s32 $0x0;
	v6 =	vld [tilespmem:s30+$0x0];
	s30 =	simm.s32 $0x37F0  }
.LBB2_6:
0x23a: {  	v9 =	vld [tilespmem:s30+$0xFFFFFF10];
	v1 =	vadd.f32 v1, v7;
	v4 =	vadd.f32 v4, v8  }
0x23b: {  	s29 =	sadd.s32 $0x8, s29;
	v7 =	vld [tilespmem:s30+$0xFFFFFF20]  }
0x23c: {  	p0 =	slt.u32 s29, $0x78;
	v8 =	vld [tilespmem:s30+$0xFFFFFF30];
	v1 =	vadd.f32 v2, v1;
	v2 =	vadd.f32 v5, v4  }
0x23d: {  	v4 =	vld [tilespmem:s30+$0xFFFFFF40]  }
0x23e: {  	v5 =	vld [tilespmem:s30+$0xFFFFFF50];
	v1 =	vadd.f32 v3, v1;
	v2 =	vadd.f32 v6, v2  }
0x23f: {  	v3 =	vld [tilespmem:s30+$0xFFFFFF60]  }
0x240: {  	v1 =	vadd.f32 v9, v1;
	v2 =	vadd.f32 v7, v2;
	v6 =	vld [tilespmem:s30+$0xFFFFFF70]  }
0x241: {  	v7 =	vld [tilespmem:s30+$0xFFFFFF80]  }
0x242: {  	v1 =	vadd.f32 v8, v1;
	v2 =	vadd.f32 v4, v2;
	v8 =	vld [tilespmem:s30+$0xFFFFFF90]  }
0x243: {  	v9 =	vld [tilespmem:s30+$0xFFFFFFA0]  }
0x244: {  	v5 =	vadd.f32 v5, v1;
	v2 =	vadd.f32 v3, v2;
	v1 =	vld [tilespmem:s30+$0xFFFFFFB0]  }
.Ltmp2:
0x245: {  	v4 =	vld [tilespmem:s30+$0xFFFFFFC0];
	(pc) =	sbr.rel @p0 .LBB2_6-.Ltmp2, $4  }
0x246: {  	v3 =	vadd.f32 v6, v5;
	v6 =	vadd.f32 v7, v2;
	v2 =	vld [tilespmem:s30+$0xFFFFFFD0]  }
0x247: {  	v5 =	vld [tilespmem:s30+$0xFFFFFFE0]  }
0x248: {  	v7 =	vadd.f32 v8, v3;
	v8 =	vadd.f32 v9, v6;
	v3 =	vld [tilespmem:s30+$0xFFFFFFF0]  }
0x249: {  	v6 =	vld [tilespmem:s30+$0x0];
	s30 =	sadd.s32 $0x100, s30  }
0x24a: {  	v1 =	vadd.f32 v1, v7  }
0x24b: {  	v4 =	vadd.f32 v4, v8  }
0x24c: {  	v1 =	vadd.f32 v2, v1  }
0x24d: {  	v2 =	vadd.f32 v5, v4  }
0x24e: {  	v1 =	vadd.f32 v3, v1  }
0x24f: {  	v2 =	vadd.f32 v6, v2  }
0x250: {  	[tilespmem:$0x15640] =	vst v1  }
0x251: {  	[tilespmem:$0x15650] =	vst v2  }
0x252: {  	_ =	swait.ge [sflag:s25], $0x1000  }
0x253: {  	[sflag:s25] =	ssyncset.done $0x0  }
0x254: {  	s30 =	simm.s32 $0x46F0;
	[sflag:s25] =	ssyncadd.s32 $0xFFFFF000  }
0x255: {  	v1 =	vld [tilespmem:s30+$0xFFFFFF10]  }
0x256: {  	v2 =	vld [tilespmem:s30+$0xFFFFFF20]  }
0x257: {  	v3 =	vld [tilespmem:s30+$0xFFFFFF30]  }
0x258: {  	v4 =	vld [tilespmem:s30+$0xFFFFFF40]  }
0x259: {  	v5 =	vld [tilespmem:s30+$0xFFFFFF50]  }
0x25a: {  	v7 =	vimm.f32 $0.0e+00;
	v6 =	vld [tilespmem:s30+$0xFFFFFF60]  }
0x25b: {  	v8 =	vld [tilespmem:s30+$0xFFFFFF70];
	v1 =	vadd.f32 v1, v7;
	v2 =	vadd.f32 v2, v7  }
0x25c: {  	v7 =	vld [tilespmem:s30+$0xFFFFFF80]  }
0x25d: {  	v9 =	vld [tilespmem:s30+$0xFFFFFF90];
	v3 =	vadd.f32 v3, v1;
	v2 =	vadd.f32 v4, v2  }
0x25e: {  	v10 =	vld [tilespmem:s30+$0xFFFFFFA0]  }
0x25f: {  	v1 =	vld [tilespmem:s30+$0xFFFFFFB0];
	v3 =	vadd.f32 v5, v3;
	v5 =	vadd.f32 v6, v2  }
0x260: {  	v4 =	vld [tilespmem:s30+$0xFFFFFFC0]  }
0x261: {  	v2 =	vld [tilespmem:s30+$0xFFFFFFD0];
	v6 =	vadd.f32 v8, v3;
	v8 =	vadd.f32 v7, v5  }
0x262: {  	v5 =	vld [tilespmem:s30+$0xFFFFFFE0]  }
0x263: {  	v3 =	vld [tilespmem:s30+$0xFFFFFFF0];
	v7 =	vadd.f32 v9, v6;
	v8 =	vadd.f32 v10, v8  }
0x264: {  	s29 =	simm.s32 $0x0;
	v6 =	vld [tilespmem:s30+$0x0];
	s30 =	simm.s32 $0x47F0  }
.LBB2_8:
0x265: {  	v9 =	vld [tilespmem:s30+$0xFFFFFF10];
	v1 =	vadd.f32 v1, v7;
	v4 =	vadd.f32 v4, v8  }
0x266: {  	s29 =	sadd.s32 $0x8, s29;
	v7 =	vld [tilespmem:s30+$0xFFFFFF20]  }
0x267: {  	p0 =	slt.u32 s29, $0x78;
	v8 =	vld [tilespmem:s30+$0xFFFFFF30];
	v1 =	vadd.f32 v2, v1;
	v2 =	vadd.f32 v5, v4  }
0x268: {  	v4 =	vld [tilespmem:s30+$0xFFFFFF40]  }
0x269: {  	v5 =	vld [tilespmem:s30+$0xFFFFFF50];
	v1 =	vadd.f32 v3, v1;
	v2 =	vadd.f32 v6, v2  }
0x26a: {  	v3 =	vld [tilespmem:s30+$0xFFFFFF60]  }
0x26b: {  	v1 =	vadd.f32 v9, v1;
	v2 =	vadd.f32 v7, v2;
	v6 =	vld [tilespmem:s30+$0xFFFFFF70]  }
0x26c: {  	v7 =	vld [tilespmem:s30+$0xFFFFFF80]  }
0x26d: {  	v1 =	vadd.f32 v8, v1;
	v2 =	vadd.f32 v4, v2;
	v8 =	vld [tilespmem:s30+$0xFFFFFF90]  }
0x26e: {  	v9 =	vld [tilespmem:s30+$0xFFFFFFA0]  }
0x26f: {  	v5 =	vadd.f32 v5, v1;
	v2 =	vadd.f32 v3, v2;
	v1 =	vld [tilespmem:s30+$0xFFFFFFB0]  }
.Ltmp3:
0x270: {  	v4 =	vld [tilespmem:s30+$0xFFFFFFC0];
	(pc) =	sbr.rel @p0 .LBB2_8-.Ltmp3, $4  }
0x271: {  	v3 =	vadd.f32 v6, v5;
	v6 =	vadd.f32 v7, v2;
	v2 =	vld [tilespmem:s30+$0xFFFFFFD0]  }
0x272: {  	v5 =	vld [tilespmem:s30+$0xFFFFFFE0]  }
0x273: {  	v7 =	vadd.f32 v8, v3;
	v8 =	vadd.f32 v9, v6;
	v3 =	vld [tilespmem:s30+$0xFFFFFFF0]  }
0x274: {  	v6 =	vld [tilespmem:s30+$0x0];
	s30 =	sadd.s32 $0x100, s30  }
0x275: {  	v1 =	vadd.f32 v1, v7  }
0x276: {  	v4 =	vadd.f32 v4, v8  }
0x277: {  	v1 =	vadd.f32 v2, v1  }
0x278: {  	v2 =	vadd.f32 v5, v4  }
0x279: {  	v1 =	vadd.f32 v3, v1  }
0x27a: {  	v2 =	vadd.f32 v6, v2  }
0x27b: {  	[tilespmem:$0x15660] =	vst v1  }
0x27c: {  	[tilespmem:$0x15670] =	vst v2  }
0x27d: {  	_ =	swait.ge [sflag:s25], $0x1000  }
0x27e: {  	[sflag:s25] =	ssyncset.done $0x0  }
0x27f: {  	s30 =	simm.s32 $0x5600;
	[sflag:s25] =	ssyncadd.s32 $0xFFFFF000  }
0x280: {  	v1 =	vld [tilespmem:s30+$0x0]  }
0x281: {  	v2 =	vld [tilespmem:s30+$0x10]  }
0x282: {  	v3 =	vld [tilespmem:s30+$0x20]  }
0x283: {  	v4 =	vld [tilespmem:s30+$0x30]  }
0x284: {  	v5 =	vld [tilespmem:s30+$0x40]  }
0x285: {  	v7 =	vimm.f32 $0.0e+00;
	v6 =	vld [tilespmem:s30+$0x50]  }
0x286: {  	v8 =	vld [tilespmem:s30+$0x60];
	v1 =	vadd.f32 v1, v7;
	v2 =	vadd.f32 v2, v7  }
0x287: {  	v7 =	vld [tilespmem:s30+$0x70]  }
0x288: {  	v9 =	vld [tilespmem:s30+$0x80];
	v3 =	vadd.f32 v3, v1;
	v2 =	vadd.f32 v4, v2  }
0x289: {  	v10 =	vld [tilespmem:s30+$0x90]  }
0x28a: {  	v1 =	vld [tilespmem:s30+$0xA0];
	v3 =	vadd.f32 v5, v3;
	v5 =	vadd.f32 v6, v2  }
0x28b: {  	v4 =	vld [tilespmem:s30+$0xB0]  }
0x28c: {  	v2 =	vld [tilespmem:s30+$0xC0];
	v6 =	vadd.f32 v8, v3;
	v8 =	vadd.f32 v7, v5  }
0x28d: {  	v5 =	vld [tilespmem:s30+$0xD0]  }
0x28e: {  	v3 =	vld [tilespmem:s30+$0xE0];
	v7 =	vadd.f32 v9, v6;
	v8 =	vadd.f32 v10, v8  }
0x28f: {  	s29 =	simm.s32 $0x0;
	v6 =	vld [tilespmem:s30+$0xF0];
	s30 =	simm.s32 $0x5700  }
.LBB2_10:
0x290: {  	v9 =	vld [tilespmem:s30+$0x0];
	v1 =	vadd.f32 v1, v7;
	v4 =	vadd.f32 v4, v8  }
0x291: {  	s29 =	sadd.s32 $0x8, s29;
	v7 =	vld [tilespmem:s30+$0x10]  }
0x292: {  	p0 =	slt.u32 s29, $0x78;
	v8 =	vld [tilespmem:s30+$0x20];
	v1 =	vadd.f32 v2, v1;
	v2 =	vadd.f32 v5, v4  }
0x293: {  	v4 =	vld [tilespmem:s30+$0x30]  }
0x294: {  	v5 =	vld [tilespmem:s30+$0x40];
	v1 =	vadd.f32 v3, v1;
	v2 =	vadd.f32 v6, v2  }
0x295: {  	v3 =	vld [tilespmem:s30+$0x50]  }
0x296: {  	v1 =	vadd.f32 v9, v1;
	v2 =	vadd.f32 v7, v2;
	v6 =	vld [tilespmem:s30+$0x60]  }
0x297: {  	v7 =	vld [tilespmem:s30+$0x70]  }
0x298: {  	v1 =	vadd.f32 v8, v1;
	v2 =	vadd.f32 v4, v2;
	v8 =	vld [tilespmem:s30+$0x80]  }
0x299: {  	v9 =	vld [tilespmem:s30+$0x90]  }
0x29a: {  	v5 =	vadd.f32 v5, v1;
	v2 =	vadd.f32 v3, v2;
	v1 =	vld [tilespmem:s30+$0xA0]  }
.Ltmp4:
0x29b: {  	v4 =	vld [tilespmem:s30+$0xB0];
	(pc) =	sbr.rel @p0 .LBB2_10-.Ltmp4, $4  }
0x29c: {  	v3 =	vadd.f32 v6, v5;
	v6 =	vadd.f32 v7, v2;
	v2 =	vld [tilespmem:s30+$0xC0]  }
0x29d: {  	v5 =	vld [tilespmem:s30+$0xD0]  }
0x29e: {  	v7 =	vadd.f32 v8, v3;
	v8 =	vadd.f32 v9, v6;
	v3 =	vld [tilespmem:s30+$0xE0]  }
0x29f: {  	v6 =	vld [tilespmem:s30+$0xF0];
	s30 =	sadd.s32 $0x100, s30  }
0x2a0: {  	v1 =	vadd.f32 v1, v7  }
0x2a1: {  	v4 =	vadd.f32 v4, v8  }
0x2a2: {  	v1 =	vadd.f32 v2, v1  }
0x2a3: {  	v2 =	vadd.f32 v5, v4  }
0x2a4: {  	v1 =	vadd.f32 v3, v1  }
0x2a5: {  	v2 =	vadd.f32 v6, v2  }
0x2a6: {  	[tilespmem:$0x15680] =	vst v1  }
0x2a7: {  	[tilespmem:$0x15690] =	vst v2  }
0x2a8: {  	_ =	swait.ge [sflag:s25], $0x1000  }
0x2a9: {  	[sflag:s25] =	ssyncset.done $0x0  }
0x2aa: {  	s30 =	simm.s32 $0x6600;
	[sflag:s25] =	ssyncadd.s32 $0xFFFFF000  }
0x2ab: {  	v1 =	vld [tilespmem:s30+$0x0]  }
0x2ac: {  	v2 =	vld [tilespmem:s30+$0x10]  }
0x2ad: {  	v3 =	vld [tilespmem:s30+$0x20]  }
0x2ae: {  	v4 =	vld [tilespmem:s30+$0x30]  }
0x2af: {  	v5 =	vld [tilespmem:s30+$0x40]  }
0x2b0: {  	v7 =	vimm.f32 $0.0e+00;
	v6 =	vld [tilespmem:s30+$0x50]  }
0x2b1: {  	v8 =	vld [tilespmem:s30+$0x60];
	v1 =	vadd.f32 v1, v7;
	v2 =	vadd.f32 v2, v7  }
0x2b2: {  	v7 =	vld [tilespmem:s30+$0x70]  }
0x2b3: {  	v9 =	vld [tilespmem:s30+$0x80];
	v3 =	vadd.f32 v3, v1;
	v2 =	vadd.f32 v4, v2  }
0x2b4: {  	v10 =	vld [tilespmem:s30+$0x90]  }
0x2b5: {  	v1 =	vld [tilespmem:s30+$0xA0];
	v3 =	vadd.f32 v5, v3;
	v5 =	vadd.f32 v6, v2  }
0x2b6: {  	v4 =	vld [tilespmem:s30+$0xB0]  }
0x2b7: {  	v2 =	vld [tilespmem:s30+$0xC0];
	v6 =	vadd.f32 v8, v3;
	v8 =	vadd.f32 v7, v5  }
0x2b8: {  	v5 =	vld [tilespmem:s30+$0xD0]  }
0x2b9: {  	v3 =	vld [tilespmem:s30+$0xE0];
	v7 =	vadd.f32 v9, v6;
	v8 =	vadd.f32 v10, v8  }
0x2ba: {  	s29 =	simm.s32 $0x0;
	v6 =	vld [tilespmem:s30+$0xF0];
	s30 =	simm.s32 $0x6700  }
.LBB2_12:
0x2bb: {  	v9 =	vld [tilespmem:s30+$0x0];
	v1 =	vadd.f32 v1, v7;
	v4 =	vadd.f32 v4, v8  }
0x2bc: {  	s29 =	sadd.s32 $0x8, s29;
	v7 =	vld [tilespmem:s30+$0x10]  }
0x2bd: {  	p0 =	slt.u32 s29, $0x78;
	v8 =	vld [tilespmem:s30+$0x20];
	v1 =	vadd.f32 v2, v1;
	v2 =	vadd.f32 v5, v4  }
0x2be: {  	v4 =	vld [tilespmem:s30+$0x30]  }
0x2bf: {  	v5 =	vld [tilespmem:s30+$0x40];
	v1 =	vadd.f32 v3, v1;
	v2 =	vadd.f32 v6, v2  }
0x2c0: {  	v3 =	vld [tilespmem:s30+$0x50]  }
0x2c1: {  	v1 =	vadd.f32 v9, v1;
	v2 =	vadd.f32 v7, v2;
	v6 =	vld [tilespmem:s30+$0x60]  }
0x2c2: {  	v7 =	vld [tilespmem:s30+$0x70]  }
0x2c3: {  	v1 =	vadd.f32 v8, v1;
	v2 =	vadd.f32 v4, v2;
	v8 =	vld [tilespmem:s30+$0x80]  }
0x2c4: {  	v9 =	vld [tilespmem:s30+$0x90]  }
0x2c5: {  	v5 =	vadd.f32 v5, v1;
	v2 =	vadd.f32 v3, v2;
	v1 =	vld [tilespmem:s30+$0xA0]  }
.Ltmp5:
0x2c6: {  	v4 =	vld [tilespmem:s30+$0xB0];
	(pc) =	sbr.rel @p0 .LBB2_12-.Ltmp5, $4  }
0x2c7: {  	v3 =	vadd.f32 v6, v5;
	v6 =	vadd.f32 v7, v2;
	v2 =	vld [tilespmem:s30+$0xC0]  }
0x2c8: {  	v5 =	vld [tilespmem:s30+$0xD0]  }
0x2c9: {  	v7 =	vadd.f32 v8, v3;
	v8 =	vadd.f32 v9, v6;
	v3 =	vld [tilespmem:s30+$0xE0]  }
0x2ca: {  	v6 =	vld [tilespmem:s30+$0xF0];
	s30 =	sadd.s32 $0x100, s30  }
0x2cb: {  	v1 =	vadd.f32 v1, v7  }
0x2cc: {  	v4 =	vadd.f32 v4, v8  }
0x2cd: {  	v1 =	vadd.f32 v2, v1  }
0x2ce: {  	v2 =	vadd.f32 v5, v4  }
0x2cf: {  	v1 =	vadd.f32 v3, v1  }
0x2d0: {  	v2 =	vadd.f32 v6, v2  }
0x2d1: {  	[tilespmem:$0x156A0] =	vst v1  }
0x2d2: {  	[tilespmem:$0x156B0] =	vst v2  }
0x2d3: {  	_ =	swait.ge [sflag:s25], $0x1000  }
0x2d4: {  	[sflag:s25] =	ssyncset.done $0x0  }
0x2d5: {  	s30 =	simm.s32 $0x7600;
	[sflag:s25] =	ssyncadd.s32 $0xFFFFF000  }
0x2d6: {  	v1 =	vld [tilespmem:s30+$0x0]  }
0x2d7: {  	v2 =	vld [tilespmem:s30+$0x10]  }
0x2d8: {  	v3 =	vld [tilespmem:s30+$0x20]  }
0x2d9: {  	v4 =	vld [tilespmem:s30+$0x30]  }
0x2da: {  	v5 =	vld [tilespmem:s30+$0x40]  }
0x2db: {  	v7 =	vimm.f32 $0.0e+00;
	v6 =	vld [tilespmem:s30+$0x50]  }
0x2dc: {  	v8 =	vld [tilespmem:s30+$0x60];
	v1 =	vadd.f32 v1, v7;
	v2 =	vadd.f32 v2, v7  }
0x2dd: {  	v7 =	vld [tilespmem:s30+$0x70]  }
0x2de: {  	v9 =	vld [tilespmem:s30+$0x80];
	v3 =	vadd.f32 v3, v1;
	v2 =	vadd.f32 v4, v2  }
0x2df: {  	v10 =	vld [tilespmem:s30+$0x90]  }
0x2e0: {  	v1 =	vld [tilespmem:s30+$0xA0];
	v3 =	vadd.f32 v5, v3;
	v5 =	vadd.f32 v6, v2  }
0x2e1: {  	v4 =	vld [tilespmem:s30+$0xB0]  }
0x2e2: {  	v2 =	vld [tilespmem:s30+$0xC0];
	v6 =	vadd.f32 v8, v3;
	v8 =	vadd.f32 v7, v5  }
0x2e3: {  	v5 =	vld [tilespmem:s30+$0xD0]  }
0x2e4: {  	v3 =	vld [tilespmem:s30+$0xE0];
	v7 =	vadd.f32 v9, v6;
	v8 =	vadd.f32 v10, v8  }
0x2e5: {  	s29 =	simm.s32 $0x0;
	v6 =	vld [tilespmem:s30+$0xF0];
	s30 =	simm.s32 $0x7700  }
.LBB2_14:
0x2e6: {  	v9 =	vld [tilespmem:s30+$0x0];
	v1 =	vadd.f32 v1, v7;
	v4 =	vadd.f32 v4, v8  }
0x2e7: {  	s29 =	sadd.s32 $0x8, s29;
	v7 =	vld [tilespmem:s30+$0x10]  }
0x2e8: {  	p0 =	slt.u32 s29, $0x78;
	v8 =	vld [tilespmem:s30+$0x20];
	v1 =	vadd.f32 v2, v1;
	v2 =	vadd.f32 v5, v4  }
0x2e9: {  	v4 =	vld [tilespmem:s30+$0x30]  }
0x2ea: {  	v5 =	vld [tilespmem:s30+$0x40];
	v1 =	vadd.f32 v3, v1;
	v2 =	vadd.f32 v6, v2  }
0x2eb: {  	v3 =	vld [tilespmem:s30+$0x50]  }
0x2ec: {  	v1 =	vadd.f32 v9, v1;
	v2 =	vadd.f32 v7, v2;
	v6 =	vld [tilespmem:s30+$0x60]  }
0x2ed: {  	v7 =	vld [tilespmem:s30+$0x70]  }
0x2ee: {  	v1 =	vadd.f32 v8, v1;
	v2 =	vadd.f32 v4, v2;
	v8 =	vld [tilespmem:s30+$0x80]  }
0x2ef: {  	v9 =	vld [tilespmem:s30+$0x90]  }
0x2f0: {  	v5 =	vadd.f32 v5, v1;
	v2 =	vadd.f32 v3, v2;
	v1 =	vld [tilespmem:s30+$0xA0]  }
.Ltmp6:
0x2f1: {  	v4 =	vld [tilespmem:s30+$0xB0];
	(pc) =	sbr.rel @p0 .LBB2_14-.Ltmp6, $4  }
0x2f2: {  	v3 =	vadd.f32 v6, v5;
	v6 =	vadd.f32 v7, v2;
	v2 =	vld [tilespmem:s30+$0xC0]  }
0x2f3: {  	v5 =	vld [tilespmem:s30+$0xD0]  }
0x2f4: {  	v7 =	vadd.f32 v8, v3;
	v8 =	vadd.f32 v9, v6;
	v3 =	vld [tilespmem:s30+$0xE0]  }
0x2f5: {  	v6 =	vld [tilespmem:s30+$0xF0];
	s30 =	sadd.s32 $0x100, s30  }
0x2f6: {  	v1 =	vadd.f32 v1, v7  }
0x2f7: {  	v4 =	vadd.f32 v4, v8  }
0x2f8: {  	v1 =	vadd.f32 v2, v1  }
0x2f9: {  	v2 =	vadd.f32 v5, v4  }
0x2fa: {  	v1 =	vadd.f32 v3, v1  }
0x2fb: {  	v2 =	vadd.f32 v6, v2  }
0x2fc: {  	[tilespmem:$0x156C0] =	vst v1  }
0x2fd: {  	[tilespmem:$0x156D0] =	vst v2  }
0x2fe: {  	_ =	swait.ge [sflag:s25], $0x1000  }
0x2ff: {  	[sflag:s25] =	ssyncset.done $0x0  }
0x300: {  	s30 =	simm.s32 $0x8600;
	[sflag:s25] =	ssyncadd.s32 $0xFFFFF000  }
0x301: {  	v1 =	vld [tilespmem:s30+$0x0]  }
0x302: {  	v2 =	vld [tilespmem:s30+$0x10]  }
0x303: {  	v3 =	vld [tilespmem:s30+$0x20]  }
0x304: {  	v4 =	vld [tilespmem:s30+$0x30]  }
0x305: {  	v5 =	vld [tilespmem:s30+$0x40]  }
0x306: {  	v7 =	vimm.f32 $0.0e+00;
	v6 =	vld [tilespmem:s30+$0x50]  }
0x307: {  	v8 =	vld [tilespmem:s30+$0x60];
	v1 =	vadd.f32 v1, v7;
	v2 =	vadd.f32 v2, v7  }
0x308: {  	v7 =	vld [tilespmem:s30+$0x70]  }
0x309: {  	v9 =	vld [tilespmem:s30+$0x80];
	v3 =	vadd.f32 v3, v1;
	v2 =	vadd.f32 v4, v2  }
0x30a: {  	v10 =	vld [tilespmem:s30+$0x90]  }
0x30b: {  	v1 =	vld [tilespmem:s30+$0xA0];
	v3 =	vadd.f32 v5, v3;
	v5 =	vadd.f32 v6, v2  }
0x30c: {  	v4 =	vld [tilespmem:s30+$0xB0]  }
0x30d: {  	v2 =	vld [tilespmem:s30+$0xC0];
	v6 =	vadd.f32 v8, v3;
	v8 =	vadd.f32 v7, v5  }
0x30e: {  	v5 =	vld [tilespmem:s30+$0xD0]  }
0x30f: {  	v3 =	vld [tilespmem:s30+$0xE0];
	v7 =	vadd.f32 v9, v6;
	v8 =	vadd.f32 v10, v8  }
0x310: {  	s29 =	simm.s32 $0x0;
	v6 =	vld [tilespmem:s30+$0xF0];
	s30 =	simm.s32 $0x8700  }
.LBB2_16:
0x311: {  	v9 =	vld [tilespmem:s30+$0x0];
	v1 =	vadd.f32 v1, v7;
	v4 =	vadd.f32 v4, v8  }
0x312: {  	s29 =	sadd.s32 $0x8, s29;
	v7 =	vld [tilespmem:s30+$0x10]  }
0x313: {  	p0 =	slt.u32 s29, $0x78;
	v8 =	vld [tilespmem:s30+$0x20];
	v1 =	vadd.f32 v2, v1;
	v2 =	vadd.f32 v5, v4  }
0x314: {  	v4 =	vld [tilespmem:s30+$0x30]  }
0x315: {  	v5 =	vld [tilespmem:s30+$0x40];
	v1 =	vadd.f32 v3, v1;
	v2 =	vadd.f32 v6, v2  }
0x316: {  	v3 =	vld [tilespmem:s30+$0x50]  }
0x317: {  	v1 =	vadd.f32 v9, v1;
	v2 =	vadd.f32 v7, v2;
	v6 =	vld [tilespmem:s30+$0x60]  }
0x318: {  	v7 =	vld [tilespmem:s30+$0x70]  }
0x319: {  	v1 =	vadd.f32 v8, v1;
	v2 =	vadd.f32 v4, v2;
	v8 =	vld [tilespmem:s30+$0x80]  }
0x31a: {  	v9 =	vld [tilespmem:s30+$0x90]  }
0x31b: {  	v5 =	vadd.f32 v5, v1;
	v2 =	vadd.f32 v3, v2;
	v1 =	vld [tilespmem:s30+$0xA0]  }
.Ltmp7:
0x31c: {  	v4 =	vld [tilespmem:s30+$0xB0];
	(pc) =	sbr.rel @p0 .LBB2_16-.Ltmp7, $4  }
0x31d: {  	v3 =	vadd.f32 v6, v5;
	v6 =	vadd.f32 v7, v2;
	v2 =	vld [tilespmem:s30+$0xC0]  }
0x31e: {  	v5 =	vld [tilespmem:s30+$0xD0]  }
0x31f: {  	v7 =	vadd.f32 v8, v3;
	v8 =	vadd.f32 v9, v6;
	v3 =	vld [tilespmem:s30+$0xE0]  }
0x320: {  	v6 =	vld [tilespmem:s30+$0xF0];
	s30 =	sadd.s32 $0x100, s30  }
0x321: {  	v1 =	vadd.f32 v1, v7  }
0x322: {  	v4 =	vadd.f32 v4, v8  }
0x323: {  	v1 =	vadd.f32 v2, v1  }
0x324: {  	v2 =	vadd.f32 v5, v4  }
0x325: {  	v1 =	vadd.f32 v3, v1  }
0x326: {  	v2 =	vadd.f32 v6, v2  }
0x327: {  	[tilespmem:$0x156E0] =	vst v1  }
0x328: {  	[tilespmem:$0x156F0] =	vst v2  }
0x329: {  	_ =	swait.ge [sflag:s25], $0x1000  }
0x32a: {  	[sflag:s25] =	ssyncset.done $0x0  }
0x32b: {  	s30 =	simm.s32 $0x9600;
	[sflag:s25] =	ssyncadd.s32 $0xFFFFF000  }
0x32c: {  	v1 =	vld [tilespmem:s30+$0x0]  }
0x32d: {  	v2 =	vld [tilespmem:s30+$0x10]  }
0x32e: {  	v3 =	vld [tilespmem:s30+$0x20]  }
0x32f: {  	v4 =	vld [tilespmem:s30+$0x30]  }
0x330: {  	v5 =	vld [tilespmem:s30+$0x40]  }
0x331: {  	v7 =	vimm.f32 $0.0e+00;
	v6 =	vld [tilespmem:s30+$0x50]  }
0x332: {  	v8 =	vld [tilespmem:s30+$0x60];
	v1 =	vadd.f32 v1, v7;
	v2 =	vadd.f32 v2, v7  }
0x333: {  	v7 =	vld [tilespmem:s30+$0x70]  }
0x334: {  	v9 =	vld [tilespmem:s30+$0x80];
	v3 =	vadd.f32 v3, v1;
	v2 =	vadd.f32 v4, v2  }
0x335: {  	v10 =	vld [tilespmem:s30+$0x90]  }
0x336: {  	v1 =	vld [tilespmem:s30+$0xA0];
	v3 =	vadd.f32 v5, v3;
	v5 =	vadd.f32 v6, v2  }
0x337: {  	v4 =	vld [tilespmem:s30+$0xB0]  }
0x338: {  	v2 =	vld [tilespmem:s30+$0xC0];
	v6 =	vadd.f32 v8, v3;
	v8 =	vadd.f32 v7, v5  }
0x339: {  	v5 =	vld [tilespmem:s30+$0xD0]  }
0x33a: {  	v3 =	vld [tilespmem:s30+$0xE0];
	v7 =	vadd.f32 v9, v6;
	v8 =	vadd.f32 v10, v8  }
0x33b: {  	s29 =	simm.s32 $0x0;
	v6 =	vld [tilespmem:s30+$0xF0];
	s30 =	simm.s32 $0x9700  }
.LBB2_18:
0x33c: {  	v9 =	vld [tilespmem:s30+$0x0];
	v1 =	vadd.f32 v1, v7;
	v4 =	vadd.f32 v4, v8  }
0x33d: {  	s29 =	sadd.s32 $0x8, s29;
	v7 =	vld [tilespmem:s30+$0x10]  }
0x33e: {  	p0 =	slt.u32 s29, $0x78;
	v8 =	vld [tilespmem:s30+$0x20];
	v1 =	vadd.f32 v2, v1;
	v2 =	vadd.f32 v5, v4  }
0x33f: {  	v4 =	vld [tilespmem:s30+$0x30]  }
0x340: {  	v5 =	vld [tilespmem:s30+$0x40];
	v1 =	vadd.f32 v3, v1;
	v2 =	vadd.f32 v6, v2  }
0x341: {  	v3 =	vld [tilespmem:s30+$0x50]  }
0x342: {  	v1 =	vadd.f32 v9, v1;
	v2 =	vadd.f32 v7, v2;
	v6 =	vld [tilespmem:s30+$0x60]  }
0x343: {  	v7 =	vld [tilespmem:s30+$0x70]  }
0x344: {  	v1 =	vadd.f32 v8, v1;
	v2 =	vadd.f32 v4, v2;
	v8 =	vld [tilespmem:s30+$0x80]  }
0x345: {  	v9 =	vld [tilespmem:s30+$0x90]  }
0x346: {  	v5 =	vadd.f32 v5, v1;
	v2 =	vadd.f32 v3, v2;
	v1 =	vld [tilespmem:s30+$0xA0]  }
.Ltmp8:
0x347: {  	v4 =	vld [tilespmem:s30+$0xB0];
	(pc) =	sbr.rel @p0 .LBB2_18-.Ltmp8, $4  }
0x348: {  	v3 =	vadd.f32 v6, v5;
	v6 =	vadd.f32 v7, v2;
	v2 =	vld [tilespmem:s30+$0xC0]  }
0x349: {  	v5 =	vld [tilespmem:s30+$0xD0]  }
0x34a: {  	v7 =	vadd.f32 v8, v3;
	v8 =	vadd.f32 v9, v6;
	v3 =	vld [tilespmem:s30+$0xE0]  }
0x34b: {  	v6 =	vld [tilespmem:s30+$0xF0];
	s30 =	sadd.s32 $0x100, s30  }
0x34c: {  	v1 =	vadd.f32 v1, v7  }
0x34d: {  	v4 =	vadd.f32 v4, v8  }
0x34e: {  	v1 =	vadd.f32 v2, v1  }
0x34f: {  	v2 =	vadd.f32 v5, v4  }
0x350: {  	v1 =	vadd.f32 v3, v1  }
0x351: {  	v2 =	vadd.f32 v6, v2  }
0x352: {  	[tilespmem:$0x15700] =	vst v1  }
0x353: {  	[tilespmem:$0x15710] =	vst v2  }
0x354: {  	_ =	swait.ge [sflag:s25], $0x1000  }
0x355: {  	[sflag:s25] =	ssyncset.done $0x0  }
0x356: {  	s30 =	simm.s32 $0xA600;
	[sflag:s25] =	ssyncadd.s32 $0xFFFFF000  }
0x357: {  	v1 =	vld [tilespmem:s30+$0x0]  }
0x358: {  	v2 =	vld [tilespmem:s30+$0x10]  }
0x359: {  	v3 =	vld [tilespmem:s30+$0x20]  }
0x35a: {  	v4 =	vld [tilespmem:s30+$0x30]  }
0x35b: {  	v5 =	vld [tilespmem:s30+$0x40]  }
0x35c: {  	v7 =	vimm.f32 $0.0e+00;
	v6 =	vld [tilespmem:s30+$0x50]  }
0x35d: {  	v8 =	vld [tilespmem:s30+$0x60];
	v1 =	vadd.f32 v1, v7;
	v2 =	vadd.f32 v2, v7  }
0x35e: {  	v7 =	vld [tilespmem:s30+$0x70]  }
0x35f: {  	v9 =	vld [tilespmem:s30+$0x80];
	v3 =	vadd.f32 v3, v1;
	v2 =	vadd.f32 v4, v2  }
0x360: {  	v10 =	vld [tilespmem:s30+$0x90]  }
0x361: {  	v1 =	vld [tilespmem:s30+$0xA0];
	v3 =	vadd.f32 v5, v3;
	v5 =	vadd.f32 v6, v2  }
0x362: {  	v4 =	vld [tilespmem:s30+$0xB0]  }
0x363: {  	v2 =	vld [tilespmem:s30+$0xC0];
	v6 =	vadd.f32 v8, v3;
	v8 =	vadd.f32 v7, v5  }
0x364: {  	v5 =	vld [tilespmem:s30+$0xD0]  }
0x365: {  	v3 =	vld [tilespmem:s30+$0xE0];
	v7 =	vadd.f32 v9, v6;
	v8 =	vadd.f32 v10, v8  }
0x366: {  	s29 =	simm.s32 $0x0;
	v6 =	vld [tilespmem:s30+$0xF0];
	s30 =	simm.s32 $0xA700  }
.LBB2_20:
0x367: {  	v9 =	vld [tilespmem:s30+$0x0];
	v1 =	vadd.f32 v1, v7;
	v4 =	vadd.f32 v4, v8  }
0x368: {  	s29 =	sadd.s32 $0x8, s29;
	v7 =	vld [tilespmem:s30+$0x10]  }
0x369: {  	p0 =	slt.u32 s29, $0x78;
	v8 =	vld [tilespmem:s30+$0x20];
	v1 =	vadd.f32 v2, v1;
	v2 =	vadd.f32 v5, v4  }
0x36a: {  	v4 =	vld [tilespmem:s30+$0x30]  }
0x36b: {  	v5 =	vld [tilespmem:s30+$0x40];
	v1 =	vadd.f32 v3, v1;
	v2 =	vadd.f32 v6, v2  }
0x36c: {  	v3 =	vld [tilespmem:s30+$0x50]  }
0x36d: {  	v1 =	vadd.f32 v9, v1;
	v2 =	vadd.f32 v7, v2;
	v6 =	vld [tilespmem:s30+$0x60]  }
0x36e: {  	v7 =	vld [tilespmem:s30+$0x70]  }
0x36f: {  	v1 =	vadd.f32 v8, v1;
	v2 =	vadd.f32 v4, v2;
	v8 =	vld [tilespmem:s30+$0x80]  }
0x370: {  	v9 =	vld [tilespmem:s30+$0x90]  }
0x371: {  	v5 =	vadd.f32 v5, v1;
	v2 =	vadd.f32 v3, v2;
	v1 =	vld [tilespmem:s30+$0xA0]  }
.Ltmp9:
0x372: {  	v4 =	vld [tilespmem:s30+$0xB0];
	(pc) =	sbr.rel @p0 .LBB2_20-.Ltmp9, $4  }
0x373: {  	v3 =	vadd.f32 v6, v5;
	v6 =	vadd.f32 v7, v2;
	v2 =	vld [tilespmem:s30+$0xC0]  }
0x374: {  	v5 =	vld [tilespmem:s30+$0xD0]  }
0x375: {  	v7 =	vadd.f32 v8, v3;
	v8 =	vadd.f32 v9, v6;
	v3 =	vld [tilespmem:s30+$0xE0]  }
0x376: {  	v6 =	vld [tilespmem:s30+$0xF0];
	s30 =	sadd.s32 $0x100, s30  }
0x377: {  	v1 =	vadd.f32 v1, v7  }
0x378: {  	v4 =	vadd.f32 v4, v8  }
0x379: {  	v1 =	vadd.f32 v2, v1  }
0x37a: {  	v2 =	vadd.f32 v5, v4  }
0x37b: {  	v1 =	vadd.f32 v3, v1  }
0x37c: {  	v2 =	vadd.f32 v6, v2  }
0x37d: {  	[tilespmem:$0x15720] =	vst v1  }
0x37e: {  	[tilespmem:$0x15730] =	vst v2  }
0x37f: {  	_ =	swait.ge [sflag:s25], $0x1000  }
0x380: {  	[sflag:s25] =	ssyncset.done $0x0  }
0x381: {  	s30 =	simm.s32 $0xB600;
	[sflag:s25] =	ssyncadd.s32 $0xFFFFF000  }
0x382: {  	v1 =	vld [tilespmem:s30+$0x0]  }
0x383: {  	v2 =	vld [tilespmem:s30+$0x10]  }
0x384: {  	v3 =	vld [tilespmem:s30+$0x20]  }
0x385: {  	v4 =	vld [tilespmem:s30+$0x30]  }
0x386: {  	v5 =	vld [tilespmem:s30+$0x40]  }
0x387: {  	v7 =	vimm.f32 $0.0e+00;
	v6 =	vld [tilespmem:s30+$0x50]  }
0x388: {  	v8 =	vld [tilespmem:s30+$0x60];
	v1 =	vadd.f32 v1, v7;
	v2 =	vadd.f32 v2, v7  }
0x389: {  	v7 =	vld [tilespmem:s30+$0x70]  }
0x38a: {  	v9 =	vld [tilespmem:s30+$0x80];
	v3 =	vadd.f32 v3, v1;
	v2 =	vadd.f32 v4, v2  }
0x38b: {  	v10 =	vld [tilespmem:s30+$0x90]  }
0x38c: {  	v1 =	vld [tilespmem:s30+$0xA0];
	v3 =	vadd.f32 v5, v3;
	v5 =	vadd.f32 v6, v2  }
0x38d: {  	v4 =	vld [tilespmem:s30+$0xB0]  }
0x38e: {  	v2 =	vld [tilespmem:s30+$0xC0];
	v6 =	vadd.f32 v8, v3;
	v8 =	vadd.f32 v7, v5  }
0x38f: {  	v5 =	vld [tilespmem:s30+$0xD0]  }
0x390: {  	v3 =	vld [tilespmem:s30+$0xE0];
	v7 =	vadd.f32 v9, v6;
	v8 =	vadd.f32 v10, v8  }
0x391: {  	s29 =	simm.s32 $0x0;
	v6 =	vld [tilespmem:s30+$0xF0];
	s30 =	simm.s32 $0xB700  }
.LBB2_22:
0x392: {  	v9 =	vld [tilespmem:s30+$0x0];
	v1 =	vadd.f32 v1, v7;
	v4 =	vadd.f32 v4, v8  }
0x393: {  	s29 =	sadd.s32 $0x8, s29;
	v7 =	vld [tilespmem:s30+$0x10]  }
0x394: {  	p0 =	slt.u32 s29, $0x78;
	v8 =	vld [tilespmem:s30+$0x20];
	v1 =	vadd.f32 v2, v1;
	v2 =	vadd.f32 v5, v4  }
0x395: {  	v4 =	vld [tilespmem:s30+$0x30]  }
0x396: {  	v5 =	vld [tilespmem:s30+$0x40];
	v1 =	vadd.f32 v3, v1;
	v2 =	vadd.f32 v6, v2  }
0x397: {  	v3 =	vld [tilespmem:s30+$0x50]  }
0x398: {  	v1 =	vadd.f32 v9, v1;
	v2 =	vadd.f32 v7, v2;
	v6 =	vld [tilespmem:s30+$0x60]  }
0x399: {  	v7 =	vld [tilespmem:s30+$0x70]  }
0x39a: {  	v1 =	vadd.f32 v8, v1;
	v2 =	vadd.f32 v4, v2;
	v8 =	vld [tilespmem:s30+$0x80]  }
0x39b: {  	v9 =	vld [tilespmem:s30+$0x90]  }
0x39c: {  	v5 =	vadd.f32 v5, v1;
	v2 =	vadd.f32 v3, v2;
	v1 =	vld [tilespmem:s30+$0xA0]  }
.Ltmp10:
0x39d: {  	v4 =	vld [tilespmem:s30+$0xB0];
	(pc) =	sbr.rel @p0 .LBB2_22-.Ltmp10, $4  }
0x39e: {  	v3 =	vadd.f32 v6, v5;
	v6 =	vadd.f32 v7, v2;
	v2 =	vld [tilespmem:s30+$0xC0]  }
0x39f: {  	v5 =	vld [tilespmem:s30+$0xD0]  }
0x3a0: {  	v7 =	vadd.f32 v8, v3;
	v8 =	vadd.f32 v9, v6;
	v3 =	vld [tilespmem:s30+$0xE0]  }
0x3a1: {  	v6 =	vld [tilespmem:s30+$0xF0];
	s30 =	sadd.s32 $0x100, s30  }
0x3a2: {  	v1 =	vadd.f32 v1, v7  }
0x3a3: {  	v4 =	vadd.f32 v4, v8  }
0x3a4: {  	v1 =	vadd.f32 v2, v1  }
0x3a5: {  	v2 =	vadd.f32 v5, v4  }
0x3a6: {  	v1 =	vadd.f32 v3, v1  }
0x3a7: {  	v2 =	vadd.f32 v6, v2  }
0x3a8: {  	[tilespmem:$0x15740] =	vst v1  }
0x3a9: {  	[tilespmem:$0x15750] =	vst v2  }
0x3aa: {  	_ =	swait.ge [sflag:s25], $0x1000  }
0x3ab: {  	[sflag:s25] =	ssyncset.done $0x0  }
0x3ac: {  	s30 =	simm.s32 $0xC600;
	[sflag:s25] =	ssyncadd.s32 $0xFFFFF000  }
0x3ad: {  	v1 =	vld [tilespmem:s30+$0x0]  }
0x3ae: {  	v2 =	vld [tilespmem:s30+$0x10]  }
0x3af: {  	v3 =	vld [tilespmem:s30+$0x20]  }
0x3b0: {  	v4 =	vld [tilespmem:s30+$0x30]  }
0x3b1: {  	v5 =	vld [tilespmem:s30+$0x40]  }
0x3b2: {  	v7 =	vimm.f32 $0.0e+00;
	v6 =	vld [tilespmem:s30+$0x50]  }
0x3b3: {  	v8 =	vld [tilespmem:s30+$0x60];
	v1 =	vadd.f32 v1, v7;
	v2 =	vadd.f32 v2, v7  }
0x3b4: {  	v7 =	vld [tilespmem:s30+$0x70]  }
0x3b5: {  	v9 =	vld [tilespmem:s30+$0x80];
	v3 =	vadd.f32 v3, v1;
	v2 =	vadd.f32 v4, v2  }
0x3b6: {  	v10 =	vld [tilespmem:s30+$0x90]  }
0x3b7: {  	v1 =	vld [tilespmem:s30+$0xA0];
	v3 =	vadd.f32 v5, v3;
	v5 =	vadd.f32 v6, v2  }
0x3b8: {  	v4 =	vld [tilespmem:s30+$0xB0]  }
0x3b9: {  	v2 =	vld [tilespmem:s30+$0xC0];
	v6 =	vadd.f32 v8, v3;
	v8 =	vadd.f32 v7, v5  }
0x3ba: {  	v5 =	vld [tilespmem:s30+$0xD0]  }
0x3bb: {  	v3 =	vld [tilespmem:s30+$0xE0];
	v7 =	vadd.f32 v9, v6;
	v8 =	vadd.f32 v10, v8  }
0x3bc: {  	s29 =	simm.s32 $0x0;
	v6 =	vld [tilespmem:s30+$0xF0];
	s30 =	simm.s32 $0xC700  }
.LBB2_24:
0x3bd: {  	v9 =	vld [tilespmem:s30+$0x0];
	v1 =	vadd.f32 v1, v7;
	v4 =	vadd.f32 v4, v8  }
0x3be: {  	s29 =	sadd.s32 $0x8, s29;
	v7 =	vld [tilespmem:s30+$0x10]  }
0x3bf: {  	p0 =	slt.u32 s29, $0x78;
	v8 =	vld [tilespmem:s30+$0x20];
	v1 =	vadd.f32 v2, v1;
	v2 =	vadd.f32 v5, v4  }
0x3c0: {  	v4 =	vld [tilespmem:s30+$0x30]  }
0x3c1: {  	v5 =	vld [tilespmem:s30+$0x40];
	v1 =	vadd.f32 v3, v1;
	v2 =	vadd.f32 v6, v2  }
0x3c2: {  	v3 =	vld [tilespmem:s30+$0x50]  }
0x3c3: {  	v1 =	vadd.f32 v9, v1;
	v2 =	vadd.f32 v7, v2;
	v6 =	vld [tilespmem:s30+$0x60]  }
0x3c4: {  	v7 =	vld [tilespmem:s30+$0x70]  }
0x3c5: {  	v1 =	vadd.f32 v8, v1;
	v2 =	vadd.f32 v4, v2;
	v8 =	vld [tilespmem:s30+$0x80]  }
0x3c6: {  	v9 =	vld [tilespmem:s30+$0x90]  }
0x3c7: {  	v5 =	vadd.f32 v5, v1;
	v2 =	vadd.f32 v3, v2;
	v1 =	vld [tilespmem:s30+$0xA0]  }
.Ltmp11:
0x3c8: {  	v4 =	vld [tilespmem:s30+$0xB0];
	(pc) =	sbr.rel @p0 .LBB2_24-.Ltmp11, $4  }
0x3c9: {  	v3 =	vadd.f32 v6, v5;
	v6 =	vadd.f32 v7, v2;
	v2 =	vld [tilespmem:s30+$0xC0]  }
0x3ca: {  	v5 =	vld [tilespmem:s30+$0xD0]  }
0x3cb: {  	v7 =	vadd.f32 v8, v3;
	v8 =	vadd.f32 v9, v6;
	v3 =	vld [tilespmem:s30+$0xE0]  }
0x3cc: {  	v6 =	vld [tilespmem:s30+$0xF0];
	s30 =	sadd.s32 $0x100, s30  }
0x3cd: {  	v1 =	vadd.f32 v1, v7  }
0x3ce: {  	v4 =	vadd.f32 v4, v8  }
0x3cf: {  	v1 =	vadd.f32 v2, v1  }
0x3d0: {  	v2 =	vadd.f32 v5, v4  }
0x3d1: {  	v1 =	vadd.f32 v3, v1  }
0x3d2: {  	v2 =	vadd.f32 v6, v2  }
0x3d3: {  	[tilespmem:$0x15760] =	vst v1  }
0x3d4: {  	[tilespmem:$0x15770] =	vst v2  }
0x3d5: {  	_ =	swait.ge [sflag:s25], $0x1000  }
0x3d6: {  	[sflag:s25] =	ssyncset.done $0x0  }
0x3d7: {  	s30 =	simm.s32 $0xD600;
	[sflag:s25] =	ssyncadd.s32 $0xFFFFF000  }
0x3d8: {  	v1 =	vld [tilespmem:s30+$0x0]  }
0x3d9: {  	v2 =	vld [tilespmem:s30+$0x10]  }
0x3da: {  	v3 =	vld [tilespmem:s30+$0x20]  }
0x3db: {  	v4 =	vld [tilespmem:s30+$0x30]  }
0x3dc: {  	v5 =	vld [tilespmem:s30+$0x40]  }
0x3dd: {  	v7 =	vimm.f32 $0.0e+00;
	v6 =	vld [tilespmem:s30+$0x50]  }
0x3de: {  	v8 =	vld [tilespmem:s30+$0x60];
	v1 =	vadd.f32 v1, v7;
	v2 =	vadd.f32 v2, v7  }
0x3df: {  	v7 =	vld [tilespmem:s30+$0x70]  }
0x3e0: {  	v9 =	vld [tilespmem:s30+$0x80];
	v3 =	vadd.f32 v3, v1;
	v2 =	vadd.f32 v4, v2  }
0x3e1: {  	v10 =	vld [tilespmem:s30+$0x90]  }
0x3e2: {  	v1 =	vld [tilespmem:s30+$0xA0];
	v3 =	vadd.f32 v5, v3;
	v5 =	vadd.f32 v6, v2  }
0x3e3: {  	v4 =	vld [tilespmem:s30+$0xB0]  }
0x3e4: {  	v2 =	vld [tilespmem:s30+$0xC0];
	v6 =	vadd.f32 v8, v3;
	v8 =	vadd.f32 v7, v5  }
0x3e5: {  	v5 =	vld [tilespmem:s30+$0xD0]  }
0x3e6: {  	v3 =	vld [tilespmem:s30+$0xE0];
	v7 =	vadd.f32 v9, v6;
	v8 =	vadd.f32 v10, v8  }
0x3e7: {  	s29 =	simm.s32 $0x0;
	v6 =	vld [tilespmem:s30+$0xF0];
	s30 =	simm.s32 $0xD700  }
.LBB2_26:
0x3e8: {  	v9 =	vld [tilespmem:s30+$0x0];
	v1 =	vadd.f32 v1, v7;
	v4 =	vadd.f32 v4, v8  }
0x3e9: {  	s29 =	sadd.s32 $0x8, s29;
	v7 =	vld [tilespmem:s30+$0x10]  }
0x3ea: {  	p0 =	slt.u32 s29, $0x78;
	v8 =	vld [tilespmem:s30+$0x20];
	v1 =	vadd.f32 v2, v1;
	v2 =	vadd.f32 v5, v4  }
0x3eb: {  	v4 =	vld [tilespmem:s30+$0x30]  }
0x3ec: {  	v5 =	vld [tilespmem:s30+$0x40];
	v1 =	vadd.f32 v3, v1;
	v2 =	vadd.f32 v6, v2  }
0x3ed: {  	v3 =	vld [tilespmem:s30+$0x50]  }
0x3ee: {  	v1 =	vadd.f32 v9, v1;
	v2 =	vadd.f32 v7, v2;
	v6 =	vld [tilespmem:s30+$0x60]  }
0x3ef: {  	v7 =	vld [tilespmem:s30+$0x70]  }
0x3f0: {  	v1 =	vadd.f32 v8, v1;
	v2 =	vadd.f32 v4, v2;
	v8 =	vld [tilespmem:s30+$0x80]  }
0x3f1: {  	v9 =	vld [tilespmem:s30+$0x90]  }
0x3f2: {  	v5 =	vadd.f32 v5, v1;
	v2 =	vadd.f32 v3, v2;
	v1 =	vld [tilespmem:s30+$0xA0]  }
.Ltmp12:
0x3f3: {  	v4 =	vld [tilespmem:s30+$0xB0];
	(pc) =	sbr.rel @p0 .LBB2_26-.Ltmp12, $4  }
0x3f4: {  	v3 =	vadd.f32 v6, v5;
	v6 =	vadd.f32 v7, v2;
	v2 =	vld [tilespmem:s30+$0xC0]  }
0x3f5: {  	v5 =	vld [tilespmem:s30+$0xD0]  }
0x3f6: {  	v7 =	vadd.f32 v8, v3;
	v8 =	vadd.f32 v9, v6;
	v3 =	vld [tilespmem:s30+$0xE0]  }
0x3f7: {  	v6 =	vld [tilespmem:s30+$0xF0];
	s30 =	sadd.s32 $0x100, s30  }
0x3f8: {  	v1 =	vadd.f32 v1, v7  }
0x3f9: {  	v4 =	vadd.f32 v4, v8  }
0x3fa: {  	v1 =	vadd.f32 v2, v1  }
0x3fb: {  	v2 =	vadd.f32 v5, v4  }
0x3fc: {  	v1 =	vadd.f32 v3, v1  }
0x3fd: {  	v2 =	vadd.f32 v6, v2  }
0x3fe: {  	[tilespmem:$0x15780] =	vst v1  }
0x3ff: {  	[tilespmem:$0x15790] =	vst v2  }
0x400: {  	_ =	swait.ge [sflag:s25], $0x1000  }
0x401: {  	[sflag:s25] =	ssyncset.done $0x0  }
0x402: {  	s30 =	simm.s32 $0xE600;
	[sflag:s25] =	ssyncadd.s32 $0xFFFFF000  }
0x403: {  	v1 =	vld [tilespmem:s30+$0x0]  }
0x404: {  	v2 =	vld [tilespmem:s30+$0x10]  }
0x405: {  	v3 =	vld [tilespmem:s30+$0x20]  }
0x406: {  	v4 =	vld [tilespmem:s30+$0x30]  }
0x407: {  	v5 =	vld [tilespmem:s30+$0x40]  }
0x408: {  	v7 =	vimm.f32 $0.0e+00;
	v6 =	vld [tilespmem:s30+$0x50]  }
0x409: {  	v8 =	vld [tilespmem:s30+$0x60];
	v1 =	vadd.f32 v1, v7;
	v2 =	vadd.f32 v2, v7  }
0x40a: {  	v7 =	vld [tilespmem:s30+$0x70]  }
0x40b: {  	v9 =	vld [tilespmem:s30+$0x80];
	v3 =	vadd.f32 v3, v1;
	v2 =	vadd.f32 v4, v2  }
0x40c: {  	v10 =	vld [tilespmem:s30+$0x90]  }
0x40d: {  	v1 =	vld [tilespmem:s30+$0xA0];
	v3 =	vadd.f32 v5, v3;
	v5 =	vadd.f32 v6, v2  }
0x40e: {  	v4 =	vld [tilespmem:s30+$0xB0]  }
0x40f: {  	v2 =	vld [tilespmem:s30+$0xC0];
	v6 =	vadd.f32 v8, v3;
	v8 =	vadd.f32 v7, v5  }
0x410: {  	v5 =	vld [tilespmem:s30+$0xD0]  }
0x411: {  	v3 =	vld [tilespmem:s30+$0xE0];
	v7 =	vadd.f32 v9, v6;
	v8 =	vadd.f32 v10, v8  }
0x412: {  	s29 =	simm.s32 $0x0;
	v6 =	vld [tilespmem:s30+$0xF0];
	s30 =	simm.s32 $0xE700  }
.LBB2_28:
0x413: {  	v9 =	vld [tilespmem:s30+$0x0];
	v1 =	vadd.f32 v1, v7;
	v4 =	vadd.f32 v4, v8  }
0x414: {  	s29 =	sadd.s32 $0x8, s29;
	v7 =	vld [tilespmem:s30+$0x10]  }
0x415: {  	p0 =	slt.u32 s29, $0x78;
	v8 =	vld [tilespmem:s30+$0x20];
	v1 =	vadd.f32 v2, v1;
	v2 =	vadd.f32 v5, v4  }
0x416: {  	v4 =	vld [tilespmem:s30+$0x30]  }
0x417: {  	v5 =	vld [tilespmem:s30+$0x40];
	v1 =	vadd.f32 v3, v1;
	v2 =	vadd.f32 v6, v2  }
0x418: {  	v3 =	vld [tilespmem:s30+$0x50]  }
0x419: {  	v1 =	vadd.f32 v9, v1;
	v2 =	vadd.f32 v7, v2;
	v6 =	vld [tilespmem:s30+$0x60]  }
0x41a: {  	v7 =	vld [tilespmem:s30+$0x70]  }
0x41b: {  	v1 =	vadd.f32 v8, v1;
	v2 =	vadd.f32 v4, v2;
	v8 =	vld [tilespmem:s30+$0x80]  }
0x41c: {  	v9 =	vld [tilespmem:s30+$0x90]  }
0x41d: {  	v5 =	vadd.f32 v5, v1;
	v2 =	vadd.f32 v3, v2;
	v1 =	vld [tilespmem:s30+$0xA0]  }
.Ltmp13:
0x41e: {  	v4 =	vld [tilespmem:s30+$0xB0];
	(pc) =	sbr.rel @p0 .LBB2_28-.Ltmp13, $4  }
0x41f: {  	v3 =	vadd.f32 v6, v5;
	v6 =	vadd.f32 v7, v2;
	v2 =	vld [tilespmem:s30+$0xC0]  }
0x420: {  	v5 =	vld [tilespmem:s30+$0xD0]  }
0x421: {  	v7 =	vadd.f32 v8, v3;
	v8 =	vadd.f32 v9, v6;
	v3 =	vld [tilespmem:s30+$0xE0]  }
0x422: {  	v6 =	vld [tilespmem:s30+$0xF0];
	s30 =	sadd.s32 $0x100, s30  }
0x423: {  	v1 =	vadd.f32 v1, v7  }
0x424: {  	v4 =	vadd.f32 v4, v8  }
0x425: {  	v1 =	vadd.f32 v2, v1  }
0x426: {  	v2 =	vadd.f32 v5, v4  }
0x427: {  	v1 =	vadd.f32 v3, v1  }
0x428: {  	v2 =	vadd.f32 v6, v2  }
0x429: {  	[tilespmem:$0x157A0] =	vst v1  }
0x42a: {  	[tilespmem:$0x157B0] =	vst v2  }
0x42b: {  	_ =	swait.ge [sflag:s25], $0x1000  }
0x42c: {  	[sflag:s25] =	ssyncset.done $0x0  }
0x42d: {  	s30 =	simm.s32 $0xF600;
	[sflag:s25] =	ssyncadd.s32 $0xFFFFF000  }
0x42e: {  	v1 =	vld [tilespmem:s30+$0x0]  }
0x42f: {  	v2 =	vld [tilespmem:s30+$0x10]  }
0x430: {  	v3 =	vld [tilespmem:s30+$0x20]  }
0x431: {  	v4 =	vld [tilespmem:s30+$0x30]  }
0x432: {  	v5 =	vld [tilespmem:s30+$0x40]  }
0x433: {  	v7 =	vimm.f32 $0.0e+00;
	v6 =	vld [tilespmem:s30+$0x50]  }
0x434: {  	v8 =	vld [tilespmem:s30+$0x60];
	v1 =	vadd.f32 v1, v7;
	v2 =	vadd.f32 v2, v7  }
0x435: {  	v7 =	vld [tilespmem:s30+$0x70]  }
0x436: {  	v9 =	vld [tilespmem:s30+$0x80];
	v3 =	vadd.f32 v3, v1;
	v2 =	vadd.f32 v4, v2  }
0x437: {  	v10 =	vld [tilespmem:s30+$0x90]  }
0x438: {  	v1 =	vld [tilespmem:s30+$0xA0];
	v3 =	vadd.f32 v5, v3;
	v5 =	vadd.f32 v6, v2  }
0x439: {  	v4 =	vld [tilespmem:s30+$0xB0]  }
0x43a: {  	v2 =	vld [tilespmem:s30+$0xC0];
	v6 =	vadd.f32 v8, v3;
	v8 =	vadd.f32 v7, v5  }
0x43b: {  	v5 =	vld [tilespmem:s30+$0xD0]  }
0x43c: {  	v3 =	vld [tilespmem:s30+$0xE0];
	v7 =	vadd.f32 v9, v6;
	v8 =	vadd.f32 v10, v8  }
0x43d: {  	s29 =	simm.s32 $0x0;
	v6 =	vld [tilespmem:s30+$0xF0];
	s30 =	simm.s32 $0xF700  }
.LBB2_30:
0x43e: {  	v9 =	vld [tilespmem:s30+$0x0];
	v1 =	vadd.f32 v1, v7;
	v4 =	vadd.f32 v4, v8  }
0x43f: {  	s29 =	sadd.s32 $0x8, s29;
	v7 =	vld [tilespmem:s30+$0x10]  }
0x440: {  	p0 =	slt.u32 s29, $0x78;
	v8 =	vld [tilespmem:s30+$0x20];
	v1 =	vadd.f32 v2, v1;
	v2 =	vadd.f32 v5, v4  }
0x441: {  	v4 =	vld [tilespmem:s30+$0x30]  }
0x442: {  	v5 =	vld [tilespmem:s30+$0x40];
	v1 =	vadd.f32 v3, v1;
	v2 =	vadd.f32 v6, v2  }
0x443: {  	v3 =	vld [tilespmem:s30+$0x50]  }
0x444: {  	v1 =	vadd.f32 v9, v1;
	v2 =	vadd.f32 v7, v2;
	v6 =	vld [tilespmem:s30+$0x60]  }
0x445: {  	v7 =	vld [tilespmem:s30+$0x70]  }
0x446: {  	v1 =	vadd.f32 v8, v1;
	v2 =	vadd.f32 v4, v2;
	v8 =	vld [tilespmem:s30+$0x80]  }
0x447: {  	v9 =	vld [tilespmem:s30+$0x90]  }
0x448: {  	v5 =	vadd.f32 v5, v1;
	v2 =	vadd.f32 v3, v2;
	v1 =	vld [tilespmem:s30+$0xA0]  }
.Ltmp14:
0x449: {  	v4 =	vld [tilespmem:s30+$0xB0];
	(pc) =	sbr.rel @p0 .LBB2_30-.Ltmp14, $4  }
0x44a: {  	v3 =	vadd.f32 v6, v5;
	v6 =	vadd.f32 v7, v2;
	v2 =	vld [tilespmem:s30+$0xC0]  }
0x44b: {  	v5 =	vld [tilespmem:s30+$0xD0]  }
0x44c: {  	v7 =	vadd.f32 v8, v3;
	v8 =	vadd.f32 v9, v6;
	v3 =	vld [tilespmem:s30+$0xE0]  }
0x44d: {  	v6 =	vld [tilespmem:s30+$0xF0];
	s30 =	sadd.s32 $0x100, s30  }
0x44e: {  	v1 =	vadd.f32 v1, v7  }
0x44f: {  	v4 =	vadd.f32 v4, v8  }
0x450: {  	v1 =	vadd.f32 v2, v1  }
0x451: {  	v2 =	vadd.f32 v5, v4  }
0x452: {  	v1 =	vadd.f32 v3, v1  }
0x453: {  	v2 =	vadd.f32 v6, v2  }
0x454: {  	[tilespmem:$0x157C0] =	vst v1  }
0x455: {  	[tilespmem:$0x157D0] =	vst v2  }
0x456: {  	_ =	swait.ge [sflag:s25], $0x1000  }
0x457: {  	[sflag:s25] =	ssyncset.done $0x0  }
0x458: {  	s30 =	simm.s32 $0x10600;
	[sflag:s25] =	ssyncadd.s32 $0xFFFFF000  }
0x459: {  	v1 =	vld [tilespmem:s30+$0x0]  }
0x45a: {  	v2 =	vld [tilespmem:s30+$0x10]  }
0x45b: {  	v3 =	vld [tilespmem:s30+$0x20]  }
0x45c: {  	v4 =	vld [tilespmem:s30+$0x30]  }
0x45d: {  	v5 =	vld [tilespmem:s30+$0x40]  }
0x45e: {  	v7 =	vimm.f32 $0.0e+00;
	v6 =	vld [tilespmem:s30+$0x50]  }
0x45f: {  	v8 =	vld [tilespmem:s30+$0x60];
	v1 =	vadd.f32 v1, v7;
	v2 =	vadd.f32 v2, v7  }
0x460: {  	v7 =	vld [tilespmem:s30+$0x70]  }
0x461: {  	v9 =	vld [tilespmem:s30+$0x80];
	v3 =	vadd.f32 v3, v1;
	v2 =	vadd.f32 v4, v2  }
0x462: {  	v10 =	vld [tilespmem:s30+$0x90]  }
0x463: {  	v1 =	vld [tilespmem:s30+$0xA0];
	v3 =	vadd.f32 v5, v3;
	v5 =	vadd.f32 v6, v2  }
0x464: {  	v4 =	vld [tilespmem:s30+$0xB0]  }
0x465: {  	v2 =	vld [tilespmem:s30+$0xC0];
	v6 =	vadd.f32 v8, v3;
	v8 =	vadd.f32 v7, v5  }
0x466: {  	v5 =	vld [tilespmem:s30+$0xD0]  }
0x467: {  	v3 =	vld [tilespmem:s30+$0xE0];
	v7 =	vadd.f32 v9, v6;
	v8 =	vadd.f32 v10, v8  }
0x468: {  	s29 =	simm.s32 $0x0;
	v6 =	vld [tilespmem:s30+$0xF0];
	s30 =	simm.s32 $0x10700  }
.LBB2_32:
0x469: {  	v9 =	vld [tilespmem:s30+$0x0];
	v1 =	vadd.f32 v1, v7;
	v4 =	vadd.f32 v4, v8  }
0x46a: {  	s29 =	sadd.s32 $0x8, s29;
	v7 =	vld [tilespmem:s30+$0x10]  }
0x46b: {  	p0 =	slt.u32 s29, $0x78;
	v8 =	vld [tilespmem:s30+$0x20];
	v1 =	vadd.f32 v2, v1;
	v2 =	vadd.f32 v5, v4  }
0x46c: {  	v4 =	vld [tilespmem:s30+$0x30]  }
0x46d: {  	v5 =	vld [tilespmem:s30+$0x40];
	v1 =	vadd.f32 v3, v1;
	v2 =	vadd.f32 v6, v2  }
0x46e: {  	v3 =	vld [tilespmem:s30+$0x50]  }
0x46f: {  	v1 =	vadd.f32 v9, v1;
	v2 =	vadd.f32 v7, v2;
	v6 =	vld [tilespmem:s30+$0x60]  }
0x470: {  	v7 =	vld [tilespmem:s30+$0x70]  }
0x471: {  	v1 =	vadd.f32 v8, v1;
	v2 =	vadd.f32 v4, v2;
	v8 =	vld [tilespmem:s30+$0x80]  }
0x472: {  	v9 =	vld [tilespmem:s30+$0x90]  }
0x473: {  	v5 =	vadd.f32 v5, v1;
	v2 =	vadd.f32 v3, v2;
	v1 =	vld [tilespmem:s30+$0xA0]  }
.Ltmp15:
0x474: {  	v4 =	vld [tilespmem:s30+$0xB0];
	(pc) =	sbr.rel @p0 .LBB2_32-.Ltmp15, $4  }
0x475: {  	v3 =	vadd.f32 v6, v5;
	v6 =	vadd.f32 v7, v2;
	v2 =	vld [tilespmem:s30+$0xC0]  }
0x476: {  	v5 =	vld [tilespmem:s30+$0xD0]  }
0x477: {  	v7 =	vadd.f32 v8, v3;
	v8 =	vadd.f32 v9, v6;
	v3 =	vld [tilespmem:s30+$0xE0]  }
0x478: {  	v6 =	vld [tilespmem:s30+$0xF0];
	s30 =	sadd.s32 $0x100, s30  }
0x479: {  	v1 =	vadd.f32 v1, v7  }
0x47a: {  	v4 =	vadd.f32 v4, v8  }
0x47b: {  	v1 =	vadd.f32 v2, v1  }
0x47c: {  	v2 =	vadd.f32 v5, v4  }
0x47d: {  	v1 =	vadd.f32 v3, v1  }
0x47e: {  	v2 =	vadd.f32 v6, v2  }
0x47f: {  	[tilespmem:$0x157E0] =	vst v1  }
0x480: {  	[tilespmem:$0x157F0] =	vst v2  }
0x481: {  	_ =	swait.ge [sflag:s25], $0x1000  }
0x482: {  	[sflag:s25] =	ssyncset.done $0x0  }
0x483: {  	s30 =	simm.s32 $0x11600;
	[sflag:s25] =	ssyncadd.s32 $0xFFFFF000  }
0x484: {  	v1 =	vld [tilespmem:s30+$0x0]  }
0x485: {  	v2 =	vld [tilespmem:s30+$0x10]  }
0x486: {  	v3 =	vld [tilespmem:s30+$0x20]  }
0x487: {  	v4 =	vld [tilespmem:s30+$0x30]  }
0x488: {  	v5 =	vld [tilespmem:s30+$0x40]  }
0x489: {  	v7 =	vimm.f32 $0.0e+00;
	v6 =	vld [tilespmem:s30+$0x50]  }
0x48a: {  	v8 =	vld [tilespmem:s30+$0x60];
	v1 =	vadd.f32 v1, v7;
	v2 =	vadd.f32 v2, v7  }
0x48b: {  	v7 =	vld [tilespmem:s30+$0x70]  }
0x48c: {  	v9 =	vld [tilespmem:s30+$0x80];
	v3 =	vadd.f32 v3, v1;
	v2 =	vadd.f32 v4, v2  }
0x48d: {  	v10 =	vld [tilespmem:s30+$0x90]  }
0x48e: {  	v1 =	vld [tilespmem:s30+$0xA0];
	v3 =	vadd.f32 v5, v3;
	v5 =	vadd.f32 v6, v2  }
0x48f: {  	v4 =	vld [tilespmem:s30+$0xB0]  }
0x490: {  	v2 =	vld [tilespmem:s30+$0xC0];
	v6 =	vadd.f32 v8, v3;
	v8 =	vadd.f32 v7, v5  }
0x491: {  	v5 =	vld [tilespmem:s30+$0xD0]  }
0x492: {  	v3 =	vld [tilespmem:s30+$0xE0];
	v7 =	vadd.f32 v9, v6;
	v8 =	vadd.f32 v10, v8  }
0x493: {  	s29 =	simm.s32 $0x0;
	v6 =	vld [tilespmem:s30+$0xF0];
	s30 =	simm.s32 $0x11700  }
.LBB2_34:
0x494: {  	v9 =	vld [tilespmem:s30+$0x0];
	v1 =	vadd.f32 v1, v7;
	v4 =	vadd.f32 v4, v8  }
0x495: {  	s29 =	sadd.s32 $0x8, s29;
	v7 =	vld [tilespmem:s30+$0x10]  }
0x496: {  	p0 =	slt.u32 s29, $0x78;
	v8 =	vld [tilespmem:s30+$0x20];
	v1 =	vadd.f32 v2, v1;
	v2 =	vadd.f32 v5, v4  }
0x497: {  	v4 =	vld [tilespmem:s30+$0x30]  }
0x498: {  	v5 =	vld [tilespmem:s30+$0x40];
	v1 =	vadd.f32 v3, v1;
	v2 =	vadd.f32 v6, v2  }
0x499: {  	v3 =	vld [tilespmem:s30+$0x50]  }
0x49a: {  	v1 =	vadd.f32 v9, v1;
	v2 =	vadd.f32 v7, v2;
	v6 =	vld [tilespmem:s30+$0x60]  }
0x49b: {  	v7 =	vld [tilespmem:s30+$0x70]  }
0x49c: {  	v1 =	vadd.f32 v8, v1;
	v2 =	vadd.f32 v4, v2;
	v8 =	vld [tilespmem:s30+$0x80]  }
0x49d: {  	v9 =	vld [tilespmem:s30+$0x90]  }
0x49e: {  	v5 =	vadd.f32 v5, v1;
	v2 =	vadd.f32 v3, v2;
	v1 =	vld [tilespmem:s30+$0xA0]  }
.Ltmp16:
0x49f: {  	v4 =	vld [tilespmem:s30+$0xB0];
	(pc) =	sbr.rel @p0 .LBB2_34-.Ltmp16, $4  }
0x4a0: {  	v3 =	vadd.f32 v6, v5;
	v6 =	vadd.f32 v7, v2;
	v2 =	vld [tilespmem:s30+$0xC0]  }
0x4a1: {  	v5 =	vld [tilespmem:s30+$0xD0]  }
0x4a2: {  	v7 =	vadd.f32 v8, v3;
	v8 =	vadd.f32 v9, v6;
	v3 =	vld [tilespmem:s30+$0xE0]  }
0x4a3: {  	v6 =	vld [tilespmem:s30+$0xF0];
	s30 =	sadd.s32 $0x100, s30  }
0x4a4: {  	v1 =	vadd.f32 v1, v7  }
0x4a5: {  	v4 =	vadd.f32 v4, v8  }
0x4a6: {  	v1 =	vadd.f32 v2, v1  }
0x4a7: {  	v2 =	vadd.f32 v5, v4  }
0x4a8: {  	v1 =	vadd.f32 v3, v1  }
0x4a9: {  	v2 =	vadd.f32 v6, v2  }
0x4aa: {  	[tilespmem:$0x15800] =	vst v1  }
0x4ab: {  	[tilespmem:$0x15810] =	vst v2  }
0x4ac: {  	_ =	swait.ge [sflag:s25], $0x1000  }
0x4ad: {  	[sflag:s25] =	ssyncset.done $0x0  }
0x4ae: {  	s30 =	simm.s32 $0x12600;
	[sflag:s25] =	ssyncadd.s32 $0xFFFFF000  }
0x4af: {  	v1 =	vld [tilespmem:s30+$0x0]  }
0x4b0: {  	v2 =	vld [tilespmem:s30+$0x10]  }
0x4b1: {  	v3 =	vld [tilespmem:s30+$0x20]  }
0x4b2: {  	v4 =	vld [tilespmem:s30+$0x30]  }
0x4b3: {  	v5 =	vld [tilespmem:s30+$0x40]  }
0x4b4: {  	v7 =	vimm.f32 $0.0e+00;
	v6 =	vld [tilespmem:s30+$0x50]  }
0x4b5: {  	v8 =	vld [tilespmem:s30+$0x60];
	v1 =	vadd.f32 v1, v7;
	v2 =	vadd.f32 v2, v7  }
0x4b6: {  	v7 =	vld [tilespmem:s30+$0x70]  }
0x4b7: {  	v9 =	vld [tilespmem:s30+$0x80];
	v3 =	vadd.f32 v3, v1;
	v2 =	vadd.f32 v4, v2  }
0x4b8: {  	v10 =	vld [tilespmem:s30+$0x90]  }
0x4b9: {  	v1 =	vld [tilespmem:s30+$0xA0];
	v3 =	vadd.f32 v5, v3;
	v5 =	vadd.f32 v6, v2  }
0x4ba: {  	v4 =	vld [tilespmem:s30+$0xB0]  }
0x4bb: {  	v2 =	vld [tilespmem:s30+$0xC0];
	v6 =	vadd.f32 v8, v3;
	v8 =	vadd.f32 v7, v5  }
0x4bc: {  	v5 =	vld [tilespmem:s30+$0xD0]  }
0x4bd: {  	v3 =	vld [tilespmem:s30+$0xE0];
	v7 =	vadd.f32 v9, v6;
	v8 =	vadd.f32 v10, v8  }
0x4be: {  	s29 =	simm.s32 $0x0;
	v6 =	vld [tilespmem:s30+$0xF0];
	s30 =	simm.s32 $0x12700  }
.LBB2_36:
0x4bf: {  	v9 =	vld [tilespmem:s30+$0x0];
	v1 =	vadd.f32 v1, v7;
	v4 =	vadd.f32 v4, v8  }
0x4c0: {  	s29 =	sadd.s32 $0x8, s29;
	v7 =	vld [tilespmem:s30+$0x10]  }
0x4c1: {  	p0 =	slt.u32 s29, $0x78;
	v8 =	vld [tilespmem:s30+$0x20];
	v1 =	vadd.f32 v2, v1;
	v2 =	vadd.f32 v5, v4  }
0x4c2: {  	v4 =	vld [tilespmem:s30+$0x30]  }
0x4c3: {  	v5 =	vld [tilespmem:s30+$0x40];
	v1 =	vadd.f32 v3, v1;
	v2 =	vadd.f32 v6, v2  }
0x4c4: {  	v3 =	vld [tilespmem:s30+$0x50]  }
0x4c5: {  	v1 =	vadd.f32 v9, v1;
	v2 =	vadd.f32 v7, v2;
	v6 =	vld [tilespmem:s30+$0x60]  }
0x4c6: {  	v7 =	vld [tilespmem:s30+$0x70]  }
0x4c7: {  	v1 =	vadd.f32 v8, v1;
	v2 =	vadd.f32 v4, v2;
	v8 =	vld [tilespmem:s30+$0x80]  }
0x4c8: {  	v9 =	vld [tilespmem:s30+$0x90]  }
0x4c9: {  	v5 =	vadd.f32 v5, v1;
	v2 =	vadd.f32 v3, v2;
	v1 =	vld [tilespmem:s30+$0xA0]  }
.Ltmp17:
0x4ca: {  	v4 =	vld [tilespmem:s30+$0xB0];
	(pc) =	sbr.rel @p0 .LBB2_36-.Ltmp17, $4  }
0x4cb: {  	v3 =	vadd.f32 v6, v5;
	v6 =	vadd.f32 v7, v2;
	v2 =	vld [tilespmem:s30+$0xC0]  }
0x4cc: {  	v5 =	vld [tilespmem:s30+$0xD0]  }
0x4cd: {  	v7 =	vadd.f32 v8, v3;
	v8 =	vadd.f32 v9, v6;
	v3 =	vld [tilespmem:s30+$0xE0]  }
0x4ce: {  	v6 =	vld [tilespmem:s30+$0xF0];
	s30 =	sadd.s32 $0x100, s30  }
0x4cf: {  	v1 =	vadd.f32 v1, v7  }
0x4d0: {  	v4 =	vadd.f32 v4, v8  }
0x4d1: {  	v1 =	vadd.f32 v2, v1  }
0x4d2: {  	v2 =	vadd.f32 v5, v4  }
0x4d3: {  	v1 =	vadd.f32 v3, v1  }
0x4d4: {  	v2 =	vadd.f32 v6, v2  }
0x4d5: {  	[tilespmem:$0x15820] =	vst v1  }
0x4d6: {  	[tilespmem:$0x15830] =	vst v2  }
0x4d7: {  	_ =	swait.ge [sflag:s25], $0x1000  }
0x4d8: {  	[sflag:s25] =	ssyncset.done $0x0  }
0x4d9: {  	s30 =	simm.s32 $0x13600;
	[sflag:s25] =	ssyncadd.s32 $0xFFFFF000  }
0x4da: {  	v1 =	vld [tilespmem:s30+$0x0]  }
0x4db: {  	v2 =	vld [tilespmem:s30+$0x10]  }
0x4dc: {  	v3 =	vld [tilespmem:s30+$0x20]  }
0x4dd: {  	v4 =	vld [tilespmem:s30+$0x30]  }
0x4de: {  	v5 =	vld [tilespmem:s30+$0x40]  }
0x4df: {  	v7 =	vimm.f32 $0.0e+00;
	v6 =	vld [tilespmem:s30+$0x50]  }
0x4e0: {  	v8 =	vld [tilespmem:s30+$0x60];
	v1 =	vadd.f32 v1, v7;
	v2 =	vadd.f32 v2, v7  }
0x4e1: {  	v7 =	vld [tilespmem:s30+$0x70]  }
0x4e2: {  	v9 =	vld [tilespmem:s30+$0x80];
	v3 =	vadd.f32 v3, v1;
	v2 =	vadd.f32 v4, v2  }
0x4e3: {  	v10 =	vld [tilespmem:s30+$0x90]  }
0x4e4: {  	v1 =	vld [tilespmem:s30+$0xA0];
	v3 =	vadd.f32 v5, v3;
	v5 =	vadd.f32 v6, v2  }
0x4e5: {  	v4 =	vld [tilespmem:s30+$0xB0]  }
0x4e6: {  	v2 =	vld [tilespmem:s30+$0xC0];
	v6 =	vadd.f32 v8, v3;
	v8 =	vadd.f32 v7, v5  }
0x4e7: {  	v5 =	vld [tilespmem:s30+$0xD0]  }
0x4e8: {  	v3 =	vld [tilespmem:s30+$0xE0];
	v7 =	vadd.f32 v9, v6;
	v8 =	vadd.f32 v10, v8  }
0x4e9: {  	s29 =	simm.s32 $0x0;
	v6 =	vld [tilespmem:s30+$0xF0];
	s30 =	simm.s32 $0x13700  }
.LBB2_38:
0x4ea: {  	v9 =	vld [tilespmem:s30+$0x0];
	v1 =	vadd.f32 v1, v7;
	v4 =	vadd.f32 v4, v8  }
0x4eb: {  	s29 =	sadd.s32 $0x8, s29;
	v7 =	vld [tilespmem:s30+$0x10]  }
0x4ec: {  	p0 =	slt.u32 s29, $0x78;
	v8 =	vld [tilespmem:s30+$0x20];
	v1 =	vadd.f32 v2, v1;
	v2 =	vadd.f32 v5, v4  }
0x4ed: {  	v4 =	vld [tilespmem:s30+$0x30]  }
0x4ee: {  	v5 =	vld [tilespmem:s30+$0x40];
	v1 =	vadd.f32 v3, v1;
	v2 =	vadd.f32 v6, v2  }
0x4ef: {  	v3 =	vld [tilespmem:s30+$0x50]  }
0x4f0: {  	v1 =	vadd.f32 v9, v1;
	v2 =	vadd.f32 v7, v2;
	v6 =	vld [tilespmem:s30+$0x60]  }
0x4f1: {  	v7 =	vld [tilespmem:s30+$0x70]  }
0x4f2: {  	v1 =	vadd.f32 v8, v1;
	v2 =	vadd.f32 v4, v2;
	v8 =	vld [tilespmem:s30+$0x80]  }
0x4f3: {  	v9 =	vld [tilespmem:s30+$0x90]  }
0x4f4: {  	v5 =	vadd.f32 v5, v1;
	v2 =	vadd.f32 v3, v2;
	v1 =	vld [tilespmem:s30+$0xA0]  }
.Ltmp18:
0x4f5: {  	v4 =	vld [tilespmem:s30+$0xB0];
	(pc) =	sbr.rel @p0 .LBB2_38-.Ltmp18, $4  }
0x4f6: {  	v3 =	vadd.f32 v6, v5;
	v6 =	vadd.f32 v7, v2;
	v2 =	vld [tilespmem:s30+$0xC0]  }
0x4f7: {  	v5 =	vld [tilespmem:s30+$0xD0]  }
0x4f8: {  	v7 =	vadd.f32 v8, v3;
	v8 =	vadd.f32 v9, v6;
	v3 =	vld [tilespmem:s30+$0xE0]  }
0x4f9: {  	v6 =	vld [tilespmem:s30+$0xF0];
	s30 =	sadd.s32 $0x100, s30  }
0x4fa: {  	v1 =	vadd.f32 v1, v7  }
0x4fb: {  	v4 =	vadd.f32 v4, v8  }
0x4fc: {  	v1 =	vadd.f32 v2, v1  }
0x4fd: {  	v2 =	vadd.f32 v5, v4  }
0x4fe: {  	v1 =	vadd.f32 v3, v1  }
0x4ff: {  	v2 =	vadd.f32 v6, v2  }
0x500: {  	[tilespmem:$0x15840] =	vst v1  }
0x501: {  	[tilespmem:$0x15850] =	vst v2  }
0x502: {  	_ =	swait.ge [sflag:s25], $0x1000  }
0x503: {  	[sflag:s25] =	ssyncset.done $0x0  }
0x504: {  	s30 =	simm.s32 $0x14600;
	[sflag:s25] =	ssyncadd.s32 $0xFFFFF000  }
0x505: {  	v1 =	vld [tilespmem:s30+$0x0]  }
0x506: {  	v2 =	vld [tilespmem:s30+$0x10]  }
0x507: {  	v3 =	vld [tilespmem:s30+$0x20]  }
0x508: {  	v4 =	vld [tilespmem:s30+$0x30]  }
0x509: {  	v5 =	vld [tilespmem:s30+$0x40]  }
0x50a: {  	v7 =	vimm.f32 $0.0e+00;
	v6 =	vld [tilespmem:s30+$0x50]  }
0x50b: {  	v8 =	vld [tilespmem:s30+$0x60];
	v1 =	vadd.f32 v1, v7;
	v2 =	vadd.f32 v2, v7  }
0x50c: {  	v7 =	vld [tilespmem:s30+$0x70]  }
0x50d: {  	v9 =	vld [tilespmem:s30+$0x80];
	v3 =	vadd.f32 v3, v1;
	v2 =	vadd.f32 v4, v2  }
0x50e: {  	v10 =	vld [tilespmem:s30+$0x90]  }
0x50f: {  	v1 =	vld [tilespmem:s30+$0xA0];
	v3 =	vadd.f32 v5, v3;
	v5 =	vadd.f32 v6, v2  }
0x510: {  	v4 =	vld [tilespmem:s30+$0xB0]  }
0x511: {  	v2 =	vld [tilespmem:s30+$0xC0];
	v6 =	vadd.f32 v8, v3;
	v8 =	vadd.f32 v7, v5  }
0x512: {  	v5 =	vld [tilespmem:s30+$0xD0]  }
0x513: {  	v3 =	vld [tilespmem:s30+$0xE0];
	v7 =	vadd.f32 v9, v6;
	v8 =	vadd.f32 v10, v8  }
0x514: {  	s29 =	simm.s32 $0x0;
	v6 =	vld [tilespmem:s30+$0xF0];
	s30 =	simm.s32 $0x14700  }
.LBB2_40:
0x515: {  	v9 =	vld [tilespmem:s30+$0x0];
	v1 =	vadd.f32 v1, v7;
	v4 =	vadd.f32 v4, v8  }
0x516: {  	s29 =	sadd.s32 $0x8, s29;
	v7 =	vld [tilespmem:s30+$0x10]  }
0x517: {  	p0 =	slt.u32 s29, $0x78;
	v8 =	vld [tilespmem:s30+$0x20];
	v1 =	vadd.f32 v2, v1;
	v2 =	vadd.f32 v5, v4  }
0x518: {  	v4 =	vld [tilespmem:s30+$0x30]  }
0x519: {  	v5 =	vld [tilespmem:s30+$0x40];
	v1 =	vadd.f32 v3, v1;
	v2 =	vadd.f32 v6, v2  }
0x51a: {  	v3 =	vld [tilespmem:s30+$0x50]  }
0x51b: {  	v1 =	vadd.f32 v9, v1;
	v2 =	vadd.f32 v7, v2;
	v6 =	vld [tilespmem:s30+$0x60]  }
0x51c: {  	v7 =	vld [tilespmem:s30+$0x70]  }
0x51d: {  	v1 =	vadd.f32 v8, v1;
	v2 =	vadd.f32 v4, v2;
	v8 =	vld [tilespmem:s30+$0x80]  }
0x51e: {  	v9 =	vld [tilespmem:s30+$0x90]  }
0x51f: {  	v5 =	vadd.f32 v5, v1;
	v2 =	vadd.f32 v3, v2;
	v1 =	vld [tilespmem:s30+$0xA0]  }
.Ltmp19:
0x520: {  	v4 =	vld [tilespmem:s30+$0xB0];
	(pc) =	sbr.rel @p0 .LBB2_40-.Ltmp19, $4  }
0x521: {  	v3 =	vadd.f32 v6, v5;
	v6 =	vadd.f32 v7, v2;
	v2 =	vld [tilespmem:s30+$0xC0]  }
0x522: {  	v5 =	vld [tilespmem:s30+$0xD0]  }
0x523: {  	v7 =	vadd.f32 v8, v3;
	v8 =	vadd.f32 v9, v6;
	v3 =	vld [tilespmem:s30+$0xE0]  }
0x524: {  	v6 =	vld [tilespmem:s30+$0xF0];
	s30 =	sadd.s32 $0x100, s30  }
0x525: {  	v1 =	vadd.f32 v1, v7  }
0x526: {  	v4 =	vadd.f32 v4, v8  }
0x527: {  	v1 =	vadd.f32 v2, v1  }
0x528: {  	v2 =	vadd.f32 v5, v4  }
0x529: {  	v1 =	vadd.f32 v3, v1  }
0x52a: {  	s28 =	sadd.s32 $0x1, s28;
	v2 =	vadd.f32 v6, v2  }
0x52b: {  	p0 =	sne.s32 s28, s6;
	[tilespmem:$0x15860] =	vst v1  }
.Ltmp20:
0x52c: {  	[tilespmem:$0x15870] =	vst v2;
	(pc) =	sbr.rel @p0 .LBB2_1-.Ltmp20, $4  }
0x52d: {  	[hbm4b:s5+s2] =	stream.linear.scatter [tilespmem:s26], [sflag:$0x2], $0x280, $0x38;
	[tilespmem:$0x15880] =	vst v63  }
0x52e: {  	_ =	swait.ge [sflag:s7], $0x280  }
0x52f: {  	[sflag:s7] =	ssyncset.done $0x0  }
0x530: {  	[sflag:s7] =	ssyncadd.s32 $0xFFFFFD80  }
0x531: {  	_ =	sfence.sel $0x180000  }
0x532: {  	[bflag:$0x0] =	sbarrier.arrive $0xFFFF  }
0x533: {  	_ =	strace $0x90000047  }
0x534: {  	s0 =	stileid.u32;
	[bflag:$0x2] =	sbarrier.arrive $0xFFFF  }
0x535: {  	p0 =	sne.s32 s0, $0x0;
	s0 =	rddreg [dreg:$0x2]  }
0x536: {  	s0 =	sadd.s32 @!p0 $0x100000, s0  }
0x537: {  	[sflag:s0] =	ssyncadd.tile.s32 @!p0 $0x1;
	_ =	shalt  }
.Lfunc_end2:
_tile_overlayer_lowered:
.L_overlay_start_2:
0x538: {  	(tag) =	ssettag $0x2  }
0x539: {  	s0 =	rddreg [dreg:$0x0];
	s2 =	stileid.u32  }
0x53a: {  	s1 =	rddreg [dreg:$0x1];
	p0 =	sne.s32 s2, $0x0  }
0x53b: {  	s3 =	rddreg [dreg:$0x2];
	[bflag:$0x3] =	sbarrier.arrive $0xFFFF;
	s2 =	simm.s32 @!p0 $0x1C02  }
0x53c: {  	[timem:s3], [sflag:s2] =	dma.local @!p0 [hbm:s0], s1  }
0x53d: {  	s0 =	simm.s32 @!p0 $0x2  }
0x53e: {  	_ =	swait.ge @!p0 [sflag:s0], s1  }
0x53f: {  	s1 =	ssub.s32 @!p0 $0x0, s1;
	[sflag:s0] =	ssyncset.done @!p0 $0x0  }
0x540: {  	[sflag:s0] =	ssyncadd.s32 @!p0 s1  }
0x541: {  	[bflag:$0x3] =	sbarrier.arrive $0xFFFF  }
0x542: {  	_ =	shalt  }

</sc_bundles>
